<compile_context>
chip_gen: v7x
topology: tpu7x:2x2x1
jax: 0.10.2.dev20260603
libtpu: 0.0.44.dev20260713+nightly
codegen_flags: <defaults>
</compile_context>

<pallas_src>
import functools

import jax
import jax.numpy as jnp
from jax import lax
from jax.experimental import pallas as pl
from jax.experimental.pallas import tpu as pltpu
from jax.experimental.pallas import tpu_sc as plsc

D = 64
SCALE = 8.0

NC = 2
NS = 16
NW = NC * NS

CHUNK = 256
IDX_ROWS = CHUNK // 128
NBUF = 6


def _make_kernel(B):
    b_per_w = B // NW
    idx_rows_w = b_per_w // 128
    n_chunks = b_per_w // CHUNK
    mesh = plsc.VectorSubcoreMesh(core_axis_name="c", subcore_axis_name="s")

    @functools.partial(
        pl.kernel,
        mesh=mesh,
        out_type=jax.ShapeDtypeStruct((B, 2 * D), jnp.float32),
        compiler_params=pltpu.CompilerParams(use_tc_tiling_on_sc=False),
        scratch_types=[
            pltpu.VMEM((idx_rows_w, 128), jnp.int32),
            pltpu.VMEM((NBUF, CHUNK, D), jnp.float32),
            pltpu.SemaphoreType.DMA,
            pltpu.SemaphoreType.DMA,
        ],
    )
    def emb_kernel(x_hbm, table_hbm, out_hbm, idx_v, rows_v, gsem, osem):
        wid = lax.axis_index("s") * NC + lax.axis_index("c")
        out_base = wid * b_per_w

        pltpu.sync_copy(x_hbm.at[pl.ds(wid * idx_rows_w, idx_rows_w)], idx_v)

        def fire(ci, slot):
            for j in range(IDX_ROWS):
                pltpu.async_copy(
                    table_hbm.at[idx_v.at[ci * IDX_ROWS + j]],
                    rows_v.at[slot, pl.ds(j * 128, 128)],
                    gsem,
                )

        def drain_gathers(ci, slot):
            for j in range(IDX_ROWS):
                pltpu.make_async_copy(
                    table_hbm.at[idx_v.at[ci * IDX_ROWS + j]],
                    rows_v.at[slot, pl.ds(j * 128, 128)],
                    gsem,
                ).wait()

        def scale_slot(slot):
            def mul_body(i, c2):
                for r in range(2):
                    for j in range(D // 16):
                        v = rows_v[slot, 2 * i + r, pl.ds(j * 16, 16)]
                        rows_v[slot, 2 * i + r, pl.ds(j * 16, 16)] = v * SCALE
                return c2

            lax.fori_loop(0, CHUNK // 2, mul_body, 0)

        def write_slot(ci, slot):
            pltpu.async_copy(
                rows_v.at[slot],
                out_hbm.at[pl.ds(out_base + ci * CHUNK, CHUNK), pl.ds(0, D)],
                osem,
            )

        def drain_write(ci, slot):
            pltpu.make_async_copy(
                rows_v.at[slot],
                out_hbm.at[pl.ds(out_base + ci * CHUNK, CHUNK), pl.ds(0, D)],
                osem,
            ).wait()

        for p in range(NBUF - 1):
            fire(p, p)

        def chunk_body(ci, carry):
            slot = lax.rem(ci, NBUF)
            nslot = lax.rem(ci + NBUF - 1, NBUF)

            @pl.when(ci + NBUF - 1 < n_chunks)
            def _():
                @pl.when(ci >= 1)
                def _():
                    drain_write(ci - 1, nslot)

                fire(ci + NBUF - 1, nslot)

            drain_gathers(ci, slot)
            scale_slot(slot)
            write_slot(ci, slot)
            return carry

        lax.fori_loop(0, n_chunks, chunk_body, 0, unroll=NBUF)
        for back in range(NBUF, 0, -1):
            drain_write(n_chunks - back, (n_chunks - back) % NBUF)

    return emb_kernel


def kernel(x, table):
    rows, cols = x.shape
    B = rows * cols
    x2d = x.reshape(B // 128, 128).astype(jnp.int32)
    out = _make_kernel(B)(x2d, table)
    return out[:, :D].reshape(rows, cols, D)

# --- scband reference (transcript-rebuilt; emitter-appended) ---
"""Pipeline reference for scband-embeddings-62809601736772 (READ-ONLY COPY).

The authoritative reference and input builder live on the scoring server;
editing this copy changes nothing except your own understanding.
"""

import math
import jax, jax.numpy as jnp
import numpy as np

VOCAB = 1000000
EMBED_DIM = 64
PADDING_IDX = 1
SCALE = True


def setup_inputs(seed: int = 0) -> dict:
    key = jax.random.key(seed)
    k1, k2 = jax.random.split(key)
    x = jax.random.randint(k1, (4096, 200), 0, VOCAB, dtype=jnp.int64 if jax.config.jax_enable_x64 else jnp.int32)
    table = jax.random.normal(k2, (VOCAB, EMBED_DIM), dtype=jnp.float32)
    # nn.Embedding with padding_idx initializes the padding row to zeros
    table = table.at[PADDING_IDX].set(0.0)
    return {"x": x, "table": table}


def reference(x, table):
    # Embeddings.forward: lut(x) * sqrt(embedding_dim) when scale=True
    emb = jnp.take(table, x, axis=0)
    if SCALE:
        emb = emb * math.sqrt(EMBED_DIM)
    return emb

if __name__ == "__main__":
    import jax
    _d = setup_inputs()
    print(jax.jit(kernel)(*tuple(_d.values())))

</pallas_src>

<mosaic_0001>
#map = affine_map<(d0, d1) -> (0, 0)>
module attributes {stable_mosaic.version = 14 : i64} {
  func.func @emb_kernel(%arg0: i32, %arg1: i32, %arg2: memref<6400x128xi32, #tpu.memory_space<hbm>>, %arg3: memref<1000000x64xf32, #tpu.memory_space<hbm>>, %arg4: memref<819200x128xf32, #tpu.memory_space<hbm>>, %arg5: memref<200x128xi32, #tpu.memory_space<vmem>>, %arg6: memref<6x256x64xf32, #tpu.memory_space<vmem>>, %arg7: memref<!tpu.dma_semaphore, #tpu.memory_space<semaphore_mem>>, %arg8: memref<!tpu.dma_semaphore, #tpu.memory_space<semaphore_mem>>) attributes {dimension_semantics = [#tpu.dimension_semantics<core_parallel>, #tpu.dimension_semantics<subcore_parallel>], iteration_bounds = array<i64: 2, 16>, scalar_prefetch = 0 : i64, scratch_operands = 4 : i64, tpu.core_type = #tpu.core_type<sc_vector_subcore>, window_params = [{transform_indices = #map}, {transform_indices = #map}, {transform_indices = #map}]} {
    %mul3A = arith.constant 2 : i32
    %mul3A_0 = arith.muli %arg1, %mul3A : i32
    %add3A = arith.addi %mul3A_0, %arg0 : i32
    %mul3A_1 = arith.constant 25600 : i32
    %mul3A_2 = arith.muli %add3A, %mul3A_1 : i32
    %mul3A_3 = arith.constant 200 : i32
    %mul3A_4 = arith.muli %add3A, %mul3A_3 : i32
    "tpu.region"() ({
      %run_scoped3A = tpu.sem_alloc : memref<!tpu.dma_semaphore, #tpu.memory_space<semaphore_mem>>
      %dma_start3A_485 = arith.constant 0 : i32
      %dma_start3A_486 = tpu.memref_slice %arg2[%mul3A_4, %dma_start3A_485] : memref<6400x128xi32, #tpu.memory_space<hbm>> -> memref<200x128xi32, #tpu.memory_space<hbm>>
      %dma_start3A_487 = arith.constant 0 : i32
      %dma_start3A_488 = tpu.memref_slice %arg2[%mul3A_4, %dma_start3A_487] : memref<6400x128xi32, #tpu.memory_space<hbm>> -> memref<200x128xi32, #tpu.memory_space<hbm>>
      tpu.enqueue_dma source(%dma_start3A_488 : memref<200x128xi32, #tpu.memory_space<hbm>>) target(%arg5 : memref<200x128xi32, #tpu.memory_space<vmem>>) target_semaphore(%run_scoped3A : memref<!tpu.dma_semaphore, #tpu.memory_space<semaphore_mem>>)
      %dma_wait3A_489 = arith.constant 0 : i32
      %dma_wait3A_490 = tpu.memref_slice %arg2[%mul3A_4, %dma_wait3A_489] : memref<6400x128xi32, #tpu.memory_space<hbm>> -> memref<200x128xi32, #tpu.memory_space<hbm>>
      %dma_wait3A_491 = arith.constant 0 : i32
      %dma_wait3A_492 = tpu.memref_slice %arg2[%mul3A_4, %dma_wait3A_491] : memref<6400x128xi32, #tpu.memory_space<hbm>> -> memref<200x128xi32, #tpu.memory_space<hbm>>
      tpu.wait_dma2 semaphore(%run_scoped3A : memref<!tpu.dma_semaphore, #tpu.memory_space<semaphore_mem>>) src(%dma_wait3A_492 : memref<200x128xi32, #tpu.memory_space<hbm>>) dst(%arg5 : memref<200x128xi32, #tpu.memory_space<vmem>>)
      tpu.yield
    }) : () -> ()
    %dma_start3A = arith.constant 0 : i32
    %dma_start3A_5 = arith.constant 0 : i32
    %dma_start3A_6 = arith.constant 0 : i32
    %dma_start3A_7 = arith.constant 0 : i32
    %dma_start3A_8 = tpu.memref_slice %arg6[%dma_start3A_5, %dma_start3A_6, %dma_start3A_7] : memref<6x256x64xf32, #tpu.memory_space<vmem>> -> memref<1x128x64xf32, #tpu.memory_space<vmem>>
    %dma_start3A_9 = tpu.memref_squeeze %dma_start3A_8 : memref<1x128x64xf32, #tpu.memory_space<vmem>> -> memref<128x64xf32, #tpu.memory_space<vmem>>
    %dma_start3A_10 = arith.constant 0 : i32
    %dma_start3A_11 = tpu.memref_slice %arg5[%dma_start3A, %dma_start3A_10] : memref<200x128xi32, #tpu.memory_space<vmem>> -> memref<1x128xi32, #tpu.memory_space<vmem>>
    %dma_start3A_12 = tpu.memref_squeeze %dma_start3A_11 : memref<1x128xi32, #tpu.memory_space<vmem>> -> memref<128xi32, #tpu.memory_space<vmem>>
    %dma_start3A_13 = arith.constant 0 : i32
    %dma_start3A_14 = arith.constant 0 : i32
    %dma_start3A_15 = tpu.memref_slice %arg3[%dma_start3A_13, %dma_start3A_14] : memref<1000000x64xf32, #tpu.memory_space<hbm>> -> memref<1000000x64xf32, #tpu.memory_space<hbm>>
    tpu.enqueue_indirect_dma source(%dma_start3A_15 : memref<1000000x64xf32, #tpu.memory_space<hbm>>) target(%dma_start3A_9 : memref<128x64xf32, #tpu.memory_space<vmem>>) offsets(%dma_start3A_12 : memref<128xi32, #tpu.memory_space<vmem>>) semaphore(%arg7 : memref<!tpu.dma_semaphore, #tpu.memory_space<semaphore_mem>>)
    %dma_start3A_16 = arith.constant 1 : i32
    %dma_start3A_17 = arith.constant 0 : i32
    %dma_start3A_18 = arith.constant 128 : i32
    %dma_start3A_19 = arith.constant 0 : i32
    %dma_start3A_20 = tpu.memref_slice %arg6[%dma_start3A_17, %dma_start3A_18, %dma_start3A_19] : memref<6x256x64xf32, #tpu.memory_space<vmem>> -> memref<1x128x64xf32, #tpu.memory_space<vmem>>
    %dma_start3A_21 = tpu.memref_squeeze %dma_start3A_20 : memref<1x128x64xf32, #tpu.memory_space<vmem>> -> memref<128x64xf32, #tpu.memory_space<vmem>>
    %dma_start3A_22 = arith.constant 0 : i32
    %dma_start3A_23 = tpu.memref_slice %arg5[%dma_start3A_16, %dma_start3A_22] : memref<200x128xi32, #tpu.memory_space<vmem>> -> memref<1x128xi32, #tpu.memory_space<vmem>>
    %dma_start3A_24 = tpu.memref_squeeze %dma_start3A_23 : memref<1x128xi32, #tpu.memory_space<vmem>> -> memref<128xi32, #tpu.memory_space<vmem>>
    %dma_start3A_25 = arith.constant 0 : i32
    %dma_start3A_26 = arith.constant 0 : i32
    %dma_start3A_27 = tpu.memref_slice %arg3[%dma_start3A_25, %dma_start3A_26] : memref<1000000x64xf32, #tpu.memory_space<hbm>> -> memref<1000000x64xf32, #tpu.memory_space<hbm>>
    tpu.enqueue_indirect_dma source(%dma_start3A_27 : memref<1000000x64xf32, #tpu.memory_space<hbm>>) target(%dma_start3A_21 : memref<128x64xf32, #tpu.memory_space<vmem>>) offsets(%dma_start3A_24 : memref<128xi32, #tpu.memory_space<vmem>>) semaphore(%arg7 : memref<!tpu.dma_semaphore, #tpu.memory_space<semaphore_mem>>)
    %dma_start3A_28 = arith.constant 2 : i32
    %dma_start3A_29 = arith.constant 1 : i32
    %dma_start3A_30 = arith.constant 0 : i32
    %dma_start3A_31 = arith.constant 0 : i32
    %dma_start3A_32 = tpu.memref_slice %arg6[%dma_start3A_29, %dma_start3A_30, %dma_start3A_31] : memref<6x256x64xf32, #tpu.memory_space<vmem>> -> memref<1x128x64xf32, #tpu.memory_space<vmem>>
    %dma_start3A_33 = tpu.memref_squeeze %dma_start3A_32 : memref<1x128x64xf32, #tpu.memory_space<vmem>> -> memref<128x64xf32, #tpu.memory_space<vmem>>
    %dma_start3A_34 = arith.constant 0 : i32
    %dma_start3A_35 = tpu.memref_slice %arg5[%dma_start3A_28, %dma_start3A_34] : memref<200x128xi32, #tpu.memory_space<vmem>> -> memref<1x128xi32, #tpu.memory_space<vmem>>
    %dma_start3A_36 = tpu.memref_squeeze %dma_start3A_35 : memref<1x128xi32, #tpu.memory_space<vmem>> -> memref<128xi32, #tpu.memory_space<vmem>>
    %dma_start3A_37 = arith.constant 0 : i32
    %dma_start3A_38 = arith.constant 0 : i32
    %dma_start3A_39 = tpu.memref_slice %arg3[%dma_start3A_37, %dma_start3A_38] : memref<1000000x64xf32, #tpu.memory_space<hbm>> -> memref<1000000x64xf32, #tpu.memory_space<hbm>>
    tpu.enqueue_indirect_dma source(%dma_start3A_39 : memref<1000000x64xf32, #tpu.memory_space<hbm>>) target(%dma_start3A_33 : memref<128x64xf32, #tpu.memory_space<vmem>>) offsets(%dma_start3A_36 : memref<128xi32, #tpu.memory_space<vmem>>) semaphore(%arg7 : memref<!tpu.dma_semaphore, #tpu.memory_space<semaphore_mem>>)
    %dma_start3A_40 = arith.constant 3 : i32
    %dma_start3A_41 = arith.constant 1 : i32
    %dma_start3A_42 = arith.constant 128 : i32
    %dma_start3A_43 = arith.constant 0 : i32
    %dma_start3A_44 = tpu.memref_slice %arg6[%dma_start3A_41, %dma_start3A_42, %dma_start3A_43] : memref<6x256x64xf32, #tpu.memory_space<vmem>> -> memref<1x128x64xf32, #tpu.memory_space<vmem>>
    %dma_start3A_45 = tpu.memref_squeeze %dma_start3A_44 : memref<1x128x64xf32, #tpu.memory_space<vmem>> -> memref<128x64xf32, #tpu.memory_space<vmem>>
    %dma_start3A_46 = arith.constant 0 : i32
    %dma_start3A_47 = tpu.memref_slice %arg5[%dma_start3A_40, %dma_start3A_46] : memref<200x128xi32, #tpu.memory_space<vmem>> -> memref<1x128xi32, #tpu.memory_space<vmem>>
    %dma_start3A_48 = tpu.memref_squeeze %dma_start3A_47 : memref<1x128xi32, #tpu.memory_space<vmem>> -> memref<128xi32, #tpu.memory_space<vmem>>
    %dma_start3A_49 = arith.constant 0 : i32
    %dma_start3A_50 = arith.constant 0 : i32
    %dma_start3A_51 = tpu.memref_slice %arg3[%dma_start3A_49, %dma_start3A_50] : memref<1000000x64xf32, #tpu.memory_space<hbm>> -> memref<1000000x64xf32, #tpu.memory_space<hbm>>
    tpu.enqueue_indirect_dma source(%dma_start3A_51 : memref<1000000x64xf32, #tpu.memory_space<hbm>>) target(%dma_start3A_45 : memref<128x64xf32, #tpu.memory_space<vmem>>) offsets(%dma_start3A_48 : memref<128xi32, #tpu.memory_space<vmem>>) semaphore(%arg7 : memref<!tpu.dma_semaphore, #tpu.memory_space<semaphore_mem>>)
    %dma_start3A_52 = arith.constant 4 : i32
    %dma_start3A_53 = arith.constant 2 : i32
    %dma_start3A_54 = arith.constant 0 : i32
    %dma_start3A_55 = arith.constant 0 : i32
    %dma_start3A_56 = tpu.memref_slice %arg6[%dma_start3A_53, %dma_start3A_54, %dma_start3A_55] : memref<6x256x64xf32, #tpu.memory_space<vmem>> -> memref<1x128x64xf32, #tpu.memory_space<vmem>>
    %dma_start3A_57 = tpu.memref_squeeze %dma_start3A_56 : memref<1x128x64xf32, #tpu.memory_space<vmem>> -> memref<128x64xf32, #tpu.memory_space<vmem>>
    %dma_start3A_58 = arith.constant 0 : i32
    %dma_start3A_59 = tpu.memref_slice %arg5[%dma_start3A_52, %dma_start3A_58] : memref<200x128xi32, #tpu.memory_space<vmem>> -> memref<1x128xi32, #tpu.memory_space<vmem>>
    %dma_start3A_60 = tpu.memref_squeeze %dma_start3A_59 : memref<1x128xi32, #tpu.memory_space<vmem>> -> memref<128xi32, #tpu.memory_space<vmem>>
    %dma_start3A_61 = arith.constant 0 : i32
    %dma_start3A_62 = arith.constant 0 : i32
    %dma_start3A_63 = tpu.memref_slice %arg3[%dma_start3A_61, %dma_start3A_62] : memref<1000000x64xf32, #tpu.memory_space<hbm>> -> memref<1000000x64xf32, #tpu.memory_space<hbm>>
    tpu.enqueue_indirect_dma source(%dma_start3A_63 : memref<1000000x64xf32, #tpu.memory_space<hbm>>) target(%dma_start3A_57 : memref<128x64xf32, #tpu.memory_space<vmem>>) offsets(%dma_start3A_60 : memref<128xi32, #tpu.memory_space<vmem>>) semaphore(%arg7 : memref<!tpu.dma_semaphore, #tpu.memory_space<semaphore_mem>>)
    %dma_start3A_64 = arith.constant 5 : i32
    %dma_start3A_65 = arith.constant 2 : i32
    %dma_start3A_66 = arith.constant 128 : i32
    %dma_start3A_67 = arith.constant 0 : i32
    %dma_start3A_68 = tpu.memref_slice %arg6[%dma_start3A_65, %dma_start3A_66, %dma_start3A_67] : memref<6x256x64xf32, #tpu.memory_space<vmem>> -> memref<1x128x64xf32, #tpu.memory_space<vmem>>
    %dma_start3A_69 = tpu.memref_squeeze %dma_start3A_68 : memref<1x128x64xf32, #tpu.memory_space<vmem>> -> memref<128x64xf32, #tpu.memory_space<vmem>>
    %dma_start3A_70 = arith.constant 0 : i32
    %dma_start3A_71 = tpu.memref_slice %arg5[%dma_start3A_64, %dma_start3A_70] : memref<200x128xi32, #tpu.memory_space<vmem>> -> memref<1x128xi32, #tpu.memory_space<vmem>>
    %dma_start3A_72 = tpu.memref_squeeze %dma_start3A_71 : memref<1x128xi32, #tpu.memory_space<vmem>> -> memref<128xi32, #tpu.memory_space<vmem>>
    %dma_start3A_73 = arith.constant 0 : i32
    %dma_start3A_74 = arith.constant 0 : i32
    %dma_start3A_75 = tpu.memref_slice %arg3[%dma_start3A_73, %dma_start3A_74] : memref<1000000x64xf32, #tpu.memory_space<hbm>> -> memref<1000000x64xf32, #tpu.memory_space<hbm>>
    tpu.enqueue_indirect_dma source(%dma_start3A_75 : memref<1000000x64xf32, #tpu.memory_space<hbm>>) target(%dma_start3A_69 : memref<128x64xf32, #tpu.memory_space<vmem>>) offsets(%dma_start3A_72 : memref<128xi32, #tpu.memory_space<vmem>>) semaphore(%arg7 : memref<!tpu.dma_semaphore, #tpu.memory_space<semaphore_mem>>)
    %dma_start3A_76 = arith.constant 6 : i32
    %dma_start3A_77 = arith.constant 3 : i32
    %dma_start3A_78 = arith.constant 0 : i32
    %dma_start3A_79 = arith.constant 0 : i32
    %dma_start3A_80 = tpu.memref_slice %arg6[%dma_start3A_77, %dma_start3A_78, %dma_start3A_79] : memref<6x256x64xf32, #tpu.memory_space<vmem>> -> memref<1x128x64xf32, #tpu.memory_space<vmem>>
    %dma_start3A_81 = tpu.memref_squeeze %dma_start3A_80 : memref<1x128x64xf32, #tpu.memory_space<vmem>> -> memref<128x64xf32, #tpu.memory_space<vmem>>
    %dma_start3A_82 = arith.constant 0 : i32
    %dma_start3A_83 = tpu.memref_slice %arg5[%dma_start3A_76, %dma_start3A_82] : memref<200x128xi32, #tpu.memory_space<vmem>> -> memref<1x128xi32, #tpu.memory_space<vmem>>
    %dma_start3A_84 = tpu.memref_squeeze %dma_start3A_83 : memref<1x128xi32, #tpu.memory_space<vmem>> -> memref<128xi32, #tpu.memory_space<vmem>>
    %dma_start3A_85 = arith.constant 0 : i32
    %dma_start3A_86 = arith.constant 0 : i32
    %dma_start3A_87 = tpu.memref_slice %arg3[%dma_start3A_85, %dma_start3A_86] : memref<1000000x64xf32, #tpu.memory_space<hbm>> -> memref<1000000x64xf32, #tpu.memory_space<hbm>>
    tpu.enqueue_indirect_dma source(%dma_start3A_87 : memref<1000000x64xf32, #tpu.memory_space<hbm>>) target(%dma_start3A_81 : memref<128x64xf32, #tpu.memory_space<vmem>>) offsets(%dma_start3A_84 : memref<128xi32, #tpu.memory_space<vmem>>) semaphore(%arg7 : memref<!tpu.dma_semaphore, #tpu.memory_space<semaphore_mem>>)
    %dma_start3A_88 = arith.constant 7 : i32
    %dma_start3A_89 = arith.constant 3 : i32
    %dma_start3A_90 = arith.constant 128 : i32
    %dma_start3A_91 = arith.constant 0 : i32
    %dma_start3A_92 = tpu.memref_slice %arg6[%dma_start3A_89, %dma_start3A_90, %dma_start3A_91] : memref<6x256x64xf32, #tpu.memory_space<vmem>> -> memref<1x128x64xf32, #tpu.memory_space<vmem>>
    %dma_start3A_93 = tpu.memref_squeeze %dma_start3A_92 : memref<1x128x64xf32, #tpu.memory_space<vmem>> -> memref<128x64xf32, #tpu.memory_space<vmem>>
    %dma_start3A_94 = arith.constant 0 : i32
    %dma_start3A_95 = tpu.memref_slice %arg5[%dma_start3A_88, %dma_start3A_94] : memref<200x128xi32, #tpu.memory_space<vmem>> -> memref<1x128xi32, #tpu.memory_space<vmem>>
    %dma_start3A_96 = tpu.memref_squeeze %dma_start3A_95 : memref<1x128xi32, #tpu.memory_space<vmem>> -> memref<128xi32, #tpu.memory_space<vmem>>
    %dma_start3A_97 = arith.constant 0 : i32
    %dma_start3A_98 = arith.constant 0 : i32
    %dma_start3A_99 = tpu.memref_slice %arg3[%dma_start3A_97, %dma_start3A_98] : memref<1000000x64xf32, #tpu.memory_space<hbm>> -> memref<1000000x64xf32, #tpu.memory_space<hbm>>
    tpu.enqueue_indirect_dma source(%dma_start3A_99 : memref<1000000x64xf32, #tpu.memory_space<hbm>>) target(%dma_start3A_93 : memref<128x64xf32, #tpu.memory_space<vmem>>) offsets(%dma_start3A_96 : memref<128xi32, #tpu.memory_space<vmem>>) semaphore(%arg7 : memref<!tpu.dma_semaphore, #tpu.memory_space<semaphore_mem>>)
    %dma_start3A_100 = arith.constant 8 : i32
    %dma_start3A_101 = arith.constant 4 : i32
    %dma_start3A_102 = arith.constant 0 : i32
    %dma_start3A_103 = arith.constant 0 : i32
    %dma_start3A_104 = tpu.memref_slice %arg6[%dma_start3A_101, %dma_start3A_102, %dma_start3A_103] : memref<6x256x64xf32, #tpu.memory_space<vmem>> -> memref<1x128x64xf32, #tpu.memory_space<vmem>>
    %dma_start3A_105 = tpu.memref_squeeze %dma_start3A_104 : memref<1x128x64xf32, #tpu.memory_space<vmem>> -> memref<128x64xf32, #tpu.memory_space<vmem>>
    %dma_start3A_106 = arith.constant 0 : i32
    %dma_start3A_107 = tpu.memref_slice %arg5[%dma_start3A_100, %dma_start3A_106] : memref<200x128xi32, #tpu.memory_space<vmem>> -> memref<1x128xi32, #tpu.memory_space<vmem>>
    %dma_start3A_108 = tpu.memref_squeeze %dma_start3A_107 : memref<1x128xi32, #tpu.memory_space<vmem>> -> memref<128xi32, #tpu.memory_space<vmem>>
    %dma_start3A_109 = arith.constant 0 : i32
    %dma_start3A_110 = arith.constant 0 : i32
    %dma_start3A_111 = tpu.memref_slice %arg3[%dma_start3A_109, %dma_start3A_110] : memref<1000000x64xf32, #tpu.memory_space<hbm>> -> memref<1000000x64xf32, #tpu.memory_space<hbm>>
    tpu.enqueue_indirect_dma source(%dma_start3A_111 : memref<1000000x64xf32, #tpu.memory_space<hbm>>) target(%dma_start3A_105 : memref<128x64xf32, #tpu.memory_space<vmem>>) offsets(%dma_start3A_108 : memref<128xi32, #tpu.memory_space<vmem>>) semaphore(%arg7 : memref<!tpu.dma_semaphore, #tpu.memory_space<semaphore_mem>>)
    %dma_start3A_112 = arith.constant 9 : i32
    %dma_start3A_113 = arith.constant 4 : i32
    %dma_start3A_114 = arith.constant 128 : i32
    %dma_start3A_115 = arith.constant 0 : i32
    %dma_start3A_116 = tpu.memref_slice %arg6[%dma_start3A_113, %dma_start3A_114, %dma_start3A_115] : memref<6x256x64xf32, #tpu.memory_space<vmem>> -> memref<1x128x64xf32, #tpu.memory_space<vmem>>
    %dma_start3A_117 = tpu.memref_squeeze %dma_start3A_116 : memref<1x128x64xf32, #tpu.memory_space<vmem>> -> memref<128x64xf32, #tpu.memory_space<vmem>>
    %dma_start3A_118 = arith.constant 0 : i32
    %dma_start3A_119 = tpu.memref_slice %arg5[%dma_start3A_112, %dma_start3A_118] : memref<200x128xi32, #tpu.memory_space<vmem>> -> memref<1x128xi32, #tpu.memory_space<vmem>>
    %dma_start3A_120 = tpu.memref_squeeze %dma_start3A_119 : memref<1x128xi32, #tpu.memory_space<vmem>> -> memref<128xi32, #tpu.memory_space<vmem>>
    %dma_start3A_121 = arith.constant 0 : i32
    %dma_start3A_122 = arith.constant 0 : i32
    %dma_start3A_123 = tpu.memref_slice %arg3[%dma_start3A_121, %dma_start3A_122] : memref<1000000x64xf32, #tpu.memory_space<hbm>> -> memref<1000000x64xf32, #tpu.memory_space<hbm>>
    tpu.enqueue_indirect_dma source(%dma_start3A_123 : memref<1000000x64xf32, #tpu.memory_space<hbm>>) target(%dma_start3A_117 : memref<128x64xf32, #tpu.memory_space<vmem>>) offsets(%dma_start3A_120 : memref<128xi32, #tpu.memory_space<vmem>>) semaphore(%arg7 : memref<!tpu.dma_semaphore, #tpu.memory_space<semaphore_mem>>)
    %scan3A = arith.constant 0 : i32
    %scan3A_124 = arith.constant 0 : i32
    %scan3A_125 = arith.constant 96 : i32
    %scan3A_126 = arith.addi %scan3A_124, %scan3A_125 : i32
    %scan3A_127 = arith.constant 6 : i32
    scf.for %scan3A_485 = %scan3A_124 to %scan3A_126 step %scan3A_127  : i32 {
      %rem3A_486 = arith.constant 6 : i32
      %rem3A_487 = arith.remsi %scan3A_485, %rem3A_486 : i32
      %add3A_488 = arith.constant 6 : i32
      %add3A_489 = arith.addi %scan3A_485, %add3A_488 : i32
      %sub3A_490 = arith.constant 1 : i32
      %sub3A_491 = arith.subi %add3A_489, %sub3A_490 : i32
      %rem3A_492 = arith.constant 6 : i32
      %rem3A_493 = arith.remsi %sub3A_491, %rem3A_492 : i32
      %add3A_494 = arith.constant 6 : i32
      %add3A_495 = arith.addi %scan3A_485, %add3A_494 : i32
      %sub3A_496 = arith.constant 1 : i32
      %sub3A_497 = arith.subi %add3A_495, %sub3A_496 : i32
      %lt3A_498 = arith.constant 100 : i32
      %lt3A_499 = arith.cmpi slt, %sub3A_497, %lt3A_498 : i32
      %convert_element_type3A_500 = arith.extui %lt3A_499 : i1 to i32
      %cond3A_501 = arith.constant 0 : i32
      %cond3A_502 = arith.cmpi ne, %convert_element_type3A_500, %cond3A_501 : i32
      scf.if %cond3A_502 {
        %ge3A = arith.constant 1 : i32
        %ge3A_892 = arith.cmpi sge, %scan3A_485, %ge3A : i32
        %convert_element_type3A_893 = arith.extui %ge3A_892 : i1 to i32
        %cond3A_894 = arith.constant 0 : i32
        %cond3A_895 = arith.cmpi ne, %convert_element_type3A_893, %cond3A_894 : i32
        scf.if %cond3A_895 {
          %sub3A_928 = arith.constant 1 : i32
          %sub3A_929 = arith.subi %scan3A_485, %sub3A_928 : i32
          %mul3A_930 = arith.constant 256 : i32
          %mul3A_931 = arith.muli %sub3A_929, %mul3A_930 : i32
          %add3A_932 = arith.addi %mul3A_2, %mul3A_931 : i32
          %dma_wait3A_933 = arith.constant 0 : i32
          %dma_wait3A_934 = arith.constant 0 : i32
          %dma_wait3A_935 = tpu.memref_slice %arg6[%rem3A_493, %dma_wait3A_933, %dma_wait3A_934] : memref<6x256x64xf32, #tpu.memory_space<vmem>> -> memref<1x256x64xf32, #tpu.memory_space<vmem>>
          %dma_wait3A_936 = tpu.memref_squeeze %dma_wait3A_935 : memref<1x256x64xf32, #tpu.memory_space<vmem>> -> memref<256x64xf32, #tpu.memory_space<vmem>>
          %dma_wait3A_937 = arith.constant 0 : i32
          %dma_wait3A_938 = tpu.memref_slice %arg4[%add3A_932, %dma_wait3A_937] : memref<819200x128xf32, #tpu.memory_space<hbm>> -> memref<256x64xf32, #tpu.memory_space<hbm>>
          %dma_wait3A_939 = arith.constant 0 : i32
          %dma_wait3A_940 = tpu.memref_slice %arg4[%add3A_932, %dma_wait3A_939] : memref<819200x128xf32, #tpu.memory_space<hbm>> -> memref<256x64xf32, #tpu.memory_space<hbm>>
          %dma_wait3A_941 = arith.constant 0 : i32
          %dma_wait3A_942 = arith.constant 0 : i32
          %dma_wait3A_943 = tpu.memref_slice %arg6[%rem3A_493, %dma_wait3A_941, %dma_wait3A_942] : memref<6x256x64xf32, #tpu.memory_space<vmem>> -> memref<1x256x64xf32, #tpu.memory_space<vmem>>
          %dma_wait3A_944 = tpu.memref_squeeze %dma_wait3A_943 : memref<1x256x64xf32, #tpu.memory_space<vmem>> -> memref<256x64xf32, #tpu.memory_space<vmem>>
          tpu.wait_dma2 semaphore(%arg8 : memref<!tpu.dma_semaphore, #tpu.memory_space<semaphore_mem>>) src(%dma_wait3A_944 : memref<256x64xf32, #tpu.memory_space<vmem>>) dst(%dma_wait3A_940 : memref<256x64xf32, #tpu.memory_space<hbm>>)
        } else {
        }
        %add3A_896 = arith.constant 6 : i32
        %add3A_897 = arith.addi %scan3A_485, %add3A_896 : i32
        %sub3A_898 = arith.constant 1 : i32
        %sub3A_899 = arith.subi %add3A_897, %sub3A_898 : i32
        %mul3A_900 = arith.constant 2 : i32
        %mul3A_901 = arith.muli %sub3A_899, %mul3A_900 : i32
        %add3A_902 = arith.constant 0 : i32
        %add3A_903 = arith.addi %mul3A_901, %add3A_902 : i32
        %dma_start3A_904 = arith.constant 0 : i32
        %dma_start3A_905 = arith.constant 0 : i32
        %dma_start3A_906 = tpu.memref_slice %arg6[%rem3A_493, %dma_start3A_904, %dma_start3A_905] : memref<6x256x64xf32, #tpu.memory_space<vmem>> -> memref<1x128x64xf32, #tpu.memory_space<vmem>>
        %dma_start3A_907 = tpu.memref_squeeze %dma_start3A_906 : memref<1x128x64xf32, #tpu.memory_space<vmem>> -> memref<128x64xf32, #tpu.memory_space<vmem>>
        %dma_start3A_908 = arith.constant 0 : i32
        %dma_start3A_909 = tpu.memref_slice %arg5[%add3A_903, %dma_start3A_908] : memref<200x128xi32, #tpu.memory_space<vmem>> -> memref<1x128xi32, #tpu.memory_space<vmem>>
        %dma_start3A_910 = tpu.memref_squeeze %dma_start3A_909 : memref<1x128xi32, #tpu.memory_space<vmem>> -> memref<128xi32, #tpu.memory_space<vmem>>
        %dma_start3A_911 = arith.constant 0 : i32
        %dma_start3A_912 = arith.constant 0 : i32
        %dma_start3A_913 = tpu.memref_slice %arg3[%dma_start3A_911, %dma_start3A_912] : memref<1000000x64xf32, #tpu.memory_space<hbm>> -> memref<1000000x64xf32, #tpu.memory_space<hbm>>
        tpu.enqueue_indirect_dma source(%dma_start3A_913 : memref<1000000x64xf32, #tpu.memory_space<hbm>>) target(%dma_start3A_907 : memref<128x64xf32, #tpu.memory_space<vmem>>) offsets(%dma_start3A_910 : memref<128xi32, #tpu.memory_space<vmem>>) semaphore(%arg7 : memref<!tpu.dma_semaphore, #tpu.memory_space<semaphore_mem>>)
        %mul3A_914 = arith.constant 2 : i32
        %mul3A_915 = arith.muli %sub3A_899, %mul3A_914 : i32
        %add3A_916 = arith.constant 1 : i32
        %add3A_917 = arith.addi %mul3A_915, %add3A_916 : i32
        %dma_start3A_918 = arith.constant 128 : i32
        %dma_start3A_919 = arith.constant 0 : i32
        %dma_start3A_920 = tpu.memref_slice %arg6[%rem3A_493, %dma_start3A_918, %dma_start3A_919] : memref<6x256x64xf32, #tpu.memory_space<vmem>> -> memref<1x128x64xf32, #tpu.memory_space<vmem>>
        %dma_start3A_921 = tpu.memref_squeeze %dma_start3A_920 : memref<1x128x64xf32, #tpu.memory_space<vmem>> -> memref<128x64xf32, #tpu.memory_space<vmem>>
        %dma_start3A_922 = arith.constant 0 : i32
        %dma_start3A_923 = tpu.memref_slice %arg5[%add3A_917, %dma_start3A_922] : memref<200x128xi32, #tpu.memory_space<vmem>> -> memref<1x128xi32, #tpu.memory_space<vmem>>
        %dma_start3A_924 = tpu.memref_squeeze %dma_start3A_923 : memref<1x128xi32, #tpu.memory_space<vmem>> -> memref<128xi32, #tpu.memory_space<vmem>>
        %dma_start3A_925 = arith.constant 0 : i32
        %dma_start3A_926 = arith.constant 0 : i32
        %dma_start3A_927 = tpu.memref_slice %arg3[%dma_start3A_925, %dma_start3A_926] : memref<1000000x64xf32, #tpu.memory_space<hbm>> -> memref<1000000x64xf32, #tpu.memory_space<hbm>>
        tpu.enqueue_indirect_dma source(%dma_start3A_927 : memref<1000000x64xf32, #tpu.memory_space<hbm>>) target(%dma_start3A_921 : memref<128x64xf32, #tpu.memory_space<vmem>>) offsets(%dma_start3A_924 : memref<128xi32, #tpu.memory_space<vmem>>) semaphore(%arg7 : memref<!tpu.dma_semaphore, #tpu.memory_space<semaphore_mem>>)
      } else {
      }
      %mul3A_503 = arith.constant 2 : i32
      %mul3A_504 = arith.muli %scan3A_485, %mul3A_503 : i32
      %add3A_505 = arith.constant 0 : i32
      %add3A_506 = arith.addi %mul3A_504, %add3A_505 : i32
      %dma_wait3A_507 = arith.constant 0 : i32
      %dma_wait3A_508 = arith.constant 0 : i32
      %dma_wait3A_509 = tpu.memref_slice %arg6[%rem3A_487, %dma_wait3A_507, %dma_wait3A_508] : memref<6x256x64xf32, #tpu.memory_space<vmem>> -> memref<1x128x64xf32, #tpu.memory_space<vmem>>
      %dma_wait3A_510 = tpu.memref_squeeze %dma_wait3A_509 : memref<1x128x64xf32, #tpu.memory_space<vmem>> -> memref<128x64xf32, #tpu.memory_space<vmem>>
      %dma_wait3A_511 = arith.constant 0 : i32
      %dma_wait3A_512 = tpu.memref_slice %arg5[%add3A_506, %dma_wait3A_511] : memref<200x128xi32, #tpu.memory_space<vmem>> -> memref<1x128xi32, #tpu.memory_space<vmem>>
      %dma_wait3A_513 = tpu.memref_squeeze %dma_wait3A_512 : memref<1x128xi32, #tpu.memory_space<vmem>> -> memref<128xi32, #tpu.memory_space<vmem>>
      %dma_wait3A_514 = arith.constant 0 : i32
      %dma_wait3A_515 = arith.constant 0 : i32
      %dma_wait3A_516 = tpu.memref_slice %arg3[%dma_wait3A_514, %dma_wait3A_515] : memref<1000000x64xf32, #tpu.memory_space<hbm>> -> memref<1000000x64xf32, #tpu.memory_space<hbm>>
      tpu.wait_indirect_dma semaphore(%arg7 : memref<!tpu.dma_semaphore, #tpu.memory_space<semaphore_mem>>) src(%dma_wait3A_516 : memref<1000000x64xf32, #tpu.memory_space<hbm>>) dst(%dma_wait3A_510 : memref<128x64xf32, #tpu.memory_space<vmem>>)
      %mul3A_517 = arith.constant 2 : i32
      %mul3A_518 = arith.muli %scan3A_485, %mul3A_517 : i32
      %add3A_519 = arith.constant 1 : i32
      %add3A_520 = arith.addi %mul3A_518, %add3A_519 : i32
      %dma_wait3A_521 = arith.constant 128 : i32
      %dma_wait3A_522 = arith.constant 0 : i32
      %dma_wait3A_523 = tpu.memref_slice %arg6[%rem3A_487, %dma_wait3A_521, %dma_wait3A_522] : memref<6x256x64xf32, #tpu.memory_space<vmem>> -> memref<1x128x64xf32, #tpu.memory_space<vmem>>
      %dma_wait3A_524 = tpu.memref_squeeze %dma_wait3A_523 : memref<1x128x64xf32, #tpu.memory_space<vmem>> -> memref<128x64xf32, #tpu.memory_space<vmem>>
      %dma_wait3A_525 = arith.constant 0 : i32
      %dma_wait3A_526 = tpu.memref_slice %arg5[%add3A_520, %dma_wait3A_525] : memref<200x128xi32, #tpu.memory_space<vmem>> -> memref<1x128xi32, #tpu.memory_space<vmem>>
      %dma_wait3A_527 = tpu.memref_squeeze %dma_wait3A_526 : memref<1x128xi32, #tpu.memory_space<vmem>> -> memref<128xi32, #tpu.memory_space<vmem>>
      %dma_wait3A_528 = arith.constant 0 : i32
      %dma_wait3A_529 = arith.constant 0 : i32
      %dma_wait3A_530 = tpu.memref_slice %arg3[%dma_wait3A_528, %dma_wait3A_529] : memref<1000000x64xf32, #tpu.memory_space<hbm>> -> memref<1000000x64xf32, #tpu.memory_space<hbm>>
      tpu.wait_indirect_dma semaphore(%arg7 : memref<!tpu.dma_semaphore, #tpu.memory_space<semaphore_mem>>) src(%dma_wait3A_530 : memref<1000000x64xf32, #tpu.memory_space<hbm>>) dst(%dma_wait3A_524 : memref<128x64xf32, #tpu.memory_space<vmem>>)
      %scan3A_531 = arith.constant 0 : i32
      %scan3A_532 = arith.constant 0 : i32
      %scan3A_533 = arith.constant 128 : i32
      %scan3A_534 = arith.addi %scan3A_532, %scan3A_533 : i32
      %scan3A_535 = arith.constant 1 : i32
      scf.for %scan3A_892 = %scan3A_532 to %scan3A_534 step %scan3A_535  : i32 {
        %mul3A_893 = arith.constant 2 : i32
        %mul3A_894 = arith.muli %mul3A_893, %scan3A_892 : i32
        %add3A_895 = arith.constant 0 : i32
        %add3A_896 = arith.addi %mul3A_894, %add3A_895 : i32
        %get3A = arith.index_cast %rem3A_487 : i32 to index
        %get3A_897 = arith.index_cast %add3A_896 : i32 to index
        %get3A_898 = arith.constant 0 : index
        %get3A_899 = tpu.vector_load %arg6[%get3A, %get3A_897, %get3A_898] {strides = array<i32>} : memref<6x256x64xf32, #tpu.memory_space<vmem>>, vector<1x1x16xf32>,
        %get3A_900 = vector.shape_cast %get3A_899 : vector<1x1x16xf32> to vector<16xf32>
        %mul3A_901 = arith.constant 1.000000e+00 : f32
        %mul3A_902 = vector.broadcast %mul3A_901 : f32 to vector<16xf32>
        %mul3A_903 = arith.mulf %get3A_900, %mul3A_902 : vector<16xf32>
        %mul3A_904 = arith.constant 2 : i32
        %mul3A_905 = arith.muli %mul3A_904, %scan3A_892 : i32
        %add3A_906 = arith.constant 0 : i32
        %add3A_907 = arith.addi %mul3A_905, %add3A_906 : i32
        %swap3A = arith.index_cast %rem3A_487 : i32 to index
        %swap3A_908 = arith.index_cast %add3A_907 : i32 to index
        %swap3A_909 = arith.constant 0 : index
        %swap3A_910 = tpu.vector_load %arg6[%swap3A, %swap3A_908, %swap3A_909] {strides = array<i32>} : memref<6x256x64xf32, #tpu.memory_space<vmem>>, vector<1x1x16xf32>,
        %swap3A_911 = vector.shape_cast %swap3A_910 : vector<1x1x16xf32> to vector<16xf32>
        %swap3A_912 = vector.shape_cast %mul3A_903 : vector<16xf32> to vector<1x1x16xf32>
        tpu.vector_store %arg6[%swap3A, %swap3A_908, %swap3A_909], %swap3A_912 {strides = array<i32>} : memref<6x256x64xf32, #tpu.memory_space<vmem>>, vector<1x1x16xf32>,
        %mul3A_913 = arith.constant 2 : i32
        %mul3A_914 = arith.muli %mul3A_913, %scan3A_892 : i32
        %add3A_915 = arith.constant 0 : i32
        %add3A_916 = arith.addi %mul3A_914, %add3A_915 : i32
        %get3A_917 = arith.index_cast %rem3A_487 : i32 to index
        %get3A_918 = arith.index_cast %add3A_916 : i32 to index
        %get3A_919 = arith.constant 16 : index
        %get3A_920 = tpu.vector_load %arg6[%get3A_917, %get3A_918, %get3A_919] {strides = array<i32>} : memref<6x256x64xf32, #tpu.memory_space<vmem>>, vector<1x1x16xf32>,
        %get3A_921 = vector.shape_cast %get3A_920 : vector<1x1x16xf32> to vector<16xf32>
        %mul3A_922 = arith.constant 1.000000e+00 : f32
        %mul3A_923 = vector.broadcast %mul3A_922 : f32 to vector<16xf32>
        %mul3A_924 = arith.mulf %get3A_921, %mul3A_923 : vector<16xf32>
        %mul3A_925 = arith.constant 2 : i32
        %mul3A_926 = arith.muli %mul3A_925, %scan3A_892 : i32
        %add3A_927 = arith.constant 0 : i32
        %add3A_928 = arith.addi %mul3A_926, %add3A_927 : i32
        %swap3A_929 = arith.index_cast %rem3A_487 : i32 to index
        %swap3A_930 = arith.index_cast %add3A_928 : i32 to index
        %swap3A_931 = arith.constant 16 : index
        %swap3A_932 = tpu.vector_load %arg6[%swap3A_929, %swap3A_930, %swap3A_931] {strides = array<i32>} : memref<6x256x64xf32, #tpu.memory_space<vmem>>, vector<1x1x16xf32>,
        %swap3A_933 = vector.shape_cast %swap3A_932 : vector<1x1x16xf32> to vector<16xf32>
        %swap3A_934 = vector.shape_cast %mul3A_924 : vector<16xf32> to vector<1x1x16xf32>
        tpu.vector_store %arg6[%swap3A_929, %swap3A_930, %swap3A_931], %swap3A_934 {strides = array<i32>} : memref<6x256x64xf32, #tpu.memory_space<vmem>>, vector<1x1x16xf32>,
        %mul3A_935 = arith.constant 2 : i32
        %mul3A_936 = arith.muli %mul3A_935, %scan3A_892 : i32
        %add3A_937 = arith.constant 0 : i32
        %add3A_938 = arith.addi %mul3A_936, %add3A_937 : i32
        %get3A_939 = arith.index_cast %rem3A_487 : i32 to index
        %get3A_940 = arith.index_cast %add3A_938 : i32 to index
        %get3A_941 = arith.constant 32 : index
        %get3A_942 = tpu.vector_load %arg6[%get3A_939, %get3A_940, %get3A_941] {strides = array<i32>} : memref<6x256x64xf32, #tpu.memory_space<vmem>>, vector<1x1x16xf32>,
        %get3A_943 = vector.shape_cast %get3A_942 : vector<1x1x16xf32> to vector<16xf32>
        %mul3A_944 = arith.constant 1.000000e+00 : f32
        %mul3A_945 = vector.broadcast %mul3A_944 : f32 to vector<16xf32>
        %mul3A_946 = arith.mulf %get3A_943, %mul3A_945 : vector<16xf32>
        %mul3A_947 = arith.constant 2 : i32
        %mul3A_948 = arith.muli %mul3A_947, %scan3A_892 : i32
        %add3A_949 = arith.constant 0 : i32
        %add3A_950 = arith.addi %mul3A_948, %add3A_949 : i32
        %swap3A_951 = arith.index_cast %rem3A_487 : i32 to index
        %swap3A_952 = arith.index_cast %add3A_950 : i32 to index
        %swap3A_953 = arith.constant 32 : index
        %swap3A_954 = tpu.vector_load %arg6[%swap3A_951, %swap3A_952, %swap3A_953] {strides = array<i32>} : memref<6x256x64xf32, #tpu.memory_space<vmem>>, vector<1x1x16xf32>,
        %swap3A_955 = vector.shape_cast %swap3A_954 : vector<1x1x16xf32> to vector<16xf32>
        %swap3A_956 = vector.shape_cast %mul3A_946 : vector<16xf32> to vector<1x1x16xf32>
        tpu.vector_store %arg6[%swap3A_951, %swap3A_952, %swap3A_953], %swap3A_956 {strides = array<i32>} : memref<6x256x64xf32, #tpu.memory_space<vmem>>, vector<1x1x16xf32>,
        %mul3A_957 = arith.constant 2 : i32
        %mul3A_958 = arith.muli %mul3A_957, %scan3A_892 : i32
        %add3A_959 = arith.constant 0 : i32
        %add3A_960 = arith.addi %mul3A_958, %add3A_959 : i32
        %get3A_961 = arith.index_cast %rem3A_487 : i32 to index
        %get3A_962 = arith.index_cast %add3A_960 : i32 to index
        %get3A_963 = arith.constant 48 : index
        %get3A_964 = tpu.vector_load %arg6[%get3A_961, %get3A_962, %get3A_963] {strides = array<i32>} : memref<6x256x64xf32, #tpu.memory_space<vmem>>, vector<1x1x16xf32>,
        %get3A_965 = vector.shape_cast %get3A_964 : vector<1x1x16xf32> to vector<16xf32>
        %mul3A_966 = arith.constant 1.000000e+00 : f32
        %mul3A_967 = vector.broadcast %mul3A_966 : f32 to vector<16xf32>
        %mul3A_968 = arith.mulf %get3A_965, %mul3A_967 : vector<16xf32>
        %mul3A_969 = arith.constant 2 : i32
        %mul3A_970 = arith.muli %mul3A_969, %scan3A_892 : i32
        %add3A_971 = arith.constant 0 : i32
        %add3A_972 = arith.addi %mul3A_970, %add3A_971 : i32
        %swap3A_973 = arith.index_cast %rem3A_487 : i32 to index
        %swap3A_974 = arith.index_cast %add3A_972 : i32 to index
        %swap3A_975 = arith.constant 48 : index
        %swap3A_976 = tpu.vector_load %arg6[%swap3A_973, %swap3A_974, %swap3A_975] {strides = array<i32>} : memref<6x256x64xf32, #tpu.memory_space<vmem>>, vector<1x1x16xf32>,
        %swap3A_977 = vector.shape_cast %swap3A_976 : vector<1x1x16xf32> to vector<16xf32>
        %swap3A_978 = vector.shape_cast %mul3A_968 : vector<16xf32> to vector<1x1x16xf32>
        tpu.vector_store %arg6[%swap3A_973, %swap3A_974, %swap3A_975], %swap3A_978 {strides = array<i32>} : memref<6x256x64xf32, #tpu.memory_space<vmem>>, vector<1x1x16xf32>,
        %mul3A_979 = arith.constant 2 : i32
        %mul3A_980 = arith.muli %mul3A_979, %scan3A_892 : i32
        %add3A_981 = arith.constant 1 : i32
        %add3A_982 = arith.addi %mul3A_980, %add3A_981 : i32
        %get3A_983 = arith.index_cast %rem3A_487 : i32 to index
        %get3A_984 = arith.index_cast %add3A_982 : i32 to index
        %get3A_985 = arith.constant 0 : index
        %get3A_986 = tpu.vector_load %arg6[%get3A_983, %get3A_984, %get3A_985] {strides = array<i32>} : memref<6x256x64xf32, #tpu.memory_space<vmem>>, vector<1x1x16xf32>,
        %get3A_987 = vector.shape_cast %get3A_986 : vector<1x1x16xf32> to vector<16xf32>
        %mul3A_988 = arith.constant 1.000000e+00 : f32
        %mul3A_989 = vector.broadcast %mul3A_988 : f32 to vector<16xf32>
        %mul3A_990 = arith.mulf %get3A_987, %mul3A_989 : vector<16xf32>
        %mul3A_991 = arith.constant 2 : i32
        %mul3A_992 = arith.muli %mul3A_991, %scan3A_892 : i32
        %add3A_993 = arith.constant 1 : i32
        %add3A_994 = arith.addi %mul3A_992, %add3A_993 : i32
        %swap3A_995 = arith.index_cast %rem3A_487 : i32 to index
        %swap3A_996 = arith.index_cast %add3A_994 : i32 to index
        %swap3A_997 = arith.constant 0 : index
        %swap3A_998 = tpu.vector_load %arg6[%swap3A_995, %swap3A_996, %swap3A_997] {strides = array<i32>} : memref<6x256x64xf32, #tpu.memory_space<vmem>>, vector<1x1x16xf32>,
        %swap3A_999 = vector.shape_cast %swap3A_998 : vector<1x1x16xf32> to vector<16xf32>
        %swap3A_1000 = vector.shape_cast %mul3A_990 : vector<16xf32> to vector<1x1x16xf32>
        tpu.vector_store %arg6[%swap3A_995, %swap3A_996, %swap3A_997], %swap3A_1000 {strides = array<i32>} : memref<6x256x64xf32, #tpu.memory_space<vmem>>, vector<1x1x16xf32>,
        %mul3A_1001 = arith.constant 2 : i32
        %mul3A_1002 = arith.muli %mul3A_1001, %scan3A_892 : i32
        %add3A_1003 = arith.constant 1 : i32
        %add3A_1004 = arith.addi %mul3A_1002, %add3A_1003 : i32
        %get3A_1005 = arith.index_cast %rem3A_487 : i32 to index
        %get3A_1006 = arith.index_cast %add3A_1004 : i32 to index
        %get3A_1007 = arith.constant 16 : index
        %get3A_1008 = tpu.vector_load %arg6[%get3A_1005, %get3A_1006, %get3A_1007] {strides = array<i32>} : memref<6x256x64xf32, #tpu.memory_space<vmem>>, vector<1x1x16xf32>,
        %get3A_1009 = vector.shape_cast %get3A_1008 : vector<1x1x16xf32> to vector<16xf32>
        %mul3A_1010 = arith.constant 1.000000e+00 : f32
        %mul3A_1011 = vector.broadcast %mul3A_1010 : f32 to vector<16xf32>
        %mul3A_1012 = arith.mulf %get3A_1009, %mul3A_1011 : vector<16xf32>
        %mul3A_1013 = arith.constant 2 : i32
        %mul3A_1014 = arith.muli %mul3A_1013, %scan3A_892 : i32
        %add3A_1015 = arith.constant 1 : i32
        %add3A_1016 = arith.addi %mul3A_1014, %add3A_1015 : i32
        %swap3A_1017 = arith.index_cast %rem3A_487 : i32 to index
        %swap3A_1018 = arith.index_cast %add3A_1016 : i32 to index
        %swap3A_1019 = arith.constant 16 : index
        %swap3A_1020 = tpu.vector_load %arg6[%swap3A_1017, %swap3A_1018, %swap3A_1019] {strides = array<i32>} : memref<6x256x64xf32, #tpu.memory_space<vmem>>, vector<1x1x16xf32>,
        %swap3A_1021 = vector.shape_cast %swap3A_1020 : vector<1x1x16xf32> to vector<16xf32>
        %swap3A_1022 = vector.shape_cast %mul3A_1012 : vector<16xf32> to vector<1x1x16xf32>
        tpu.vector_store %arg6[%swap3A_1017, %swap3A_1018, %swap3A_1019], %swap3A_1022 {strides = array<i32>} : memref<6x256x64xf32, #tpu.memory_space<vmem>>, vector<1x1x16xf32>,
        %mul3A_1023 = arith.constant 2 : i32
        %mul3A_1024 = arith.muli %mul3A_1023, %scan3A_892 : i32
        %add3A_1025 = arith.constant 1 : i32
        %add3A_1026 = arith.addi %mul3A_1024, %add3A_1025 : i32
        %get3A_1027 = arith.index_cast %rem3A_487 : i32 to index
        %get3A_1028 = arith.index_cast %add3A_1026 : i32 to index
        %get3A_1029 = arith.constant 32 : index
        %get3A_1030 = tpu.vector_load %arg6[%get3A_1027, %get3A_1028, %get3A_1029] {strides = array<i32>} : memref<6x256x64xf32, #tpu.memory_space<vmem>>, vector<1x1x16xf32>,
        %get3A_1031 = vector.shape_cast %get3A_1030 : vector<1x1x16xf32> to vector<16xf32>
        %mul3A_1032 = arith.constant 1.000000e+00 : f32
        %mul3A_1033 = vector.broadcast %mul3A_1032 : f32 to vector<16xf32>
        %mul3A_1034 = arith.mulf %get3A_1031, %mul3A_1033 : vector<16xf32>
        %mul3A_1035 = arith.constant 2 : i32
        %mul3A_1036 = arith.muli %mul3A_1035, %scan3A_892 : i32
        %add3A_1037 = arith.constant 1 : i32
        %add3A_1038 = arith.addi %mul3A_1036, %add3A_1037 : i32
        %swap3A_1039 = arith.index_cast %rem3A_487 : i32 to index
        %swap3A_1040 = arith.index_cast %add3A_1038 : i32 to index
        %swap3A_1041 = arith.constant 32 : index
        %swap3A_1042 = tpu.vector_load %arg6[%swap3A_1039, %swap3A_1040, %swap3A_1041] {strides = array<i32>} : memref<6x256x64xf32, #tpu.memory_space<vmem>>, vector<1x1x16xf32>,
        %swap3A_1043 = vector.shape_cast %swap3A_1042 : vector<1x1x16xf32> to vector<16xf32>
        %swap3A_1044 = vector.shape_cast %mul3A_1034 : vector<16xf32> to vector<1x1x16xf32>
        tpu.vector_store %arg6[%swap3A_1039, %swap3A_1040, %swap3A_1041], %swap3A_1044 {strides = array<i32>} : memref<6x256x64xf32, #tpu.memory_space<vmem>>, vector<1x1x16xf32>,
        %mul3A_1045 = arith.constant 2 : i32
        %mul3A_1046 = arith.muli %mul3A_1045, %scan3A_892 : i32
        %add3A_1047 = arith.constant 1 : i32
        %add3A_1048 = arith.addi %mul3A_1046, %add3A_1047 : i32
        %get3A_1049 = arith.index_cast %rem3A_487 : i32 to index
        %get3A_1050 = arith.index_cast %add3A_1048 : i32 to index
        %get3A_1051 = arith.constant 48 : index
        %get3A_1052 = tpu.vector_load %arg6[%get3A_1049, %get3A_1050, %get3A_1051] {strides = array<i32>} : memref<6x256x64xf32, #tpu.memory_space<vmem>>, vector<1x1x16xf32>,
        %get3A_1053 = vector.shape_cast %get3A_1052 : vector<1x1x16xf32> to vector<16xf32>
        %mul3A_1054 = arith.constant 1.000000e+00 : f32
        %mul3A_1055 = vector.broadcast %mul3A_1054 : f32 to vector<16xf32>
        %mul3A_1056 = arith.mulf %get3A_1053, %mul3A_1055 : vector<16xf32>
        %mul3A_1057 = arith.constant 2 : i32
        %mul3A_1058 = arith.muli %mul3A_1057, %scan3A_892 : i32
        %add3A_1059 = arith.constant 1 : i32
        %add3A_1060 = arith.addi %mul3A_1058, %add3A_1059 : i32
        %swap3A_1061 = arith.index_cast %rem3A_487 : i32 to index
        %swap3A_1062 = arith.index_cast %add3A_1060 : i32 to index
        %swap3A_1063 = arith.constant 48 : index
        %swap3A_1064 = tpu.vector_load %arg6[%swap3A_1061, %swap3A_1062, %swap3A_1063] {strides = array<i32>} : memref<6x256x64xf32, #tpu.memory_space<vmem>>, vector<1x1x16xf32>,
        %swap3A_1065 = vector.shape_cast %swap3A_1064 : vector<1x1x16xf32> to vector<16xf32>
        %swap3A_1066 = vector.shape_cast %mul3A_1056 : vector<16xf32> to vector<1x1x16xf32>
        tpu.vector_store %arg6[%swap3A_1061, %swap3A_1062, %swap3A_1063], %swap3A_1066 {strides = array<i32>} : memref<6x256x64xf32, #tpu.memory_space<vmem>>, vector<1x1x16xf32>,
      }
      %scan3A_536 = arith.constant 128 : i32
      %mul3A_537 = arith.constant 256 : i32
      %mul3A_538 = arith.muli %scan3A_485, %mul3A_537 : i32
      %add3A_539 = arith.addi %mul3A_2, %mul3A_538 : i32
      %dma_start3A_540 = arith.constant 0 : i32
      %dma_start3A_541 = arith.constant 0 : i32
      %dma_start3A_542 = tpu.memref_slice %arg6[%rem3A_487, %dma_start3A_540, %dma_start3A_541] : memref<6x256x64xf32, #tpu.memory_space<vmem>> -> memref<1x256x64xf32, #tpu.memory_space<vmem>>
      %dma_start3A_543 = tpu.memref_squeeze %dma_start3A_542 : memref<1x256x64xf32, #tpu.memory_space<vmem>> -> memref<256x64xf32, #tpu.memory_space<vmem>>
      %dma_start3A_544 = arith.constant 0 : i32
      %dma_start3A_545 = tpu.memref_slice %arg4[%add3A_539, %dma_start3A_544] : memref<819200x128xf32, #tpu.memory_space<hbm>> -> memref<256x64xf32, #tpu.memory_space<hbm>>
      %dma_start3A_546 = arith.constant 0 : i32
      %dma_start3A_547 = tpu.memref_slice %arg4[%add3A_539, %dma_start3A_546] : memref<819200x128xf32, #tpu.memory_space<hbm>> -> memref<256x64xf32, #tpu.memory_space<hbm>>
      %dma_start3A_548 = arith.constant 0 : i32
      %dma_start3A_549 = arith.constant 0 : i32
      %dma_start3A_550 = tpu.memref_slice %arg6[%rem3A_487, %dma_start3A_548, %dma_start3A_549] : memref<6x256x64xf32, #tpu.memory_space<vmem>> -> memref<1x256x64xf32, #tpu.memory_space<vmem>>
      %dma_start3A_551 = tpu.memref_squeeze %dma_start3A_550 : memref<1x256x64xf32, #tpu.memory_space<vmem>> -> memref<256x64xf32, #tpu.memory_space<vmem>>
      tpu.enqueue_dma source(%dma_start3A_551 : memref<256x64xf32, #tpu.memory_space<vmem>>) target(%dma_start3A_547 : memref<256x64xf32, #tpu.memory_space<hbm>>) target_semaphore(%arg8 : memref<!tpu.dma_semaphore, #tpu.memory_space<semaphore_mem>>)
      %scan3A_552 = arith.constant 1 : i32
      %scan3A_553 = arith.addi %scan3A_485, %scan3A_552 : i32
      %rem3A_554 = arith.constant 6 : i32
      %rem3A_555 = arith.remsi %scan3A_553, %rem3A_554 : i32
      %add3A_556 = arith.constant 6 : i32
      %add3A_557 = arith.addi %scan3A_553, %add3A_556 : i32
      %sub3A_558 = arith.constant 1 : i32
      %sub3A_559 = arith.subi %add3A_557, %sub3A_558 : i32
      %rem3A_560 = arith.constant 6 : i32
      %rem3A_561 = arith.remsi %sub3A_559, %rem3A_560 : i32
      %add3A_562 = arith.constant 6 : i32
      %add3A_563 = arith.addi %scan3A_553, %add3A_562 : i32
      %sub3A_564 = arith.constant 1 : i32
      %sub3A_565 = arith.subi %add3A_563, %sub3A_564 : i32
      %lt3A_566 = arith.constant 100 : i32
      %lt3A_567 = arith.cmpi slt, %sub3A_565, %lt3A_566 : i32
      %convert_element_type3A_568 = arith.extui %lt3A_567 : i1 to i32
      %cond3A_569 = arith.constant 0 : i32
      %cond3A_570 = arith.cmpi ne, %convert_element_type3A_568, %cond3A_569 : i32
      scf.if %cond3A_570 {
        %ge3A = arith.constant 1 : i32
        %ge3A_892 = arith.cmpi sge, %scan3A_553, %ge3A : i32
        %convert_element_type3A_893 = arith.extui %ge3A_892 : i1 to i32
        %cond3A_894 = arith.constant 0 : i32
        %cond3A_895 = arith.cmpi ne, %convert_element_type3A_893, %cond3A_894 : i32
        scf.if %cond3A_895 {
          %sub3A_928 = arith.constant 1 : i32
          %sub3A_929 = arith.subi %scan3A_553, %sub3A_928 : i32
          %mul3A_930 = arith.constant 256 : i32
          %mul3A_931 = arith.muli %sub3A_929, %mul3A_930 : i32
          %add3A_932 = arith.addi %mul3A_2, %mul3A_931 : i32
          %dma_wait3A_933 = arith.constant 0 : i32
          %dma_wait3A_934 = arith.constant 0 : i32
          %dma_wait3A_935 = tpu.memref_slice %arg6[%rem3A_561, %dma_wait3A_933, %dma_wait3A_934] : memref<6x256x64xf32, #tpu.memory_space<vmem>> -> memref<1x256x64xf32, #tpu.memory_space<vmem>>
          %dma_wait3A_936 = tpu.memref_squeeze %dma_wait3A_935 : memref<1x256x64xf32, #tpu.memory_space<vmem>> -> memref<256x64xf32, #tpu.memory_space<vmem>>
          %dma_wait3A_937 = arith.constant 0 : i32
          %dma_wait3A_938 = tpu.memref_slice %arg4[%add3A_932, %dma_wait3A_937] : memref<819200x128xf32, #tpu.memory_space<hbm>> -> memref<256x64xf32, #tpu.memory_space<hbm>>
          %dma_wait3A_939 = arith.constant 0 : i32
          %dma_wait3A_940 = tpu.memref_slice %arg4[%add3A_932, %dma_wait3A_939] : memref<819200x128xf32, #tpu.memory_space<hbm>> -> memref<256x64xf32, #tpu.memory_space<hbm>>
          %dma_wait3A_941 = arith.constant 0 : i32
          %dma_wait3A_942 = arith.constant 0 : i32
          %dma_wait3A_943 = tpu.memref_slice %arg6[%rem3A_561, %dma_wait3A_941, %dma_wait3A_942] : memref<6x256x64xf32, #tpu.memory_space<vmem>> -> memref<1x256x64xf32, #tpu.memory_space<vmem>>
          %dma_wait3A_944 = tpu.memref_squeeze %dma_wait3A_943 : memref<1x256x64xf32, #tpu.memory_space<vmem>> -> memref<256x64xf32, #tpu.memory_space<vmem>>
          tpu.wait_dma2 semaphore(%arg8 : memref<!tpu.dma_semaphore, #tpu.memory_space<semaphore_mem>>) src(%dma_wait3A_944 : memref<256x64xf32, #tpu.memory_space<vmem>>) dst(%dma_wait3A_940 : memref<256x64xf32, #tpu.memory_space<hbm>>)
        } else {
        }
        %add3A_896 = arith.constant 6 : i32
        %add3A_897 = arith.addi %scan3A_553, %add3A_896 : i32
        %sub3A_898 = arith.constant 1 : i32
        %sub3A_899 = arith.subi %add3A_897, %sub3A_898 : i32
        %mul3A_900 = arith.constant 2 : i32
        %mul3A_901 = arith.muli %sub3A_899, %mul3A_900 : i32
        %add3A_902 = arith.constant 0 : i32
        %add3A_903 = arith.addi %mul3A_901, %add3A_902 : i32
        %dma_start3A_904 = arith.constant 0 : i32
        %dma_start3A_905 = arith.constant 0 : i32
        %dma_start3A_906 = tpu.memref_slice %arg6[%rem3A_561, %dma_start3A_904, %dma_start3A_905] : memref<6x256x64xf32, #tpu.memory_space<vmem>> -> memref<1x128x64xf32, #tpu.memory_space<vmem>>
        %dma_start3A_907 = tpu.memref_squeeze %dma_start3A_906 : memref<1x128x64xf32, #tpu.memory_space<vmem>> -> memref<128x64xf32, #tpu.memory_space<vmem>>
        %dma_start3A_908 = arith.constant 0 : i32
        %dma_start3A_909 = tpu.memref_slice %arg5[%add3A_903, %dma_start3A_908] : memref<200x128xi32, #tpu.memory_space<vmem>> -> memref<1x128xi32, #tpu.memory_space<vmem>>
        %dma_start3A_910 = tpu.memref_squeeze %dma_start3A_909 : memref<1x128xi32, #tpu.memory_space<vmem>> -> memref<128xi32, #tpu.memory_space<vmem>>
        %dma_start3A_911 = arith.constant 0 : i32
        %dma_start3A_912 = arith.constant 0 : i32
        %dma_start3A_913 = tpu.memref_slice %arg3[%dma_start3A_911, %dma_start3A_912] : memref<1000000x64xf32, #tpu.memory_space<hbm>> -> memref<1000000x64xf32, #tpu.memory_space<hbm>>
        tpu.enqueue_indirect_dma source(%dma_start3A_913 : memref<1000000x64xf32, #tpu.memory_space<hbm>>) target(%dma_start3A_907 : memref<128x64xf32, #tpu.memory_space<vmem>>) offsets(%dma_start3A_910 : memref<128xi32, #tpu.memory_space<vmem>>) semaphore(%arg7 : memref<!tpu.dma_semaphore, #tpu.memory_space<semaphore_mem>>)
        %mul3A_914 = arith.constant 2 : i32
        %mul3A_915 = arith.muli %sub3A_899, %mul3A_914 : i32
        %add3A_916 = arith.constant 1 : i32
        %add3A_917 = arith.addi %mul3A_915, %add3A_916 : i32
        %dma_start3A_918 = arith.constant 128 : i32
        %dma_start3A_919 = arith.constant 0 : i32
        %dma_start3A_920 = tpu.memref_slice %arg6[%rem3A_561, %dma_start3A_918, %dma_start3A_919] : memref<6x256x64xf32, #tpu.memory_space<vmem>> -> memref<1x128x64xf32, #tpu.memory_space<vmem>>
        %dma_start3A_921 = tpu.memref_squeeze %dma_start3A_920 : memref<1x128x64xf32, #tpu.memory_space<vmem>> -> memref<128x64xf32, #tpu.memory_space<vmem>>
        %dma_start3A_922 = arith.constant 0 : i32
        %dma_start3A_923 = tpu.memref_slice %arg5[%add3A_917, %dma_start3A_922] : memref<200x128xi32, #tpu.memory_space<vmem>> -> memref<1x128xi32, #tpu.memory_space<vmem>>
        %dma_start3A_924 = tpu.memref_squeeze %dma_start3A_923 : memref<1x128xi32, #tpu.memory_space<vmem>> -> memref<128xi32, #tpu.memory_space<vmem>>
        %dma_start3A_925 = arith.constant 0 : i32
        %dma_start3A_926 = arith.constant 0 : i32
        %dma_start3A_927 = tpu.memref_slice %arg3[%dma_start3A_925, %dma_start3A_926] : memref<1000000x64xf32, #tpu.memory_space<hbm>> -> memref<1000000x64xf32, #tpu.memory_space<hbm>>
        tpu.enqueue_indirect_dma source(%dma_start3A_927 : memref<1000000x64xf32, #tpu.memory_space<hbm>>) target(%dma_start3A_921 : memref<128x64xf32, #tpu.memory_space<vmem>>) offsets(%dma_start3A_924 : memref<128xi32, #tpu.memory_space<vmem>>) semaphore(%arg7 : memref<!tpu.dma_semaphore, #tpu.memory_space<semaphore_mem>>)
      } else {
      }
      %mul3A_571 = arith.constant 2 : i32
      %mul3A_572 = arith.muli %scan3A_553, %mul3A_571 : i32
      %add3A_573 = arith.constant 0 : i32
      %add3A_574 = arith.addi %mul3A_572, %add3A_573 : i32
      %dma_wait3A_575 = arith.constant 0 : i32
      %dma_wait3A_576 = arith.constant 0 : i32
      %dma_wait3A_577 = tpu.memref_slice %arg6[%rem3A_555, %dma_wait3A_575, %dma_wait3A_576] : memref<6x256x64xf32, #tpu.memory_space<vmem>> -> memref<1x128x64xf32, #tpu.memory_space<vmem>>
      %dma_wait3A_578 = tpu.memref_squeeze %dma_wait3A_577 : memref<1x128x64xf32, #tpu.memory_space<vmem>> -> memref<128x64xf32, #tpu.memory_space<vmem>>
      %dma_wait3A_579 = arith.constant 0 : i32
      %dma_wait3A_580 = tpu.memref_slice %arg5[%add3A_574, %dma_wait3A_579] : memref<200x128xi32, #tpu.memory_space<vmem>> -> memref<1x128xi32, #tpu.memory_space<vmem>>
      %dma_wait3A_581 = tpu.memref_squeeze %dma_wait3A_580 : memref<1x128xi32, #tpu.memory_space<vmem>> -> memref<128xi32, #tpu.memory_space<vmem>>
      %dma_wait3A_582 = arith.constant 0 : i32
      %dma_wait3A_583 = arith.constant 0 : i32
      %dma_wait3A_584 = tpu.memref_slice %arg3[%dma_wait3A_582, %dma_wait3A_583] : memref<1000000x64xf32, #tpu.memory_space<hbm>> -> memref<1000000x64xf32, #tpu.memory_space<hbm>>
      tpu.wait_indirect_dma semaphore(%arg7 : memref<!tpu.dma_semaphore, #tpu.memory_space<semaphore_mem>>) src(%dma_wait3A_584 : memref<1000000x64xf32, #tpu.memory_space<hbm>>) dst(%dma_wait3A_578 : memref<128x64xf32, #tpu.memory_space<vmem>>)
      %mul3A_585 = arith.constant 2 : i32
      %mul3A_586 = arith.muli %scan3A_553, %mul3A_585 : i32
      %add3A_587 = arith.constant 1 : i32
      %add3A_588 = arith.addi %mul3A_586, %add3A_587 : i32
      %dma_wait3A_589 = arith.constant 128 : i32
      %dma_wait3A_590 = arith.constant 0 : i32
      %dma_wait3A_591 = tpu.memref_slice %arg6[%rem3A_555, %dma_wait3A_589, %dma_wait3A_590] : memref<6x256x64xf32, #tpu.memory_space<vmem>> -> memref<1x128x64xf32, #tpu.memory_space<vmem>>
      %dma_wait3A_592 = tpu.memref_squeeze %dma_wait3A_591 : memref<1x128x64xf32, #tpu.memory_space<vmem>> -> memref<128x64xf32, #tpu.memory_space<vmem>>
      %dma_wait3A_593 = arith.constant 0 : i32
      %dma_wait3A_594 = tpu.memref_slice %arg5[%add3A_588, %dma_wait3A_593] : memref<200x128xi32, #tpu.memory_space<vmem>> -> memref<1x128xi32, #tpu.memory_space<vmem>>
      %dma_wait3A_595 = tpu.memref_squeeze %dma_wait3A_594 : memref<1x128xi32, #tpu.memory_space<vmem>> -> memref<128xi32, #tpu.memory_space<vmem>>
      %dma_wait3A_596 = arith.constant 0 : i32
      %dma_wait3A_597 = arith.constant 0 : i32
      %dma_wait3A_598 = tpu.memref_slice %arg3[%dma_wait3A_596, %dma_wait3A_597] : memref<1000000x64xf32, #tpu.memory_space<hbm>> -> memref<1000000x64xf32, #tpu.memory_space<hbm>>
      tpu.wait_indirect_dma semaphore(%arg7 : memref<!tpu.dma_semaphore, #tpu.memory_space<semaphore_mem>>) src(%dma_wait3A_598 : memref<1000000x64xf32, #tpu.memory_space<hbm>>) dst(%dma_wait3A_592 : memref<128x64xf32, #tpu.memory_space<vmem>>)
      %scan3A_599 = arith.constant 0 : i32
      %scan3A_600 = arith.constant 0 : i32
      %scan3A_601 = arith.constant 128 : i32
      %scan3A_602 = arith.addi %scan3A_600, %scan3A_601 : i32
      %scan3A_603 = arith.constant 1 : i32
      scf.for %scan3A_892 = %scan3A_600 to %scan3A_602 step %scan3A_603  : i32 {
        %mul3A_893 = arith.constant 2 : i32
        %mul3A_894 = arith.muli %mul3A_893, %scan3A_892 : i32
        %add3A_895 = arith.constant 0 : i32
        %add3A_896 = arith.addi %mul3A_894, %add3A_895 : i32
        %get3A = arith.index_cast %rem3A_555 : i32 to index
        %get3A_897 = arith.index_cast %add3A_896 : i32 to index
        %get3A_898 = arith.constant 0 : index
        %get3A_899 = tpu.vector_load %arg6[%get3A, %get3A_897, %get3A_898] {strides = array<i32>} : memref<6x256x64xf32, #tpu.memory_space<vmem>>, vector<1x1x16xf32>,
        %get3A_900 = vector.shape_cast %get3A_899 : vector<1x1x16xf32> to vector<16xf32>
        %mul3A_901 = arith.constant 1.000000e+00 : f32
        %mul3A_902 = vector.broadcast %mul3A_901 : f32 to vector<16xf32>
        %mul3A_903 = arith.mulf %get3A_900, %mul3A_902 : vector<16xf32>
        %mul3A_904 = arith.constant 2 : i32
        %mul3A_905 = arith.muli %mul3A_904, %scan3A_892 : i32
        %add3A_906 = arith.constant 0 : i32
        %add3A_907 = arith.addi %mul3A_905, %add3A_906 : i32
        %swap3A = arith.index_cast %rem3A_555 : i32 to index
        %swap3A_908 = arith.index_cast %add3A_907 : i32 to index
        %swap3A_909 = arith.constant 0 : index
        %swap3A_910 = tpu.vector_load %arg6[%swap3A, %swap3A_908, %swap3A_909] {strides = array<i32>} : memref<6x256x64xf32, #tpu.memory_space<vmem>>, vector<1x1x16xf32>,
        %swap3A_911 = vector.shape_cast %swap3A_910 : vector<1x1x16xf32> to vector<16xf32>
        %swap3A_912 = vector.shape_cast %mul3A_903 : vector<16xf32> to vector<1x1x16xf32>
        tpu.vector_store %arg6[%swap3A, %swap3A_908, %swap3A_909], %swap3A_912 {strides = array<i32>} : memref<6x256x64xf32, #tpu.memory_space<vmem>>, vector<1x1x16xf32>,
        %mul3A_913 = arith.constant 2 : i32
        %mul3A_914 = arith.muli %mul3A_913, %scan3A_892 : i32
        %add3A_915 = arith.constant 0 : i32
        %add3A_916 = arith.addi %mul3A_914, %add3A_915 : i32
        %get3A_917 = arith.index_cast %rem3A_555 : i32 to index
        %get3A_918 = arith.index_cast %add3A_916 : i32 to index
        %get3A_919 = arith.constant 16 : index
        %get3A_920 = tpu.vector_load %arg6[%get3A_917, %get3A_918, %get3A_919] {strides = array<i32>} : memref<6x256x64xf32, #tpu.memory_space<vmem>>, vector<1x1x16xf32>,
        %get3A_921 = vector.shape_cast %get3A_920 : vector<1x1x16xf32> to vector<16xf32>
        %mul3A_922 = arith.constant 1.000000e+00 : f32
        %mul3A_923 = vector.broadcast %mul3A_922 : f32 to vector<16xf32>
        %mul3A_924 = arith.mulf %get3A_921, %mul3A_923 : vector<16xf32>
        %mul3A_925 = arith.constant 2 : i32
        %mul3A_926 = arith.muli %mul3A_925, %scan3A_892 : i32
        %add3A_927 = arith.constant 0 : i32
        %add3A_928 = arith.addi %mul3A_926, %add3A_927 : i32
        %swap3A_929 = arith.index_cast %rem3A_555 : i32 to index
        %swap3A_930 = arith.index_cast %add3A_928 : i32 to index
        %swap3A_931 = arith.constant 16 : index
        %swap3A_932 = tpu.vector_load %arg6[%swap3A_929, %swap3A_930, %swap3A_931] {strides = array<i32>} : memref<6x256x64xf32, #tpu.memory_space<vmem>>, vector<1x1x16xf32>,
        %swap3A_933 = vector.shape_cast %swap3A_932 : vector<1x1x16xf32> to vector<16xf32>
        %swap3A_934 = vector.shape_cast %mul3A_924 : vector<16xf32> to vector<1x1x16xf32>
        tpu.vector_store %arg6[%swap3A_929, %swap3A_930, %swap3A_931], %swap3A_934 {strides = array<i32>} : memref<6x256x64xf32, #tpu.memory_space<vmem>>, vector<1x1x16xf32>,
        %mul3A_935 = arith.constant 2 : i32
        %mul3A_936 = arith.muli %mul3A_935, %scan3A_892 : i32
        %add3A_937 = arith.constant 0 : i32
        %add3A_938 = arith.addi %mul3A_936, %add3A_937 : i32
        %get3A_939 = arith.index_cast %rem3A_555 : i32 to index
        %get3A_940 = arith.index_cast %add3A_938 : i32 to index
        %get3A_941 = arith.constant 32 : index
        %get3A_942 = tpu.vector_load %arg6[%get3A_939, %get3A_940, %get3A_941] {strides = array<i32>} : memref<6x256x64xf32, #tpu.memory_space<vmem>>, vector<1x1x16xf32>,
        %get3A_943 = vector.shape_cast %get3A_942 : vector<1x1x16xf32> to vector<16xf32>
        %mul3A_944 = arith.constant 1.000000e+00 : f32
        %mul3A_945 = vector.broadcast %mul3A_944 : f32 to vector<16xf32>
        %mul3A_946 = arith.mulf %get3A_943, %mul3A_945 : vector<16xf32>
        %mul3A_947 = arith.constant 2 : i32
        %mul3A_948 = arith.muli %mul3A_947, %scan3A_892 : i32
        %add3A_949 = arith.constant 0 : i32
        %add3A_950 = arith.addi %mul3A_948, %add3A_949 : i32
        %swap3A_951 = arith.index_cast %rem3A_555 : i32 to index
        %swap3A_952 = arith.index_cast %add3A_950 : i32 to index
        %swap3A_953 = arith.constant 32 : index
        %swap3A_954 = tpu.vector_load %arg6[%swap3A_951, %swap3A_952, %swap3A_953] {strides = array<i32>} : memref<6x256x64xf32, #tpu.memory_space<vmem>>, vector<1x1x16xf32>,
        %swap3A_955 = vector.shape_cast %swap3A_954 : vector<1x1x16xf32> to vector<16xf32>
        %swap3A_956 = vector.shape_cast %mul3A_946 : vector<16xf32> to vector<1x1x16xf32>
        tpu.vector_store %arg6[%swap3A_951, %swap3A_952, %swap3A_953], %swap3A_956 {strides = array<i32>} : memref<6x256x64xf32, #tpu.memory_space<vmem>>, vector<1x1x16xf32>,
        %mul3A_957 = arith.constant 2 : i32
        %mul3A_958 = arith.muli %mul3A_957, %scan3A_892 : i32
        %add3A_959 = arith.constant 0 : i32
        %add3A_960 = arith.addi %mul3A_958, %add3A_959 : i32
        %get3A_961 = arith.index_cast %rem3A_555 : i32 to index
        %get3A_962 = arith.index_cast %add3A_960 : i32 to index
        %get3A_963 = arith.constant 48 : index
        %get3A_964 = tpu.vector_load %arg6[%get3A_961, %get3A_962, %get3A_963] {strides = array<i32>} : memref<6x256x64xf32, #tpu.memory_space<vmem>>, vector<1x1x16xf32>,
        %get3A_965 = vector.shape_cast %get3A_964 : vector<1x1x16xf32> to vector<16xf32>
        %mul3A_966 = arith.constant 1.000000e+00 : f32
        %mul3A_967 = vector.broadcast %mul3A_966 : f32 to vector<16xf32>
        %mul3A_968 = arith.mulf %get3A_965, %mul3A_967 : vector<16xf32>
        %mul3A_969 = arith.constant 2 : i32
        %mul3A_970 = arith.muli %mul3A_969, %scan3A_892 : i32
        %add3A_971 = arith.constant 0 : i32
        %add3A_972 = arith.addi %mul3A_970, %add3A_971 : i32
        %swap3A_973 = arith.index_cast %rem3A_555 : i32 to index
        %swap3A_974 = arith.index_cast %add3A_972 : i32 to index
        %swap3A_975 = arith.constant 48 : index
        %swap3A_976 = tpu.vector_load %arg6[%swap3A_973, %swap3A_974, %swap3A_975] {strides = array<i32>} : memref<6x256x64xf32, #tpu.memory_space<vmem>>, vector<1x1x16xf32>,
        %swap3A_977 = vector.shape_cast %swap3A_976 : vector<1x1x16xf32> to vector<16xf32>
        %swap3A_978 = vector.shape_cast %mul3A_968 : vector<16xf32> to vector<1x1x16xf32>
        tpu.vector_store %arg6[%swap3A_973, %swap3A_974, %swap3A_975], %swap3A_978 {strides = array<i32>} : memref<6x256x64xf32, #tpu.memory_space<vmem>>, vector<1x1x16xf32>,
        %mul3A_979 = arith.constant 2 : i32
        %mul3A_980 = arith.muli %mul3A_979, %scan3A_892 : i32
        %add3A_981 = arith.constant 1 : i32
        %add3A_982 = arith.addi %mul3A_980, %add3A_981 : i32
        %get3A_983 = arith.index_cast %rem3A_555 : i32 to index
        %get3A_984 = arith.index_cast %add3A_982 : i32 to index
        %get3A_985 = arith.constant 0 : index
        %get3A_986 = tpu.vector_load %arg6[%get3A_983, %get3A_984, %get3A_985] {strides = array<i32>} : memref<6x256x64xf32, #tpu.memory_space<vmem>>, vector<1x1x16xf32>,
        %get3A_987 = vector.shape_cast %get3A_986 : vector<1x1x16xf32> to vector<16xf32>
        %mul3A_988 = arith.constant 1.000000e+00 : f32
        %mul3A_989 = vector.broadcast %mul3A_988 : f32 to vector<16xf32>
        %mul3A_990 = arith.mulf %get3A_987, %mul3A_989 : vector<16xf32>
        %mul3A_991 = arith.constant 2 : i32
        %mul3A_992 = arith.muli %mul3A_991, %scan3A_892 : i32
        %add3A_993 = arith.constant 1 : i32
        %add3A_994 = arith.addi %mul3A_992, %add3A_993 : i32
        %swap3A_995 = arith.index_cast %rem3A_555 : i32 to index
        %swap3A_996 = arith.index_cast %add3A_994 : i32 to index
        %swap3A_997 = arith.constant 0 : index
        %swap3A_998 = tpu.vector_load %arg6[%swap3A_995, %swap3A_996, %swap3A_997] {strides = array<i32>} : memref<6x256x64xf32, #tpu.memory_space<vmem>>, vector<1x1x16xf32>,
        %swap3A_999 = vector.shape_cast %swap3A_998 : vector<1x1x16xf32> to vector<16xf32>
        %swap3A_1000 = vector.shape_cast %mul3A_990 : vector<16xf32> to vector<1x1x16xf32>
        tpu.vector_store %arg6[%swap3A_995, %swap3A_996, %swap3A_997], %swap3A_1000 {strides = array<i32>} : memref<6x256x64xf32, #tpu.memory_space<vmem>>, vector<1x1x16xf32>,
        %mul3A_1001 = arith.constant 2 : i32
        %mul3A_1002 = arith.muli %mul3A_1001, %scan3A_892 : i32
        %add3A_1003 = arith.constant 1 : i32
        %add3A_1004 = arith.addi %mul3A_1002, %add3A_1003 : i32
        %get3A_1005 = arith.index_cast %rem3A_555 : i32 to index
        %get3A_1006 = arith.index_cast %add3A_1004 : i32 to index
        %get3A_1007 = arith.constant 16 : index
        %get3A_1008 = tpu.vector_load %arg6[%get3A_1005, %get3A_1006, %get3A_1007] {strides = array<i32>} : memref<6x256x64xf32, #tpu.memory_space<vmem>>, vector<1x1x16xf32>,
        %get3A_1009 = vector.shape_cast %get3A_1008 : vector<1x1x16xf32> to vector<16xf32>
        %mul3A_1010 = arith.constant 1.000000e+00 : f32
        %mul3A_1011 = vector.broadcast %mul3A_1010 : f32 to vector<16xf32>
        %mul3A_1012 = arith.mulf %get3A_1009, %mul3A_1011 : vector<16xf32>
        %mul3A_1013 = arith.constant 2 : i32
        %mul3A_1014 = arith.muli %mul3A_1013, %scan3A_892 : i32
        %add3A_1015 = arith.constant 1 : i32
        %add3A_1016 = arith.addi %mul3A_1014, %add3A_1015 : i32
        %swap3A_1017 = arith.index_cast %rem3A_555 : i32 to index
        %swap3A_1018 = arith.index_cast %add3A_1016 : i32 to index
        %swap3A_1019 = arith.constant 16 : index
        %swap3A_1020 = tpu.vector_load %arg6[%swap3A_1017, %swap3A_1018, %swap3A_1019] {strides = array<i32>} : memref<6x256x64xf32, #tpu.memory_space<vmem>>, vector<1x1x16xf32>,
        %swap3A_1021 = vector.shape_cast %swap3A_1020 : vector<1x1x16xf32> to vector<16xf32>
        %swap3A_1022 = vector.shape_cast %mul3A_1012 : vector<16xf32> to vector<1x1x16xf32>
        tpu.vector_store %arg6[%swap3A_1017, %swap3A_1018, %swap3A_1019], %swap3A_1022 {strides = array<i32>} : memref<6x256x64xf32, #tpu.memory_space<vmem>>, vector<1x1x16xf32>,
        %mul3A_1023 = arith.constant 2 : i32
        %mul3A_1024 = arith.muli %mul3A_1023, %scan3A_892 : i32
        %add3A_1025 = arith.constant 1 : i32
        %add3A_1026 = arith.addi %mul3A_1024, %add3A_1025 : i32
        %get3A_1027 = arith.index_cast %rem3A_555 : i32 to index
        %get3A_1028 = arith.index_cast %add3A_1026 : i32 to index
        %get3A_1029 = arith.constant 32 : index
        %get3A_1030 = tpu.vector_load %arg6[%get3A_1027, %get3A_1028, %get3A_1029] {strides = array<i32>} : memref<6x256x64xf32, #tpu.memory_space<vmem>>, vector<1x1x16xf32>,
        %get3A_1031 = vector.shape_cast %get3A_1030 : vector<1x1x16xf32> to vector<16xf32>
        %mul3A_1032 = arith.constant 1.000000e+00 : f32
        %mul3A_1033 = vector.broadcast %mul3A_1032 : f32 to vector<16xf32>
        %mul3A_1034 = arith.mulf %get3A_1031, %mul3A_1033 : vector<16xf32>
        %mul3A_1035 = arith.constant 2 : i32
        %mul3A_1036 = arith.muli %mul3A_1035, %scan3A_892 : i32
        %add3A_1037 = arith.constant 1 : i32
        %add3A_1038 = arith.addi %mul3A_1036, %add3A_1037 : i32
        %swap3A_1039 = arith.index_cast %rem3A_555 : i32 to index
        %swap3A_1040 = arith.index_cast %add3A_1038 : i32 to index
        %swap3A_1041 = arith.constant 32 : index
        %swap3A_1042 = tpu.vector_load %arg6[%swap3A_1039, %swap3A_1040, %swap3A_1041] {strides = array<i32>} : memref<6x256x64xf32, #tpu.memory_space<vmem>>, vector<1x1x16xf32>,
        %swap3A_1043 = vector.shape_cast %swap3A_1042 : vector<1x1x16xf32> to vector<16xf32>
        %swap3A_1044 = vector.shape_cast %mul3A_1034 : vector<16xf32> to vector<1x1x16xf32>
        tpu.vector_store %arg6[%swap3A_1039, %swap3A_1040, %swap3A_1041], %swap3A_1044 {strides = array<i32>} : memref<6x256x64xf32, #tpu.memory_space<vmem>>, vector<1x1x16xf32>,
        %mul3A_1045 = arith.constant 2 : i32
        %mul3A_1046 = arith.muli %mul3A_1045, %scan3A_892 : i32
        %add3A_1047 = arith.constant 1 : i32
        %add3A_1048 = arith.addi %mul3A_1046, %add3A_1047 : i32
        %get3A_1049 = arith.index_cast %rem3A_555 : i32 to index
        %get3A_1050 = arith.index_cast %add3A_1048 : i32 to index
        %get3A_1051 = arith.constant 48 : index
        %get3A_1052 = tpu.vector_load %arg6[%get3A_1049, %get3A_1050, %get3A_1051] {strides = array<i32>} : memref<6x256x64xf32, #tpu.memory_space<vmem>>, vector<1x1x16xf32>,
        %get3A_1053 = vector.shape_cast %get3A_1052 : vector<1x1x16xf32> to vector<16xf32>
        %mul3A_1054 = arith.constant 1.000000e+00 : f32
        %mul3A_1055 = vector.broadcast %mul3A_1054 : f32 to vector<16xf32>
        %mul3A_1056 = arith.mulf %get3A_1053, %mul3A_1055 : vector<16xf32>
        %mul3A_1057 = arith.constant 2 : i32
        %mul3A_1058 = arith.muli %mul3A_1057, %scan3A_892 : i32
        %add3A_1059 = arith.constant 1 : i32
        %add3A_1060 = arith.addi %mul3A_1058, %add3A_1059 : i32
        %swap3A_1061 = arith.index_cast %rem3A_555 : i32 to index
        %swap3A_1062 = arith.index_cast %add3A_1060 : i32 to index
        %swap3A_1063 = arith.constant 48 : index
        %swap3A_1064 = tpu.vector_load %arg6[%swap3A_1061, %swap3A_1062, %swap3A_1063] {strides = array<i32>} : memref<6x256x64xf32, #tpu.memory_space<vmem>>, vector<1x1x16xf32>,
        %swap3A_1065 = vector.shape_cast %swap3A_1064 : vector<1x1x16xf32> to vector<16xf32>
        %swap3A_1066 = vector.shape_cast %mul3A_1056 : vector<16xf32> to vector<1x1x16xf32>
        tpu.vector_store %arg6[%swap3A_1061, %swap3A_1062, %swap3A_1063], %swap3A_1066 {strides = array<i32>} : memref<6x256x64xf32, #tpu.memory_space<vmem>>, vector<1x1x16xf32>,
      }
      %scan3A_604 = arith.constant 128 : i32
      %mul3A_605 = arith.constant 256 : i32
      %mul3A_606 = arith.muli %scan3A_553, %mul3A_605 : i32
      %add3A_607 = arith.addi %mul3A_2, %mul3A_606 : i32
      %dma_start3A_608 = arith.constant 0 : i32
      %dma_start3A_609 = arith.constant 0 : i32
      %dma_start3A_610 = tpu.memref_slice %arg6[%rem3A_555, %dma_start3A_608, %dma_start3A_609] : memref<6x256x64xf32, #tpu.memory_space<vmem>> -> memref<1x256x64xf32, #tpu.memory_space<vmem>>
      %dma_start3A_611 = tpu.memref_squeeze %dma_start3A_610 : memref<1x256x64xf32, #tpu.memory_space<vmem>> -> memref<256x64xf32, #tpu.memory_space<vmem>>
      %dma_start3A_612 = arith.constant 0 : i32
      %dma_start3A_613 = tpu.memref_slice %arg4[%add3A_607, %dma_start3A_612] : memref<819200x128xf32, #tpu.memory_space<hbm>> -> memref<256x64xf32, #tpu.memory_space<hbm>>
      %dma_start3A_614 = arith.constant 0 : i32
      %dma_start3A_615 = tpu.memref_slice %arg4[%add3A_607, %dma_start3A_614] : memref<819200x128xf32, #tpu.memory_space<hbm>> -> memref<256x64xf32, #tpu.memory_space<hbm>>
      %dma_start3A_616 = arith.constant 0 : i32
      %dma_start3A_617 = arith.constant 0 : i32
      %dma_start3A_618 = tpu.memref_slice %arg6[%rem3A_555, %dma_start3A_616, %dma_start3A_617] : memref<6x256x64xf32, #tpu.memory_space<vmem>> -> memref<1x256x64xf32, #tpu.memory_space<vmem>>
      %dma_start3A_619 = tpu.memref_squeeze %dma_start3A_618 : memref<1x256x64xf32, #tpu.memory_space<vmem>> -> memref<256x64xf32, #tpu.memory_space<vmem>>
      tpu.enqueue_dma source(%dma_start3A_619 : memref<256x64xf32, #tpu.memory_space<vmem>>) target(%dma_start3A_615 : memref<256x64xf32, #tpu.memory_space<hbm>>) target_semaphore(%arg8 : memref<!tpu.dma_semaphore, #tpu.memory_space<semaphore_mem>>)
      %scan3A_620 = arith.constant 2 : i32
      %scan3A_621 = arith.addi %scan3A_485, %scan3A_620 : i32
      %rem3A_622 = arith.constant 6 : i32
      %rem3A_623 = arith.remsi %scan3A_621, %rem3A_622 : i32
      %add3A_624 = arith.constant 6 : i32
      %add3A_625 = arith.addi %scan3A_621, %add3A_624 : i32
      %sub3A_626 = arith.constant 1 : i32
      %sub3A_627 = arith.subi %add3A_625, %sub3A_626 : i32
      %rem3A_628 = arith.constant 6 : i32
      %rem3A_629 = arith.remsi %sub3A_627, %rem3A_628 : i32
      %add3A_630 = arith.constant 6 : i32
      %add3A_631 = arith.addi %scan3A_621, %add3A_630 : i32
      %sub3A_632 = arith.constant 1 : i32
      %sub3A_633 = arith.subi %add3A_631, %sub3A_632 : i32
      %lt3A_634 = arith.constant 100 : i32
      %lt3A_635 = arith.cmpi slt, %sub3A_633, %lt3A_634 : i32
      %convert_element_type3A_636 = arith.extui %lt3A_635 : i1 to i32
      %cond3A_637 = arith.constant 0 : i32
      %cond3A_638 = arith.cmpi ne, %convert_element_type3A_636, %cond3A_637 : i32
      scf.if %cond3A_638 {
        %ge3A = arith.constant 1 : i32
        %ge3A_892 = arith.cmpi sge, %scan3A_621, %ge3A : i32
        %convert_element_type3A_893 = arith.extui %ge3A_892 : i1 to i32
        %cond3A_894 = arith.constant 0 : i32
        %cond3A_895 = arith.cmpi ne, %convert_element_type3A_893, %cond3A_894 : i32
        scf.if %cond3A_895 {
          %sub3A_928 = arith.constant 1 : i32
          %sub3A_929 = arith.subi %scan3A_621, %sub3A_928 : i32
          %mul3A_930 = arith.constant 256 : i32
          %mul3A_931 = arith.muli %sub3A_929, %mul3A_930 : i32
          %add3A_932 = arith.addi %mul3A_2, %mul3A_931 : i32
          %dma_wait3A_933 = arith.constant 0 : i32
          %dma_wait3A_934 = arith.constant 0 : i32
          %dma_wait3A_935 = tpu.memref_slice %arg6[%rem3A_629, %dma_wait3A_933, %dma_wait3A_934] : memref<6x256x64xf32, #tpu.memory_space<vmem>> -> memref<1x256x64xf32, #tpu.memory_space<vmem>>
          %dma_wait3A_936 = tpu.memref_squeeze %dma_wait3A_935 : memref<1x256x64xf32, #tpu.memory_space<vmem>> -> memref<256x64xf32, #tpu.memory_space<vmem>>
          %dma_wait3A_937 = arith.constant 0 : i32
          %dma_wait3A_938 = tpu.memref_slice %arg4[%add3A_932, %dma_wait3A_937] : memref<819200x128xf32, #tpu.memory_space<hbm>> -> memref<256x64xf32, #tpu.memory_space<hbm>>
          %dma_wait3A_939 = arith.constant 0 : i32
          %dma_wait3A_940 = tpu.memref_slice %arg4[%add3A_932, %dma_wait3A_939] : memref<819200x128xf32, #tpu.memory_space<hbm>> -> memref<256x64xf32, #tpu.memory_space<hbm>>
          %dma_wait3A_941 = arith.constant 0 : i32
          %dma_wait3A_942 = arith.constant 0 : i32
          %dma_wait3A_943 = tpu.memref_slice %arg6[%rem3A_629, %dma_wait3A_941, %dma_wait3A_942] : memref<6x256x64xf32, #tpu.memory_space<vmem>> -> memref<1x256x64xf32, #tpu.memory_space<vmem>>
          %dma_wait3A_944 = tpu.memref_squeeze %dma_wait3A_943 : memref<1x256x64xf32, #tpu.memory_space<vmem>> -> memref<256x64xf32, #tpu.memory_space<vmem>>
          tpu.wait_dma2 semaphore(%arg8 : memref<!tpu.dma_semaphore, #tpu.memory_space<semaphore_mem>>) src(%dma_wait3A_944 : memref<256x64xf32, #tpu.memory_space<vmem>>) dst(%dma_wait3A_940 : memref<256x64xf32, #tpu.memory_space<hbm>>)
        } else {
        }
        %add3A_896 = arith.constant 6 : i32
        %add3A_897 = arith.addi %scan3A_621, %add3A_896 : i32
        %sub3A_898 = arith.constant 1 : i32
        %sub3A_899 = arith.subi %add3A_897, %sub3A_898 : i32
        %mul3A_900 = arith.constant 2 : i32
        %mul3A_901 = arith.muli %sub3A_899, %mul3A_900 : i32
        %add3A_902 = arith.constant 0 : i32
        %add3A_903 = arith.addi %mul3A_901, %add3A_902 : i32
        %dma_start3A_904 = arith.constant 0 : i32
        %dma_start3A_905 = arith.constant 0 : i32
        %dma_start3A_906 = tpu.memref_slice %arg6[%rem3A_629, %dma_start3A_904, %dma_start3A_905] : memref<6x256x64xf32, #tpu.memory_space<vmem>> -> memref<1x128x64xf32, #tpu.memory_space<vmem>>
        %dma_start3A_907 = tpu.memref_squeeze %dma_start3A_906 : memref<1x128x64xf32, #tpu.memory_space<vmem>> -> memref<128x64xf32, #tpu.memory_space<vmem>>
        %dma_start3A_908 = arith.constant 0 : i32
        %dma_start3A_909 = tpu.memref_slice %arg5[%add3A_903, %dma_start3A_908] : memref<200x128xi32, #tpu.memory_space<vmem>> -> memref<1x128xi32, #tpu.memory_space<vmem>>
        %dma_start3A_910 = tpu.memref_squeeze %dma_start3A_909 : memref<1x128xi32, #tpu.memory_space<vmem>> -> memref<128xi32, #tpu.memory_space<vmem>>
        %dma_start3A_911 = arith.constant 0 : i32
        %dma_start3A_912 = arith.constant 0 : i32
        %dma_start3A_913 = tpu.memref_slice %arg3[%dma_start3A_911, %dma_start3A_912] : memref<1000000x64xf32, #tpu.memory_space<hbm>> -> memref<1000000x64xf32, #tpu.memory_space<hbm>>
        tpu.enqueue_indirect_dma source(%dma_start3A_913 : memref<1000000x64xf32, #tpu.memory_space<hbm>>) target(%dma_start3A_907 : memref<128x64xf32, #tpu.memory_space<vmem>>) offsets(%dma_start3A_910 : memref<128xi32, #tpu.memory_space<vmem>>) semaphore(%arg7 : memref<!tpu.dma_semaphore, #tpu.memory_space<semaphore_mem>>)
        %mul3A_914 = arith.constant 2 : i32
        %mul3A_915 = arith.muli %sub3A_899, %mul3A_914 : i32
        %add3A_916 = arith.constant 1 : i32
        %add3A_917 = arith.addi %mul3A_915, %add3A_916 : i32
        %dma_start3A_918 = arith.constant 128 : i32
        %dma_start3A_919 = arith.constant 0 : i32
        %dma_start3A_920 = tpu.memref_slice %arg6[%rem3A_629, %dma_start3A_918, %dma_start3A_919] : memref<6x256x64xf32, #tpu.memory_space<vmem>> -> memref<1x128x64xf32, #tpu.memory_space<vmem>>
        %dma_start3A_921 = tpu.memref_squeeze %dma_start3A_920 : memref<1x128x64xf32, #tpu.memory_space<vmem>> -> memref<128x64xf32, #tpu.memory_space<vmem>>
        %dma_start3A_922 = arith.constant 0 : i32
        %dma_start3A_923 = tpu.memref_slice %arg5[%add3A_917, %dma_start3A_922] : memref<200x128xi32, #tpu.memory_space<vmem>> -> memref<1x128xi32, #tpu.memory_space<vmem>>
        %dma_start3A_924 = tpu.memref_squeeze %dma_start3A_923 : memref<1x128xi32, #tpu.memory_space<vmem>> -> memref<128xi32, #tpu.memory_space<vmem>>
        %dma_start3A_925 = arith.constant 0 : i32
        %dma_start3A_926 = arith.constant 0 : i32
        %dma_start3A_927 = tpu.memref_slice %arg3[%dma_start3A_925, %dma_start3A_926] : memref<1000000x64xf32, #tpu.memory_space<hbm>> -> memref<1000000x64xf32, #tpu.memory_space<hbm>>
        tpu.enqueue_indirect_dma source(%dma_start3A_927 : memref<1000000x64xf32, #tpu.memory_space<hbm>>) target(%dma_start3A_921 : memref<128x64xf32, #tpu.memory_space<vmem>>) offsets(%dma_start3A_924 : memref<128xi32, #tpu.memory_space<vmem>>) semaphore(%arg7 : memref<!tpu.dma_semaphore, #tpu.memory_space<semaphore_mem>>)
      } else {
      }
      %mul3A_639 = arith.constant 2 : i32
      %mul3A_640 = arith.muli %scan3A_621, %mul3A_639 : i32
      %add3A_641 = arith.constant 0 : i32
      %add3A_642 = arith.addi %mul3A_640, %add3A_641 : i32
      %dma_wait3A_643 = arith.constant 0 : i32
      %dma_wait3A_644 = arith.constant 0 : i32
      %dma_wait3A_645 = tpu.memref_slice %arg6[%rem3A_623, %dma_wait3A_643, %dma_wait3A_644] : memref<6x256x64xf32, #tpu.memory_space<vmem>> -> memref<1x128x64xf32, #tpu.memory_space<vmem>>
      %dma_wait3A_646 = tpu.memref_squeeze %dma_wait3A_645 : memref<1x128x64xf32, #tpu.memory_space<vmem>> -> memref<128x64xf32, #tpu.memory_space<vmem>>
      %dma_wait3A_647 = arith.constant 0 : i32
      %dma_wait3A_648 = tpu.memref_slice %arg5[%add3A_642, %dma_wait3A_647] : memref<200x128xi32, #tpu.memory_space<vmem>> -> memref<1x128xi32, #tpu.memory_space<vmem>>
      %dma_wait3A_649 = tpu.memref_squeeze %dma_wait3A_648 : memref<1x128xi32, #tpu.memory_space<vmem>> -> memref<128xi32, #tpu.memory_space<vmem>>
      %dma_wait3A_650 = arith.constant 0 : i32
      %dma_wait3A_651 = arith.constant 0 : i32
      %dma_wait3A_652 = tpu.memref_slice %arg3[%dma_wait3A_650, %dma_wait3A_651] : memref<1000000x64xf32, #tpu.memory_space<hbm>> -> memref<1000000x64xf32, #tpu.memory_space<hbm>>
      tpu.wait_indirect_dma semaphore(%arg7 : memref<!tpu.dma_semaphore, #tpu.memory_space<semaphore_mem>>) src(%dma_wait3A_652 : memref<1000000x64xf32, #tpu.memory_space<hbm>>) dst(%dma_wait3A_646 : memref<128x64xf32, #tpu.memory_space<vmem>>)
      %mul3A_653 = arith.constant 2 : i32
      %mul3A_654 = arith.muli %scan3A_621, %mul3A_653 : i32
      %add3A_655 = arith.constant 1 : i32
      %add3A_656 = arith.addi %mul3A_654, %add3A_655 : i32
      %dma_wait3A_657 = arith.constant 128 : i32
      %dma_wait3A_658 = arith.constant 0 : i32
      %dma_wait3A_659 = tpu.memref_slice %arg6[%rem3A_623, %dma_wait3A_657, %dma_wait3A_658] : memref<6x256x64xf32, #tpu.memory_space<vmem>> -> memref<1x128x64xf32, #tpu.memory_space<vmem>>
      %dma_wait3A_660 = tpu.memref_squeeze %dma_wait3A_659 : memref<1x128x64xf32, #tpu.memory_space<vmem>> -> memref<128x64xf32, #tpu.memory_space<vmem>>
      %dma_wait3A_661 = arith.constant 0 : i32
      %dma_wait3A_662 = tpu.memref_slice %arg5[%add3A_656, %dma_wait3A_661] : memref<200x128xi32, #tpu.memory_space<vmem>> -> memref<1x128xi32, #tpu.memory_space<vmem>>
      %dma_wait3A_663 = tpu.memref_squeeze %dma_wait3A_662 : memref<1x128xi32, #tpu.memory_space<vmem>> -> memref<128xi32, #tpu.memory_space<vmem>>
      %dma_wait3A_664 = arith.constant 0 : i32
      %dma_wait3A_665 = arith.constant 0 : i32
      %dma_wait3A_666 = tpu.memref_slice %arg3[%dma_wait3A_664, %dma_wait3A_665] : memref<1000000x64xf32, #tpu.memory_space<hbm>> -> memref<1000000x64xf32, #tpu.memory_space<hbm>>
      tpu.wait_indirect_dma semaphore(%arg7 : memref<!tpu.dma_semaphore, #tpu.memory_space<semaphore_mem>>) src(%dma_wait3A_666 : memref<1000000x64xf32, #tpu.memory_space<hbm>>) dst(%dma_wait3A_660 : memref<128x64xf32, #tpu.memory_space<vmem>>)
      %scan3A_667 = arith.constant 0 : i32
      %scan3A_668 = arith.constant 0 : i32
      %scan3A_669 = arith.constant 128 : i32
      %scan3A_670 = arith.addi %scan3A_668, %scan3A_669 : i32
      %scan3A_671 = arith.constant 1 : i32
      scf.for %scan3A_892 = %scan3A_668 to %scan3A_670 step %scan3A_671  : i32 {
        %mul3A_893 = arith.constant 2 : i32
        %mul3A_894 = arith.muli %mul3A_893, %scan3A_892 : i32
        %add3A_895 = arith.constant 0 : i32
        %add3A_896 = arith.addi %mul3A_894, %add3A_895 : i32
        %get3A = arith.index_cast %rem3A_623 : i32 to index
        %get3A_897 = arith.index_cast %add3A_896 : i32 to index
        %get3A_898 = arith.constant 0 : index
        %get3A_899 = tpu.vector_load %arg6[%get3A, %get3A_897, %get3A_898] {strides = array<i32>} : memref<6x256x64xf32, #tpu.memory_space<vmem>>, vector<1x1x16xf32>,
        %get3A_900 = vector.shape_cast %get3A_899 : vector<1x1x16xf32> to vector<16xf32>
        %mul3A_901 = arith.constant 1.000000e+00 : f32
        %mul3A_902 = vector.broadcast %mul3A_901 : f32 to vector<16xf32>
        %mul3A_903 = arith.mulf %get3A_900, %mul3A_902 : vector<16xf32>
        %mul3A_904 = arith.constant 2 : i32
        %mul3A_905 = arith.muli %mul3A_904, %scan3A_892 : i32
        %add3A_906 = arith.constant 0 : i32
        %add3A_907 = arith.addi %mul3A_905, %add3A_906 : i32
        %swap3A = arith.index_cast %rem3A_623 : i32 to index
        %swap3A_908 = arith.index_cast %add3A_907 : i32 to index
        %swap3A_909 = arith.constant 0 : index
        %swap3A_910 = tpu.vector_load %arg6[%swap3A, %swap3A_908, %swap3A_909] {strides = array<i32>} : memref<6x256x64xf32, #tpu.memory_space<vmem>>, vector<1x1x16xf32>,
        %swap3A_911 = vector.shape_cast %swap3A_910 : vector<1x1x16xf32> to vector<16xf32>
        %swap3A_912 = vector.shape_cast %mul3A_903 : vector<16xf32> to vector<1x1x16xf32>
        tpu.vector_store %arg6[%swap3A, %swap3A_908, %swap3A_909], %swap3A_912 {strides = array<i32>} : memref<6x256x64xf32, #tpu.memory_space<vmem>>, vector<1x1x16xf32>,
        %mul3A_913 = arith.constant 2 : i32
        %mul3A_914 = arith.muli %mul3A_913, %scan3A_892 : i32
        %add3A_915 = arith.constant 0 : i32
        %add3A_916 = arith.addi %mul3A_914, %add3A_915 : i32
        %get3A_917 = arith.index_cast %rem3A_623 : i32 to index
        %get3A_918 = arith.index_cast %add3A_916 : i32 to index
        %get3A_919 = arith.constant 16 : index
        %get3A_920 = tpu.vector_load %arg6[%get3A_917, %get3A_918, %get3A_919] {strides = array<i32>} : memref<6x256x64xf32, #tpu.memory_space<vmem>>, vector<1x1x16xf32>,
        %get3A_921 = vector.shape_cast %get3A_920 : vector<1x1x16xf32> to vector<16xf32>
        %mul3A_922 = arith.constant 1.000000e+00 : f32
        %mul3A_923 = vector.broadcast %mul3A_922 : f32 to vector<16xf32>
        %mul3A_924 = arith.mulf %get3A_921, %mul3A_923 : vector<16xf32>
        %mul3A_925 = arith.constant 2 : i32
        %mul3A_926 = arith.muli %mul3A_925, %scan3A_892 : i32
        %add3A_927 = arith.constant 0 : i32
        %add3A_928 = arith.addi %mul3A_926, %add3A_927 : i32
        %swap3A_929 = arith.index_cast %rem3A_623 : i32 to index
        %swap3A_930 = arith.index_cast %add3A_928 : i32 to index
        %swap3A_931 = arith.constant 16 : index
        %swap3A_932 = tpu.vector_load %arg6[%swap3A_929, %swap3A_930, %swap3A_931] {strides = array<i32>} : memref<6x256x64xf32, #tpu.memory_space<vmem>>, vector<1x1x16xf32>,
        %swap3A_933 = vector.shape_cast %swap3A_932 : vector<1x1x16xf32> to vector<16xf32>
        %swap3A_934 = vector.shape_cast %mul3A_924 : vector<16xf32> to vector<1x1x16xf32>
        tpu.vector_store %arg6[%swap3A_929, %swap3A_930, %swap3A_931], %swap3A_934 {strides = array<i32>} : memref<6x256x64xf32, #tpu.memory_space<vmem>>, vector<1x1x16xf32>,
        %mul3A_935 = arith.constant 2 : i32
        %mul3A_936 = arith.muli %mul3A_935, %scan3A_892 : i32
        %add3A_937 = arith.constant 0 : i32
        %add3A_938 = arith.addi %mul3A_936, %add3A_937 : i32
        %get3A_939 = arith.index_cast %rem3A_623 : i32 to index
        %get3A_940 = arith.index_cast %add3A_938 : i32 to index
        %get3A_941 = arith.constant 32 : index
        %get3A_942 = tpu.vector_load %arg6[%get3A_939, %get3A_940, %get3A_941] {strides = array<i32>} : memref<6x256x64xf32, #tpu.memory_space<vmem>>, vector<1x1x16xf32>,
        %get3A_943 = vector.shape_cast %get3A_942 : vector<1x1x16xf32> to vector<16xf32>
        %mul3A_944 = arith.constant 1.000000e+00 : f32
        %mul3A_945 = vector.broadcast %mul3A_944 : f32 to vector<16xf32>
        %mul3A_946 = arith.mulf %get3A_943, %mul3A_945 : vector<16xf32>
        %mul3A_947 = arith.constant 2 : i32
        %mul3A_948 = arith.muli %mul3A_947, %scan3A_892 : i32
        %add3A_949 = arith.constant 0 : i32
        %add3A_950 = arith.addi %mul3A_948, %add3A_949 : i32
        %swap3A_951 = arith.index_cast %rem3A_623 : i32 to index
        %swap3A_952 = arith.index_cast %add3A_950 : i32 to index
        %swap3A_953 = arith.constant 32 : index
        %swap3A_954 = tpu.vector_load %arg6[%swap3A_951, %swap3A_952, %swap3A_953] {strides = array<i32>} : memref<6x256x64xf32, #tpu.memory_space<vmem>>, vector<1x1x16xf32>,
        %swap3A_955 = vector.shape_cast %swap3A_954 : vector<1x1x16xf32> to vector<16xf32>
        %swap3A_956 = vector.shape_cast %mul3A_946 : vector<16xf32> to vector<1x1x16xf32>
        tpu.vector_store %arg6[%swap3A_951, %swap3A_952, %swap3A_953], %swap3A_956 {strides = array<i32>} : memref<6x256x64xf32, #tpu.memory_space<vmem>>, vector<1x1x16xf32>,
        %mul3A_957 = arith.constant 2 : i32
        %mul3A_958 = arith.muli %mul3A_957, %scan3A_892 : i32
        %add3A_959 = arith.constant 0 : i32
        %add3A_960 = arith.addi %mul3A_958, %add3A_959 : i32
        %get3A_961 = arith.index_cast %rem3A_623 : i32 to index
        %get3A_962 = arith.index_cast %add3A_960 : i32 to index
        %get3A_963 = arith.constant 48 : index
        %get3A_964 = tpu.vector_load %arg6[%get3A_961, %get3A_962, %get3A_963] {strides = array<i32>} : memref<6x256x64xf32, #tpu.memory_space<vmem>>, vector<1x1x16xf32>,
        %get3A_965 = vector.shape_cast %get3A_964 : vector<1x1x16xf32> to vector<16xf32>
        %mul3A_966 = arith.constant 1.000000e+00 : f32
        %mul3A_967 = vector.broadcast %mul3A_966 : f32 to vector<16xf32>
        %mul3A_968 = arith.mulf %get3A_965, %mul3A_967 : vector<16xf32>
        %mul3A_969 = arith.constant 2 : i32
        %mul3A_970 = arith.muli %mul3A_969, %scan3A_892 : i32
        %add3A_971 = arith.constant 0 : i32
        %add3A_972 = arith.addi %mul3A_970, %add3A_971 : i32
        %swap3A_973 = arith.index_cast %rem3A_623 : i32 to index
        %swap3A_974 = arith.index_cast %add3A_972 : i32 to index
        %swap3A_975 = arith.constant 48 : index
        %swap3A_976 = tpu.vector_load %arg6[%swap3A_973, %swap3A_974, %swap3A_975] {strides = array<i32>} : memref<6x256x64xf32, #tpu.memory_space<vmem>>, vector<1x1x16xf32>,
        %swap3A_977 = vector.shape_cast %swap3A_976 : vector<1x1x16xf32> to vector<16xf32>
        %swap3A_978 = vector.shape_cast %mul3A_968 : vector<16xf32> to vector<1x1x16xf32>
        tpu.vector_store %arg6[%swap3A_973, %swap3A_974, %swap3A_975], %swap3A_978 {strides = array<i32>} : memref<6x256x64xf32, #tpu.memory_space<vmem>>, vector<1x1x16xf32>,
        %mul3A_979 = arith.constant 2 : i32
        %mul3A_980 = arith.muli %mul3A_979, %scan3A_892 : i32
        %add3A_981 = arith.constant 1 : i32
        %add3A_982 = arith.addi %mul3A_980, %add3A_981 : i32
        %get3A_983 = arith.index_cast %rem3A_623 : i32 to index
        %get3A_984 = arith.index_cast %add3A_982 : i32 to index
        %get3A_985 = arith.constant 0 : index
        %get3A_986 = tpu.vector_load %arg6[%get3A_983, %get3A_984, %get3A_985] {strides = array<i32>} : memref<6x256x64xf32, #tpu.memory_space<vmem>>, vector<1x1x16xf32>,
        %get3A_987 = vector.shape_cast %get3A_986 : vector<1x1x16xf32> to vector<16xf32>
        %mul3A_988 = arith.constant 1.000000e+00 : f32
        %mul3A_989 = vector.broadcast %mul3A_988 : f32 to vector<16xf32>
        %mul3A_990 = arith.mulf %get3A_987, %mul3A_989 : vector<16xf32>
        %mul3A_991 = arith.constant 2 : i32
        %mul3A_992 = arith.muli %mul3A_991, %scan3A_892 : i32
        %add3A_993 = arith.constant 1 : i32
        %add3A_994 = arith.addi %mul3A_992, %add3A_993 : i32
        %swap3A_995 = arith.index_cast %rem3A_623 : i32 to index
        %swap3A_996 = arith.index_cast %add3A_994 : i32 to index
        %swap3A_997 = arith.constant 0 : index
        %swap3A_998 = tpu.vector_load %arg6[%swap3A_995, %swap3A_996, %swap3A_997] {strides = array<i32>} : memref<6x256x64xf32, #tpu.memory_space<vmem>>, vector<1x1x16xf32>,
        %swap3A_999 = vector.shape_cast %swap3A_998 : vector<1x1x16xf32> to vector<16xf32>
        %swap3A_1000 = vector.shape_cast %mul3A_990 : vector<16xf32> to vector<1x1x16xf32>
        tpu.vector_store %arg6[%swap3A_995, %swap3A_996, %swap3A_997], %swap3A_1000 {strides = array<i32>} : memref<6x256x64xf32, #tpu.memory_space<vmem>>, vector<1x1x16xf32>,
        %mul3A_1001 = arith.constant 2 : i32
        %mul3A_1002 = arith.muli %mul3A_1001, %scan3A_892 : i32
        %add3A_1003 = arith.constant 1 : i32
        %add3A_1004 = arith.addi %mul3A_1002, %add3A_1003 : i32
        %get3A_1005 = arith.index_cast %rem3A_623 : i32 to index
        %get3A_1006 = arith.index_cast %add3A_1004 : i32 to index
        %get3A_1007 = arith.constant 16 : index
        %get3A_1008 = tpu.vector_load %arg6[%get3A_1005, %get3A_1006, %get3A_1007] {strides = array<i32>} : memref<6x256x64xf32, #tpu.memory_space<vmem>>, vector<1x1x16xf32>,
        %get3A_1009 = vector.shape_cast %get3A_1008 : vector<1x1x16xf32> to vector<16xf32>
        %mul3A_1010 = arith.constant 1.000000e+00 : f32
        %mul3A_1011 = vector.broadcast %mul3A_1010 : f32 to vector<16xf32>
        %mul3A_1012 = arith.mulf %get3A_1009, %mul3A_1011 : vector<16xf32>
        %mul3A_1013 = arith.constant 2 : i32
        %mul3A_1014 = arith.muli %mul3A_1013, %scan3A_892 : i32
        %add3A_1015 = arith.constant 1 : i32
        %add3A_1016 = arith.addi %mul3A_1014, %add3A_1015 : i32
        %swap3A_1017 = arith.index_cast %rem3A_623 : i32 to index
        %swap3A_1018 = arith.index_cast %add3A_1016 : i32 to index
        %swap3A_1019 = arith.constant 16 : index
        %swap3A_1020 = tpu.vector_load %arg6[%swap3A_1017, %swap3A_1018, %swap3A_1019] {strides = array<i32>} : memref<6x256x64xf32, #tpu.memory_space<vmem>>, vector<1x1x16xf32>,
        %swap3A_1021 = vector.shape_cast %swap3A_1020 : vector<1x1x16xf32> to vector<16xf32>
        %swap3A_1022 = vector.shape_cast %mul3A_1012 : vector<16xf32> to vector<1x1x16xf32>
        tpu.vector_store %arg6[%swap3A_1017, %swap3A_1018, %swap3A_1019], %swap3A_1022 {strides = array<i32>} : memref<6x256x64xf32, #tpu.memory_space<vmem>>, vector<1x1x16xf32>,
        %mul3A_1023 = arith.constant 2 : i32
        %mul3A_1024 = arith.muli %mul3A_1023, %scan3A_892 : i32
        %add3A_1025 = arith.constant 1 : i32
        %add3A_1026 = arith.addi %mul3A_1024, %add3A_1025 : i32
        %get3A_1027 = arith.index_cast %rem3A_623 : i32 to index
        %get3A_1028 = arith.index_cast %add3A_1026 : i32 to index
        %get3A_1029 = arith.constant 32 : index
        %get3A_1030 = tpu.vector_load %arg6[%get3A_1027, %get3A_1028, %get3A_1029] {strides = array<i32>} : memref<6x256x64xf32, #tpu.memory_space<vmem>>, vector<1x1x16xf32>,
        %get3A_1031 = vector.shape_cast %get3A_1030 : vector<1x1x16xf32> to vector<16xf32>
        %mul3A_1032 = arith.constant 1.000000e+00 : f32
        %mul3A_1033 = vector.broadcast %mul3A_1032 : f32 to vector<16xf32>
        %mul3A_1034 = arith.mulf %get3A_1031, %mul3A_1033 : vector<16xf32>
        %mul3A_1035 = arith.constant 2 : i32
        %mul3A_1036 = arith.muli %mul3A_1035, %scan3A_892 : i32
        %add3A_1037 = arith.constant 1 : i32
        %add3A_1038 = arith.addi %mul3A_1036, %add3A_1037 : i32
        %swap3A_1039 = arith.index_cast %rem3A_623 : i32 to index
        %swap3A_1040 = arith.index_cast %add3A_1038 : i32 to index
        %swap3A_1041 = arith.constant 32 : index
        %swap3A_1042 = tpu.vector_load %arg6[%swap3A_1039, %swap3A_1040, %swap3A_1041] {strides = array<i32>} : memref<6x256x64xf32, #tpu.memory_space<vmem>>, vector<1x1x16xf32>,
        %swap3A_1043 = vector.shape_cast %swap3A_1042 : vector<1x1x16xf32> to vector<16xf32>
        %swap3A_1044 = vector.shape_cast %mul3A_1034 : vector<16xf32> to vector<1x1x16xf32>
        tpu.vector_store %arg6[%swap3A_1039, %swap3A_1040, %swap3A_1041], %swap3A_1044 {strides = array<i32>} : memref<6x256x64xf32, #tpu.memory_space<vmem>>, vector<1x1x16xf32>,
        %mul3A_1045 = arith.constant 2 : i32
        %mul3A_1046 = arith.muli %mul3A_1045, %scan3A_892 : i32
        %add3A_1047 = arith.constant 1 : i32
        %add3A_1048 = arith.addi %mul3A_1046, %add3A_1047 : i32
        %get3A_1049 = arith.index_cast %rem3A_623 : i32 to index
        %get3A_1050 = arith.index_cast %add3A_1048 : i32 to index
        %get3A_1051 = arith.constant 48 : index
        %get3A_1052 = tpu.vector_load %arg6[%get3A_1049, %get3A_1050, %get3A_1051] {strides = array<i32>} : memref<6x256x64xf32, #tpu.memory_space<vmem>>, vector<1x1x16xf32>,
        %get3A_1053 = vector.shape_cast %get3A_1052 : vector<1x1x16xf32> to vector<16xf32>
        %mul3A_1054 = arith.constant 1.000000e+00 : f32
        %mul3A_1055 = vector.broadcast %mul3A_1054 : f32 to vector<16xf32>
        %mul3A_1056 = arith.mulf %get3A_1053, %mul3A_1055 : vector<16xf32>
        %mul3A_1057 = arith.constant 2 : i32
        %mul3A_1058 = arith.muli %mul3A_1057, %scan3A_892 : i32
        %add3A_1059 = arith.constant 1 : i32
        %add3A_1060 = arith.addi %mul3A_1058, %add3A_1059 : i32
        %swap3A_1061 = arith.index_cast %rem3A_623 : i32 to index
        %swap3A_1062 = arith.index_cast %add3A_1060 : i32 to index
        %swap3A_1063 = arith.constant 48 : index
        %swap3A_1064 = tpu.vector_load %arg6[%swap3A_1061, %swap3A_1062, %swap3A_1063] {strides = array<i32>} : memref<6x256x64xf32, #tpu.memory_space<vmem>>, vector<1x1x16xf32>,
        %swap3A_1065 = vector.shape_cast %swap3A_1064 : vector<1x1x16xf32> to vector<16xf32>
        %swap3A_1066 = vector.shape_cast %mul3A_1056 : vector<16xf32> to vector<1x1x16xf32>
        tpu.vector_store %arg6[%swap3A_1061, %swap3A_1062, %swap3A_1063], %swap3A_1066 {strides = array<i32>} : memref<6x256x64xf32, #tpu.memory_space<vmem>>, vector<1x1x16xf32>,
      }
      %scan3A_672 = arith.constant 128 : i32
      %mul3A_673 = arith.constant 256 : i32
      %mul3A_674 = arith.muli %scan3A_621, %mul3A_673 : i32
      %add3A_675 = arith.addi %mul3A_2, %mul3A_674 : i32
      %dma_start3A_676 = arith.constant 0 : i32
      %dma_start3A_677 = arith.constant 0 : i32
      %dma_start3A_678 = tpu.memref_slice %arg6[%rem3A_623, %dma_start3A_676, %dma_start3A_677] : memref<6x256x64xf32, #tpu.memory_space<vmem>> -> memref<1x256x64xf32, #tpu.memory_space<vmem>>
      %dma_start3A_679 = tpu.memref_squeeze %dma_start3A_678 : memref<1x256x64xf32, #tpu.memory_space<vmem>> -> memref<256x64xf32, #tpu.memory_space<vmem>>
      %dma_start3A_680 = arith.constant 0 : i32
      %dma_start3A_681 = tpu.memref_slice %arg4[%add3A_675, %dma_start3A_680] : memref<819200x128xf32, #tpu.memory_space<hbm>> -> memref<256x64xf32, #tpu.memory_space<hbm>>
      %dma_start3A_682 = arith.constant 0 : i32
      %dma_start3A_683 = tpu.memref_slice %arg4[%add3A_675, %dma_start3A_682] : memref<819200x128xf32, #tpu.memory_space<hbm>> -> memref<256x64xf32, #tpu.memory_space<hbm>>
      %dma_start3A_684 = arith.constant 0 : i32
      %dma_start3A_685 = arith.constant 0 : i32
      %dma_start3A_686 = tpu.memref_slice %arg6[%rem3A_623, %dma_start3A_684, %dma_start3A_685] : memref<6x256x64xf32, #tpu.memory_space<vmem>> -> memref<1x256x64xf32, #tpu.memory_space<vmem>>
      %dma_start3A_687 = tpu.memref_squeeze %dma_start3A_686 : memref<1x256x64xf32, #tpu.memory_space<vmem>> -> memref<256x64xf32, #tpu.memory_space<vmem>>
      tpu.enqueue_dma source(%dma_start3A_687 : memref<256x64xf32, #tpu.memory_space<vmem>>) target(%dma_start3A_683 : memref<256x64xf32, #tpu.memory_space<hbm>>) target_semaphore(%arg8 : memref<!tpu.dma_semaphore, #tpu.memory_space<semaphore_mem>>)
      %scan3A_688 = arith.constant 3 : i32
      %scan3A_689 = arith.addi %scan3A_485, %scan3A_688 : i32
      %rem3A_690 = arith.constant 6 : i32
      %rem3A_691 = arith.remsi %scan3A_689, %rem3A_690 : i32
      %add3A_692 = arith.constant 6 : i32
      %add3A_693 = arith.addi %scan3A_689, %add3A_692 : i32
      %sub3A_694 = arith.constant 1 : i32
      %sub3A_695 = arith.subi %add3A_693, %sub3A_694 : i32
      %rem3A_696 = arith.constant 6 : i32
      %rem3A_697 = arith.remsi %sub3A_695, %rem3A_696 : i32
      %add3A_698 = arith.constant 6 : i32
      %add3A_699 = arith.addi %scan3A_689, %add3A_698 : i32
      %sub3A_700 = arith.constant 1 : i32
      %sub3A_701 = arith.subi %add3A_699, %sub3A_700 : i32
      %lt3A_702 = arith.constant 100 : i32
      %lt3A_703 = arith.cmpi slt, %sub3A_701, %lt3A_702 : i32
      %convert_element_type3A_704 = arith.extui %lt3A_703 : i1 to i32
      %cond3A_705 = arith.constant 0 : i32
      %cond3A_706 = arith.cmpi ne, %convert_element_type3A_704, %cond3A_705 : i32
      scf.if %cond3A_706 {
        %ge3A = arith.constant 1 : i32
        %ge3A_892 = arith.cmpi sge, %scan3A_689, %ge3A : i32
        %convert_element_type3A_893 = arith.extui %ge3A_892 : i1 to i32
        %cond3A_894 = arith.constant 0 : i32
        %cond3A_895 = arith.cmpi ne, %convert_element_type3A_893, %cond3A_894 : i32
        scf.if %cond3A_895 {
          %sub3A_928 = arith.constant 1 : i32
          %sub3A_929 = arith.subi %scan3A_689, %sub3A_928 : i32
          %mul3A_930 = arith.constant 256 : i32
          %mul3A_931 = arith.muli %sub3A_929, %mul3A_930 : i32
          %add3A_932 = arith.addi %mul3A_2, %mul3A_931 : i32
          %dma_wait3A_933 = arith.constant 0 : i32
          %dma_wait3A_934 = arith.constant 0 : i32
          %dma_wait3A_935 = tpu.memref_slice %arg6[%rem3A_697, %dma_wait3A_933, %dma_wait3A_934] : memref<6x256x64xf32, #tpu.memory_space<vmem>> -> memref<1x256x64xf32, #tpu.memory_space<vmem>>
          %dma_wait3A_936 = tpu.memref_squeeze %dma_wait3A_935 : memref<1x256x64xf32, #tpu.memory_space<vmem>> -> memref<256x64xf32, #tpu.memory_space<vmem>>
          %dma_wait3A_937 = arith.constant 0 : i32
          %dma_wait3A_938 = tpu.memref_slice %arg4[%add3A_932, %dma_wait3A_937] : memref<819200x128xf32, #tpu.memory_space<hbm>> -> memref<256x64xf32, #tpu.memory_space<hbm>>
          %dma_wait3A_939 = arith.constant 0 : i32
          %dma_wait3A_940 = tpu.memref_slice %arg4[%add3A_932, %dma_wait3A_939] : memref<819200x128xf32, #tpu.memory_space<hbm>> -> memref<256x64xf32, #tpu.memory_space<hbm>>
          %dma_wait3A_941 = arith.constant 0 : i32
          %dma_wait3A_942 = arith.constant 0 : i32
          %dma_wait3A_943 = tpu.memref_slice %arg6[%rem3A_697, %dma_wait3A_941, %dma_wait3A_942] : memref<6x256x64xf32, #tpu.memory_space<vmem>> -> memref<1x256x64xf32, #tpu.memory_space<vmem>>
          %dma_wait3A_944 = tpu.memref_squeeze %dma_wait3A_943 : memref<1x256x64xf32, #tpu.memory_space<vmem>> -> memref<256x64xf32, #tpu.memory_space<vmem>>
          tpu.wait_dma2 semaphore(%arg8 : memref<!tpu.dma_semaphore, #tpu.memory_space<semaphore_mem>>) src(%dma_wait3A_944 : memref<256x64xf32, #tpu.memory_space<vmem>>) dst(%dma_wait3A_940 : memref<256x64xf32, #tpu.memory_space<hbm>>)
        } else {
        }
        %add3A_896 = arith.constant 6 : i32
        %add3A_897 = arith.addi %scan3A_689, %add3A_896 : i32
        %sub3A_898 = arith.constant 1 : i32
        %sub3A_899 = arith.subi %add3A_897, %sub3A_898 : i32
        %mul3A_900 = arith.constant 2 : i32
        %mul3A_901 = arith.muli %sub3A_899, %mul3A_900 : i32
        %add3A_902 = arith.constant 0 : i32
        %add3A_903 = arith.addi %mul3A_901, %add3A_902 : i32
        %dma_start3A_904 = arith.constant 0 : i32
        %dma_start3A_905 = arith.constant 0 : i32
        %dma_start3A_906 = tpu.memref_slice %arg6[%rem3A_697, %dma_start3A_904, %dma_start3A_905] : memref<6x256x64xf32, #tpu.memory_space<vmem>> -> memref<1x128x64xf32, #tpu.memory_space<vmem>>
        %dma_start3A_907 = tpu.memref_squeeze %dma_start3A_906 : memref<1x128x64xf32, #tpu.memory_space<vmem>> -> memref<128x64xf32, #tpu.memory_space<vmem>>
        %dma_start3A_908 = arith.constant 0 : i32
        %dma_start3A_909 = tpu.memref_slice %arg5[%add3A_903, %dma_start3A_908] : memref<200x128xi32, #tpu.memory_space<vmem>> -> memref<1x128xi32, #tpu.memory_space<vmem>>
        %dma_start3A_910 = tpu.memref_squeeze %dma_start3A_909 : memref<1x128xi32, #tpu.memory_space<vmem>> -> memref<128xi32, #tpu.memory_space<vmem>>
        %dma_start3A_911 = arith.constant 0 : i32
        %dma_start3A_912 = arith.constant 0 : i32
        %dma_start3A_913 = tpu.memref_slice %arg3[%dma_start3A_911, %dma_start3A_912] : memref<1000000x64xf32, #tpu.memory_space<hbm>> -> memref<1000000x64xf32, #tpu.memory_space<hbm>>
        tpu.enqueue_indirect_dma source(%dma_start3A_913 : memref<1000000x64xf32, #tpu.memory_space<hbm>>) target(%dma_start3A_907 : memref<128x64xf32, #tpu.memory_space<vmem>>) offsets(%dma_start3A_910 : memref<128xi32, #tpu.memory_space<vmem>>) semaphore(%arg7 : memref<!tpu.dma_semaphore, #tpu.memory_space<semaphore_mem>>)
        %mul3A_914 = arith.constant 2 : i32
        %mul3A_915 = arith.muli %sub3A_899, %mul3A_914 : i32
        %add3A_916 = arith.constant 1 : i32
        %add3A_917 = arith.addi %mul3A_915, %add3A_916 : i32
        %dma_start3A_918 = arith.constant 128 : i32
        %dma_start3A_919 = arith.constant 0 : i32
        %dma_start3A_920 = tpu.memref_slice %arg6[%rem3A_697, %dma_start3A_918, %dma_start3A_919] : memref<6x256x64xf32, #tpu.memory_space<vmem>> -> memref<1x128x64xf32, #tpu.memory_space<vmem>>
        %dma_start3A_921 = tpu.memref_squeeze %dma_start3A_920 : memref<1x128x64xf32, #tpu.memory_space<vmem>> -> memref<128x64xf32, #tpu.memory_space<vmem>>
        %dma_start3A_922 = arith.constant 0 : i32
        %dma_start3A_923 = tpu.memref_slice %arg5[%add3A_917, %dma_start3A_922] : memref<200x128xi32, #tpu.memory_space<vmem>> -> memref<1x128xi32, #tpu.memory_space<vmem>>
        %dma_start3A_924 = tpu.memref_squeeze %dma_start3A_923 : memref<1x128xi32, #tpu.memory_space<vmem>> -> memref<128xi32, #tpu.memory_space<vmem>>
        %dma_start3A_925 = arith.constant 0 : i32
        %dma_start3A_926 = arith.constant 0 : i32
        %dma_start3A_927 = tpu.memref_slice %arg3[%dma_start3A_925, %dma_start3A_926] : memref<1000000x64xf32, #tpu.memory_space<hbm>> -> memref<1000000x64xf32, #tpu.memory_space<hbm>>
        tpu.enqueue_indirect_dma source(%dma_start3A_927 : memref<1000000x64xf32, #tpu.memory_space<hbm>>) target(%dma_start3A_921 : memref<128x64xf32, #tpu.memory_space<vmem>>) offsets(%dma_start3A_924 : memref<128xi32, #tpu.memory_space<vmem>>) semaphore(%arg7 : memref<!tpu.dma_semaphore, #tpu.memory_space<semaphore_mem>>)
      } else {
      }
      %mul3A_707 = arith.constant 2 : i32
      %mul3A_708 = arith.muli %scan3A_689, %mul3A_707 : i32
      %add3A_709 = arith.constant 0 : i32
      %add3A_710 = arith.addi %mul3A_708, %add3A_709 : i32
      %dma_wait3A_711 = arith.constant 0 : i32
      %dma_wait3A_712 = arith.constant 0 : i32
      %dma_wait3A_713 = tpu.memref_slice %arg6[%rem3A_691, %dma_wait3A_711, %dma_wait3A_712] : memref<6x256x64xf32, #tpu.memory_space<vmem>> -> memref<1x128x64xf32, #tpu.memory_space<vmem>>
      %dma_wait3A_714 = tpu.memref_squeeze %dma_wait3A_713 : memref<1x128x64xf32, #tpu.memory_space<vmem>> -> memref<128x64xf32, #tpu.memory_space<vmem>>
      %dma_wait3A_715 = arith.constant 0 : i32
      %dma_wait3A_716 = tpu.memref_slice %arg5[%add3A_710, %dma_wait3A_715] : memref<200x128xi32, #tpu.memory_space<vmem>> -> memref<1x128xi32, #tpu.memory_space<vmem>>
      %dma_wait3A_717 = tpu.memref_squeeze %dma_wait3A_716 : memref<1x128xi32, #tpu.memory_space<vmem>> -> memref<128xi32, #tpu.memory_space<vmem>>
      %dma_wait3A_718 = arith.constant 0 : i32
      %dma_wait3A_719 = arith.constant 0 : i32
      %dma_wait3A_720 = tpu.memref_slice %arg3[%dma_wait3A_718, %dma_wait3A_719] : memref<1000000x64xf32, #tpu.memory_space<hbm>> -> memref<1000000x64xf32, #tpu.memory_space<hbm>>
      tpu.wait_indirect_dma semaphore(%arg7 : memref<!tpu.dma_semaphore, #tpu.memory_space<semaphore_mem>>) src(%dma_wait3A_720 : memref<1000000x64xf32, #tpu.memory_space<hbm>>) dst(%dma_wait3A_714 : memref<128x64xf32, #tpu.memory_space<vmem>>)
      %mul3A_721 = arith.constant 2 : i32
      %mul3A_722 = arith.muli %scan3A_689, %mul3A_721 : i32
      %add3A_723 = arith.constant 1 : i32
      %add3A_724 = arith.addi %mul3A_722, %add3A_723 : i32
      %dma_wait3A_725 = arith.constant 128 : i32
      %dma_wait3A_726 = arith.constant 0 : i32
      %dma_wait3A_727 = tpu.memref_slice %arg6[%rem3A_691, %dma_wait3A_725, %dma_wait3A_726] : memref<6x256x64xf32, #tpu.memory_space<vmem>> -> memref<1x128x64xf32, #tpu.memory_space<vmem>>
      %dma_wait3A_728 = tpu.memref_squeeze %dma_wait3A_727 : memref<1x128x64xf32, #tpu.memory_space<vmem>> -> memref<128x64xf32, #tpu.memory_space<vmem>>
      %dma_wait3A_729 = arith.constant 0 : i32
      %dma_wait3A_730 = tpu.memref_slice %arg5[%add3A_724, %dma_wait3A_729] : memref<200x128xi32, #tpu.memory_space<vmem>> -> memref<1x128xi32, #tpu.memory_space<vmem>>
      %dma_wait3A_731 = tpu.memref_squeeze %dma_wait3A_730 : memref<1x128xi32, #tpu.memory_space<vmem>> -> memref<128xi32, #tpu.memory_space<vmem>>
      %dma_wait3A_732 = arith.constant 0 : i32
      %dma_wait3A_733 = arith.constant 0 : i32
      %dma_wait3A_734 = tpu.memref_slice %arg3[%dma_wait3A_732, %dma_wait3A_733] : memref<1000000x64xf32, #tpu.memory_space<hbm>> -> memref<1000000x64xf32, #tpu.memory_space<hbm>>
      tpu.wait_indirect_dma semaphore(%arg7 : memref<!tpu.dma_semaphore, #tpu.memory_space<semaphore_mem>>) src(%dma_wait3A_734 : memref<1000000x64xf32, #tpu.memory_space<hbm>>) dst(%dma_wait3A_728 : memref<128x64xf32, #tpu.memory_space<vmem>>)
      %scan3A_735 = arith.constant 0 : i32
      %scan3A_736 = arith.constant 0 : i32
      %scan3A_737 = arith.constant 128 : i32
      %scan3A_738 = arith.addi %scan3A_736, %scan3A_737 : i32
      %scan3A_739 = arith.constant 1 : i32
      scf.for %scan3A_892 = %scan3A_736 to %scan3A_738 step %scan3A_739  : i32 {
        %mul3A_893 = arith.constant 2 : i32
        %mul3A_894 = arith.muli %mul3A_893, %scan3A_892 : i32
        %add3A_895 = arith.constant 0 : i32
        %add3A_896 = arith.addi %mul3A_894, %add3A_895 : i32
        %get3A = arith.index_cast %rem3A_691 : i32 to index
        %get3A_897 = arith.index_cast %add3A_896 : i32 to index
        %get3A_898 = arith.constant 0 : index
        %get3A_899 = tpu.vector_load %arg6[%get3A, %get3A_897, %get3A_898] {strides = array<i32>} : memref<6x256x64xf32, #tpu.memory_space<vmem>>, vector<1x1x16xf32>,
        %get3A_900 = vector.shape_cast %get3A_899 : vector<1x1x16xf32> to vector<16xf32>
        %mul3A_901 = arith.constant 1.000000e+00 : f32
        %mul3A_902 = vector.broadcast %mul3A_901 : f32 to vector<16xf32>
        %mul3A_903 = arith.mulf %get3A_900, %mul3A_902 : vector<16xf32>
        %mul3A_904 = arith.constant 2 : i32
        %mul3A_905 = arith.muli %mul3A_904, %scan3A_892 : i32
        %add3A_906 = arith.constant 0 : i32
        %add3A_907 = arith.addi %mul3A_905, %add3A_906 : i32
        %swap3A = arith.index_cast %rem3A_691 : i32 to index
        %swap3A_908 = arith.index_cast %add3A_907 : i32 to index
        %swap3A_909 = arith.constant 0 : index
        %swap3A_910 = tpu.vector_load %arg6[%swap3A, %swap3A_908, %swap3A_909] {strides = array<i32>} : memref<6x256x64xf32, #tpu.memory_space<vmem>>, vector<1x1x16xf32>,
        %swap3A_911 = vector.shape_cast %swap3A_910 : vector<1x1x16xf32> to vector<16xf32>
        %swap3A_912 = vector.shape_cast %mul3A_903 : vector<16xf32> to vector<1x1x16xf32>
        tpu.vector_store %arg6[%swap3A, %swap3A_908, %swap3A_909], %swap3A_912 {strides = array<i32>} : memref<6x256x64xf32, #tpu.memory_space<vmem>>, vector<1x1x16xf32>,
        %mul3A_913 = arith.constant 2 : i32
        %mul3A_914 = arith.muli %mul3A_913, %scan3A_892 : i32
        %add3A_915 = arith.constant 0 : i32
        %add3A_916 = arith.addi %mul3A_914, %add3A_915 : i32
        %get3A_917 = arith.index_cast %rem3A_691 : i32 to index
        %get3A_918 = arith.index_cast %add3A_916 : i32 to index
        %get3A_919 = arith.constant 16 : index
        %get3A_920 = tpu.vector_load %arg6[%get3A_917, %get3A_918, %get3A_919] {strides = array<i32>} : memref<6x256x64xf32, #tpu.memory_space<vmem>>, vector<1x1x16xf32>,
        %get3A_921 = vector.shape_cast %get3A_920 : vector<1x1x16xf32> to vector<16xf32>
        %mul3A_922 = arith.constant 1.000000e+00 : f32
        %mul3A_923 = vector.broadcast %mul3A_922 : f32 to vector<16xf32>
        %mul3A_924 = arith.mulf %get3A_921, %mul3A_923 : vector<16xf32>
        %mul3A_925 = arith.constant 2 : i32
        %mul3A_926 = arith.muli %mul3A_925, %scan3A_892 : i32
        %add3A_927 = arith.constant 0 : i32
        %add3A_928 = arith.addi %mul3A_926, %add3A_927 : i32
        %swap3A_929 = arith.index_cast %rem3A_691 : i32 to index
        %swap3A_930 = arith.index_cast %add3A_928 : i32 to index
        %swap3A_931 = arith.constant 16 : index
        %swap3A_932 = tpu.vector_load %arg6[%swap3A_929, %swap3A_930, %swap3A_931] {strides = array<i32>} : memref<6x256x64xf32, #tpu.memory_space<vmem>>, vector<1x1x16xf32>,
        %swap3A_933 = vector.shape_cast %swap3A_932 : vector<1x1x16xf32> to vector<16xf32>
        %swap3A_934 = vector.shape_cast %mul3A_924 : vector<16xf32> to vector<1x1x16xf32>
        tpu.vector_store %arg6[%swap3A_929, %swap3A_930, %swap3A_931], %swap3A_934 {strides = array<i32>} : memref<6x256x64xf32, #tpu.memory_space<vmem>>, vector<1x1x16xf32>,
        %mul3A_935 = arith.constant 2 : i32
        %mul3A_936 = arith.muli %mul3A_935, %scan3A_892 : i32
        %add3A_937 = arith.constant 0 : i32
        %add3A_938 = arith.addi %mul3A_936, %add3A_937 : i32
        %get3A_939 = arith.index_cast %rem3A_691 : i32 to index
        %get3A_940 = arith.index_cast %add3A_938 : i32 to index
        %get3A_941 = arith.constant 32 : index
        %get3A_942 = tpu.vector_load %arg6[%get3A_939, %get3A_940, %get3A_941] {strides = array<i32>} : memref<6x256x64xf32, #tpu.memory_space<vmem>>, vector<1x1x16xf32>,
        %get3A_943 = vector.shape_cast %get3A_942 : vector<1x1x16xf32> to vector<16xf32>
        %mul3A_944 = arith.constant 1.000000e+00 : f32
        %mul3A_945 = vector.broadcast %mul3A_944 : f32 to vector<16xf32>
        %mul3A_946 = arith.mulf %get3A_943, %mul3A_945 : vector<16xf32>
        %mul3A_947 = arith.constant 2 : i32
        %mul3A_948 = arith.muli %mul3A_947, %scan3A_892 : i32
        %add3A_949 = arith.constant 0 : i32
        %add3A_950 = arith.addi %mul3A_948, %add3A_949 : i32
        %swap3A_951 = arith.index_cast %rem3A_691 : i32 to index
        %swap3A_952 = arith.index_cast %add3A_950 : i32 to index
        %swap3A_953 = arith.constant 32 : index
        %swap3A_954 = tpu.vector_load %arg6[%swap3A_951, %swap3A_952, %swap3A_953] {strides = array<i32>} : memref<6x256x64xf32, #tpu.memory_space<vmem>>, vector<1x1x16xf32>,
        %swap3A_955 = vector.shape_cast %swap3A_954 : vector<1x1x16xf32> to vector<16xf32>
        %swap3A_956 = vector.shape_cast %mul3A_946 : vector<16xf32> to vector<1x1x16xf32>
        tpu.vector_store %arg6[%swap3A_951, %swap3A_952, %swap3A_953], %swap3A_956 {strides = array<i32>} : memref<6x256x64xf32, #tpu.memory_space<vmem>>, vector<1x1x16xf32>,
        %mul3A_957 = arith.constant 2 : i32
        %mul3A_958 = arith.muli %mul3A_957, %scan3A_892 : i32
        %add3A_959 = arith.constant 0 : i32
        %add3A_960 = arith.addi %mul3A_958, %add3A_959 : i32
        %get3A_961 = arith.index_cast %rem3A_691 : i32 to index
        %get3A_962 = arith.index_cast %add3A_960 : i32 to index
        %get3A_963 = arith.constant 48 : index
        %get3A_964 = tpu.vector_load %arg6[%get3A_961, %get3A_962, %get3A_963] {strides = array<i32>} : memref<6x256x64xf32, #tpu.memory_space<vmem>>, vector<1x1x16xf32>,
        %get3A_965 = vector.shape_cast %get3A_964 : vector<1x1x16xf32> to vector<16xf32>
        %mul3A_966 = arith.constant 1.000000e+00 : f32
        %mul3A_967 = vector.broadcast %mul3A_966 : f32 to vector<16xf32>
        %mul3A_968 = arith.mulf %get3A_965, %mul3A_967 : vector<16xf32>
        %mul3A_969 = arith.constant 2 : i32
        %mul3A_970 = arith.muli %mul3A_969, %scan3A_892 : i32
        %add3A_971 = arith.constant 0 : i32
        %add3A_972 = arith.addi %mul3A_970, %add3A_971 : i32
        %swap3A_973 = arith.index_cast %rem3A_691 : i32 to index
        %swap3A_974 = arith.index_cast %add3A_972 : i32 to index
        %swap3A_975 = arith.constant 48 : index
        %swap3A_976 = tpu.vector_load %arg6[%swap3A_973, %swap3A_974, %swap3A_975] {strides = array<i32>} : memref<6x256x64xf32, #tpu.memory_space<vmem>>, vector<1x1x16xf32>,
        %swap3A_977 = vector.shape_cast %swap3A_976 : vector<1x1x16xf32> to vector<16xf32>
        %swap3A_978 = vector.shape_cast %mul3A_968 : vector<16xf32> to vector<1x1x16xf32>
        tpu.vector_store %arg6[%swap3A_973, %swap3A_974, %swap3A_975], %swap3A_978 {strides = array<i32>} : memref<6x256x64xf32, #tpu.memory_space<vmem>>, vector<1x1x16xf32>,
        %mul3A_979 = arith.constant 2 : i32
        %mul3A_980 = arith.muli %mul3A_979, %scan3A_892 : i32
        %add3A_981 = arith.constant 1 : i32
        %add3A_982 = arith.addi %mul3A_980, %add3A_981 : i32
        %get3A_983 = arith.index_cast %rem3A_691 : i32 to index
        %get3A_984 = arith.index_cast %add3A_982 : i32 to index
        %get3A_985 = arith.constant 0 : index
        %get3A_986 = tpu.vector_load %arg6[%get3A_983, %get3A_984, %get3A_985] {strides = array<i32>} : memref<6x256x64xf32, #tpu.memory_space<vmem>>, vector<1x1x16xf32>,
        %get3A_987 = vector.shape_cast %get3A_986 : vector<1x1x16xf32> to vector<16xf32>
        %mul3A_988 = arith.constant 1.000000e+00 : f32
        %mul3A_989 = vector.broadcast %mul3A_988 : f32 to vector<16xf32>
        %mul3A_990 = arith.mulf %get3A_987, %mul3A_989 : vector<16xf32>
        %mul3A_991 = arith.constant 2 : i32
        %mul3A_992 = arith.muli %mul3A_991, %scan3A_892 : i32
        %add3A_993 = arith.constant 1 : i32
        %add3A_994 = arith.addi %mul3A_992, %add3A_993 : i32
        %swap3A_995 = arith.index_cast %rem3A_691 : i32 to index
        %swap3A_996 = arith.index_cast %add3A_994 : i32 to index
        %swap3A_997 = arith.constant 0 : index
        %swap3A_998 = tpu.vector_load %arg6[%swap3A_995, %swap3A_996, %swap3A_997] {strides = array<i32>} : memref<6x256x64xf32, #tpu.memory_space<vmem>>, vector<1x1x16xf32>,
        %swap3A_999 = vector.shape_cast %swap3A_998 : vector<1x1x16xf32> to vector<16xf32>
        %swap3A_1000 = vector.shape_cast %mul3A_990 : vector<16xf32> to vector<1x1x16xf32>
        tpu.vector_store %arg6[%swap3A_995, %swap3A_996, %swap3A_997], %swap3A_1000 {strides = array<i32>} : memref<6x256x64xf32, #tpu.memory_space<vmem>>, vector<1x1x16xf32>,
        %mul3A_1001 = arith.constant 2 : i32
        %mul3A_1002 = arith.muli %mul3A_1001, %scan3A_892 : i32
        %add3A_1003 = arith.constant 1 : i32
        %add3A_1004 = arith.addi %mul3A_1002, %add3A_1003 : i32
        %get3A_1005 = arith.index_cast %rem3A_691 : i32 to index
        %get3A_1006 = arith.index_cast %add3A_1004 : i32 to index
        %get3A_1007 = arith.constant 16 : index
        %get3A_1008 = tpu.vector_load %arg6[%get3A_1005, %get3A_1006, %get3A_1007] {strides = array<i32>} : memref<6x256x64xf32, #tpu.memory_space<vmem>>, vector<1x1x16xf32>,
        %get3A_1009 = vector.shape_cast %get3A_1008 : vector<1x1x16xf32> to vector<16xf32>
        %mul3A_1010 = arith.constant 1.000000e+00 : f32
        %mul3A_1011 = vector.broadcast %mul3A_1010 : f32 to vector<16xf32>
        %mul3A_1012 = arith.mulf %get3A_1009, %mul3A_1011 : vector<16xf32>
        %mul3A_1013 = arith.constant 2 : i32
        %mul3A_1014 = arith.muli %mul3A_1013, %scan3A_892 : i32
        %add3A_1015 = arith.constant 1 : i32
        %add3A_1016 = arith.addi %mul3A_1014, %add3A_1015 : i32
        %swap3A_1017 = arith.index_cast %rem3A_691 : i32 to index
        %swap3A_1018 = arith.index_cast %add3A_1016 : i32 to index
        %swap3A_1019 = arith.constant 16 : index
        %swap3A_1020 = tpu.vector_load %arg6[%swap3A_1017, %swap3A_1018, %swap3A_1019] {strides = array<i32>} : memref<6x256x64xf32, #tpu.memory_space<vmem>>, vector<1x1x16xf32>,
        %swap3A_1021 = vector.shape_cast %swap3A_1020 : vector<1x1x16xf32> to vector<16xf32>
        %swap3A_1022 = vector.shape_cast %mul3A_1012 : vector<16xf32> to vector<1x1x16xf32>
        tpu.vector_store %arg6[%swap3A_1017, %swap3A_1018, %swap3A_1019], %swap3A_1022 {strides = array<i32>} : memref<6x256x64xf32, #tpu.memory_space<vmem>>, vector<1x1x16xf32>,
        %mul3A_1023 = arith.constant 2 : i32
        %mul3A_1024 = arith.muli %mul3A_1023, %scan3A_892 : i32
        %add3A_1025 = arith.constant 1 : i32
        %add3A_1026 = arith.addi %mul3A_1024, %add3A_1025 : i32
        %get3A_1027 = arith.index_cast %rem3A_691 : i32 to index
        %get3A_1028 = arith.index_cast %add3A_1026 : i32 to index
        %get3A_1029 = arith.constant 32 : index
        %get3A_1030 = tpu.vector_load %arg6[%get3A_1027, %get3A_1028, %get3A_1029] {strides = array<i32>} : memref<6x256x64xf32, #tpu.memory_space<vmem>>, vector<1x1x16xf32>,
        %get3A_1031 = vector.shape_cast %get3A_1030 : vector<1x1x16xf32> to vector<16xf32>
        %mul3A_1032 = arith.constant 1.000000e+00 : f32
        %mul3A_1033 = vector.broadcast %mul3A_1032 : f32 to vector<16xf32>
        %mul3A_1034 = arith.mulf %get3A_1031, %mul3A_1033 : vector<16xf32>
        %mul3A_1035 = arith.constant 2 : i32
        %mul3A_1036 = arith.muli %mul3A_1035, %scan3A_892 : i32
        %add3A_1037 = arith.constant 1 : i32
        %add3A_1038 = arith.addi %mul3A_1036, %add3A_1037 : i32
        %swap3A_1039 = arith.index_cast %rem3A_691 : i32 to index
        %swap3A_1040 = arith.index_cast %add3A_1038 : i32 to index
        %swap3A_1041 = arith.constant 32 : index
        %swap3A_1042 = tpu.vector_load %arg6[%swap3A_1039, %swap3A_1040, %swap3A_1041] {strides = array<i32>} : memref<6x256x64xf32, #tpu.memory_space<vmem>>, vector<1x1x16xf32>,
        %swap3A_1043 = vector.shape_cast %swap3A_1042 : vector<1x1x16xf32> to vector<16xf32>
        %swap3A_1044 = vector.shape_cast %mul3A_1034 : vector<16xf32> to vector<1x1x16xf32>
        tpu.vector_store %arg6[%swap3A_1039, %swap3A_1040, %swap3A_1041], %swap3A_1044 {strides = array<i32>} : memref<6x256x64xf32, #tpu.memory_space<vmem>>, vector<1x1x16xf32>,
        %mul3A_1045 = arith.constant 2 : i32
        %mul3A_1046 = arith.muli %mul3A_1045, %scan3A_892 : i32
        %add3A_1047 = arith.constant 1 : i32
        %add3A_1048 = arith.addi %mul3A_1046, %add3A_1047 : i32
        %get3A_1049 = arith.index_cast %rem3A_691 : i32 to index
        %get3A_1050 = arith.index_cast %add3A_1048 : i32 to index
        %get3A_1051 = arith.constant 48 : index
        %get3A_1052 = tpu.vector_load %arg6[%get3A_1049, %get3A_1050, %get3A_1051] {strides = array<i32>} : memref<6x256x64xf32, #tpu.memory_space<vmem>>, vector<1x1x16xf32>,
        %get3A_1053 = vector.shape_cast %get3A_1052 : vector<1x1x16xf32> to vector<16xf32>
        %mul3A_1054 = arith.constant 1.000000e+00 : f32
        %mul3A_1055 = vector.broadcast %mul3A_1054 : f32 to vector<16xf32>
        %mul3A_1056 = arith.mulf %get3A_1053, %mul3A_1055 : vector<16xf32>
        %mul3A_1057 = arith.constant 2 : i32
        %mul3A_1058 = arith.muli %mul3A_1057, %scan3A_892 : i32
        %add3A_1059 = arith.constant 1 : i32
        %add3A_1060 = arith.addi %mul3A_1058, %add3A_1059 : i32
        %swap3A_1061 = arith.index_cast %rem3A_691 : i32 to index
        %swap3A_1062 = arith.index_cast %add3A_1060 : i32 to index
        %swap3A_1063 = arith.constant 48 : index
        %swap3A_1064 = tpu.vector_load %arg6[%swap3A_1061, %swap3A_1062, %swap3A_1063] {strides = array<i32>} : memref<6x256x64xf32, #tpu.memory_space<vmem>>, vector<1x1x16xf32>,
        %swap3A_1065 = vector.shape_cast %swap3A_1064 : vector<1x1x16xf32> to vector<16xf32>
        %swap3A_1066 = vector.shape_cast %mul3A_1056 : vector<16xf32> to vector<1x1x16xf32>
        tpu.vector_store %arg6[%swap3A_1061, %swap3A_1062, %swap3A_1063], %swap3A_1066 {strides = array<i32>} : memref<6x256x64xf32, #tpu.memory_space<vmem>>, vector<1x1x16xf32>,
      }
      %scan3A_740 = arith.constant 128 : i32
      %mul3A_741 = arith.constant 256 : i32
      %mul3A_742 = arith.muli %scan3A_689, %mul3A_741 : i32
      %add3A_743 = arith.addi %mul3A_2, %mul3A_742 : i32
      %dma_start3A_744 = arith.constant 0 : i32
      %dma_start3A_745 = arith.constant 0 : i32
      %dma_start3A_746 = tpu.memref_slice %arg6[%rem3A_691, %dma_start3A_744, %dma_start3A_745] : memref<6x256x64xf32, #tpu.memory_space<vmem>> -> memref<1x256x64xf32, #tpu.memory_space<vmem>>
      %dma_start3A_747 = tpu.memref_squeeze %dma_start3A_746 : memref<1x256x64xf32, #tpu.memory_space<vmem>> -> memref<256x64xf32, #tpu.memory_space<vmem>>
      %dma_start3A_748 = arith.constant 0 : i32
      %dma_start3A_749 = tpu.memref_slice %arg4[%add3A_743, %dma_start3A_748] : memref<819200x128xf32, #tpu.memory_space<hbm>> -> memref<256x64xf32, #tpu.memory_space<hbm>>
      %dma_start3A_750 = arith.constant 0 : i32
      %dma_start3A_751 = tpu.memref_slice %arg4[%add3A_743, %dma_start3A_750] : memref<819200x128xf32, #tpu.memory_space<hbm>> -> memref<256x64xf32, #tpu.memory_space<hbm>>
      %dma_start3A_752 = arith.constant 0 : i32
      %dma_start3A_753 = arith.constant 0 : i32
      %dma_start3A_754 = tpu.memref_slice %arg6[%rem3A_691, %dma_start3A_752, %dma_start3A_753] : memref<6x256x64xf32, #tpu.memory_space<vmem>> -> memref<1x256x64xf32, #tpu.memory_space<vmem>>
      %dma_start3A_755 = tpu.memref_squeeze %dma_start3A_754 : memref<1x256x64xf32, #tpu.memory_space<vmem>> -> memref<256x64xf32, #tpu.memory_space<vmem>>
      tpu.enqueue_dma source(%dma_start3A_755 : memref<256x64xf32, #tpu.memory_space<vmem>>) target(%dma_start3A_751 : memref<256x64xf32, #tpu.memory_space<hbm>>) target_semaphore(%arg8 : memref<!tpu.dma_semaphore, #tpu.memory_space<semaphore_mem>>)
      %scan3A_756 = arith.constant 4 : i32
      %scan3A_757 = arith.addi %scan3A_485, %scan3A_756 : i32
      %rem3A_758 = arith.constant 6 : i32
      %rem3A_759 = arith.remsi %scan3A_757, %rem3A_758 : i32
      %add3A_760 = arith.constant 6 : i32
      %add3A_761 = arith.addi %scan3A_757, %add3A_760 : i32
      %sub3A_762 = arith.constant 1 : i32
      %sub3A_763 = arith.subi %add3A_761, %sub3A_762 : i32
      %rem3A_764 = arith.constant 6 : i32
      %rem3A_765 = arith.remsi %sub3A_763, %rem3A_764 : i32
      %add3A_766 = arith.constant 6 : i32
      %add3A_767 = arith.addi %scan3A_757, %add3A_766 : i32
      %sub3A_768 = arith.constant 1 : i32
      %sub3A_769 = arith.subi %add3A_767, %sub3A_768 : i32
      %lt3A_770 = arith.constant 100 : i32
      %lt3A_771 = arith.cmpi slt, %sub3A_769, %lt3A_770 : i32
      %convert_element_type3A_772 = arith.extui %lt3A_771 : i1 to i32
      %cond3A_773 = arith.constant 0 : i32
      %cond3A_774 = arith.cmpi ne, %convert_element_type3A_772, %cond3A_773 : i32
      scf.if %cond3A_774 {
        %ge3A = arith.constant 1 : i32
        %ge3A_892 = arith.cmpi sge, %scan3A_757, %ge3A : i32
        %convert_element_type3A_893 = arith.extui %ge3A_892 : i1 to i32
        %cond3A_894 = arith.constant 0 : i32
        %cond3A_895 = arith.cmpi ne, %convert_element_type3A_893, %cond3A_894 : i32
        scf.if %cond3A_895 {
          %sub3A_928 = arith.constant 1 : i32
          %sub3A_929 = arith.subi %scan3A_757, %sub3A_928 : i32
          %mul3A_930 = arith.constant 256 : i32
          %mul3A_931 = arith.muli %sub3A_929, %mul3A_930 : i32
          %add3A_932 = arith.addi %mul3A_2, %mul3A_931 : i32
          %dma_wait3A_933 = arith.constant 0 : i32
          %dma_wait3A_934 = arith.constant 0 : i32
          %dma_wait3A_935 = tpu.memref_slice %arg6[%rem3A_765, %dma_wait3A_933, %dma_wait3A_934] : memref<6x256x64xf32, #tpu.memory_space<vmem>> -> memref<1x256x64xf32, #tpu.memory_space<vmem>>
          %dma_wait3A_936 = tpu.memref_squeeze %dma_wait3A_935 : memref<1x256x64xf32, #tpu.memory_space<vmem>> -> memref<256x64xf32, #tpu.memory_space<vmem>>
          %dma_wait3A_937 = arith.constant 0 : i32
          %dma_wait3A_938 = tpu.memref_slice %arg4[%add3A_932, %dma_wait3A_937] : memref<819200x128xf32, #tpu.memory_space<hbm>> -> memref<256x64xf32, #tpu.memory_space<hbm>>
          %dma_wait3A_939 = arith.constant 0 : i32
          %dma_wait3A_940 = tpu.memref_slice %arg4[%add3A_932, %dma_wait3A_939] : memref<819200x128xf32, #tpu.memory_space<hbm>> -> memref<256x64xf32, #tpu.memory_space<hbm>>
          %dma_wait3A_941 = arith.constant 0 : i32
          %dma_wait3A_942 = arith.constant 0 : i32
          %dma_wait3A_943 = tpu.memref_slice %arg6[%rem3A_765, %dma_wait3A_941, %dma_wait3A_942] : memref<6x256x64xf32, #tpu.memory_space<vmem>> -> memref<1x256x64xf32, #tpu.memory_space<vmem>>
          %dma_wait3A_944 = tpu.memref_squeeze %dma_wait3A_943 : memref<1x256x64xf32, #tpu.memory_space<vmem>> -> memref<256x64xf32, #tpu.memory_space<vmem>>
          tpu.wait_dma2 semaphore(%arg8 : memref<!tpu.dma_semaphore, #tpu.memory_space<semaphore_mem>>) src(%dma_wait3A_944 : memref<256x64xf32, #tpu.memory_space<vmem>>) dst(%dma_wait3A_940 : memref<256x64xf32, #tpu.memory_space<hbm>>)
        } else {
        }
        %add3A_896 = arith.constant 6 : i32
        %add3A_897 = arith.addi %scan3A_757, %add3A_896 : i32
        %sub3A_898 = arith.constant 1 : i32
        %sub3A_899 = arith.subi %add3A_897, %sub3A_898 : i32
        %mul3A_900 = arith.constant 2 : i32
        %mul3A_901 = arith.muli %sub3A_899, %mul3A_900 : i32
        %add3A_902 = arith.constant 0 : i32
        %add3A_903 = arith.addi %mul3A_901, %add3A_902 : i32
        %dma_start3A_904 = arith.constant 0 : i32
        %dma_start3A_905 = arith.constant 0 : i32
        %dma_start3A_906 = tpu.memref_slice %arg6[%rem3A_765, %dma_start3A_904, %dma_start3A_905] : memref<6x256x64xf32, #tpu.memory_space<vmem>> -> memref<1x128x64xf32, #tpu.memory_space<vmem>>
        %dma_start3A_907 = tpu.memref_squeeze %dma_start3A_906 : memref<1x128x64xf32, #tpu.memory_space<vmem>> -> memref<128x64xf32, #tpu.memory_space<vmem>>
        %dma_start3A_908 = arith.constant 0 : i32
        %dma_start3A_909 = tpu.memref_slice %arg5[%add3A_903, %dma_start3A_908] : memref<200x128xi32, #tpu.memory_space<vmem>> -> memref<1x128xi32, #tpu.memory_space<vmem>>
        %dma_start3A_910 = tpu.memref_squeeze %dma_start3A_909 : memref<1x128xi32, #tpu.memory_space<vmem>> -> memref<128xi32, #tpu.memory_space<vmem>>
        %dma_start3A_911 = arith.constant 0 : i32
        %dma_start3A_912 = arith.constant 0 : i32
        %dma_start3A_913 = tpu.memref_slice %arg3[%dma_start3A_911, %dma_start3A_912] : memref<1000000x64xf32, #tpu.memory_space<hbm>> -> memref<1000000x64xf32, #tpu.memory_space<hbm>>
        tpu.enqueue_indirect_dma source(%dma_start3A_913 : memref<1000000x64xf32, #tpu.memory_space<hbm>>) target(%dma_start3A_907 : memref<128x64xf32, #tpu.memory_space<vmem>>) offsets(%dma_start3A_910 : memref<128xi32, #tpu.memory_space<vmem>>) semaphore(%arg7 : memref<!tpu.dma_semaphore, #tpu.memory_space<semaphore_mem>>)
        %mul3A_914 = arith.constant 2 : i32
        %mul3A_915 = arith.muli %sub3A_899, %mul3A_914 : i32
        %add3A_916 = arith.constant 1 : i32
        %add3A_917 = arith.addi %mul3A_915, %add3A_916 : i32
        %dma_start3A_918 = arith.constant 128 : i32
        %dma_start3A_919 = arith.constant 0 : i32
        %dma_start3A_920 = tpu.memref_slice %arg6[%rem3A_765, %dma_start3A_918, %dma_start3A_919] : memref<6x256x64xf32, #tpu.memory_space<vmem>> -> memref<1x128x64xf32, #tpu.memory_space<vmem>>
        %dma_start3A_921 = tpu.memref_squeeze %dma_start3A_920 : memref<1x128x64xf32, #tpu.memory_space<vmem>> -> memref<128x64xf32, #tpu.memory_space<vmem>>
        %dma_start3A_922 = arith.constant 0 : i32
        %dma_start3A_923 = tpu.memref_slice %arg5[%add3A_917, %dma_start3A_922] : memref<200x128xi32, #tpu.memory_space<vmem>> -> memref<1x128xi32, #tpu.memory_space<vmem>>
        %dma_start3A_924 = tpu.memref_squeeze %dma_start3A_923 : memref<1x128xi32, #tpu.memory_space<vmem>> -> memref<128xi32, #tpu.memory_space<vmem>>
        %dma_start3A_925 = arith.constant 0 : i32
        %dma_start3A_926 = arith.constant 0 : i32
        %dma_start3A_927 = tpu.memref_slice %arg3[%dma_start3A_925, %dma_start3A_926] : memref<1000000x64xf32, #tpu.memory_space<hbm>> -> memref<1000000x64xf32, #tpu.memory_space<hbm>>
        tpu.enqueue_indirect_dma source(%dma_start3A_927 : memref<1000000x64xf32, #tpu.memory_space<hbm>>) target(%dma_start3A_921 : memref<128x64xf32, #tpu.memory_space<vmem>>) offsets(%dma_start3A_924 : memref<128xi32, #tpu.memory_space<vmem>>) semaphore(%arg7 : memref<!tpu.dma_semaphore, #tpu.memory_space<semaphore_mem>>)
      } else {
      }
      %mul3A_775 = arith.constant 2 : i32
      %mul3A_776 = arith.muli %scan3A_757, %mul3A_775 : i32
      %add3A_777 = arith.constant 0 : i32
      %add3A_778 = arith.addi %mul3A_776, %add3A_777 : i32
      %dma_wait3A_779 = arith.constant 0 : i32
      %dma_wait3A_780 = arith.constant 0 : i32
      %dma_wait3A_781 = tpu.memref_slice %arg6[%rem3A_759, %dma_wait3A_779, %dma_wait3A_780] : memref<6x256x64xf32, #tpu.memory_space<vmem>> -> memref<1x128x64xf32, #tpu.memory_space<vmem>>
      %dma_wait3A_782 = tpu.memref_squeeze %dma_wait3A_781 : memref<1x128x64xf32, #tpu.memory_space<vmem>> -> memref<128x64xf32, #tpu.memory_space<vmem>>
      %dma_wait3A_783 = arith.constant 0 : i32
      %dma_wait3A_784 = tpu.memref_slice %arg5[%add3A_778, %dma_wait3A_783] : memref<200x128xi32, #tpu.memory_space<vmem>> -> memref<1x128xi32, #tpu.memory_space<vmem>>
      %dma_wait3A_785 = tpu.memref_squeeze %dma_wait3A_784 : memref<1x128xi32, #tpu.memory_space<vmem>> -> memref<128xi32, #tpu.memory_space<vmem>>
      %dma_wait3A_786 = arith.constant 0 : i32
      %dma_wait3A_787 = arith.constant 0 : i32
      %dma_wait3A_788 = tpu.memref_slice %arg3[%dma_wait3A_786, %dma_wait3A_787] : memref<1000000x64xf32, #tpu.memory_space<hbm>> -> memref<1000000x64xf32, #tpu.memory_space<hbm>>
      tpu.wait_indirect_dma semaphore(%arg7 : memref<!tpu.dma_semaphore, #tpu.memory_space<semaphore_mem>>) src(%dma_wait3A_788 : memref<1000000x64xf32, #tpu.memory_space<hbm>>) dst(%dma_wait3A_782 : memref<128x64xf32, #tpu.memory_space<vmem>>)
      %mul3A_789 = arith.constant 2 : i32
      %mul3A_790 = arith.muli %scan3A_757, %mul3A_789 : i32
      %add3A_791 = arith.constant 1 : i32
      %add3A_792 = arith.addi %mul3A_790, %add3A_791 : i32
      %dma_wait3A_793 = arith.constant 128 : i32
      %dma_wait3A_794 = arith.constant 0 : i32
      %dma_wait3A_795 = tpu.memref_slice %arg6[%rem3A_759, %dma_wait3A_793, %dma_wait3A_794] : memref<6x256x64xf32, #tpu.memory_space<vmem>> -> memref<1x128x64xf32, #tpu.memory_space<vmem>>
      %dma_wait3A_796 = tpu.memref_squeeze %dma_wait3A_795 : memref<1x128x64xf32, #tpu.memory_space<vmem>> -> memref<128x64xf32, #tpu.memory_space<vmem>>
      %dma_wait3A_797 = arith.constant 0 : i32
      %dma_wait3A_798 = tpu.memref_slice %arg5[%add3A_792, %dma_wait3A_797] : memref<200x128xi32, #tpu.memory_space<vmem>> -> memref<1x128xi32, #tpu.memory_space<vmem>>
      %dma_wait3A_799 = tpu.memref_squeeze %dma_wait3A_798 : memref<1x128xi32, #tpu.memory_space<vmem>> -> memref<128xi32, #tpu.memory_space<vmem>>
      %dma_wait3A_800 = arith.constant 0 : i32
      %dma_wait3A_801 = arith.constant 0 : i32
      %dma_wait3A_802 = tpu.memref_slice %arg3[%dma_wait3A_800, %dma_wait3A_801] : memref<1000000x64xf32, #tpu.memory_space<hbm>> -> memref<1000000x64xf32, #tpu.memory_space<hbm>>
      tpu.wait_indirect_dma semaphore(%arg7 : memref<!tpu.dma_semaphore, #tpu.memory_space<semaphore_mem>>) src(%dma_wait3A_802 : memref<1000000x64xf32, #tpu.memory_space<hbm>>) dst(%dma_wait3A_796 : memref<128x64xf32, #tpu.memory_space<vmem>>)
      %scan3A_803 = arith.constant 0 : i32
      %scan3A_804 = arith.constant 0 : i32
      %scan3A_805 = arith.constant 128 : i32
      %scan3A_806 = arith.addi %scan3A_804, %scan3A_805 : i32
      %scan3A_807 = arith.constant 1 : i32
      scf.for %scan3A_892 = %scan3A_804 to %scan3A_806 step %scan3A_807  : i32 {
        %mul3A_893 = arith.constant 2 : i32
        %mul3A_894 = arith.muli %mul3A_893, %scan3A_892 : i32
        %add3A_895 = arith.constant 0 : i32
        %add3A_896 = arith.addi %mul3A_894, %add3A_895 : i32
        %get3A = arith.index_cast %rem3A_759 : i32 to index
        %get3A_897 = arith.index_cast %add3A_896 : i32 to index
        %get3A_898 = arith.constant 0 : index
        %get3A_899 = tpu.vector_load %arg6[%get3A, %get3A_897, %get3A_898] {strides = array<i32>} : memref<6x256x64xf32, #tpu.memory_space<vmem>>, vector<1x1x16xf32>,
        %get3A_900 = vector.shape_cast %get3A_899 : vector<1x1x16xf32> to vector<16xf32>
        %mul3A_901 = arith.constant 1.000000e+00 : f32
        %mul3A_902 = vector.broadcast %mul3A_901 : f32 to vector<16xf32>
        %mul3A_903 = arith.mulf %get3A_900, %mul3A_902 : vector<16xf32>
        %mul3A_904 = arith.constant 2 : i32
        %mul3A_905 = arith.muli %mul3A_904, %scan3A_892 : i32
        %add3A_906 = arith.constant 0 : i32
        %add3A_907 = arith.addi %mul3A_905, %add3A_906 : i32
        %swap3A = arith.index_cast %rem3A_759 : i32 to index
        %swap3A_908 = arith.index_cast %add3A_907 : i32 to index
        %swap3A_909 = arith.constant 0 : index
        %swap3A_910 = tpu.vector_load %arg6[%swap3A, %swap3A_908, %swap3A_909] {strides = array<i32>} : memref<6x256x64xf32, #tpu.memory_space<vmem>>, vector<1x1x16xf32>,
        %swap3A_911 = vector.shape_cast %swap3A_910 : vector<1x1x16xf32> to vector<16xf32>
        %swap3A_912 = vector.shape_cast %mul3A_903 : vector<16xf32> to vector<1x1x16xf32>
        tpu.vector_store %arg6[%swap3A, %swap3A_908, %swap3A_909], %swap3A_912 {strides = array<i32>} : memref<6x256x64xf32, #tpu.memory_space<vmem>>, vector<1x1x16xf32>,
        %mul3A_913 = arith.constant 2 : i32
        %mul3A_914 = arith.muli %mul3A_913, %scan3A_892 : i32
        %add3A_915 = arith.constant 0 : i32
        %add3A_916 = arith.addi %mul3A_914, %add3A_915 : i32
        %get3A_917 = arith.index_cast %rem3A_759 : i32 to index
        %get3A_918 = arith.index_cast %add3A_916 : i32 to index
        %get3A_919 = arith.constant 16 : index
        %get3A_920 = tpu.vector_load %arg6[%get3A_917, %get3A_918, %get3A_919] {strides = array<i32>} : memref<6x256x64xf32, #tpu.memory_space<vmem>>, vector<1x1x16xf32>,
        %get3A_921 = vector.shape_cast %get3A_920 : vector<1x1x16xf32> to vector<16xf32>
        %mul3A_922 = arith.constant 1.000000e+00 : f32
        %mul3A_923 = vector.broadcast %mul3A_922 : f32 to vector<16xf32>
        %mul3A_924 = arith.mulf %get3A_921, %mul3A_923 : vector<16xf32>
        %mul3A_925 = arith.constant 2 : i32
        %mul3A_926 = arith.muli %mul3A_925, %scan3A_892 : i32
        %add3A_927 = arith.constant 0 : i32
        %add3A_928 = arith.addi %mul3A_926, %add3A_927 : i32
        %swap3A_929 = arith.index_cast %rem3A_759 : i32 to index
        %swap3A_930 = arith.index_cast %add3A_928 : i32 to index
        %swap3A_931 = arith.constant 16 : index
        %swap3A_932 = tpu.vector_load %arg6[%swap3A_929, %swap3A_930, %swap3A_931] {strides = array<i32>} : memref<6x256x64xf32, #tpu.memory_space<vmem>>, vector<1x1x16xf32>,
        %swap3A_933 = vector.shape_cast %swap3A_932 : vector<1x1x16xf32> to vector<16xf32>
        %swap3A_934 = vector.shape_cast %mul3A_924 : vector<16xf32> to vector<1x1x16xf32>
        tpu.vector_store %arg6[%swap3A_929, %swap3A_930, %swap3A_931], %swap3A_934 {strides = array<i32>} : memref<6x256x64xf32, #tpu.memory_space<vmem>>, vector<1x1x16xf32>,
        %mul3A_935 = arith.constant 2 : i32
        %mul3A_936 = arith.muli %mul3A_935, %scan3A_892 : i32
        %add3A_937 = arith.constant 0 : i32
        %add3A_938 = arith.addi %mul3A_936, %add3A_937 : i32
        %get3A_939 = arith.index_cast %rem3A_759 : i32 to index
        %get3A_940 = arith.index_cast %add3A_938 : i32 to index
        %get3A_941 = arith.constant 32 : index
        %get3A_942 = tpu.vector_load %arg6[%get3A_939, %get3A_940, %get3A_941] {strides = array<i32>} : memref<6x256x64xf32, #tpu.memory_space<vmem>>, vector<1x1x16xf32>,
        %get3A_943 = vector.shape_cast %get3A_942 : vector<1x1x16xf32> to vector<16xf32>
        %mul3A_944 = arith.constant 1.000000e+00 : f32
        %mul3A_945 = vector.broadcast %mul3A_944 : f32 to vector<16xf32>
        %mul3A_946 = arith.mulf %get3A_943, %mul3A_945 : vector<16xf32>
        %mul3A_947 = arith.constant 2 : i32
        %mul3A_948 = arith.muli %mul3A_947, %scan3A_892 : i32
        %add3A_949 = arith.constant 0 : i32
        %add3A_950 = arith.addi %mul3A_948, %add3A_949 : i32
        %swap3A_951 = arith.index_cast %rem3A_759 : i32 to index
        %swap3A_952 = arith.index_cast %add3A_950 : i32 to index
        %swap3A_953 = arith.constant 32 : index
        %swap3A_954 = tpu.vector_load %arg6[%swap3A_951, %swap3A_952, %swap3A_953] {strides = array<i32>} : memref<6x256x64xf32, #tpu.memory_space<vmem>>, vector<1x1x16xf32>,
        %swap3A_955 = vector.shape_cast %swap3A_954 : vector<1x1x16xf32> to vector<16xf32>
        %swap3A_956 = vector.shape_cast %mul3A_946 : vector<16xf32> to vector<1x1x16xf32>
        tpu.vector_store %arg6[%swap3A_951, %swap3A_952, %swap3A_953], %swap3A_956 {strides = array<i32>} : memref<6x256x64xf32, #tpu.memory_space<vmem>>, vector<1x1x16xf32>,
        %mul3A_957 = arith.constant 2 : i32
        %mul3A_958 = arith.muli %mul3A_957, %scan3A_892 : i32
        %add3A_959 = arith.constant 0 : i32
        %add3A_960 = arith.addi %mul3A_958, %add3A_959 : i32
        %get3A_961 = arith.index_cast %rem3A_759 : i32 to index
        %get3A_962 = arith.index_cast %add3A_960 : i32 to index
        %get3A_963 = arith.constant 48 : index
        %get3A_964 = tpu.vector_load %arg6[%get3A_961, %get3A_962, %get3A_963] {strides = array<i32>} : memref<6x256x64xf32, #tpu.memory_space<vmem>>, vector<1x1x16xf32>,
        %get3A_965 = vector.shape_cast %get3A_964 : vector<1x1x16xf32> to vector<16xf32>
        %mul3A_966 = arith.constant 1.000000e+00 : f32
        %mul3A_967 = vector.broadcast %mul3A_966 : f32 to vector<16xf32>
        %mul3A_968 = arith.mulf %get3A_965, %mul3A_967 : vector<16xf32>
        %mul3A_969 = arith.constant 2 : i32
        %mul3A_970 = arith.muli %mul3A_969, %scan3A_892 : i32
        %add3A_971 = arith.constant 0 : i32
        %add3A_972 = arith.addi %mul3A_970, %add3A_971 : i32
        %swap3A_973 = arith.index_cast %rem3A_759 : i32 to index
        %swap3A_974 = arith.index_cast %add3A_972 : i32 to index
        %swap3A_975 = arith.constant 48 : index
        %swap3A_976 = tpu.vector_load %arg6[%swap3A_973, %swap3A_974, %swap3A_975] {strides = array<i32>} : memref<6x256x64xf32, #tpu.memory_space<vmem>>, vector<1x1x16xf32>,
        %swap3A_977 = vector.shape_cast %swap3A_976 : vector<1x1x16xf32> to vector<16xf32>
        %swap3A_978 = vector.shape_cast %mul3A_968 : vector<16xf32> to vector<1x1x16xf32>
        tpu.vector_store %arg6[%swap3A_973, %swap3A_974, %swap3A_975], %swap3A_978 {strides = array<i32>} : memref<6x256x64xf32, #tpu.memory_space<vmem>>, vector<1x1x16xf32>,
        %mul3A_979 = arith.constant 2 : i32
        %mul3A_980 = arith.muli %mul3A_979, %scan3A_892 : i32
        %add3A_981 = arith.constant 1 : i32
        %add3A_982 = arith.addi %mul3A_980, %add3A_981 : i32
        %get3A_983 = arith.index_cast %rem3A_759 : i32 to index
        %get3A_984 = arith.index_cast %add3A_982 : i32 to index
        %get3A_985 = arith.constant 0 : index
        %get3A_986 = tpu.vector_load %arg6[%get3A_983, %get3A_984, %get3A_985] {strides = array<i32>} : memref<6x256x64xf32, #tpu.memory_space<vmem>>, vector<1x1x16xf32>,
        %get3A_987 = vector.shape_cast %get3A_986 : vector<1x1x16xf32> to vector<16xf32>
        %mul3A_988 = arith.constant 1.000000e+00 : f32
        %mul3A_989 = vector.broadcast %mul3A_988 : f32 to vector<16xf32>
        %mul3A_990 = arith.mulf %get3A_987, %mul3A_989 : vector<16xf32>
        %mul3A_991 = arith.constant 2 : i32
        %mul3A_992 = arith.muli %mul3A_991, %scan3A_892 : i32
        %add3A_993 = arith.constant 1 : i32
        %add3A_994 = arith.addi %mul3A_992, %add3A_993 : i32
        %swap3A_995 = arith.index_cast %rem3A_759 : i32 to index
        %swap3A_996 = arith.index_cast %add3A_994 : i32 to index
        %swap3A_997 = arith.constant 0 : index
        %swap3A_998 = tpu.vector_load %arg6[%swap3A_995, %swap3A_996, %swap3A_997] {strides = array<i32>} : memref<6x256x64xf32, #tpu.memory_space<vmem>>, vector<1x1x16xf32>,
        %swap3A_999 = vector.shape_cast %swap3A_998 : vector<1x1x16xf32> to vector<16xf32>
        %swap3A_1000 = vector.shape_cast %mul3A_990 : vector<16xf32> to vector<1x1x16xf32>
        tpu.vector_store %arg6[%swap3A_995, %swap3A_996, %swap3A_997], %swap3A_1000 {strides = array<i32>} : memref<6x256x64xf32, #tpu.memory_space<vmem>>, vector<1x1x16xf32>,
        %mul3A_1001 = arith.constant 2 : i32
        %mul3A_1002 = arith.muli %mul3A_1001, %scan3A_892 : i32
        %add3A_1003 = arith.constant 1 : i32
        %add3A_1004 = arith.addi %mul3A_1002, %add3A_1003 : i32
        %get3A_1005 = arith.index_cast %rem3A_759 : i32 to index
        %get3A_1006 = arith.index_cast %add3A_1004 : i32 to index
        %get3A_1007 = arith.constant 16 : index
        %get3A_1008 = tpu.vector_load %arg6[%get3A_1005, %get3A_1006, %get3A_1007] {strides = array<i32>} : memref<6x256x64xf32, #tpu.memory_space<vmem>>, vector<1x1x16xf32>,
        %get3A_1009 = vector.shape_cast %get3A_1008 : vector<1x1x16xf32> to vector<16xf32>
        %mul3A_1010 = arith.constant 1.000000e+00 : f32
        %mul3A_1011 = vector.broadcast %mul3A_1010 : f32 to vector<16xf32>
        %mul3A_1012 = arith.mulf %get3A_1009, %mul3A_1011 : vector<16xf32>
        %mul3A_1013 = arith.constant 2 : i32
        %mul3A_1014 = arith.muli %mul3A_1013, %scan3A_892 : i32
        %add3A_1015 = arith.constant 1 : i32
        %add3A_1016 = arith.addi %mul3A_1014, %add3A_1015 : i32
        %swap3A_1017 = arith.index_cast %rem3A_759 : i32 to index
        %swap3A_1018 = arith.index_cast %add3A_1016 : i32 to index
        %swap3A_1019 = arith.constant 16 : index
        %swap3A_1020 = tpu.vector_load %arg6[%swap3A_1017, %swap3A_1018, %swap3A_1019] {strides = array<i32>} : memref<6x256x64xf32, #tpu.memory_space<vmem>>, vector<1x1x16xf32>,
        %swap3A_1021 = vector.shape_cast %swap3A_1020 : vector<1x1x16xf32> to vector<16xf32>
        %swap3A_1022 = vector.shape_cast %mul3A_1012 : vector<16xf32> to vector<1x1x16xf32>
        tpu.vector_store %arg6[%swap3A_1017, %swap3A_1018, %swap3A_1019], %swap3A_1022 {strides = array<i32>} : memref<6x256x64xf32, #tpu.memory_space<vmem>>, vector<1x1x16xf32>,
        %mul3A_1023 = arith.constant 2 : i32
        %mul3A_1024 = arith.muli %mul3A_1023, %scan3A_892 : i32
        %add3A_1025 = arith.constant 1 : i32
        %add3A_1026 = arith.addi %mul3A_1024, %add3A_1025 : i32
        %get3A_1027 = arith.index_cast %rem3A_759 : i32 to index
        %get3A_1028 = arith.index_cast %add3A_1026 : i32 to index
        %get3A_1029 = arith.constant 32 : index
        %get3A_1030 = tpu.vector_load %arg6[%get3A_1027, %get3A_1028, %get3A_1029] {strides = array<i32>} : memref<6x256x64xf32, #tpu.memory_space<vmem>>, vector<1x1x16xf32>,
        %get3A_1031 = vector.shape_cast %get3A_1030 : vector<1x1x16xf32> to vector<16xf32>
        %mul3A_1032 = arith.constant 1.000000e+00 : f32
        %mul3A_1033 = vector.broadcast %mul3A_1032 : f32 to vector<16xf32>
        %mul3A_1034 = arith.mulf %get3A_1031, %mul3A_1033 : vector<16xf32>
        %mul3A_1035 = arith.constant 2 : i32
        %mul3A_1036 = arith.muli %mul3A_1035, %scan3A_892 : i32
        %add3A_1037 = arith.constant 1 : i32
        %add3A_1038 = arith.addi %mul3A_1036, %add3A_1037 : i32
        %swap3A_1039 = arith.index_cast %rem3A_759 : i32 to index
        %swap3A_1040 = arith.index_cast %add3A_1038 : i32 to index
        %swap3A_1041 = arith.constant 32 : index
        %swap3A_1042 = tpu.vector_load %arg6[%swap3A_1039, %swap3A_1040, %swap3A_1041] {strides = array<i32>} : memref<6x256x64xf32, #tpu.memory_space<vmem>>, vector<1x1x16xf32>,
        %swap3A_1043 = vector.shape_cast %swap3A_1042 : vector<1x1x16xf32> to vector<16xf32>
        %swap3A_1044 = vector.shape_cast %mul3A_1034 : vector<16xf32> to vector<1x1x16xf32>
        tpu.vector_store %arg6[%swap3A_1039, %swap3A_1040, %swap3A_1041], %swap3A_1044 {strides = array<i32>} : memref<6x256x64xf32, #tpu.memory_space<vmem>>, vector<1x1x16xf32>,
        %mul3A_1045 = arith.constant 2 : i32
        %mul3A_1046 = arith.muli %mul3A_1045, %scan3A_892 : i32
        %add3A_1047 = arith.constant 1 : i32
        %add3A_1048 = arith.addi %mul3A_1046, %add3A_1047 : i32
        %get3A_1049 = arith.index_cast %rem3A_759 : i32 to index
        %get3A_1050 = arith.index_cast %add3A_1048 : i32 to index
        %get3A_1051 = arith.constant 48 : index
        %get3A_1052 = tpu.vector_load %arg6[%get3A_1049, %get3A_1050, %get3A_1051] {strides = array<i32>} : memref<6x256x64xf32, #tpu.memory_space<vmem>>, vector<1x1x16xf32>,
        %get3A_1053 = vector.shape_cast %get3A_1052 : vector<1x1x16xf32> to vector<16xf32>
        %mul3A_1054 = arith.constant 1.000000e+00 : f32
        %mul3A_1055 = vector.broadcast %mul3A_1054 : f32 to vector<16xf32>
        %mul3A_1056 = arith.mulf %get3A_1053, %mul3A_1055 : vector<16xf32>
        %mul3A_1057 = arith.constant 2 : i32
        %mul3A_1058 = arith.muli %mul3A_1057, %scan3A_892 : i32
        %add3A_1059 = arith.constant 1 : i32
        %add3A_1060 = arith.addi %mul3A_1058, %add3A_1059 : i32
        %swap3A_1061 = arith.index_cast %rem3A_759 : i32 to index
        %swap3A_1062 = arith.index_cast %add3A_1060 : i32 to index
        %swap3A_1063 = arith.constant 48 : index
        %swap3A_1064 = tpu.vector_load %arg6[%swap3A_1061, %swap3A_1062, %swap3A_1063] {strides = array<i32>} : memref<6x256x64xf32, #tpu.memory_space<vmem>>, vector<1x1x16xf32>,
        %swap3A_1065 = vector.shape_cast %swap3A_1064 : vector<1x1x16xf32> to vector<16xf32>
        %swap3A_1066 = vector.shape_cast %mul3A_1056 : vector<16xf32> to vector<1x1x16xf32>
        tpu.vector_store %arg6[%swap3A_1061, %swap3A_1062, %swap3A_1063], %swap3A_1066 {strides = array<i32>} : memref<6x256x64xf32, #tpu.memory_space<vmem>>, vector<1x1x16xf32>,
      }
      %scan3A_808 = arith.constant 128 : i32
      %mul3A_809 = arith.constant 256 : i32
      %mul3A_810 = arith.muli %scan3A_757, %mul3A_809 : i32
      %add3A_811 = arith.addi %mul3A_2, %mul3A_810 : i32
      %dma_start3A_812 = arith.constant 0 : i32
      %dma_start3A_813 = arith.constant 0 : i32
      %dma_start3A_814 = tpu.memref_slice %arg6[%rem3A_759, %dma_start3A_812, %dma_start3A_813] : memref<6x256x64xf32, #tpu.memory_space<vmem>> -> memref<1x256x64xf32, #tpu.memory_space<vmem>>
      %dma_start3A_815 = tpu.memref_squeeze %dma_start3A_814 : memref<1x256x64xf32, #tpu.memory_space<vmem>> -> memref<256x64xf32, #tpu.memory_space<vmem>>
      %dma_start3A_816 = arith.constant 0 : i32
      %dma_start3A_817 = tpu.memref_slice %arg4[%add3A_811, %dma_start3A_816] : memref<819200x128xf32, #tpu.memory_space<hbm>> -> memref<256x64xf32, #tpu.memory_space<hbm>>
      %dma_start3A_818 = arith.constant 0 : i32
      %dma_start3A_819 = tpu.memref_slice %arg4[%add3A_811, %dma_start3A_818] : memref<819200x128xf32, #tpu.memory_space<hbm>> -> memref<256x64xf32, #tpu.memory_space<hbm>>
      %dma_start3A_820 = arith.constant 0 : i32
      %dma_start3A_821 = arith.constant 0 : i32
      %dma_start3A_822 = tpu.memref_slice %arg6[%rem3A_759, %dma_start3A_820, %dma_start3A_821] : memref<6x256x64xf32, #tpu.memory_space<vmem>> -> memref<1x256x64xf32, #tpu.memory_space<vmem>>
      %dma_start3A_823 = tpu.memref_squeeze %dma_start3A_822 : memref<1x256x64xf32, #tpu.memory_space<vmem>> -> memref<256x64xf32, #tpu.memory_space<vmem>>
      tpu.enqueue_dma source(%dma_start3A_823 : memref<256x64xf32, #tpu.memory_space<vmem>>) target(%dma_start3A_819 : memref<256x64xf32, #tpu.memory_space<hbm>>) target_semaphore(%arg8 : memref<!tpu.dma_semaphore, #tpu.memory_space<semaphore_mem>>)
      %scan3A_824 = arith.constant 5 : i32
      %scan3A_825 = arith.addi %scan3A_485, %scan3A_824 : i32
      %rem3A_826 = arith.constant 6 : i32
      %rem3A_827 = arith.remsi %scan3A_825, %rem3A_826 : i32
      %add3A_828 = arith.constant 6 : i32
      %add3A_829 = arith.addi %scan3A_825, %add3A_828 : i32
      %sub3A_830 = arith.constant 1 : i32
      %sub3A_831 = arith.subi %add3A_829, %sub3A_830 : i32
      %rem3A_832 = arith.constant 6 : i32
      %rem3A_833 = arith.remsi %sub3A_831, %rem3A_832 : i32
      %add3A_834 = arith.constant 6 : i32
      %add3A_835 = arith.addi %scan3A_825, %add3A_834 : i32
      %sub3A_836 = arith.constant 1 : i32
      %sub3A_837 = arith.subi %add3A_835, %sub3A_836 : i32
      %lt3A_838 = arith.constant 100 : i32
      %lt3A_839 = arith.cmpi slt, %sub3A_837, %lt3A_838 : i32
      %convert_element_type3A_840 = arith.extui %lt3A_839 : i1 to i32
      %cond3A_841 = arith.constant 0 : i32
      %cond3A_842 = arith.cmpi ne, %convert_element_type3A_840, %cond3A_841 : i32
      scf.if %cond3A_842 {
        %ge3A = arith.constant 1 : i32
        %ge3A_892 = arith.cmpi sge, %scan3A_825, %ge3A : i32
        %convert_element_type3A_893 = arith.extui %ge3A_892 : i1 to i32
        %cond3A_894 = arith.constant 0 : i32
        %cond3A_895 = arith.cmpi ne, %convert_element_type3A_893, %cond3A_894 : i32
        scf.if %cond3A_895 {
          %sub3A_928 = arith.constant 1 : i32
          %sub3A_929 = arith.subi %scan3A_825, %sub3A_928 : i32
          %mul3A_930 = arith.constant 256 : i32
          %mul3A_931 = arith.muli %sub3A_929, %mul3A_930 : i32
          %add3A_932 = arith.addi %mul3A_2, %mul3A_931 : i32
          %dma_wait3A_933 = arith.constant 0 : i32
          %dma_wait3A_934 = arith.constant 0 : i32
          %dma_wait3A_935 = tpu.memref_slice %arg6[%rem3A_833, %dma_wait3A_933, %dma_wait3A_934] : memref<6x256x64xf32, #tpu.memory_space<vmem>> -> memref<1x256x64xf32, #tpu.memory_space<vmem>>
          %dma_wait3A_936 = tpu.memref_squeeze %dma_wait3A_935 : memref<1x256x64xf32, #tpu.memory_space<vmem>> -> memref<256x64xf32, #tpu.memory_space<vmem>>
          %dma_wait3A_937 = arith.constant 0 : i32
          %dma_wait3A_938 = tpu.memref_slice %arg4[%add3A_932, %dma_wait3A_937] : memref<819200x128xf32, #tpu.memory_space<hbm>> -> memref<256x64xf32, #tpu.memory_space<hbm>>
          %dma_wait3A_939 = arith.constant 0 : i32
          %dma_wait3A_940 = tpu.memref_slice %arg4[%add3A_932, %dma_wait3A_939] : memref<819200x128xf32, #tpu.memory_space<hbm>> -> memref<256x64xf32, #tpu.memory_space<hbm>>
          %dma_wait3A_941 = arith.constant 0 : i32
          %dma_wait3A_942 = arith.constant 0 : i32
          %dma_wait3A_943 = tpu.memref_slice %arg6[%rem3A_833, %dma_wait3A_941, %dma_wait3A_942] : memref<6x256x64xf32, #tpu.memory_space<vmem>> -> memref<1x256x64xf32, #tpu.memory_space<vmem>>
          %dma_wait3A_944 = tpu.memref_squeeze %dma_wait3A_943 : memref<1x256x64xf32, #tpu.memory_space<vmem>> -> memref<256x64xf32, #tpu.memory_space<vmem>>
          tpu.wait_dma2 semaphore(%arg8 : memref<!tpu.dma_semaphore, #tpu.memory_space<semaphore_mem>>) src(%dma_wait3A_944 : memref<256x64xf32, #tpu.memory_space<vmem>>) dst(%dma_wait3A_940 : memref<256x64xf32, #tpu.memory_space<hbm>>)
        } else {
        }
        %add3A_896 = arith.constant 6 : i32
        %add3A_897 = arith.addi %scan3A_825, %add3A_896 : i32
        %sub3A_898 = arith.constant 1 : i32
        %sub3A_899 = arith.subi %add3A_897, %sub3A_898 : i32
        %mul3A_900 = arith.constant 2 : i32
        %mul3A_901 = arith.muli %sub3A_899, %mul3A_900 : i32
        %add3A_902 = arith.constant 0 : i32
        %add3A_903 = arith.addi %mul3A_901, %add3A_902 : i32
        %dma_start3A_904 = arith.constant 0 : i32
        %dma_start3A_905 = arith.constant 0 : i32
        %dma_start3A_906 = tpu.memref_slice %arg6[%rem3A_833, %dma_start3A_904, %dma_start3A_905] : memref<6x256x64xf32, #tpu.memory_space<vmem>> -> memref<1x128x64xf32, #tpu.memory_space<vmem>>
        %dma_start3A_907 = tpu.memref_squeeze %dma_start3A_906 : memref<1x128x64xf32, #tpu.memory_space<vmem>> -> memref<128x64xf32, #tpu.memory_space<vmem>>
        %dma_start3A_908 = arith.constant 0 : i32
        %dma_start3A_909 = tpu.memref_slice %arg5[%add3A_903, %dma_start3A_908] : memref<200x128xi32, #tpu.memory_space<vmem>> -> memref<1x128xi32, #tpu.memory_space<vmem>>
        %dma_start3A_910 = tpu.memref_squeeze %dma_start3A_909 : memref<1x128xi32, #tpu.memory_space<vmem>> -> memref<128xi32, #tpu.memory_space<vmem>>
        %dma_start3A_911 = arith.constant 0 : i32
        %dma_start3A_912 = arith.constant 0 : i32
        %dma_start3A_913 = tpu.memref_slice %arg3[%dma_start3A_911, %dma_start3A_912] : memref<1000000x64xf32, #tpu.memory_space<hbm>> -> memref<1000000x64xf32, #tpu.memory_space<hbm>>
        tpu.enqueue_indirect_dma source(%dma_start3A_913 : memref<1000000x64xf32, #tpu.memory_space<hbm>>) target(%dma_start3A_907 : memref<128x64xf32, #tpu.memory_space<vmem>>) offsets(%dma_start3A_910 : memref<128xi32, #tpu.memory_space<vmem>>) semaphore(%arg7 : memref<!tpu.dma_semaphore, #tpu.memory_space<semaphore_mem>>)
        %mul3A_914 = arith.constant 2 : i32
        %mul3A_915 = arith.muli %sub3A_899, %mul3A_914 : i32
        %add3A_916 = arith.constant 1 : i32
        %add3A_917 = arith.addi %mul3A_915, %add3A_916 : i32
        %dma_start3A_918 = arith.constant 128 : i32
        %dma_start3A_919 = arith.constant 0 : i32
        %dma_start3A_920 = tpu.memref_slice %arg6[%rem3A_833, %dma_start3A_918, %dma_start3A_919] : memref<6x256x64xf32, #tpu.memory_space<vmem>> -> memref<1x128x64xf32, #tpu.memory_space<vmem>>
        %dma_start3A_921 = tpu.memref_squeeze %dma_start3A_920 : memref<1x128x64xf32, #tpu.memory_space<vmem>> -> memref<128x64xf32, #tpu.memory_space<vmem>>
        %dma_start3A_922 = arith.constant 0 : i32
        %dma_start3A_923 = tpu.memref_slice %arg5[%add3A_917, %dma_start3A_922] : memref<200x128xi32, #tpu.memory_space<vmem>> -> memref<1x128xi32, #tpu.memory_space<vmem>>
        %dma_start3A_924 = tpu.memref_squeeze %dma_start3A_923 : memref<1x128xi32, #tpu.memory_space<vmem>> -> memref<128xi32, #tpu.memory_space<vmem>>
        %dma_start3A_925 = arith.constant 0 : i32
        %dma_start3A_926 = arith.constant 0 : i32
        %dma_start3A_927 = tpu.memref_slice %arg3[%dma_start3A_925, %dma_start3A_926] : memref<1000000x64xf32, #tpu.memory_space<hbm>> -> memref<1000000x64xf32, #tpu.memory_space<hbm>>
        tpu.enqueue_indirect_dma source(%dma_start3A_927 : memref<1000000x64xf32, #tpu.memory_space<hbm>>) target(%dma_start3A_921 : memref<128x64xf32, #tpu.memory_space<vmem>>) offsets(%dma_start3A_924 : memref<128xi32, #tpu.memory_space<vmem>>) semaphore(%arg7 : memref<!tpu.dma_semaphore, #tpu.memory_space<semaphore_mem>>)
      } else {
      }
      %mul3A_843 = arith.constant 2 : i32
      %mul3A_844 = arith.muli %scan3A_825, %mul3A_843 : i32
      %add3A_845 = arith.constant 0 : i32
      %add3A_846 = arith.addi %mul3A_844, %add3A_845 : i32
      %dma_wait3A_847 = arith.constant 0 : i32
      %dma_wait3A_848 = arith.constant 0 : i32
      %dma_wait3A_849 = tpu.memref_slice %arg6[%rem3A_827, %dma_wait3A_847, %dma_wait3A_848] : memref<6x256x64xf32, #tpu.memory_space<vmem>> -> memref<1x128x64xf32, #tpu.memory_space<vmem>>
      %dma_wait3A_850 = tpu.memref_squeeze %dma_wait3A_849 : memref<1x128x64xf32, #tpu.memory_space<vmem>> -> memref<128x64xf32, #tpu.memory_space<vmem>>
      %dma_wait3A_851 = arith.constant 0 : i32
      %dma_wait3A_852 = tpu.memref_slice %arg5[%add3A_846, %dma_wait3A_851] : memref<200x128xi32, #tpu.memory_space<vmem>> -> memref<1x128xi32, #tpu.memory_space<vmem>>
      %dma_wait3A_853 = tpu.memref_squeeze %dma_wait3A_852 : memref<1x128xi32, #tpu.memory_space<vmem>> -> memref<128xi32, #tpu.memory_space<vmem>>
      %dma_wait3A_854 = arith.constant 0 : i32
      %dma_wait3A_855 = arith.constant 0 : i32
      %dma_wait3A_856 = tpu.memref_slice %arg3[%dma_wait3A_854, %dma_wait3A_855] : memref<1000000x64xf32, #tpu.memory_space<hbm>> -> memref<1000000x64xf32, #tpu.memory_space<hbm>>
      tpu.wait_indirect_dma semaphore(%arg7 : memref<!tpu.dma_semaphore, #tpu.memory_space<semaphore_mem>>) src(%dma_wait3A_856 : memref<1000000x64xf32, #tpu.memory_space<hbm>>) dst(%dma_wait3A_850 : memref<128x64xf32, #tpu.memory_space<vmem>>)
      %mul3A_857 = arith.constant 2 : i32
      %mul3A_858 = arith.muli %scan3A_825, %mul3A_857 : i32
      %add3A_859 = arith.constant 1 : i32
      %add3A_860 = arith.addi %mul3A_858, %add3A_859 : i32
      %dma_wait3A_861 = arith.constant 128 : i32
      %dma_wait3A_862 = arith.constant 0 : i32
      %dma_wait3A_863 = tpu.memref_slice %arg6[%rem3A_827, %dma_wait3A_861, %dma_wait3A_862] : memref<6x256x64xf32, #tpu.memory_space<vmem>> -> memref<1x128x64xf32, #tpu.memory_space<vmem>>
      %dma_wait3A_864 = tpu.memref_squeeze %dma_wait3A_863 : memref<1x128x64xf32, #tpu.memory_space<vmem>> -> memref<128x64xf32, #tpu.memory_space<vmem>>
      %dma_wait3A_865 = arith.constant 0 : i32
      %dma_wait3A_866 = tpu.memref_slice %arg5[%add3A_860, %dma_wait3A_865] : memref<200x128xi32, #tpu.memory_space<vmem>> -> memref<1x128xi32, #tpu.memory_space<vmem>>
      %dma_wait3A_867 = tpu.memref_squeeze %dma_wait3A_866 : memref<1x128xi32, #tpu.memory_space<vmem>> -> memref<128xi32, #tpu.memory_space<vmem>>
      %dma_wait3A_868 = arith.constant 0 : i32
      %dma_wait3A_869 = arith.constant 0 : i32
      %dma_wait3A_870 = tpu.memref_slice %arg3[%dma_wait3A_868, %dma_wait3A_869] : memref<1000000x64xf32, #tpu.memory_space<hbm>> -> memref<1000000x64xf32, #tpu.memory_space<hbm>>
      tpu.wait_indirect_dma semaphore(%arg7 : memref<!tpu.dma_semaphore, #tpu.memory_space<semaphore_mem>>) src(%dma_wait3A_870 : memref<1000000x64xf32, #tpu.memory_space<hbm>>) dst(%dma_wait3A_864 : memref<128x64xf32, #tpu.memory_space<vmem>>)
      %scan3A_871 = arith.constant 0 : i32
      %scan3A_872 = arith.constant 0 : i32
      %scan3A_873 = arith.constant 128 : i32
      %scan3A_874 = arith.addi %scan3A_872, %scan3A_873 : i32
      %scan3A_875 = arith.constant 1 : i32
      scf.for %scan3A_892 = %scan3A_872 to %scan3A_874 step %scan3A_875  : i32 {
        %mul3A_893 = arith.constant 2 : i32
        %mul3A_894 = arith.muli %mul3A_893, %scan3A_892 : i32
        %add3A_895 = arith.constant 0 : i32
        %add3A_896 = arith.addi %mul3A_894, %add3A_895 : i32
        %get3A = arith.index_cast %rem3A_827 : i32 to index
        %get3A_897 = arith.index_cast %add3A_896 : i32 to index
        %get3A_898 = arith.constant 0 : index
        %get3A_899 = tpu.vector_load %arg6[%get3A, %get3A_897, %get3A_898] {strides = array<i32>} : memref<6x256x64xf32, #tpu.memory_space<vmem>>, vector<1x1x16xf32>,
        %get3A_900 = vector.shape_cast %get3A_899 : vector<1x1x16xf32> to vector<16xf32>
        %mul3A_901 = arith.constant 1.000000e+00 : f32
        %mul3A_902 = vector.broadcast %mul3A_901 : f32 to vector<16xf32>
        %mul3A_903 = arith.mulf %get3A_900, %mul3A_902 : vector<16xf32>
        %mul3A_904 = arith.constant 2 : i32
        %mul3A_905 = arith.muli %mul3A_904, %scan3A_892 : i32
        %add3A_906 = arith.constant 0 : i32
        %add3A_907 = arith.addi %mul3A_905, %add3A_906 : i32
        %swap3A = arith.index_cast %rem3A_827 : i32 to index
        %swap3A_908 = arith.index_cast %add3A_907 : i32 to index
        %swap3A_909 = arith.constant 0 : index
        %swap3A_910 = tpu.vector_load %arg6[%swap3A, %swap3A_908, %swap3A_909] {strides = array<i32>} : memref<6x256x64xf32, #tpu.memory_space<vmem>>, vector<1x1x16xf32>,
        %swap3A_911 = vector.shape_cast %swap3A_910 : vector<1x1x16xf32> to vector<16xf32>
        %swap3A_912 = vector.shape_cast %mul3A_903 : vector<16xf32> to vector<1x1x16xf32>
        tpu.vector_store %arg6[%swap3A, %swap3A_908, %swap3A_909], %swap3A_912 {strides = array<i32>} : memref<6x256x64xf32, #tpu.memory_space<vmem>>, vector<1x1x16xf32>,
        %mul3A_913 = arith.constant 2 : i32
        %mul3A_914 = arith.muli %mul3A_913, %scan3A_892 : i32
        %add3A_915 = arith.constant 0 : i32
        %add3A_916 = arith.addi %mul3A_914, %add3A_915 : i32
        %get3A_917 = arith.index_cast %rem3A_827 : i32 to index
        %get3A_918 = arith.index_cast %add3A_916 : i32 to index
        %get3A_919 = arith.constant 16 : index
        %get3A_920 = tpu.vector_load %arg6[%get3A_917, %get3A_918, %get3A_919] {strides = array<i32>} : memref<6x256x64xf32, #tpu.memory_space<vmem>>, vector<1x1x16xf32>,
        %get3A_921 = vector.shape_cast %get3A_920 : vector<1x1x16xf32> to vector<16xf32>
        %mul3A_922 = arith.constant 1.000000e+00 : f32
        %mul3A_923 = vector.broadcast %mul3A_922 : f32 to vector<16xf32>
        %mul3A_924 = arith.mulf %get3A_921, %mul3A_923 : vector<16xf32>
        %mul3A_925 = arith.constant 2 : i32
        %mul3A_926 = arith.muli %mul3A_925, %scan3A_892 : i32
        %add3A_927 = arith.constant 0 : i32
        %add3A_928 = arith.addi %mul3A_926, %add3A_927 : i32
        %swap3A_929 = arith.index_cast %rem3A_827 : i32 to index
        %swap3A_930 = arith.index_cast %add3A_928 : i32 to index
        %swap3A_931 = arith.constant 16 : index
        %swap3A_932 = tpu.vector_load %arg6[%swap3A_929, %swap3A_930, %swap3A_931] {strides = array<i32>} : memref<6x256x64xf32, #tpu.memory_space<vmem>>, vector<1x1x16xf32>,
        %swap3A_933 = vector.shape_cast %swap3A_932 : vector<1x1x16xf32> to vector<16xf32>
        %swap3A_934 = vector.shape_cast %mul3A_924 : vector<16xf32> to vector<1x1x16xf32>
        tpu.vector_store %arg6[%swap3A_929, %swap3A_930, %swap3A_931], %swap3A_934 {strides = array<i32>} : memref<6x256x64xf32, #tpu.memory_space<vmem>>, vector<1x1x16xf32>,
        %mul3A_935 = arith.constant 2 : i32
        %mul3A_936 = arith.muli %mul3A_935, %scan3A_892 : i32
        %add3A_937 = arith.constant 0 : i32
        %add3A_938 = arith.addi %mul3A_936, %add3A_937 : i32
        %get3A_939 = arith.index_cast %rem3A_827 : i32 to index
        %get3A_940 = arith.index_cast %add3A_938 : i32 to index
        %get3A_941 = arith.constant 32 : index
        %get3A_942 = tpu.vector_load %arg6[%get3A_939, %get3A_940, %get3A_941] {strides = array<i32>} : memref<6x256x64xf32, #tpu.memory_space<vmem>>, vector<1x1x16xf32>,
        %get3A_943 = vector.shape_cast %get3A_942 : vector<1x1x16xf32> to vector<16xf32>
        %mul3A_944 = arith.constant 1.000000e+00 : f32
        %mul3A_945 = vector.broadcast %mul3A_944 : f32 to vector<16xf32>
        %mul3A_946 = arith.mulf %get3A_943, %mul3A_945 : vector<16xf32>
        %mul3A_947 = arith.constant 2 : i32
        %mul3A_948 = arith.muli %mul3A_947, %scan3A_892 : i32
        %add3A_949 = arith.constant 0 : i32
        %add3A_950 = arith.addi %mul3A_948, %add3A_949 : i32
        %swap3A_951 = arith.index_cast %rem3A_827 : i32 to index
        %swap3A_952 = arith.index_cast %add3A_950 : i32 to index
        %swap3A_953 = arith.constant 32 : index
        %swap3A_954 = tpu.vector_load %arg6[%swap3A_951, %swap3A_952, %swap3A_953] {strides = array<i32>} : memref<6x256x64xf32, #tpu.memory_space<vmem>>, vector<1x1x16xf32>,
        %swap3A_955 = vector.shape_cast %swap3A_954 : vector<1x1x16xf32> to vector<16xf32>
        %swap3A_956 = vector.shape_cast %mul3A_946 : vector<16xf32> to vector<1x1x16xf32>
        tpu.vector_store %arg6[%swap3A_951, %swap3A_952, %swap3A_953], %swap3A_956 {strides = array<i32>} : memref<6x256x64xf32, #tpu.memory_space<vmem>>, vector<1x1x16xf32>,
        %mul3A_957 = arith.constant 2 : i32
        %mul3A_958 = arith.muli %mul3A_957, %scan3A_892 : i32
        %add3A_959 = arith.constant 0 : i32
        %add3A_960 = arith.addi %mul3A_958, %add3A_959 : i32
        %get3A_961 = arith.index_cast %rem3A_827 : i32 to index
        %get3A_962 = arith.index_cast %add3A_960 : i32 to index
        %get3A_963 = arith.constant 48 : index
        %get3A_964 = tpu.vector_load %arg6[%get3A_961, %get3A_962, %get3A_963] {strides = array<i32>} : memref<6x256x64xf32, #tpu.memory_space<vmem>>, vector<1x1x16xf32>,
        %get3A_965 = vector.shape_cast %get3A_964 : vector<1x1x16xf32> to vector<16xf32>
        %mul3A_966 = arith.constant 1.000000e+00 : f32
        %mul3A_967 = vector.broadcast %mul3A_966 : f32 to vector<16xf32>
        %mul3A_968 = arith.mulf %get3A_965, %mul3A_967 : vector<16xf32>
        %mul3A_969 = arith.constant 2 : i32
        %mul3A_970 = arith.muli %mul3A_969, %scan3A_892 : i32
        %add3A_971 = arith.constant 0 : i32
        %add3A_972 = arith.addi %mul3A_970, %add3A_971 : i32
        %swap3A_973 = arith.index_cast %rem3A_827 : i32 to index
        %swap3A_974 = arith.index_cast %add3A_972 : i32 to index
        %swap3A_975 = arith.constant 48 : index
        %swap3A_976 = tpu.vector_load %arg6[%swap3A_973, %swap3A_974, %swap3A_975] {strides = array<i32>} : memref<6x256x64xf32, #tpu.memory_space<vmem>>, vector<1x1x16xf32>,
        %swap3A_977 = vector.shape_cast %swap3A_976 : vector<1x1x16xf32> to vector<16xf32>
        %swap3A_978 = vector.shape_cast %mul3A_968 : vector<16xf32> to vector<1x1x16xf32>
        tpu.vector_store %arg6[%swap3A_973, %swap3A_974, %swap3A_975], %swap3A_978 {strides = array<i32>} : memref<6x256x64xf32, #tpu.memory_space<vmem>>, vector<1x1x16xf32>,
        %mul3A_979 = arith.constant 2 : i32
        %mul3A_980 = arith.muli %mul3A_979, %scan3A_892 : i32
        %add3A_981 = arith.constant 1 : i32
        %add3A_982 = arith.addi %mul3A_980, %add3A_981 : i32
        %get3A_983 = arith.index_cast %rem3A_827 : i32 to index
        %get3A_984 = arith.index_cast %add3A_982 : i32 to index
        %get3A_985 = arith.constant 0 : index
        %get3A_986 = tpu.vector_load %arg6[%get3A_983, %get3A_984, %get3A_985] {strides = array<i32>} : memref<6x256x64xf32, #tpu.memory_space<vmem>>, vector<1x1x16xf32>,
        %get3A_987 = vector.shape_cast %get3A_986 : vector<1x1x16xf32> to vector<16xf32>
        %mul3A_988 = arith.constant 1.000000e+00 : f32
        %mul3A_989 = vector.broadcast %mul3A_988 : f32 to vector<16xf32>
        %mul3A_990 = arith.mulf %get3A_987, %mul3A_989 : vector<16xf32>
        %mul3A_991 = arith.constant 2 : i32
        %mul3A_992 = arith.muli %mul3A_991, %scan3A_892 : i32
        %add3A_993 = arith.constant 1 : i32
        %add3A_994 = arith.addi %mul3A_992, %add3A_993 : i32
        %swap3A_995 = arith.index_cast %rem3A_827 : i32 to index
        %swap3A_996 = arith.index_cast %add3A_994 : i32 to index
        %swap3A_997 = arith.constant 0 : index
        %swap3A_998 = tpu.vector_load %arg6[%swap3A_995, %swap3A_996, %swap3A_997] {strides = array<i32>} : memref<6x256x64xf32, #tpu.memory_space<vmem>>, vector<1x1x16xf32>,
        %swap3A_999 = vector.shape_cast %swap3A_998 : vector<1x1x16xf32> to vector<16xf32>
        %swap3A_1000 = vector.shape_cast %mul3A_990 : vector<16xf32> to vector<1x1x16xf32>
        tpu.vector_store %arg6[%swap3A_995, %swap3A_996, %swap3A_997], %swap3A_1000 {strides = array<i32>} : memref<6x256x64xf32, #tpu.memory_space<vmem>>, vector<1x1x16xf32>,
        %mul3A_1001 = arith.constant 2 : i32
        %mul3A_1002 = arith.muli %mul3A_1001, %scan3A_892 : i32
        %add3A_1003 = arith.constant 1 : i32
        %add3A_1004 = arith.addi %mul3A_1002, %add3A_1003 : i32
        %get3A_1005 = arith.index_cast %rem3A_827 : i32 to index
        %get3A_1006 = arith.index_cast %add3A_1004 : i32 to index
        %get3A_1007 = arith.constant 16 : index
        %get3A_1008 = tpu.vector_load %arg6[%get3A_1005, %get3A_1006, %get3A_1007] {strides = array<i32>} : memref<6x256x64xf32, #tpu.memory_space<vmem>>, vector<1x1x16xf32>,
        %get3A_1009 = vector.shape_cast %get3A_1008 : vector<1x1x16xf32> to vector<16xf32>
        %mul3A_1010 = arith.constant 1.000000e+00 : f32
        %mul3A_1011 = vector.broadcast %mul3A_1010 : f32 to vector<16xf32>
        %mul3A_1012 = arith.mulf %get3A_1009, %mul3A_1011 : vector<16xf32>
        %mul3A_1013 = arith.constant 2 : i32
        %mul3A_1014 = arith.muli %mul3A_1013, %scan3A_892 : i32
        %add3A_1015 = arith.constant 1 : i32
        %add3A_1016 = arith.addi %mul3A_1014, %add3A_1015 : i32
        %swap3A_1017 = arith.index_cast %rem3A_827 : i32 to index
        %swap3A_1018 = arith.index_cast %add3A_1016 : i32 to index
        %swap3A_1019 = arith.constant 16 : index
        %swap3A_1020 = tpu.vector_load %arg6[%swap3A_1017, %swap3A_1018, %swap3A_1019] {strides = array<i32>} : memref<6x256x64xf32, #tpu.memory_space<vmem>>, vector<1x1x16xf32>,
        %swap3A_1021 = vector.shape_cast %swap3A_1020 : vector<1x1x16xf32> to vector<16xf32>
        %swap3A_1022 = vector.shape_cast %mul3A_1012 : vector<16xf32> to vector<1x1x16xf32>
        tpu.vector_store %arg6[%swap3A_1017, %swap3A_1018, %swap3A_1019], %swap3A_1022 {strides = array<i32>} : memref<6x256x64xf32, #tpu.memory_space<vmem>>, vector<1x1x16xf32>,
        %mul3A_1023 = arith.constant 2 : i32
        %mul3A_1024 = arith.muli %mul3A_1023, %scan3A_892 : i32
        %add3A_1025 = arith.constant 1 : i32
        %add3A_1026 = arith.addi %mul3A_1024, %add3A_1025 : i32
        %get3A_1027 = arith.index_cast %rem3A_827 : i32 to index
        %get3A_1028 = arith.index_cast %add3A_1026 : i32 to index
        %get3A_1029 = arith.constant 32 : index
        %get3A_1030 = tpu.vector_load %arg6[%get3A_1027, %get3A_1028, %get3A_1029] {strides = array<i32>} : memref<6x256x64xf32, #tpu.memory_space<vmem>>, vector<1x1x16xf32>,
        %get3A_1031 = vector.shape_cast %get3A_1030 : vector<1x1x16xf32> to vector<16xf32>
        %mul3A_1032 = arith.constant 1.000000e+00 : f32
        %mul3A_1033 = vector.broadcast %mul3A_1032 : f32 to vector<16xf32>
        %mul3A_1034 = arith.mulf %get3A_1031, %mul3A_1033 : vector<16xf32>
        %mul3A_1035 = arith.constant 2 : i32
        %mul3A_1036 = arith.muli %mul3A_1035, %scan3A_892 : i32
        %add3A_1037 = arith.constant 1 : i32
        %add3A_1038 = arith.addi %mul3A_1036, %add3A_1037 : i32
        %swap3A_1039 = arith.index_cast %rem3A_827 : i32 to index
        %swap3A_1040 = arith.index_cast %add3A_1038 : i32 to index
        %swap3A_1041 = arith.constant 32 : index
        %swap3A_1042 = tpu.vector_load %arg6[%swap3A_1039, %swap3A_1040, %swap3A_1041] {strides = array<i32>} : memref<6x256x64xf32, #tpu.memory_space<vmem>>, vector<1x1x16xf32>,
        %swap3A_1043 = vector.shape_cast %swap3A_1042 : vector<1x1x16xf32> to vector<16xf32>
        %swap3A_1044 = vector.shape_cast %mul3A_1034 : vector<16xf32> to vector<1x1x16xf32>
        tpu.vector_store %arg6[%swap3A_1039, %swap3A_1040, %swap3A_1041], %swap3A_1044 {strides = array<i32>} : memref<6x256x64xf32, #tpu.memory_space<vmem>>, vector<1x1x16xf32>,
        %mul3A_1045 = arith.constant 2 : i32
        %mul3A_1046 = arith.muli %mul3A_1045, %scan3A_892 : i32
        %add3A_1047 = arith.constant 1 : i32
        %add3A_1048 = arith.addi %mul3A_1046, %add3A_1047 : i32
        %get3A_1049 = arith.index_cast %rem3A_827 : i32 to index
        %get3A_1050 = arith.index_cast %add3A_1048 : i32 to index
        %get3A_1051 = arith.constant 48 : index
        %get3A_1052 = tpu.vector_load %arg6[%get3A_1049, %get3A_1050, %get3A_1051] {strides = array<i32>} : memref<6x256x64xf32, #tpu.memory_space<vmem>>, vector<1x1x16xf32>,
        %get3A_1053 = vector.shape_cast %get3A_1052 : vector<1x1x16xf32> to vector<16xf32>
        %mul3A_1054 = arith.constant 1.000000e+00 : f32
        %mul3A_1055 = vector.broadcast %mul3A_1054 : f32 to vector<16xf32>
        %mul3A_1056 = arith.mulf %get3A_1053, %mul3A_1055 : vector<16xf32>
        %mul3A_1057 = arith.constant 2 : i32
        %mul3A_1058 = arith.muli %mul3A_1057, %scan3A_892 : i32
        %add3A_1059 = arith.constant 1 : i32
        %add3A_1060 = arith.addi %mul3A_1058, %add3A_1059 : i32
        %swap3A_1061 = arith.index_cast %rem3A_827 : i32 to index
        %swap3A_1062 = arith.index_cast %add3A_1060 : i32 to index
        %swap3A_1063 = arith.constant 48 : index
        %swap3A_1064 = tpu.vector_load %arg6[%swap3A_1061, %swap3A_1062, %swap3A_1063] {strides = array<i32>} : memref<6x256x64xf32, #tpu.memory_space<vmem>>, vector<1x1x16xf32>,
        %swap3A_1065 = vector.shape_cast %swap3A_1064 : vector<1x1x16xf32> to vector<16xf32>
        %swap3A_1066 = vector.shape_cast %mul3A_1056 : vector<16xf32> to vector<1x1x16xf32>
        tpu.vector_store %arg6[%swap3A_1061, %swap3A_1062, %swap3A_1063], %swap3A_1066 {strides = array<i32>} : memref<6x256x64xf32, #tpu.memory_space<vmem>>, vector<1x1x16xf32>,
      }
      %scan3A_876 = arith.constant 128 : i32
      %mul3A_877 = arith.constant 256 : i32
      %mul3A_878 = arith.muli %scan3A_825, %mul3A_877 : i32
      %add3A_879 = arith.addi %mul3A_2, %mul3A_878 : i32
      %dma_start3A_880 = arith.constant 0 : i32
      %dma_start3A_881 = arith.constant 0 : i32
      %dma_start3A_882 = tpu.memref_slice %arg6[%rem3A_827, %dma_start3A_880, %dma_start3A_881] : memref<6x256x64xf32, #tpu.memory_space<vmem>> -> memref<1x256x64xf32, #tpu.memory_space<vmem>>
      %dma_start3A_883 = tpu.memref_squeeze %dma_start3A_882 : memref<1x256x64xf32, #tpu.memory_space<vmem>> -> memref<256x64xf32, #tpu.memory_space<vmem>>
      %dma_start3A_884 = arith.constant 0 : i32
      %dma_start3A_885 = tpu.memref_slice %arg4[%add3A_879, %dma_start3A_884] : memref<819200x128xf32, #tpu.memory_space<hbm>> -> memref<256x64xf32, #tpu.memory_space<hbm>>
      %dma_start3A_886 = arith.constant 0 : i32
      %dma_start3A_887 = tpu.memref_slice %arg4[%add3A_879, %dma_start3A_886] : memref<819200x128xf32, #tpu.memory_space<hbm>> -> memref<256x64xf32, #tpu.memory_space<hbm>>
      %dma_start3A_888 = arith.constant 0 : i32
      %dma_start3A_889 = arith.constant 0 : i32
      %dma_start3A_890 = tpu.memref_slice %arg6[%rem3A_827, %dma_start3A_888, %dma_start3A_889] : memref<6x256x64xf32, #tpu.memory_space<vmem>> -> memref<1x256x64xf32, #tpu.memory_space<vmem>>
      %dma_start3A_891 = tpu.memref_squeeze %dma_start3A_890 : memref<1x256x64xf32, #tpu.memory_space<vmem>> -> memref<256x64xf32, #tpu.memory_space<vmem>>
      tpu.enqueue_dma source(%dma_start3A_891 : memref<256x64xf32, #tpu.memory_space<vmem>>) target(%dma_start3A_887 : memref<256x64xf32, #tpu.memory_space<hbm>>) target_semaphore(%arg8 : memref<!tpu.dma_semaphore, #tpu.memory_space<semaphore_mem>>)
    }
    %scan3A_128 = arith.constant 96 : i32
    %scan3A_129 = arith.addi %scan3A_124, %scan3A_128 : i32
    %rem3A = arith.constant 6 : i32
    %rem3A_130 = arith.remsi %scan3A_129, %rem3A : i32
    %add3A_131 = arith.constant 6 : i32
    %add3A_132 = arith.addi %scan3A_129, %add3A_131 : i32
    %sub3A = arith.constant 1 : i32
    %sub3A_133 = arith.subi %add3A_132, %sub3A : i32
    %rem3A_134 = arith.constant 6 : i32
    %rem3A_135 = arith.remsi %sub3A_133, %rem3A_134 : i32
    %add3A_136 = arith.constant 6 : i32
    %add3A_137 = arith.addi %scan3A_129, %add3A_136 : i32
    %sub3A_138 = arith.constant 1 : i32
    %sub3A_139 = arith.subi %add3A_137, %sub3A_138 : i32
    %lt3A = arith.constant 100 : i32
    %lt3A_140 = arith.cmpi slt, %sub3A_139, %lt3A : i32
    %convert_element_type3A = arith.extui %lt3A_140 : i1 to i32
    %cond3A = arith.constant 0 : i32
    %cond3A_141 = arith.cmpi ne, %convert_element_type3A, %cond3A : i32
    scf.if %cond3A_141 {
      %ge3A = arith.constant 1 : i32
      %ge3A_485 = arith.cmpi sge, %scan3A_129, %ge3A : i32
      %convert_element_type3A_486 = arith.extui %ge3A_485 : i1 to i32
      %cond3A_487 = arith.constant 0 : i32
      %cond3A_488 = arith.cmpi ne, %convert_element_type3A_486, %cond3A_487 : i32
      scf.if %cond3A_488 {
        %sub3A_521 = arith.constant 1 : i32
        %sub3A_522 = arith.subi %scan3A_129, %sub3A_521 : i32
        %mul3A_523 = arith.constant 256 : i32
        %mul3A_524 = arith.muli %sub3A_522, %mul3A_523 : i32
        %add3A_525 = arith.addi %mul3A_2, %mul3A_524 : i32
        %dma_wait3A_526 = arith.constant 0 : i32
        %dma_wait3A_527 = arith.constant 0 : i32
        %dma_wait3A_528 = tpu.memref_slice %arg6[%rem3A_135, %dma_wait3A_526, %dma_wait3A_527] : memref<6x256x64xf32, #tpu.memory_space<vmem>> -> memref<1x256x64xf32, #tpu.memory_space<vmem>>
        %dma_wait3A_529 = tpu.memref_squeeze %dma_wait3A_528 : memref<1x256x64xf32, #tpu.memory_space<vmem>> -> memref<256x64xf32, #tpu.memory_space<vmem>>
        %dma_wait3A_530 = arith.constant 0 : i32
        %dma_wait3A_531 = tpu.memref_slice %arg4[%add3A_525, %dma_wait3A_530] : memref<819200x128xf32, #tpu.memory_space<hbm>> -> memref<256x64xf32, #tpu.memory_space<hbm>>
        %dma_wait3A_532 = arith.constant 0 : i32
        %dma_wait3A_533 = tpu.memref_slice %arg4[%add3A_525, %dma_wait3A_532] : memref<819200x128xf32, #tpu.memory_space<hbm>> -> memref<256x64xf32, #tpu.memory_space<hbm>>
        %dma_wait3A_534 = arith.constant 0 : i32
        %dma_wait3A_535 = arith.constant 0 : i32
        %dma_wait3A_536 = tpu.memref_slice %arg6[%rem3A_135, %dma_wait3A_534, %dma_wait3A_535] : memref<6x256x64xf32, #tpu.memory_space<vmem>> -> memref<1x256x64xf32, #tpu.memory_space<vmem>>
        %dma_wait3A_537 = tpu.memref_squeeze %dma_wait3A_536 : memref<1x256x64xf32, #tpu.memory_space<vmem>> -> memref<256x64xf32, #tpu.memory_space<vmem>>
        tpu.wait_dma2 semaphore(%arg8 : memref<!tpu.dma_semaphore, #tpu.memory_space<semaphore_mem>>) src(%dma_wait3A_537 : memref<256x64xf32, #tpu.memory_space<vmem>>) dst(%dma_wait3A_533 : memref<256x64xf32, #tpu.memory_space<hbm>>)
      } else {
      }
      %add3A_489 = arith.constant 6 : i32
      %add3A_490 = arith.addi %scan3A_129, %add3A_489 : i32
      %sub3A_491 = arith.constant 1 : i32
      %sub3A_492 = arith.subi %add3A_490, %sub3A_491 : i32
      %mul3A_493 = arith.constant 2 : i32
      %mul3A_494 = arith.muli %sub3A_492, %mul3A_493 : i32
      %add3A_495 = arith.constant 0 : i32
      %add3A_496 = arith.addi %mul3A_494, %add3A_495 : i32
      %dma_start3A_497 = arith.constant 0 : i32
      %dma_start3A_498 = arith.constant 0 : i32
      %dma_start3A_499 = tpu.memref_slice %arg6[%rem3A_135, %dma_start3A_497, %dma_start3A_498] : memref<6x256x64xf32, #tpu.memory_space<vmem>> -> memref<1x128x64xf32, #tpu.memory_space<vmem>>
      %dma_start3A_500 = tpu.memref_squeeze %dma_start3A_499 : memref<1x128x64xf32, #tpu.memory_space<vmem>> -> memref<128x64xf32, #tpu.memory_space<vmem>>
      %dma_start3A_501 = arith.constant 0 : i32
      %dma_start3A_502 = tpu.memref_slice %arg5[%add3A_496, %dma_start3A_501] : memref<200x128xi32, #tpu.memory_space<vmem>> -> memref<1x128xi32, #tpu.memory_space<vmem>>
      %dma_start3A_503 = tpu.memref_squeeze %dma_start3A_502 : memref<1x128xi32, #tpu.memory_space<vmem>> -> memref<128xi32, #tpu.memory_space<vmem>>
      %dma_start3A_504 = arith.constant 0 : i32
      %dma_start3A_505 = arith.constant 0 : i32
      %dma_start3A_506 = tpu.memref_slice %arg3[%dma_start3A_504, %dma_start3A_505] : memref<1000000x64xf32, #tpu.memory_space<hbm>> -> memref<1000000x64xf32, #tpu.memory_space<hbm>>
      tpu.enqueue_indirect_dma source(%dma_start3A_506 : memref<1000000x64xf32, #tpu.memory_space<hbm>>) target(%dma_start3A_500 : memref<128x64xf32, #tpu.memory_space<vmem>>) offsets(%dma_start3A_503 : memref<128xi32, #tpu.memory_space<vmem>>) semaphore(%arg7 : memref<!tpu.dma_semaphore, #tpu.memory_space<semaphore_mem>>)
      %mul3A_507 = arith.constant 2 : i32
      %mul3A_508 = arith.muli %sub3A_492, %mul3A_507 : i32
      %add3A_509 = arith.constant 1 : i32
      %add3A_510 = arith.addi %mul3A_508, %add3A_509 : i32
      %dma_start3A_511 = arith.constant 128 : i32
      %dma_start3A_512 = arith.constant 0 : i32
      %dma_start3A_513 = tpu.memref_slice %arg6[%rem3A_135, %dma_start3A_511, %dma_start3A_512] : memref<6x256x64xf32, #tpu.memory_space<vmem>> -> memref<1x128x64xf32, #tpu.memory_space<vmem>>
      %dma_start3A_514 = tpu.memref_squeeze %dma_start3A_513 : memref<1x128x64xf32, #tpu.memory_space<vmem>> -> memref<128x64xf32, #tpu.memory_space<vmem>>
      %dma_start3A_515 = arith.constant 0 : i32
      %dma_start3A_516 = tpu.memref_slice %arg5[%add3A_510, %dma_start3A_515] : memref<200x128xi32, #tpu.memory_space<vmem>> -> memref<1x128xi32, #tpu.memory_space<vmem>>
      %dma_start3A_517 = tpu.memref_squeeze %dma_start3A_516 : memref<1x128xi32, #tpu.memory_space<vmem>> -> memref<128xi32, #tpu.memory_space<vmem>>
      %dma_start3A_518 = arith.constant 0 : i32
      %dma_start3A_519 = arith.constant 0 : i32
      %dma_start3A_520 = tpu.memref_slice %arg3[%dma_start3A_518, %dma_start3A_519] : memref<1000000x64xf32, #tpu.memory_space<hbm>> -> memref<1000000x64xf32, #tpu.memory_space<hbm>>
      tpu.enqueue_indirect_dma source(%dma_start3A_520 : memref<1000000x64xf32, #tpu.memory_space<hbm>>) target(%dma_start3A_514 : memref<128x64xf32, #tpu.memory_space<vmem>>) offsets(%dma_start3A_517 : memref<128xi32, #tpu.memory_space<vmem>>) semaphore(%arg7 : memref<!tpu.dma_semaphore, #tpu.memory_space<semaphore_mem>>)
    } else {
    }
    %mul3A_142 = arith.constant 2 : i32
    %mul3A_143 = arith.muli %scan3A_129, %mul3A_142 : i32
    %add3A_144 = arith.constant 0 : i32
    %add3A_145 = arith.addi %mul3A_143, %add3A_144 : i32
    %dma_wait3A = arith.constant 0 : i32
    %dma_wait3A_146 = arith.constant 0 : i32
    %dma_wait3A_147 = tpu.memref_slice %arg6[%rem3A_130, %dma_wait3A, %dma_wait3A_146] : memref<6x256x64xf32, #tpu.memory_space<vmem>> -> memref<1x128x64xf32, #tpu.memory_space<vmem>>
    %dma_wait3A_148 = tpu.memref_squeeze %dma_wait3A_147 : memref<1x128x64xf32, #tpu.memory_space<vmem>> -> memref<128x64xf32, #tpu.memory_space<vmem>>
    %dma_wait3A_149 = arith.constant 0 : i32
    %dma_wait3A_150 = tpu.memref_slice %arg5[%add3A_145, %dma_wait3A_149] : memref<200x128xi32, #tpu.memory_space<vmem>> -> memref<1x128xi32, #tpu.memory_space<vmem>>
    %dma_wait3A_151 = tpu.memref_squeeze %dma_wait3A_150 : memref<1x128xi32, #tpu.memory_space<vmem>> -> memref<128xi32, #tpu.memory_space<vmem>>
    %dma_wait3A_152 = arith.constant 0 : i32
    %dma_wait3A_153 = arith.constant 0 : i32
    %dma_wait3A_154 = tpu.memref_slice %arg3[%dma_wait3A_152, %dma_wait3A_153] : memref<1000000x64xf32, #tpu.memory_space<hbm>> -> memref<1000000x64xf32, #tpu.memory_space<hbm>>
    tpu.wait_indirect_dma semaphore(%arg7 : memref<!tpu.dma_semaphore, #tpu.memory_space<semaphore_mem>>) src(%dma_wait3A_154 : memref<1000000x64xf32, #tpu.memory_space<hbm>>) dst(%dma_wait3A_148 : memref<128x64xf32, #tpu.memory_space<vmem>>)
    %mul3A_155 = arith.constant 2 : i32
    %mul3A_156 = arith.muli %scan3A_129, %mul3A_155 : i32
    %add3A_157 = arith.constant 1 : i32
    %add3A_158 = arith.addi %mul3A_156, %add3A_157 : i32
    %dma_wait3A_159 = arith.constant 128 : i32
    %dma_wait3A_160 = arith.constant 0 : i32
    %dma_wait3A_161 = tpu.memref_slice %arg6[%rem3A_130, %dma_wait3A_159, %dma_wait3A_160] : memref<6x256x64xf32, #tpu.memory_space<vmem>> -> memref<1x128x64xf32, #tpu.memory_space<vmem>>
    %dma_wait3A_162 = tpu.memref_squeeze %dma_wait3A_161 : memref<1x128x64xf32, #tpu.memory_space<vmem>> -> memref<128x64xf32, #tpu.memory_space<vmem>>
    %dma_wait3A_163 = arith.constant 0 : i32
    %dma_wait3A_164 = tpu.memref_slice %arg5[%add3A_158, %dma_wait3A_163] : memref<200x128xi32, #tpu.memory_space<vmem>> -> memref<1x128xi32, #tpu.memory_space<vmem>>
    %dma_wait3A_165 = tpu.memref_squeeze %dma_wait3A_164 : memref<1x128xi32, #tpu.memory_space<vmem>> -> memref<128xi32, #tpu.memory_space<vmem>>
    %dma_wait3A_166 = arith.constant 0 : i32
    %dma_wait3A_167 = arith.constant 0 : i32
    %dma_wait3A_168 = tpu.memref_slice %arg3[%dma_wait3A_166, %dma_wait3A_167] : memref<1000000x64xf32, #tpu.memory_space<hbm>> -> memref<1000000x64xf32, #tpu.memory_space<hbm>>
    tpu.wait_indirect_dma semaphore(%arg7 : memref<!tpu.dma_semaphore, #tpu.memory_space<semaphore_mem>>) src(%dma_wait3A_168 : memref<1000000x64xf32, #tpu.memory_space<hbm>>) dst(%dma_wait3A_162 : memref<128x64xf32, #tpu.memory_space<vmem>>)
    %scan3A_169 = arith.constant 0 : i32
    %scan3A_170 = arith.constant 0 : i32
    %scan3A_171 = arith.constant 128 : i32
    %scan3A_172 = arith.addi %scan3A_170, %scan3A_171 : i32
    %scan3A_173 = arith.constant 1 : i32
    scf.for %scan3A_485 = %scan3A_170 to %scan3A_172 step %scan3A_173  : i32 {
      %mul3A_486 = arith.constant 2 : i32
      %mul3A_487 = arith.muli %mul3A_486, %scan3A_485 : i32
      %add3A_488 = arith.constant 0 : i32
      %add3A_489 = arith.addi %mul3A_487, %add3A_488 : i32
      %get3A = arith.index_cast %rem3A_130 : i32 to index
      %get3A_490 = arith.index_cast %add3A_489 : i32 to index
      %get3A_491 = arith.constant 0 : index
      %get3A_492 = tpu.vector_load %arg6[%get3A, %get3A_490, %get3A_491] {strides = array<i32>} : memref<6x256x64xf32, #tpu.memory_space<vmem>>, vector<1x1x16xf32>,
      %get3A_493 = vector.shape_cast %get3A_492 : vector<1x1x16xf32> to vector<16xf32>
      %mul3A_494 = arith.constant 1.000000e+00 : f32
      %mul3A_495 = vector.broadcast %mul3A_494 : f32 to vector<16xf32>
      %mul3A_496 = arith.mulf %get3A_493, %mul3A_495 : vector<16xf32>
      %mul3A_497 = arith.constant 2 : i32
      %mul3A_498 = arith.muli %mul3A_497, %scan3A_485 : i32
      %add3A_499 = arith.constant 0 : i32
      %add3A_500 = arith.addi %mul3A_498, %add3A_499 : i32
      %swap3A = arith.index_cast %rem3A_130 : i32 to index
      %swap3A_501 = arith.index_cast %add3A_500 : i32 to index
      %swap3A_502 = arith.constant 0 : index
      %swap3A_503 = tpu.vector_load %arg6[%swap3A, %swap3A_501, %swap3A_502] {strides = array<i32>} : memref<6x256x64xf32, #tpu.memory_space<vmem>>, vector<1x1x16xf32>,
      %swap3A_504 = vector.shape_cast %swap3A_503 : vector<1x1x16xf32> to vector<16xf32>
      %swap3A_505 = vector.shape_cast %mul3A_496 : vector<16xf32> to vector<1x1x16xf32>
      tpu.vector_store %arg6[%swap3A, %swap3A_501, %swap3A_502], %swap3A_505 {strides = array<i32>} : memref<6x256x64xf32, #tpu.memory_space<vmem>>, vector<1x1x16xf32>,
      %mul3A_506 = arith.constant 2 : i32
      %mul3A_507 = arith.muli %mul3A_506, %scan3A_485 : i32
      %add3A_508 = arith.constant 0 : i32
      %add3A_509 = arith.addi %mul3A_507, %add3A_508 : i32
      %get3A_510 = arith.index_cast %rem3A_130 : i32 to index
      %get3A_511 = arith.index_cast %add3A_509 : i32 to index
      %get3A_512 = arith.constant 16 : index
      %get3A_513 = tpu.vector_load %arg6[%get3A_510, %get3A_511, %get3A_512] {strides = array<i32>} : memref<6x256x64xf32, #tpu.memory_space<vmem>>, vector<1x1x16xf32>,
      %get3A_514 = vector.shape_cast %get3A_513 : vector<1x1x16xf32> to vector<16xf32>
      %mul3A_515 = arith.constant 1.000000e+00 : f32
      %mul3A_516 = vector.broadcast %mul3A_515 : f32 to vector<16xf32>
      %mul3A_517 = arith.mulf %get3A_514, %mul3A_516 : vector<16xf32>
      %mul3A_518 = arith.constant 2 : i32
      %mul3A_519 = arith.muli %mul3A_518, %scan3A_485 : i32
      %add3A_520 = arith.constant 0 : i32
      %add3A_521 = arith.addi %mul3A_519, %add3A_520 : i32
      %swap3A_522 = arith.index_cast %rem3A_130 : i32 to index
      %swap3A_523 = arith.index_cast %add3A_521 : i32 to index
      %swap3A_524 = arith.constant 16 : index
      %swap3A_525 = tpu.vector_load %arg6[%swap3A_522, %swap3A_523, %swap3A_524] {strides = array<i32>} : memref<6x256x64xf32, #tpu.memory_space<vmem>>, vector<1x1x16xf32>,
      %swap3A_526 = vector.shape_cast %swap3A_525 : vector<1x1x16xf32> to vector<16xf32>
      %swap3A_527 = vector.shape_cast %mul3A_517 : vector<16xf32> to vector<1x1x16xf32>
      tpu.vector_store %arg6[%swap3A_522, %swap3A_523, %swap3A_524], %swap3A_527 {strides = array<i32>} : memref<6x256x64xf32, #tpu.memory_space<vmem>>, vector<1x1x16xf32>,
      %mul3A_528 = arith.constant 2 : i32
      %mul3A_529 = arith.muli %mul3A_528, %scan3A_485 : i32
      %add3A_530 = arith.constant 0 : i32
      %add3A_531 = arith.addi %mul3A_529, %add3A_530 : i32
      %get3A_532 = arith.index_cast %rem3A_130 : i32 to index
      %get3A_533 = arith.index_cast %add3A_531 : i32 to index
      %get3A_534 = arith.constant 32 : index
      %get3A_535 = tpu.vector_load %arg6[%get3A_532, %get3A_533, %get3A_534] {strides = array<i32>} : memref<6x256x64xf32, #tpu.memory_space<vmem>>, vector<1x1x16xf32>,
      %get3A_536 = vector.shape_cast %get3A_535 : vector<1x1x16xf32> to vector<16xf32>
      %mul3A_537 = arith.constant 1.000000e+00 : f32
      %mul3A_538 = vector.broadcast %mul3A_537 : f32 to vector<16xf32>
      %mul3A_539 = arith.mulf %get3A_536, %mul3A_538 : vector<16xf32>
      %mul3A_540 = arith.constant 2 : i32
      %mul3A_541 = arith.muli %mul3A_540, %scan3A_485 : i32
      %add3A_542 = arith.constant 0 : i32
      %add3A_543 = arith.addi %mul3A_541, %add3A_542 : i32
      %swap3A_544 = arith.index_cast %rem3A_130 : i32 to index
      %swap3A_545 = arith.index_cast %add3A_543 : i32 to index
      %swap3A_546 = arith.constant 32 : index
      %swap3A_547 = tpu.vector_load %arg6[%swap3A_544, %swap3A_545, %swap3A_546] {strides = array<i32>} : memref<6x256x64xf32, #tpu.memory_space<vmem>>, vector<1x1x16xf32>,
      %swap3A_548 = vector.shape_cast %swap3A_547 : vector<1x1x16xf32> to vector<16xf32>
      %swap3A_549 = vector.shape_cast %mul3A_539 : vector<16xf32> to vector<1x1x16xf32>
      tpu.vector_store %arg6[%swap3A_544, %swap3A_545, %swap3A_546], %swap3A_549 {strides = array<i32>} : memref<6x256x64xf32, #tpu.memory_space<vmem>>, vector<1x1x16xf32>,
      %mul3A_550 = arith.constant 2 : i32
      %mul3A_551 = arith.muli %mul3A_550, %scan3A_485 : i32
      %add3A_552 = arith.constant 0 : i32
      %add3A_553 = arith.addi %mul3A_551, %add3A_552 : i32
      %get3A_554 = arith.index_cast %rem3A_130 : i32 to index
      %get3A_555 = arith.index_cast %add3A_553 : i32 to index
      %get3A_556 = arith.constant 48 : index
      %get3A_557 = tpu.vector_load %arg6[%get3A_554, %get3A_555, %get3A_556] {strides = array<i32>} : memref<6x256x64xf32, #tpu.memory_space<vmem>>, vector<1x1x16xf32>,
      %get3A_558 = vector.shape_cast %get3A_557 : vector<1x1x16xf32> to vector<16xf32>
      %mul3A_559 = arith.constant 1.000000e+00 : f32
      %mul3A_560 = vector.broadcast %mul3A_559 : f32 to vector<16xf32>
      %mul3A_561 = arith.mulf %get3A_558, %mul3A_560 : vector<16xf32>
      %mul3A_562 = arith.constant 2 : i32
      %mul3A_563 = arith.muli %mul3A_562, %scan3A_485 : i32
      %add3A_564 = arith.constant 0 : i32
      %add3A_565 = arith.addi %mul3A_563, %add3A_564 : i32
      %swap3A_566 = arith.index_cast %rem3A_130 : i32 to index
      %swap3A_567 = arith.index_cast %add3A_565 : i32 to index
      %swap3A_568 = arith.constant 48 : index
      %swap3A_569 = tpu.vector_load %arg6[%swap3A_566, %swap3A_567, %swap3A_568] {strides = array<i32>} : memref<6x256x64xf32, #tpu.memory_space<vmem>>, vector<1x1x16xf32>,
      %swap3A_570 = vector.shape_cast %swap3A_569 : vector<1x1x16xf32> to vector<16xf32>
      %swap3A_571 = vector.shape_cast %mul3A_561 : vector<16xf32> to vector<1x1x16xf32>
      tpu.vector_store %arg6[%swap3A_566, %swap3A_567, %swap3A_568], %swap3A_571 {strides = array<i32>} : memref<6x256x64xf32, #tpu.memory_space<vmem>>, vector<1x1x16xf32>,
      %mul3A_572 = arith.constant 2 : i32
      %mul3A_573 = arith.muli %mul3A_572, %scan3A_485 : i32
      %add3A_574 = arith.constant 1 : i32
      %add3A_575 = arith.addi %mul3A_573, %add3A_574 : i32
      %get3A_576 = arith.index_cast %rem3A_130 : i32 to index
      %get3A_577 = arith.index_cast %add3A_575 : i32 to index
      %get3A_578 = arith.constant 0 : index
      %get3A_579 = tpu.vector_load %arg6[%get3A_576, %get3A_577, %get3A_578] {strides = array<i32>} : memref<6x256x64xf32, #tpu.memory_space<vmem>>, vector<1x1x16xf32>,
      %get3A_580 = vector.shape_cast %get3A_579 : vector<1x1x16xf32> to vector<16xf32>
      %mul3A_581 = arith.constant 1.000000e+00 : f32
      %mul3A_582 = vector.broadcast %mul3A_581 : f32 to vector<16xf32>
      %mul3A_583 = arith.mulf %get3A_580, %mul3A_582 : vector<16xf32>
      %mul3A_584 = arith.constant 2 : i32
      %mul3A_585 = arith.muli %mul3A_584, %scan3A_485 : i32
      %add3A_586 = arith.constant 1 : i32
      %add3A_587 = arith.addi %mul3A_585, %add3A_586 : i32
      %swap3A_588 = arith.index_cast %rem3A_130 : i32 to index
      %swap3A_589 = arith.index_cast %add3A_587 : i32 to index
      %swap3A_590 = arith.constant 0 : index
      %swap3A_591 = tpu.vector_load %arg6[%swap3A_588, %swap3A_589, %swap3A_590] {strides = array<i32>} : memref<6x256x64xf32, #tpu.memory_space<vmem>>, vector<1x1x16xf32>,
      %swap3A_592 = vector.shape_cast %swap3A_591 : vector<1x1x16xf32> to vector<16xf32>
      %swap3A_593 = vector.shape_cast %mul3A_583 : vector<16xf32> to vector<1x1x16xf32>
      tpu.vector_store %arg6[%swap3A_588, %swap3A_589, %swap3A_590], %swap3A_593 {strides = array<i32>} : memref<6x256x64xf32, #tpu.memory_space<vmem>>, vector<1x1x16xf32>,
      %mul3A_594 = arith.constant 2 : i32
      %mul3A_595 = arith.muli %mul3A_594, %scan3A_485 : i32
      %add3A_596 = arith.constant 1 : i32
      %add3A_597 = arith.addi %mul3A_595, %add3A_596 : i32
      %get3A_598 = arith.index_cast %rem3A_130 : i32 to index
      %get3A_599 = arith.index_cast %add3A_597 : i32 to index
      %get3A_600 = arith.constant 16 : index
      %get3A_601 = tpu.vector_load %arg6[%get3A_598, %get3A_599, %get3A_600] {strides = array<i32>} : memref<6x256x64xf32, #tpu.memory_space<vmem>>, vector<1x1x16xf32>,
      %get3A_602 = vector.shape_cast %get3A_601 : vector<1x1x16xf32> to vector<16xf32>
      %mul3A_603 = arith.constant 1.000000e+00 : f32
      %mul3A_604 = vector.broadcast %mul3A_603 : f32 to vector<16xf32>
      %mul3A_605 = arith.mulf %get3A_602, %mul3A_604 : vector<16xf32>
      %mul3A_606 = arith.constant 2 : i32
      %mul3A_607 = arith.muli %mul3A_606, %scan3A_485 : i32
      %add3A_608 = arith.constant 1 : i32
      %add3A_609 = arith.addi %mul3A_607, %add3A_608 : i32
      %swap3A_610 = arith.index_cast %rem3A_130 : i32 to index
      %swap3A_611 = arith.index_cast %add3A_609 : i32 to index
      %swap3A_612 = arith.constant 16 : index
      %swap3A_613 = tpu.vector_load %arg6[%swap3A_610, %swap3A_611, %swap3A_612] {strides = array<i32>} : memref<6x256x64xf32, #tpu.memory_space<vmem>>, vector<1x1x16xf32>,
      %swap3A_614 = vector.shape_cast %swap3A_613 : vector<1x1x16xf32> to vector<16xf32>
      %swap3A_615 = vector.shape_cast %mul3A_605 : vector<16xf32> to vector<1x1x16xf32>
      tpu.vector_store %arg6[%swap3A_610, %swap3A_611, %swap3A_612], %swap3A_615 {strides = array<i32>} : memref<6x256x64xf32, #tpu.memory_space<vmem>>, vector<1x1x16xf32>,
      %mul3A_616 = arith.constant 2 : i32
      %mul3A_617 = arith.muli %mul3A_616, %scan3A_485 : i32
      %add3A_618 = arith.constant 1 : i32
      %add3A_619 = arith.addi %mul3A_617, %add3A_618 : i32
      %get3A_620 = arith.index_cast %rem3A_130 : i32 to index
      %get3A_621 = arith.index_cast %add3A_619 : i32 to index
      %get3A_622 = arith.constant 32 : index
      %get3A_623 = tpu.vector_load %arg6[%get3A_620, %get3A_621, %get3A_622] {strides = array<i32>} : memref<6x256x64xf32, #tpu.memory_space<vmem>>, vector<1x1x16xf32>,
      %get3A_624 = vector.shape_cast %get3A_623 : vector<1x1x16xf32> to vector<16xf32>
      %mul3A_625 = arith.constant 1.000000e+00 : f32
      %mul3A_626 = vector.broadcast %mul3A_625 : f32 to vector<16xf32>
      %mul3A_627 = arith.mulf %get3A_624, %mul3A_626 : vector<16xf32>
      %mul3A_628 = arith.constant 2 : i32
      %mul3A_629 = arith.muli %mul3A_628, %scan3A_485 : i32
      %add3A_630 = arith.constant 1 : i32
      %add3A_631 = arith.addi %mul3A_629, %add3A_630 : i32
      %swap3A_632 = arith.index_cast %rem3A_130 : i32 to index
      %swap3A_633 = arith.index_cast %add3A_631 : i32 to index
      %swap3A_634 = arith.constant 32 : index
      %swap3A_635 = tpu.vector_load %arg6[%swap3A_632, %swap3A_633, %swap3A_634] {strides = array<i32>} : memref<6x256x64xf32, #tpu.memory_space<vmem>>, vector<1x1x16xf32>,
      %swap3A_636 = vector.shape_cast %swap3A_635 : vector<1x1x16xf32> to vector<16xf32>
      %swap3A_637 = vector.shape_cast %mul3A_627 : vector<16xf32> to vector<1x1x16xf32>
      tpu.vector_store %arg6[%swap3A_632, %swap3A_633, %swap3A_634], %swap3A_637 {strides = array<i32>} : memref<6x256x64xf32, #tpu.memory_space<vmem>>, vector<1x1x16xf32>,
      %mul3A_638 = arith.constant 2 : i32
      %mul3A_639 = arith.muli %mul3A_638, %scan3A_485 : i32
      %add3A_640 = arith.constant 1 : i32
      %add3A_641 = arith.addi %mul3A_639, %add3A_640 : i32
      %get3A_642 = arith.index_cast %rem3A_130 : i32 to index
      %get3A_643 = arith.index_cast %add3A_641 : i32 to index
      %get3A_644 = arith.constant 48 : index
      %get3A_645 = tpu.vector_load %arg6[%get3A_642, %get3A_643, %get3A_644] {strides = array<i32>} : memref<6x256x64xf32, #tpu.memory_space<vmem>>, vector<1x1x16xf32>,
      %get3A_646 = vector.shape_cast %get3A_645 : vector<1x1x16xf32> to vector<16xf32>
      %mul3A_647 = arith.constant 1.000000e+00 : f32
      %mul3A_648 = vector.broadcast %mul3A_647 : f32 to vector<16xf32>
      %mul3A_649 = arith.mulf %get3A_646, %mul3A_648 : vector<16xf32>
      %mul3A_650 = arith.constant 2 : i32
      %mul3A_651 = arith.muli %mul3A_650, %scan3A_485 : i32
      %add3A_652 = arith.constant 1 : i32
      %add3A_653 = arith.addi %mul3A_651, %add3A_652 : i32
      %swap3A_654 = arith.index_cast %rem3A_130 : i32 to index
      %swap3A_655 = arith.index_cast %add3A_653 : i32 to index
      %swap3A_656 = arith.constant 48 : index
      %swap3A_657 = tpu.vector_load %arg6[%swap3A_654, %swap3A_655, %swap3A_656] {strides = array<i32>} : memref<6x256x64xf32, #tpu.memory_space<vmem>>, vector<1x1x16xf32>,
      %swap3A_658 = vector.shape_cast %swap3A_657 : vector<1x1x16xf32> to vector<16xf32>
      %swap3A_659 = vector.shape_cast %mul3A_649 : vector<16xf32> to vector<1x1x16xf32>
      tpu.vector_store %arg6[%swap3A_654, %swap3A_655, %swap3A_656], %swap3A_659 {strides = array<i32>} : memref<6x256x64xf32, #tpu.memory_space<vmem>>, vector<1x1x16xf32>,
    }
    %scan3A_174 = arith.constant 128 : i32
    %mul3A_175 = arith.constant 256 : i32
    %mul3A_176 = arith.muli %scan3A_129, %mul3A_175 : i32
    %add3A_177 = arith.addi %mul3A_2, %mul3A_176 : i32
    %dma_start3A_178 = arith.constant 0 : i32
    %dma_start3A_179 = arith.constant 0 : i32
    %dma_start3A_180 = tpu.memref_slice %arg6[%rem3A_130, %dma_start3A_178, %dma_start3A_179] : memref<6x256x64xf32, #tpu.memory_space<vmem>> -> memref<1x256x64xf32, #tpu.memory_space<vmem>>
    %dma_start3A_181 = tpu.memref_squeeze %dma_start3A_180 : memref<1x256x64xf32, #tpu.memory_space<vmem>> -> memref<256x64xf32, #tpu.memory_space<vmem>>
    %dma_start3A_182 = arith.constant 0 : i32
    %dma_start3A_183 = tpu.memref_slice %arg4[%add3A_177, %dma_start3A_182] : memref<819200x128xf32, #tpu.memory_space<hbm>> -> memref<256x64xf32, #tpu.memory_space<hbm>>
    %dma_start3A_184 = arith.constant 0 : i32
    %dma_start3A_185 = tpu.memref_slice %arg4[%add3A_177, %dma_start3A_184] : memref<819200x128xf32, #tpu.memory_space<hbm>> -> memref<256x64xf32, #tpu.memory_space<hbm>>
    %dma_start3A_186 = arith.constant 0 : i32
    %dma_start3A_187 = arith.constant 0 : i32
    %dma_start3A_188 = tpu.memref_slice %arg6[%rem3A_130, %dma_start3A_186, %dma_start3A_187] : memref<6x256x64xf32, #tpu.memory_space<vmem>> -> memref<1x256x64xf32, #tpu.memory_space<vmem>>
    %dma_start3A_189 = tpu.memref_squeeze %dma_start3A_188 : memref<1x256x64xf32, #tpu.memory_space<vmem>> -> memref<256x64xf32, #tpu.memory_space<vmem>>
    tpu.enqueue_dma source(%dma_start3A_189 : memref<256x64xf32, #tpu.memory_space<vmem>>) target(%dma_start3A_185 : memref<256x64xf32, #tpu.memory_space<hbm>>) target_semaphore(%arg8 : memref<!tpu.dma_semaphore, #tpu.memory_space<semaphore_mem>>)
    %scan3A_190 = arith.constant 97 : i32
    %scan3A_191 = arith.addi %scan3A_124, %scan3A_190 : i32
    %rem3A_192 = arith.constant 6 : i32
    %rem3A_193 = arith.remsi %scan3A_191, %rem3A_192 : i32
    %add3A_194 = arith.constant 6 : i32
    %add3A_195 = arith.addi %scan3A_191, %add3A_194 : i32
    %sub3A_196 = arith.constant 1 : i32
    %sub3A_197 = arith.subi %add3A_195, %sub3A_196 : i32
    %rem3A_198 = arith.constant 6 : i32
    %rem3A_199 = arith.remsi %sub3A_197, %rem3A_198 : i32
    %add3A_200 = arith.constant 6 : i32
    %add3A_201 = arith.addi %scan3A_191, %add3A_200 : i32
    %sub3A_202 = arith.constant 1 : i32
    %sub3A_203 = arith.subi %add3A_201, %sub3A_202 : i32
    %lt3A_204 = arith.constant 100 : i32
    %lt3A_205 = arith.cmpi slt, %sub3A_203, %lt3A_204 : i32
    %convert_element_type3A_206 = arith.extui %lt3A_205 : i1 to i32
    %cond3A_207 = arith.constant 0 : i32
    %cond3A_208 = arith.cmpi ne, %convert_element_type3A_206, %cond3A_207 : i32
    scf.if %cond3A_208 {
      %ge3A = arith.constant 1 : i32
      %ge3A_485 = arith.cmpi sge, %scan3A_191, %ge3A : i32
      %convert_element_type3A_486 = arith.extui %ge3A_485 : i1 to i32
      %cond3A_487 = arith.constant 0 : i32
      %cond3A_488 = arith.cmpi ne, %convert_element_type3A_486, %cond3A_487 : i32
      scf.if %cond3A_488 {
        %sub3A_521 = arith.constant 1 : i32
        %sub3A_522 = arith.subi %scan3A_191, %sub3A_521 : i32
        %mul3A_523 = arith.constant 256 : i32
        %mul3A_524 = arith.muli %sub3A_522, %mul3A_523 : i32
        %add3A_525 = arith.addi %mul3A_2, %mul3A_524 : i32
        %dma_wait3A_526 = arith.constant 0 : i32
        %dma_wait3A_527 = arith.constant 0 : i32
        %dma_wait3A_528 = tpu.memref_slice %arg6[%rem3A_199, %dma_wait3A_526, %dma_wait3A_527] : memref<6x256x64xf32, #tpu.memory_space<vmem>> -> memref<1x256x64xf32, #tpu.memory_space<vmem>>
        %dma_wait3A_529 = tpu.memref_squeeze %dma_wait3A_528 : memref<1x256x64xf32, #tpu.memory_space<vmem>> -> memref<256x64xf32, #tpu.memory_space<vmem>>
        %dma_wait3A_530 = arith.constant 0 : i32
        %dma_wait3A_531 = tpu.memref_slice %arg4[%add3A_525, %dma_wait3A_530] : memref<819200x128xf32, #tpu.memory_space<hbm>> -> memref<256x64xf32, #tpu.memory_space<hbm>>
        %dma_wait3A_532 = arith.constant 0 : i32
        %dma_wait3A_533 = tpu.memref_slice %arg4[%add3A_525, %dma_wait3A_532] : memref<819200x128xf32, #tpu.memory_space<hbm>> -> memref<256x64xf32, #tpu.memory_space<hbm>>
        %dma_wait3A_534 = arith.constant 0 : i32
        %dma_wait3A_535 = arith.constant 0 : i32
        %dma_wait3A_536 = tpu.memref_slice %arg6[%rem3A_199, %dma_wait3A_534, %dma_wait3A_535] : memref<6x256x64xf32, #tpu.memory_space<vmem>> -> memref<1x256x64xf32, #tpu.memory_space<vmem>>
        %dma_wait3A_537 = tpu.memref_squeeze %dma_wait3A_536 : memref<1x256x64xf32, #tpu.memory_space<vmem>> -> memref<256x64xf32, #tpu.memory_space<vmem>>
        tpu.wait_dma2 semaphore(%arg8 : memref<!tpu.dma_semaphore, #tpu.memory_space<semaphore_mem>>) src(%dma_wait3A_537 : memref<256x64xf32, #tpu.memory_space<vmem>>) dst(%dma_wait3A_533 : memref<256x64xf32, #tpu.memory_space<hbm>>)
      } else {
      }
      %add3A_489 = arith.constant 6 : i32
      %add3A_490 = arith.addi %scan3A_191, %add3A_489 : i32
      %sub3A_491 = arith.constant 1 : i32
      %sub3A_492 = arith.subi %add3A_490, %sub3A_491 : i32
      %mul3A_493 = arith.constant 2 : i32
      %mul3A_494 = arith.muli %sub3A_492, %mul3A_493 : i32
      %add3A_495 = arith.constant 0 : i32
      %add3A_496 = arith.addi %mul3A_494, %add3A_495 : i32
      %dma_start3A_497 = arith.constant 0 : i32
      %dma_start3A_498 = arith.constant 0 : i32
      %dma_start3A_499 = tpu.memref_slice %arg6[%rem3A_199, %dma_start3A_497, %dma_start3A_498] : memref<6x256x64xf32, #tpu.memory_space<vmem>> -> memref<1x128x64xf32, #tpu.memory_space<vmem>>
      %dma_start3A_500 = tpu.memref_squeeze %dma_start3A_499 : memref<1x128x64xf32, #tpu.memory_space<vmem>> -> memref<128x64xf32, #tpu.memory_space<vmem>>
      %dma_start3A_501 = arith.constant 0 : i32
      %dma_start3A_502 = tpu.memref_slice %arg5[%add3A_496, %dma_start3A_501] : memref<200x128xi32, #tpu.memory_space<vmem>> -> memref<1x128xi32, #tpu.memory_space<vmem>>
      %dma_start3A_503 = tpu.memref_squeeze %dma_start3A_502 : memref<1x128xi32, #tpu.memory_space<vmem>> -> memref<128xi32, #tpu.memory_space<vmem>>
      %dma_start3A_504 = arith.constant 0 : i32
      %dma_start3A_505 = arith.constant 0 : i32
      %dma_start3A_506 = tpu.memref_slice %arg3[%dma_start3A_504, %dma_start3A_505] : memref<1000000x64xf32, #tpu.memory_space<hbm>> -> memref<1000000x64xf32, #tpu.memory_space<hbm>>
      tpu.enqueue_indirect_dma source(%dma_start3A_506 : memref<1000000x64xf32, #tpu.memory_space<hbm>>) target(%dma_start3A_500 : memref<128x64xf32, #tpu.memory_space<vmem>>) offsets(%dma_start3A_503 : memref<128xi32, #tpu.memory_space<vmem>>) semaphore(%arg7 : memref<!tpu.dma_semaphore, #tpu.memory_space<semaphore_mem>>)
      %mul3A_507 = arith.constant 2 : i32
      %mul3A_508 = arith.muli %sub3A_492, %mul3A_507 : i32
      %add3A_509 = arith.constant 1 : i32
      %add3A_510 = arith.addi %mul3A_508, %add3A_509 : i32
      %dma_start3A_511 = arith.constant 128 : i32
      %dma_start3A_512 = arith.constant 0 : i32
      %dma_start3A_513 = tpu.memref_slice %arg6[%rem3A_199, %dma_start3A_511, %dma_start3A_512] : memref<6x256x64xf32, #tpu.memory_space<vmem>> -> memref<1x128x64xf32, #tpu.memory_space<vmem>>
      %dma_start3A_514 = tpu.memref_squeeze %dma_start3A_513 : memref<1x128x64xf32, #tpu.memory_space<vmem>> -> memref<128x64xf32, #tpu.memory_space<vmem>>
      %dma_start3A_515 = arith.constant 0 : i32
      %dma_start3A_516 = tpu.memref_slice %arg5[%add3A_510, %dma_start3A_515] : memref<200x128xi32, #tpu.memory_space<vmem>> -> memref<1x128xi32, #tpu.memory_space<vmem>>
      %dma_start3A_517 = tpu.memref_squeeze %dma_start3A_516 : memref<1x128xi32, #tpu.memory_space<vmem>> -> memref<128xi32, #tpu.memory_space<vmem>>
      %dma_start3A_518 = arith.constant 0 : i32
      %dma_start3A_519 = arith.constant 0 : i32
      %dma_start3A_520 = tpu.memref_slice %arg3[%dma_start3A_518, %dma_start3A_519] : memref<1000000x64xf32, #tpu.memory_space<hbm>> -> memref<1000000x64xf32, #tpu.memory_space<hbm>>
      tpu.enqueue_indirect_dma source(%dma_start3A_520 : memref<1000000x64xf32, #tpu.memory_space<hbm>>) target(%dma_start3A_514 : memref<128x64xf32, #tpu.memory_space<vmem>>) offsets(%dma_start3A_517 : memref<128xi32, #tpu.memory_space<vmem>>) semaphore(%arg7 : memref<!tpu.dma_semaphore, #tpu.memory_space<semaphore_mem>>)
    } else {
    }
    %mul3A_209 = arith.constant 2 : i32
    %mul3A_210 = arith.muli %scan3A_191, %mul3A_209 : i32
    %add3A_211 = arith.constant 0 : i32
    %add3A_212 = arith.addi %mul3A_210, %add3A_211 : i32
    %dma_wait3A_213 = arith.constant 0 : i32
    %dma_wait3A_214 = arith.constant 0 : i32
    %dma_wait3A_215 = tpu.memref_slice %arg6[%rem3A_193, %dma_wait3A_213, %dma_wait3A_214] : memref<6x256x64xf32, #tpu.memory_space<vmem>> -> memref<1x128x64xf32, #tpu.memory_space<vmem>>
    %dma_wait3A_216 = tpu.memref_squeeze %dma_wait3A_215 : memref<1x128x64xf32, #tpu.memory_space<vmem>> -> memref<128x64xf32, #tpu.memory_space<vmem>>
    %dma_wait3A_217 = arith.constant 0 : i32
    %dma_wait3A_218 = tpu.memref_slice %arg5[%add3A_212, %dma_wait3A_217] : memref<200x128xi32, #tpu.memory_space<vmem>> -> memref<1x128xi32, #tpu.memory_space<vmem>>
    %dma_wait3A_219 = tpu.memref_squeeze %dma_wait3A_218 : memref<1x128xi32, #tpu.memory_space<vmem>> -> memref<128xi32, #tpu.memory_space<vmem>>
    %dma_wait3A_220 = arith.constant 0 : i32
    %dma_wait3A_221 = arith.constant 0 : i32
    %dma_wait3A_222 = tpu.memref_slice %arg3[%dma_wait3A_220, %dma_wait3A_221] : memref<1000000x64xf32, #tpu.memory_space<hbm>> -> memref<1000000x64xf32, #tpu.memory_space<hbm>>
    tpu.wait_indirect_dma semaphore(%arg7 : memref<!tpu.dma_semaphore, #tpu.memory_space<semaphore_mem>>) src(%dma_wait3A_222 : memref<1000000x64xf32, #tpu.memory_space<hbm>>) dst(%dma_wait3A_216 : memref<128x64xf32, #tpu.memory_space<vmem>>)
    %mul3A_223 = arith.constant 2 : i32
    %mul3A_224 = arith.muli %scan3A_191, %mul3A_223 : i32
    %add3A_225 = arith.constant 1 : i32
    %add3A_226 = arith.addi %mul3A_224, %add3A_225 : i32
    %dma_wait3A_227 = arith.constant 128 : i32
    %dma_wait3A_228 = arith.constant 0 : i32
    %dma_wait3A_229 = tpu.memref_slice %arg6[%rem3A_193, %dma_wait3A_227, %dma_wait3A_228] : memref<6x256x64xf32, #tpu.memory_space<vmem>> -> memref<1x128x64xf32, #tpu.memory_space<vmem>>
    %dma_wait3A_230 = tpu.memref_squeeze %dma_wait3A_229 : memref<1x128x64xf32, #tpu.memory_space<vmem>> -> memref<128x64xf32, #tpu.memory_space<vmem>>
    %dma_wait3A_231 = arith.constant 0 : i32
    %dma_wait3A_232 = tpu.memref_slice %arg5[%add3A_226, %dma_wait3A_231] : memref<200x128xi32, #tpu.memory_space<vmem>> -> memref<1x128xi32, #tpu.memory_space<vmem>>
    %dma_wait3A_233 = tpu.memref_squeeze %dma_wait3A_232 : memref<1x128xi32, #tpu.memory_space<vmem>> -> memref<128xi32, #tpu.memory_space<vmem>>
    %dma_wait3A_234 = arith.constant 0 : i32
    %dma_wait3A_235 = arith.constant 0 : i32
    %dma_wait3A_236 = tpu.memref_slice %arg3[%dma_wait3A_234, %dma_wait3A_235] : memref<1000000x64xf32, #tpu.memory_space<hbm>> -> memref<1000000x64xf32, #tpu.memory_space<hbm>>
    tpu.wait_indirect_dma semaphore(%arg7 : memref<!tpu.dma_semaphore, #tpu.memory_space<semaphore_mem>>) src(%dma_wait3A_236 : memref<1000000x64xf32, #tpu.memory_space<hbm>>) dst(%dma_wait3A_230 : memref<128x64xf32, #tpu.memory_space<vmem>>)
    %scan3A_237 = arith.constant 0 : i32
    %scan3A_238 = arith.constant 0 : i32
    %scan3A_239 = arith.constant 128 : i32
    %scan3A_240 = arith.addi %scan3A_238, %scan3A_239 : i32
    %scan3A_241 = arith.constant 1 : i32
    scf.for %scan3A_485 = %scan3A_238 to %scan3A_240 step %scan3A_241  : i32 {
      %mul3A_486 = arith.constant 2 : i32
      %mul3A_487 = arith.muli %mul3A_486, %scan3A_485 : i32
      %add3A_488 = arith.constant 0 : i32
      %add3A_489 = arith.addi %mul3A_487, %add3A_488 : i32
      %get3A = arith.index_cast %rem3A_193 : i32 to index
      %get3A_490 = arith.index_cast %add3A_489 : i32 to index
      %get3A_491 = arith.constant 0 : index
      %get3A_492 = tpu.vector_load %arg6[%get3A, %get3A_490, %get3A_491] {strides = array<i32>} : memref<6x256x64xf32, #tpu.memory_space<vmem>>, vector<1x1x16xf32>,
      %get3A_493 = vector.shape_cast %get3A_492 : vector<1x1x16xf32> to vector<16xf32>
      %mul3A_494 = arith.constant 1.000000e+00 : f32
      %mul3A_495 = vector.broadcast %mul3A_494 : f32 to vector<16xf32>
      %mul3A_496 = arith.mulf %get3A_493, %mul3A_495 : vector<16xf32>
      %mul3A_497 = arith.constant 2 : i32
      %mul3A_498 = arith.muli %mul3A_497, %scan3A_485 : i32
      %add3A_499 = arith.constant 0 : i32
      %add3A_500 = arith.addi %mul3A_498, %add3A_499 : i32
      %swap3A = arith.index_cast %rem3A_193 : i32 to index
      %swap3A_501 = arith.index_cast %add3A_500 : i32 to index
      %swap3A_502 = arith.constant 0 : index
      %swap3A_503 = tpu.vector_load %arg6[%swap3A, %swap3A_501, %swap3A_502] {strides = array<i32>} : memref<6x256x64xf32, #tpu.memory_space<vmem>>, vector<1x1x16xf32>,
      %swap3A_504 = vector.shape_cast %swap3A_503 : vector<1x1x16xf32> to vector<16xf32>
      %swap3A_505 = vector.shape_cast %mul3A_496 : vector<16xf32> to vector<1x1x16xf32>
      tpu.vector_store %arg6[%swap3A, %swap3A_501, %swap3A_502], %swap3A_505 {strides = array<i32>} : memref<6x256x64xf32, #tpu.memory_space<vmem>>, vector<1x1x16xf32>,
      %mul3A_506 = arith.constant 2 : i32
      %mul3A_507 = arith.muli %mul3A_506, %scan3A_485 : i32
      %add3A_508 = arith.constant 0 : i32
      %add3A_509 = arith.addi %mul3A_507, %add3A_508 : i32
      %get3A_510 = arith.index_cast %rem3A_193 : i32 to index
      %get3A_511 = arith.index_cast %add3A_509 : i32 to index
      %get3A_512 = arith.constant 16 : index
      %get3A_513 = tpu.vector_load %arg6[%get3A_510, %get3A_511, %get3A_512] {strides = array<i32>} : memref<6x256x64xf32, #tpu.memory_space<vmem>>, vector<1x1x16xf32>,
      %get3A_514 = vector.shape_cast %get3A_513 : vector<1x1x16xf32> to vector<16xf32>
      %mul3A_515 = arith.constant 1.000000e+00 : f32
      %mul3A_516 = vector.broadcast %mul3A_515 : f32 to vector<16xf32>
      %mul3A_517 = arith.mulf %get3A_514, %mul3A_516 : vector<16xf32>
      %mul3A_518 = arith.constant 2 : i32
      %mul3A_519 = arith.muli %mul3A_518, %scan3A_485 : i32
      %add3A_520 = arith.constant 0 : i32
      %add3A_521 = arith.addi %mul3A_519, %add3A_520 : i32
      %swap3A_522 = arith.index_cast %rem3A_193 : i32 to index
      %swap3A_523 = arith.index_cast %add3A_521 : i32 to index
      %swap3A_524 = arith.constant 16 : index
      %swap3A_525 = tpu.vector_load %arg6[%swap3A_522, %swap3A_523, %swap3A_524] {strides = array<i32>} : memref<6x256x64xf32, #tpu.memory_space<vmem>>, vector<1x1x16xf32>,
      %swap3A_526 = vector.shape_cast %swap3A_525 : vector<1x1x16xf32> to vector<16xf32>
      %swap3A_527 = vector.shape_cast %mul3A_517 : vector<16xf32> to vector<1x1x16xf32>
      tpu.vector_store %arg6[%swap3A_522, %swap3A_523, %swap3A_524], %swap3A_527 {strides = array<i32>} : memref<6x256x64xf32, #tpu.memory_space<vmem>>, vector<1x1x16xf32>,
      %mul3A_528 = arith.constant 2 : i32
      %mul3A_529 = arith.muli %mul3A_528, %scan3A_485 : i32
      %add3A_530 = arith.constant 0 : i32
      %add3A_531 = arith.addi %mul3A_529, %add3A_530 : i32
      %get3A_532 = arith.index_cast %rem3A_193 : i32 to index
      %get3A_533 = arith.index_cast %add3A_531 : i32 to index
      %get3A_534 = arith.constant 32 : index
      %get3A_535 = tpu.vector_load %arg6[%get3A_532, %get3A_533, %get3A_534] {strides = array<i32>} : memref<6x256x64xf32, #tpu.memory_space<vmem>>, vector<1x1x16xf32>,
      %get3A_536 = vector.shape_cast %get3A_535 : vector<1x1x16xf32> to vector<16xf32>
      %mul3A_537 = arith.constant 1.000000e+00 : f32
      %mul3A_538 = vector.broadcast %mul3A_537 : f32 to vector<16xf32>
      %mul3A_539 = arith.mulf %get3A_536, %mul3A_538 : vector<16xf32>
      %mul3A_540 = arith.constant 2 : i32
      %mul3A_541 = arith.muli %mul3A_540, %scan3A_485 : i32
      %add3A_542 = arith.constant 0 : i32
      %add3A_543 = arith.addi %mul3A_541, %add3A_542 : i32
      %swap3A_544 = arith.index_cast %rem3A_193 : i32 to index
      %swap3A_545 = arith.index_cast %add3A_543 : i32 to index
      %swap3A_546 = arith.constant 32 : index
      %swap3A_547 = tpu.vector_load %arg6[%swap3A_544, %swap3A_545, %swap3A_546] {strides = array<i32>} : memref<6x256x64xf32, #tpu.memory_space<vmem>>, vector<1x1x16xf32>,
      %swap3A_548 = vector.shape_cast %swap3A_547 : vector<1x1x16xf32> to vector<16xf32>
      %swap3A_549 = vector.shape_cast %mul3A_539 : vector<16xf32> to vector<1x1x16xf32>
      tpu.vector_store %arg6[%swap3A_544, %swap3A_545, %swap3A_546], %swap3A_549 {strides = array<i32>} : memref<6x256x64xf32, #tpu.memory_space<vmem>>, vector<1x1x16xf32>,
      %mul3A_550 = arith.constant 2 : i32
      %mul3A_551 = arith.muli %mul3A_550, %scan3A_485 : i32
      %add3A_552 = arith.constant 0 : i32
      %add3A_553 = arith.addi %mul3A_551, %add3A_552 : i32
      %get3A_554 = arith.index_cast %rem3A_193 : i32 to index
      %get3A_555 = arith.index_cast %add3A_553 : i32 to index
      %get3A_556 = arith.constant 48 : index
      %get3A_557 = tpu.vector_load %arg6[%get3A_554, %get3A_555, %get3A_556] {strides = array<i32>} : memref<6x256x64xf32, #tpu.memory_space<vmem>>, vector<1x1x16xf32>,
      %get3A_558 = vector.shape_cast %get3A_557 : vector<1x1x16xf32> to vector<16xf32>
      %mul3A_559 = arith.constant 1.000000e+00 : f32
      %mul3A_560 = vector.broadcast %mul3A_559 : f32 to vector<16xf32>
      %mul3A_561 = arith.mulf %get3A_558, %mul3A_560 : vector<16xf32>
      %mul3A_562 = arith.constant 2 : i32
      %mul3A_563 = arith.muli %mul3A_562, %scan3A_485 : i32
      %add3A_564 = arith.constant 0 : i32
      %add3A_565 = arith.addi %mul3A_563, %add3A_564 : i32
      %swap3A_566 = arith.index_cast %rem3A_193 : i32 to index
      %swap3A_567 = arith.index_cast %add3A_565 : i32 to index
      %swap3A_568 = arith.constant 48 : index
      %swap3A_569 = tpu.vector_load %arg6[%swap3A_566, %swap3A_567, %swap3A_568] {strides = array<i32>} : memref<6x256x64xf32, #tpu.memory_space<vmem>>, vector<1x1x16xf32>,
      %swap3A_570 = vector.shape_cast %swap3A_569 : vector<1x1x16xf32> to vector<16xf32>
      %swap3A_571 = vector.shape_cast %mul3A_561 : vector<16xf32> to vector<1x1x16xf32>
      tpu.vector_store %arg6[%swap3A_566, %swap3A_567, %swap3A_568], %swap3A_571 {strides = array<i32>} : memref<6x256x64xf32, #tpu.memory_space<vmem>>, vector<1x1x16xf32>,
      %mul3A_572 = arith.constant 2 : i32
      %mul3A_573 = arith.muli %mul3A_572, %scan3A_485 : i32
      %add3A_574 = arith.constant 1 : i32
      %add3A_575 = arith.addi %mul3A_573, %add3A_574 : i32
      %get3A_576 = arith.index_cast %rem3A_193 : i32 to index
      %get3A_577 = arith.index_cast %add3A_575 : i32 to index
      %get3A_578 = arith.constant 0 : index
      %get3A_579 = tpu.vector_load %arg6[%get3A_576, %get3A_577, %get3A_578] {strides = array<i32>} : memref<6x256x64xf32, #tpu.memory_space<vmem>>, vector<1x1x16xf32>,
      %get3A_580 = vector.shape_cast %get3A_579 : vector<1x1x16xf32> to vector<16xf32>
      %mul3A_581 = arith.constant 1.000000e+00 : f32
      %mul3A_582 = vector.broadcast %mul3A_581 : f32 to vector<16xf32>
      %mul3A_583 = arith.mulf %get3A_580, %mul3A_582 : vector<16xf32>
      %mul3A_584 = arith.constant 2 : i32
      %mul3A_585 = arith.muli %mul3A_584, %scan3A_485 : i32
      %add3A_586 = arith.constant 1 : i32
      %add3A_587 = arith.addi %mul3A_585, %add3A_586 : i32
      %swap3A_588 = arith.index_cast %rem3A_193 : i32 to index
      %swap3A_589 = arith.index_cast %add3A_587 : i32 to index
      %swap3A_590 = arith.constant 0 : index
      %swap3A_591 = tpu.vector_load %arg6[%swap3A_588, %swap3A_589, %swap3A_590] {strides = array<i32>} : memref<6x256x64xf32, #tpu.memory_space<vmem>>, vector<1x1x16xf32>,
      %swap3A_592 = vector.shape_cast %swap3A_591 : vector<1x1x16xf32> to vector<16xf32>
      %swap3A_593 = vector.shape_cast %mul3A_583 : vector<16xf32> to vector<1x1x16xf32>
      tpu.vector_store %arg6[%swap3A_588, %swap3A_589, %swap3A_590], %swap3A_593 {strides = array<i32>} : memref<6x256x64xf32, #tpu.memory_space<vmem>>, vector<1x1x16xf32>,
      %mul3A_594 = arith.constant 2 : i32
      %mul3A_595 = arith.muli %mul3A_594, %scan3A_485 : i32
      %add3A_596 = arith.constant 1 : i32
      %add3A_597 = arith.addi %mul3A_595, %add3A_596 : i32
      %get3A_598 = arith.index_cast %rem3A_193 : i32 to index
      %get3A_599 = arith.index_cast %add3A_597 : i32 to index
      %get3A_600 = arith.constant 16 : index
      %get3A_601 = tpu.vector_load %arg6[%get3A_598, %get3A_599, %get3A_600] {strides = array<i32>} : memref<6x256x64xf32, #tpu.memory_space<vmem>>, vector<1x1x16xf32>,
      %get3A_602 = vector.shape_cast %get3A_601 : vector<1x1x16xf32> to vector<16xf32>
      %mul3A_603 = arith.constant 1.000000e+00 : f32
      %mul3A_604 = vector.broadcast %mul3A_603 : f32 to vector<16xf32>
      %mul3A_605 = arith.mulf %get3A_602, %mul3A_604 : vector<16xf32>
      %mul3A_606 = arith.constant 2 : i32
      %mul3A_607 = arith.muli %mul3A_606, %scan3A_485 : i32
      %add3A_608 = arith.constant 1 : i32
      %add3A_609 = arith.addi %mul3A_607, %add3A_608 : i32
      %swap3A_610 = arith.index_cast %rem3A_193 : i32 to index
      %swap3A_611 = arith.index_cast %add3A_609 : i32 to index
      %swap3A_612 = arith.constant 16 : index
      %swap3A_613 = tpu.vector_load %arg6[%swap3A_610, %swap3A_611, %swap3A_612] {strides = array<i32>} : memref<6x256x64xf32, #tpu.memory_space<vmem>>, vector<1x1x16xf32>,
      %swap3A_614 = vector.shape_cast %swap3A_613 : vector<1x1x16xf32> to vector<16xf32>
      %swap3A_615 = vector.shape_cast %mul3A_605 : vector<16xf32> to vector<1x1x16xf32>
      tpu.vector_store %arg6[%swap3A_610, %swap3A_611, %swap3A_612], %swap3A_615 {strides = array<i32>} : memref<6x256x64xf32, #tpu.memory_space<vmem>>, vector<1x1x16xf32>,
      %mul3A_616 = arith.constant 2 : i32
      %mul3A_617 = arith.muli %mul3A_616, %scan3A_485 : i32
      %add3A_618 = arith.constant 1 : i32
      %add3A_619 = arith.addi %mul3A_617, %add3A_618 : i32
      %get3A_620 = arith.index_cast %rem3A_193 : i32 to index
      %get3A_621 = arith.index_cast %add3A_619 : i32 to index
      %get3A_622 = arith.constant 32 : index
      %get3A_623 = tpu.vector_load %arg6[%get3A_620, %get3A_621, %get3A_622] {strides = array<i32>} : memref<6x256x64xf32, #tpu.memory_space<vmem>>, vector<1x1x16xf32>,
      %get3A_624 = vector.shape_cast %get3A_623 : vector<1x1x16xf32> to vector<16xf32>
      %mul3A_625 = arith.constant 1.000000e+00 : f32
      %mul3A_626 = vector.broadcast %mul3A_625 : f32 to vector<16xf32>
      %mul3A_627 = arith.mulf %get3A_624, %mul3A_626 : vector<16xf32>
      %mul3A_628 = arith.constant 2 : i32
      %mul3A_629 = arith.muli %mul3A_628, %scan3A_485 : i32
      %add3A_630 = arith.constant 1 : i32
      %add3A_631 = arith.addi %mul3A_629, %add3A_630 : i32
      %swap3A_632 = arith.index_cast %rem3A_193 : i32 to index
      %swap3A_633 = arith.index_cast %add3A_631 : i32 to index
      %swap3A_634 = arith.constant 32 : index
      %swap3A_635 = tpu.vector_load %arg6[%swap3A_632, %swap3A_633, %swap3A_634] {strides = array<i32>} : memref<6x256x64xf32, #tpu.memory_space<vmem>>, vector<1x1x16xf32>,
      %swap3A_636 = vector.shape_cast %swap3A_635 : vector<1x1x16xf32> to vector<16xf32>
      %swap3A_637 = vector.shape_cast %mul3A_627 : vector<16xf32> to vector<1x1x16xf32>
      tpu.vector_store %arg6[%swap3A_632, %swap3A_633, %swap3A_634], %swap3A_637 {strides = array<i32>} : memref<6x256x64xf32, #tpu.memory_space<vmem>>, vector<1x1x16xf32>,
      %mul3A_638 = arith.constant 2 : i32
      %mul3A_639 = arith.muli %mul3A_638, %scan3A_485 : i32
      %add3A_640 = arith.constant 1 : i32
      %add3A_641 = arith.addi %mul3A_639, %add3A_640 : i32
      %get3A_642 = arith.index_cast %rem3A_193 : i32 to index
      %get3A_643 = arith.index_cast %add3A_641 : i32 to index
      %get3A_644 = arith.constant 48 : index
      %get3A_645 = tpu.vector_load %arg6[%get3A_642, %get3A_643, %get3A_644] {strides = array<i32>} : memref<6x256x64xf32, #tpu.memory_space<vmem>>, vector<1x1x16xf32>,
      %get3A_646 = vector.shape_cast %get3A_645 : vector<1x1x16xf32> to vector<16xf32>
      %mul3A_647 = arith.constant 1.000000e+00 : f32
      %mul3A_648 = vector.broadcast %mul3A_647 : f32 to vector<16xf32>
      %mul3A_649 = arith.mulf %get3A_646, %mul3A_648 : vector<16xf32>
      %mul3A_650 = arith.constant 2 : i32
      %mul3A_651 = arith.muli %mul3A_650, %scan3A_485 : i32
      %add3A_652 = arith.constant 1 : i32
      %add3A_653 = arith.addi %mul3A_651, %add3A_652 : i32
      %swap3A_654 = arith.index_cast %rem3A_193 : i32 to index
      %swap3A_655 = arith.index_cast %add3A_653 : i32 to index
      %swap3A_656 = arith.constant 48 : index
      %swap3A_657 = tpu.vector_load %arg6[%swap3A_654, %swap3A_655, %swap3A_656] {strides = array<i32>} : memref<6x256x64xf32, #tpu.memory_space<vmem>>, vector<1x1x16xf32>,
      %swap3A_658 = vector.shape_cast %swap3A_657 : vector<1x1x16xf32> to vector<16xf32>
      %swap3A_659 = vector.shape_cast %mul3A_649 : vector<16xf32> to vector<1x1x16xf32>
      tpu.vector_store %arg6[%swap3A_654, %swap3A_655, %swap3A_656], %swap3A_659 {strides = array<i32>} : memref<6x256x64xf32, #tpu.memory_space<vmem>>, vector<1x1x16xf32>,
    }
    %scan3A_242 = arith.constant 128 : i32
    %mul3A_243 = arith.constant 256 : i32
    %mul3A_244 = arith.muli %scan3A_191, %mul3A_243 : i32
    %add3A_245 = arith.addi %mul3A_2, %mul3A_244 : i32
    %dma_start3A_246 = arith.constant 0 : i32
    %dma_start3A_247 = arith.constant 0 : i32
    %dma_start3A_248 = tpu.memref_slice %arg6[%rem3A_193, %dma_start3A_246, %dma_start3A_247] : memref<6x256x64xf32, #tpu.memory_space<vmem>> -> memref<1x256x64xf32, #tpu.memory_space<vmem>>
    %dma_start3A_249 = tpu.memref_squeeze %dma_start3A_248 : memref<1x256x64xf32, #tpu.memory_space<vmem>> -> memref<256x64xf32, #tpu.memory_space<vmem>>
    %dma_start3A_250 = arith.constant 0 : i32
    %dma_start3A_251 = tpu.memref_slice %arg4[%add3A_245, %dma_start3A_250] : memref<819200x128xf32, #tpu.memory_space<hbm>> -> memref<256x64xf32, #tpu.memory_space<hbm>>
    %dma_start3A_252 = arith.constant 0 : i32
    %dma_start3A_253 = tpu.memref_slice %arg4[%add3A_245, %dma_start3A_252] : memref<819200x128xf32, #tpu.memory_space<hbm>> -> memref<256x64xf32, #tpu.memory_space<hbm>>
    %dma_start3A_254 = arith.constant 0 : i32
    %dma_start3A_255 = arith.constant 0 : i32
    %dma_start3A_256 = tpu.memref_slice %arg6[%rem3A_193, %dma_start3A_254, %dma_start3A_255] : memref<6x256x64xf32, #tpu.memory_space<vmem>> -> memref<1x256x64xf32, #tpu.memory_space<vmem>>
    %dma_start3A_257 = tpu.memref_squeeze %dma_start3A_256 : memref<1x256x64xf32, #tpu.memory_space<vmem>> -> memref<256x64xf32, #tpu.memory_space<vmem>>
    tpu.enqueue_dma source(%dma_start3A_257 : memref<256x64xf32, #tpu.memory_space<vmem>>) target(%dma_start3A_253 : memref<256x64xf32, #tpu.memory_space<hbm>>) target_semaphore(%arg8 : memref<!tpu.dma_semaphore, #tpu.memory_space<semaphore_mem>>)
    %scan3A_258 = arith.constant 98 : i32
    %scan3A_259 = arith.addi %scan3A_124, %scan3A_258 : i32
    %rem3A_260 = arith.constant 6 : i32
    %rem3A_261 = arith.remsi %scan3A_259, %rem3A_260 : i32
    %add3A_262 = arith.constant 6 : i32
    %add3A_263 = arith.addi %scan3A_259, %add3A_262 : i32
    %sub3A_264 = arith.constant 1 : i32
    %sub3A_265 = arith.subi %add3A_263, %sub3A_264 : i32
    %rem3A_266 = arith.constant 6 : i32
    %rem3A_267 = arith.remsi %sub3A_265, %rem3A_266 : i32
    %add3A_268 = arith.constant 6 : i32
    %add3A_269 = arith.addi %scan3A_259, %add3A_268 : i32
    %sub3A_270 = arith.constant 1 : i32
    %sub3A_271 = arith.subi %add3A_269, %sub3A_270 : i32
    %lt3A_272 = arith.constant 100 : i32
    %lt3A_273 = arith.cmpi slt, %sub3A_271, %lt3A_272 : i32
    %convert_element_type3A_274 = arith.extui %lt3A_273 : i1 to i32
    %cond3A_275 = arith.constant 0 : i32
    %cond3A_276 = arith.cmpi ne, %convert_element_type3A_274, %cond3A_275 : i32
    scf.if %cond3A_276 {
      %ge3A = arith.constant 1 : i32
      %ge3A_485 = arith.cmpi sge, %scan3A_259, %ge3A : i32
      %convert_element_type3A_486 = arith.extui %ge3A_485 : i1 to i32
      %cond3A_487 = arith.constant 0 : i32
      %cond3A_488 = arith.cmpi ne, %convert_element_type3A_486, %cond3A_487 : i32
      scf.if %cond3A_488 {
        %sub3A_521 = arith.constant 1 : i32
        %sub3A_522 = arith.subi %scan3A_259, %sub3A_521 : i32
        %mul3A_523 = arith.constant 256 : i32
        %mul3A_524 = arith.muli %sub3A_522, %mul3A_523 : i32
        %add3A_525 = arith.addi %mul3A_2, %mul3A_524 : i32
        %dma_wait3A_526 = arith.constant 0 : i32
        %dma_wait3A_527 = arith.constant 0 : i32
        %dma_wait3A_528 = tpu.memref_slice %arg6[%rem3A_267, %dma_wait3A_526, %dma_wait3A_527] : memref<6x256x64xf32, #tpu.memory_space<vmem>> -> memref<1x256x64xf32, #tpu.memory_space<vmem>>
        %dma_wait3A_529 = tpu.memref_squeeze %dma_wait3A_528 : memref<1x256x64xf32, #tpu.memory_space<vmem>> -> memref<256x64xf32, #tpu.memory_space<vmem>>
        %dma_wait3A_530 = arith.constant 0 : i32
        %dma_wait3A_531 = tpu.memref_slice %arg4[%add3A_525, %dma_wait3A_530] : memref<819200x128xf32, #tpu.memory_space<hbm>> -> memref<256x64xf32, #tpu.memory_space<hbm>>
        %dma_wait3A_532 = arith.constant 0 : i32
        %dma_wait3A_533 = tpu.memref_slice %arg4[%add3A_525, %dma_wait3A_532] : memref<819200x128xf32, #tpu.memory_space<hbm>> -> memref<256x64xf32, #tpu.memory_space<hbm>>
        %dma_wait3A_534 = arith.constant 0 : i32
        %dma_wait3A_535 = arith.constant 0 : i32
        %dma_wait3A_536 = tpu.memref_slice %arg6[%rem3A_267, %dma_wait3A_534, %dma_wait3A_535] : memref<6x256x64xf32, #tpu.memory_space<vmem>> -> memref<1x256x64xf32, #tpu.memory_space<vmem>>
        %dma_wait3A_537 = tpu.memref_squeeze %dma_wait3A_536 : memref<1x256x64xf32, #tpu.memory_space<vmem>> -> memref<256x64xf32, #tpu.memory_space<vmem>>
        tpu.wait_dma2 semaphore(%arg8 : memref<!tpu.dma_semaphore, #tpu.memory_space<semaphore_mem>>) src(%dma_wait3A_537 : memref<256x64xf32, #tpu.memory_space<vmem>>) dst(%dma_wait3A_533 : memref<256x64xf32, #tpu.memory_space<hbm>>)
      } else {
      }
      %add3A_489 = arith.constant 6 : i32
      %add3A_490 = arith.addi %scan3A_259, %add3A_489 : i32
      %sub3A_491 = arith.constant 1 : i32
      %sub3A_492 = arith.subi %add3A_490, %sub3A_491 : i32
      %mul3A_493 = arith.constant 2 : i32
      %mul3A_494 = arith.muli %sub3A_492, %mul3A_493 : i32
      %add3A_495 = arith.constant 0 : i32
      %add3A_496 = arith.addi %mul3A_494, %add3A_495 : i32
      %dma_start3A_497 = arith.constant 0 : i32
      %dma_start3A_498 = arith.constant 0 : i32
      %dma_start3A_499 = tpu.memref_slice %arg6[%rem3A_267, %dma_start3A_497, %dma_start3A_498] : memref<6x256x64xf32, #tpu.memory_space<vmem>> -> memref<1x128x64xf32, #tpu.memory_space<vmem>>
      %dma_start3A_500 = tpu.memref_squeeze %dma_start3A_499 : memref<1x128x64xf32, #tpu.memory_space<vmem>> -> memref<128x64xf32, #tpu.memory_space<vmem>>
      %dma_start3A_501 = arith.constant 0 : i32
      %dma_start3A_502 = tpu.memref_slice %arg5[%add3A_496, %dma_start3A_501] : memref<200x128xi32, #tpu.memory_space<vmem>> -> memref<1x128xi32, #tpu.memory_space<vmem>>
      %dma_start3A_503 = tpu.memref_squeeze %dma_start3A_502 : memref<1x128xi32, #tpu.memory_space<vmem>> -> memref<128xi32, #tpu.memory_space<vmem>>
      %dma_start3A_504 = arith.constant 0 : i32
      %dma_start3A_505 = arith.constant 0 : i32
      %dma_start3A_506 = tpu.memref_slice %arg3[%dma_start3A_504, %dma_start3A_505] : memref<1000000x64xf32, #tpu.memory_space<hbm>> -> memref<1000000x64xf32, #tpu.memory_space<hbm>>
      tpu.enqueue_indirect_dma source(%dma_start3A_506 : memref<1000000x64xf32, #tpu.memory_space<hbm>>) target(%dma_start3A_500 : memref<128x64xf32, #tpu.memory_space<vmem>>) offsets(%dma_start3A_503 : memref<128xi32, #tpu.memory_space<vmem>>) semaphore(%arg7 : memref<!tpu.dma_semaphore, #tpu.memory_space<semaphore_mem>>)
      %mul3A_507 = arith.constant 2 : i32
      %mul3A_508 = arith.muli %sub3A_492, %mul3A_507 : i32
      %add3A_509 = arith.constant 1 : i32
      %add3A_510 = arith.addi %mul3A_508, %add3A_509 : i32
      %dma_start3A_511 = arith.constant 128 : i32
      %dma_start3A_512 = arith.constant 0 : i32
      %dma_start3A_513 = tpu.memref_slice %arg6[%rem3A_267, %dma_start3A_511, %dma_start3A_512] : memref<6x256x64xf32, #tpu.memory_space<vmem>> -> memref<1x128x64xf32, #tpu.memory_space<vmem>>
      %dma_start3A_514 = tpu.memref_squeeze %dma_start3A_513 : memref<1x128x64xf32, #tpu.memory_space<vmem>> -> memref<128x64xf32, #tpu.memory_space<vmem>>
      %dma_start3A_515 = arith.constant 0 : i32
      %dma_start3A_516 = tpu.memref_slice %arg5[%add3A_510, %dma_start3A_515] : memref<200x128xi32, #tpu.memory_space<vmem>> -> memref<1x128xi32, #tpu.memory_space<vmem>>
      %dma_start3A_517 = tpu.memref_squeeze %dma_start3A_516 : memref<1x128xi32, #tpu.memory_space<vmem>> -> memref<128xi32, #tpu.memory_space<vmem>>
      %dma_start3A_518 = arith.constant 0 : i32
      %dma_start3A_519 = arith.constant 0 : i32
      %dma_start3A_520 = tpu.memref_slice %arg3[%dma_start3A_518, %dma_start3A_519] : memref<1000000x64xf32, #tpu.memory_space<hbm>> -> memref<1000000x64xf32, #tpu.memory_space<hbm>>
      tpu.enqueue_indirect_dma source(%dma_start3A_520 : memref<1000000x64xf32, #tpu.memory_space<hbm>>) target(%dma_start3A_514 : memref<128x64xf32, #tpu.memory_space<vmem>>) offsets(%dma_start3A_517 : memref<128xi32, #tpu.memory_space<vmem>>) semaphore(%arg7 : memref<!tpu.dma_semaphore, #tpu.memory_space<semaphore_mem>>)
    } else {
    }
    %mul3A_277 = arith.constant 2 : i32
    %mul3A_278 = arith.muli %scan3A_259, %mul3A_277 : i32
    %add3A_279 = arith.constant 0 : i32
    %add3A_280 = arith.addi %mul3A_278, %add3A_279 : i32
    %dma_wait3A_281 = arith.constant 0 : i32
    %dma_wait3A_282 = arith.constant 0 : i32
    %dma_wait3A_283 = tpu.memref_slice %arg6[%rem3A_261, %dma_wait3A_281, %dma_wait3A_282] : memref<6x256x64xf32, #tpu.memory_space<vmem>> -> memref<1x128x64xf32, #tpu.memory_space<vmem>>
    %dma_wait3A_284 = tpu.memref_squeeze %dma_wait3A_283 : memref<1x128x64xf32, #tpu.memory_space<vmem>> -> memref<128x64xf32, #tpu.memory_space<vmem>>
    %dma_wait3A_285 = arith.constant 0 : i32
    %dma_wait3A_286 = tpu.memref_slice %arg5[%add3A_280, %dma_wait3A_285] : memref<200x128xi32, #tpu.memory_space<vmem>> -> memref<1x128xi32, #tpu.memory_space<vmem>>
    %dma_wait3A_287 = tpu.memref_squeeze %dma_wait3A_286 : memref<1x128xi32, #tpu.memory_space<vmem>> -> memref<128xi32, #tpu.memory_space<vmem>>
    %dma_wait3A_288 = arith.constant 0 : i32
    %dma_wait3A_289 = arith.constant 0 : i32
    %dma_wait3A_290 = tpu.memref_slice %arg3[%dma_wait3A_288, %dma_wait3A_289] : memref<1000000x64xf32, #tpu.memory_space<hbm>> -> memref<1000000x64xf32, #tpu.memory_space<hbm>>
    tpu.wait_indirect_dma semaphore(%arg7 : memref<!tpu.dma_semaphore, #tpu.memory_space<semaphore_mem>>) src(%dma_wait3A_290 : memref<1000000x64xf32, #tpu.memory_space<hbm>>) dst(%dma_wait3A_284 : memref<128x64xf32, #tpu.memory_space<vmem>>)
    %mul3A_291 = arith.constant 2 : i32
    %mul3A_292 = arith.muli %scan3A_259, %mul3A_291 : i32
    %add3A_293 = arith.constant 1 : i32
    %add3A_294 = arith.addi %mul3A_292, %add3A_293 : i32
    %dma_wait3A_295 = arith.constant 128 : i32
    %dma_wait3A_296 = arith.constant 0 : i32
    %dma_wait3A_297 = tpu.memref_slice %arg6[%rem3A_261, %dma_wait3A_295, %dma_wait3A_296] : memref<6x256x64xf32, #tpu.memory_space<vmem>> -> memref<1x128x64xf32, #tpu.memory_space<vmem>>
    %dma_wait3A_298 = tpu.memref_squeeze %dma_wait3A_297 : memref<1x128x64xf32, #tpu.memory_space<vmem>> -> memref<128x64xf32, #tpu.memory_space<vmem>>
    %dma_wait3A_299 = arith.constant 0 : i32
    %dma_wait3A_300 = tpu.memref_slice %arg5[%add3A_294, %dma_wait3A_299] : memref<200x128xi32, #tpu.memory_space<vmem>> -> memref<1x128xi32, #tpu.memory_space<vmem>>
    %dma_wait3A_301 = tpu.memref_squeeze %dma_wait3A_300 : memref<1x128xi32, #tpu.memory_space<vmem>> -> memref<128xi32, #tpu.memory_space<vmem>>
    %dma_wait3A_302 = arith.constant 0 : i32
    %dma_wait3A_303 = arith.constant 0 : i32
    %dma_wait3A_304 = tpu.memref_slice %arg3[%dma_wait3A_302, %dma_wait3A_303] : memref<1000000x64xf32, #tpu.memory_space<hbm>> -> memref<1000000x64xf32, #tpu.memory_space<hbm>>
    tpu.wait_indirect_dma semaphore(%arg7 : memref<!tpu.dma_semaphore, #tpu.memory_space<semaphore_mem>>) src(%dma_wait3A_304 : memref<1000000x64xf32, #tpu.memory_space<hbm>>) dst(%dma_wait3A_298 : memref<128x64xf32, #tpu.memory_space<vmem>>)
    %scan3A_305 = arith.constant 0 : i32
    %scan3A_306 = arith.constant 0 : i32
    %scan3A_307 = arith.constant 128 : i32
    %scan3A_308 = arith.addi %scan3A_306, %scan3A_307 : i32
    %scan3A_309 = arith.constant 1 : i32
    scf.for %scan3A_485 = %scan3A_306 to %scan3A_308 step %scan3A_309  : i32 {
      %mul3A_486 = arith.constant 2 : i32
      %mul3A_487 = arith.muli %mul3A_486, %scan3A_485 : i32
      %add3A_488 = arith.constant 0 : i32
      %add3A_489 = arith.addi %mul3A_487, %add3A_488 : i32
      %get3A = arith.index_cast %rem3A_261 : i32 to index
      %get3A_490 = arith.index_cast %add3A_489 : i32 to index
      %get3A_491 = arith.constant 0 : index
      %get3A_492 = tpu.vector_load %arg6[%get3A, %get3A_490, %get3A_491] {strides = array<i32>} : memref<6x256x64xf32, #tpu.memory_space<vmem>>, vector<1x1x16xf32>,
      %get3A_493 = vector.shape_cast %get3A_492 : vector<1x1x16xf32> to vector<16xf32>
      %mul3A_494 = arith.constant 1.000000e+00 : f32
      %mul3A_495 = vector.broadcast %mul3A_494 : f32 to vector<16xf32>
      %mul3A_496 = arith.mulf %get3A_493, %mul3A_495 : vector<16xf32>
      %mul3A_497 = arith.constant 2 : i32
      %mul3A_498 = arith.muli %mul3A_497, %scan3A_485 : i32
      %add3A_499 = arith.constant 0 : i32
      %add3A_500 = arith.addi %mul3A_498, %add3A_499 : i32
      %swap3A = arith.index_cast %rem3A_261 : i32 to index
      %swap3A_501 = arith.index_cast %add3A_500 : i32 to index
      %swap3A_502 = arith.constant 0 : index
      %swap3A_503 = tpu.vector_load %arg6[%swap3A, %swap3A_501, %swap3A_502] {strides = array<i32>} : memref<6x256x64xf32, #tpu.memory_space<vmem>>, vector<1x1x16xf32>,
      %swap3A_504 = vector.shape_cast %swap3A_503 : vector<1x1x16xf32> to vector<16xf32>
      %swap3A_505 = vector.shape_cast %mul3A_496 : vector<16xf32> to vector<1x1x16xf32>
      tpu.vector_store %arg6[%swap3A, %swap3A_501, %swap3A_502], %swap3A_505 {strides = array<i32>} : memref<6x256x64xf32, #tpu.memory_space<vmem>>, vector<1x1x16xf32>,
      %mul3A_506 = arith.constant 2 : i32
      %mul3A_507 = arith.muli %mul3A_506, %scan3A_485 : i32
      %add3A_508 = arith.constant 0 : i32
      %add3A_509 = arith.addi %mul3A_507, %add3A_508 : i32
      %get3A_510 = arith.index_cast %rem3A_261 : i32 to index
      %get3A_511 = arith.index_cast %add3A_509 : i32 to index
      %get3A_512 = arith.constant 16 : index
      %get3A_513 = tpu.vector_load %arg6[%get3A_510, %get3A_511, %get3A_512] {strides = array<i32>} : memref<6x256x64xf32, #tpu.memory_space<vmem>>, vector<1x1x16xf32>,
      %get3A_514 = vector.shape_cast %get3A_513 : vector<1x1x16xf32> to vector<16xf32>
      %mul3A_515 = arith.constant 1.000000e+00 : f32
      %mul3A_516 = vector.broadcast %mul3A_515 : f32 to vector<16xf32>
      %mul3A_517 = arith.mulf %get3A_514, %mul3A_516 : vector<16xf32>
      %mul3A_518 = arith.constant 2 : i32
      %mul3A_519 = arith.muli %mul3A_518, %scan3A_485 : i32
      %add3A_520 = arith.constant 0 : i32
      %add3A_521 = arith.addi %mul3A_519, %add3A_520 : i32
      %swap3A_522 = arith.index_cast %rem3A_261 : i32 to index
      %swap3A_523 = arith.index_cast %add3A_521 : i32 to index
      %swap3A_524 = arith.constant 16 : index
      %swap3A_525 = tpu.vector_load %arg6[%swap3A_522, %swap3A_523, %swap3A_524] {strides = array<i32>} : memref<6x256x64xf32, #tpu.memory_space<vmem>>, vector<1x1x16xf32>,
      %swap3A_526 = vector.shape_cast %swap3A_525 : vector<1x1x16xf32> to vector<16xf32>
      %swap3A_527 = vector.shape_cast %mul3A_517 : vector<16xf32> to vector<1x1x16xf32>
      tpu.vector_store %arg6[%swap3A_522, %swap3A_523, %swap3A_524], %swap3A_527 {strides = array<i32>} : memref<6x256x64xf32, #tpu.memory_space<vmem>>, vector<1x1x16xf32>,
      %mul3A_528 = arith.constant 2 : i32
      %mul3A_529 = arith.muli %mul3A_528, %scan3A_485 : i32
      %add3A_530 = arith.constant 0 : i32
      %add3A_531 = arith.addi %mul3A_529, %add3A_530 : i32
      %get3A_532 = arith.index_cast %rem3A_261 : i32 to index
      %get3A_533 = arith.index_cast %add3A_531 : i32 to index
      %get3A_534 = arith.constant 32 : index
      %get3A_535 = tpu.vector_load %arg6[%get3A_532, %get3A_533, %get3A_534] {strides = array<i32>} : memref<6x256x64xf32, #tpu.memory_space<vmem>>, vector<1x1x16xf32>,
      %get3A_536 = vector.shape_cast %get3A_535 : vector<1x1x16xf32> to vector<16xf32>
      %mul3A_537 = arith.constant 1.000000e+00 : f32
      %mul3A_538 = vector.broadcast %mul3A_537 : f32 to vector<16xf32>
      %mul3A_539 = arith.mulf %get3A_536, %mul3A_538 : vector<16xf32>
      %mul3A_540 = arith.constant 2 : i32
      %mul3A_541 = arith.muli %mul3A_540, %scan3A_485 : i32
      %add3A_542 = arith.constant 0 : i32
      %add3A_543 = arith.addi %mul3A_541, %add3A_542 : i32
      %swap3A_544 = arith.index_cast %rem3A_261 : i32 to index
      %swap3A_545 = arith.index_cast %add3A_543 : i32 to index
      %swap3A_546 = arith.constant 32 : index
      %swap3A_547 = tpu.vector_load %arg6[%swap3A_544, %swap3A_545, %swap3A_546] {strides = array<i32>} : memref<6x256x64xf32, #tpu.memory_space<vmem>>, vector<1x1x16xf32>,
      %swap3A_548 = vector.shape_cast %swap3A_547 : vector<1x1x16xf32> to vector<16xf32>
      %swap3A_549 = vector.shape_cast %mul3A_539 : vector<16xf32> to vector<1x1x16xf32>
      tpu.vector_store %arg6[%swap3A_544, %swap3A_545, %swap3A_546], %swap3A_549 {strides = array<i32>} : memref<6x256x64xf32, #tpu.memory_space<vmem>>, vector<1x1x16xf32>,
      %mul3A_550 = arith.constant 2 : i32
      %mul3A_551 = arith.muli %mul3A_550, %scan3A_485 : i32
      %add3A_552 = arith.constant 0 : i32
      %add3A_553 = arith.addi %mul3A_551, %add3A_552 : i32
      %get3A_554 = arith.index_cast %rem3A_261 : i32 to index
      %get3A_555 = arith.index_cast %add3A_553 : i32 to index
      %get3A_556 = arith.constant 48 : index
      %get3A_557 = tpu.vector_load %arg6[%get3A_554, %get3A_555, %get3A_556] {strides = array<i32>} : memref<6x256x64xf32, #tpu.memory_space<vmem>>, vector<1x1x16xf32>,
      %get3A_558 = vector.shape_cast %get3A_557 : vector<1x1x16xf32> to vector<16xf32>
      %mul3A_559 = arith.constant 1.000000e+00 : f32
      %mul3A_560 = vector.broadcast %mul3A_559 : f32 to vector<16xf32>
      %mul3A_561 = arith.mulf %get3A_558, %mul3A_560 : vector<16xf32>
      %mul3A_562 = arith.constant 2 : i32
      %mul3A_563 = arith.muli %mul3A_562, %scan3A_485 : i32
      %add3A_564 = arith.constant 0 : i32
      %add3A_565 = arith.addi %mul3A_563, %add3A_564 : i32
      %swap3A_566 = arith.index_cast %rem3A_261 : i32 to index
      %swap3A_567 = arith.index_cast %add3A_565 : i32 to index
      %swap3A_568 = arith.constant 48 : index
      %swap3A_569 = tpu.vector_load %arg6[%swap3A_566, %swap3A_567, %swap3A_568] {strides = array<i32>} : memref<6x256x64xf32, #tpu.memory_space<vmem>>, vector<1x1x16xf32>,
      %swap3A_570 = vector.shape_cast %swap3A_569 : vector<1x1x16xf32> to vector<16xf32>
      %swap3A_571 = vector.shape_cast %mul3A_561 : vector<16xf32> to vector<1x1x16xf32>
      tpu.vector_store %arg6[%swap3A_566, %swap3A_567, %swap3A_568], %swap3A_571 {strides = array<i32>} : memref<6x256x64xf32, #tpu.memory_space<vmem>>, vector<1x1x16xf32>,
      %mul3A_572 = arith.constant 2 : i32
      %mul3A_573 = arith.muli %mul3A_572, %scan3A_485 : i32
      %add3A_574 = arith.constant 1 : i32
      %add3A_575 = arith.addi %mul3A_573, %add3A_574 : i32
      %get3A_576 = arith.index_cast %rem3A_261 : i32 to index
      %get3A_577 = arith.index_cast %add3A_575 : i32 to index
      %get3A_578 = arith.constant 0 : index
      %get3A_579 = tpu.vector_load %arg6[%get3A_576, %get3A_577, %get3A_578] {strides = array<i32>} : memref<6x256x64xf32, #tpu.memory_space<vmem>>, vector<1x1x16xf32>,
      %get3A_580 = vector.shape_cast %get3A_579 : vector<1x1x16xf32> to vector<16xf32>
      %mul3A_581 = arith.constant 1.000000e+00 : f32
      %mul3A_582 = vector.broadcast %mul3A_581 : f32 to vector<16xf32>
      %mul3A_583 = arith.mulf %get3A_580, %mul3A_582 : vector<16xf32>
      %mul3A_584 = arith.constant 2 : i32
      %mul3A_585 = arith.muli %mul3A_584, %scan3A_485 : i32
      %add3A_586 = arith.constant 1 : i32
      %add3A_587 = arith.addi %mul3A_585, %add3A_586 : i32
      %swap3A_588 = arith.index_cast %rem3A_261 : i32 to index
      %swap3A_589 = arith.index_cast %add3A_587 : i32 to index
      %swap3A_590 = arith.constant 0 : index
      %swap3A_591 = tpu.vector_load %arg6[%swap3A_588, %swap3A_589, %swap3A_590] {strides = array<i32>} : memref<6x256x64xf32, #tpu.memory_space<vmem>>, vector<1x1x16xf32>,
      %swap3A_592 = vector.shape_cast %swap3A_591 : vector<1x1x16xf32> to vector<16xf32>
      %swap3A_593 = vector.shape_cast %mul3A_583 : vector<16xf32> to vector<1x1x16xf32>
      tpu.vector_store %arg6[%swap3A_588, %swap3A_589, %swap3A_590], %swap3A_593 {strides = array<i32>} : memref<6x256x64xf32, #tpu.memory_space<vmem>>, vector<1x1x16xf32>,
      %mul3A_594 = arith.constant 2 : i32
      %mul3A_595 = arith.muli %mul3A_594, %scan3A_485 : i32
      %add3A_596 = arith.constant 1 : i32
      %add3A_597 = arith.addi %mul3A_595, %add3A_596 : i32
      %get3A_598 = arith.index_cast %rem3A_261 : i32 to index
      %get3A_599 = arith.index_cast %add3A_597 : i32 to index
      %get3A_600 = arith.constant 16 : index
      %get3A_601 = tpu.vector_load %arg6[%get3A_598, %get3A_599, %get3A_600] {strides = array<i32>} : memref<6x256x64xf32, #tpu.memory_space<vmem>>, vector<1x1x16xf32>,
      %get3A_602 = vector.shape_cast %get3A_601 : vector<1x1x16xf32> to vector<16xf32>
      %mul3A_603 = arith.constant 1.000000e+00 : f32
      %mul3A_604 = vector.broadcast %mul3A_603 : f32 to vector<16xf32>
      %mul3A_605 = arith.mulf %get3A_602, %mul3A_604 : vector<16xf32>
      %mul3A_606 = arith.constant 2 : i32
      %mul3A_607 = arith.muli %mul3A_606, %scan3A_485 : i32
      %add3A_608 = arith.constant 1 : i32
      %add3A_609 = arith.addi %mul3A_607, %add3A_608 : i32
      %swap3A_610 = arith.index_cast %rem3A_261 : i32 to index
      %swap3A_611 = arith.index_cast %add3A_609 : i32 to index
      %swap3A_612 = arith.constant 16 : index
      %swap3A_613 = tpu.vector_load %arg6[%swap3A_610, %swap3A_611, %swap3A_612] {strides = array<i32>} : memref<6x256x64xf32, #tpu.memory_space<vmem>>, vector<1x1x16xf32>,
      %swap3A_614 = vector.shape_cast %swap3A_613 : vector<1x1x16xf32> to vector<16xf32>
      %swap3A_615 = vector.shape_cast %mul3A_605 : vector<16xf32> to vector<1x1x16xf32>
      tpu.vector_store %arg6[%swap3A_610, %swap3A_611, %swap3A_612], %swap3A_615 {strides = array<i32>} : memref<6x256x64xf32, #tpu.memory_space<vmem>>, vector<1x1x16xf32>,
      %mul3A_616 = arith.constant 2 : i32
      %mul3A_617 = arith.muli %mul3A_616, %scan3A_485 : i32
      %add3A_618 = arith.constant 1 : i32
      %add3A_619 = arith.addi %mul3A_617, %add3A_618 : i32
      %get3A_620 = arith.index_cast %rem3A_261 : i32 to index
      %get3A_621 = arith.index_cast %add3A_619 : i32 to index
      %get3A_622 = arith.constant 32 : index
      %get3A_623 = tpu.vector_load %arg6[%get3A_620, %get3A_621, %get3A_622] {strides = array<i32>} : memref<6x256x64xf32, #tpu.memory_space<vmem>>, vector<1x1x16xf32>,
      %get3A_624 = vector.shape_cast %get3A_623 : vector<1x1x16xf32> to vector<16xf32>
      %mul3A_625 = arith.constant 1.000000e+00 : f32
      %mul3A_626 = vector.broadcast %mul3A_625 : f32 to vector<16xf32>
      %mul3A_627 = arith.mulf %get3A_624, %mul3A_626 : vector<16xf32>
      %mul3A_628 = arith.constant 2 : i32
      %mul3A_629 = arith.muli %mul3A_628, %scan3A_485 : i32
      %add3A_630 = arith.constant 1 : i32
      %add3A_631 = arith.addi %mul3A_629, %add3A_630 : i32
      %swap3A_632 = arith.index_cast %rem3A_261 : i32 to index
      %swap3A_633 = arith.index_cast %add3A_631 : i32 to index
      %swap3A_634 = arith.constant 32 : index
      %swap3A_635 = tpu.vector_load %arg6[%swap3A_632, %swap3A_633, %swap3A_634] {strides = array<i32>} : memref<6x256x64xf32, #tpu.memory_space<vmem>>, vector<1x1x16xf32>,
      %swap3A_636 = vector.shape_cast %swap3A_635 : vector<1x1x16xf32> to vector<16xf32>
      %swap3A_637 = vector.shape_cast %mul3A_627 : vector<16xf32> to vector<1x1x16xf32>
      tpu.vector_store %arg6[%swap3A_632, %swap3A_633, %swap3A_634], %swap3A_637 {strides = array<i32>} : memref<6x256x64xf32, #tpu.memory_space<vmem>>, vector<1x1x16xf32>,
      %mul3A_638 = arith.constant 2 : i32
      %mul3A_639 = arith.muli %mul3A_638, %scan3A_485 : i32
      %add3A_640 = arith.constant 1 : i32
      %add3A_641 = arith.addi %mul3A_639, %add3A_640 : i32
      %get3A_642 = arith.index_cast %rem3A_261 : i32 to index
      %get3A_643 = arith.index_cast %add3A_641 : i32 to index
      %get3A_644 = arith.constant 48 : index
      %get3A_645 = tpu.vector_load %arg6[%get3A_642, %get3A_643, %get3A_644] {strides = array<i32>} : memref<6x256x64xf32, #tpu.memory_space<vmem>>, vector<1x1x16xf32>,
      %get3A_646 = vector.shape_cast %get3A_645 : vector<1x1x16xf32> to vector<16xf32>
      %mul3A_647 = arith.constant 1.000000e+00 : f32
      %mul3A_648 = vector.broadcast %mul3A_647 : f32 to vector<16xf32>
      %mul3A_649 = arith.mulf %get3A_646, %mul3A_648 : vector<16xf32>
      %mul3A_650 = arith.constant 2 : i32
      %mul3A_651 = arith.muli %mul3A_650, %scan3A_485 : i32
      %add3A_652 = arith.constant 1 : i32
      %add3A_653 = arith.addi %mul3A_651, %add3A_652 : i32
      %swap3A_654 = arith.index_cast %rem3A_261 : i32 to index
      %swap3A_655 = arith.index_cast %add3A_653 : i32 to index
      %swap3A_656 = arith.constant 48 : index
      %swap3A_657 = tpu.vector_load %arg6[%swap3A_654, %swap3A_655, %swap3A_656] {strides = array<i32>} : memref<6x256x64xf32, #tpu.memory_space<vmem>>, vector<1x1x16xf32>,
      %swap3A_658 = vector.shape_cast %swap3A_657 : vector<1x1x16xf32> to vector<16xf32>
      %swap3A_659 = vector.shape_cast %mul3A_649 : vector<16xf32> to vector<1x1x16xf32>
      tpu.vector_store %arg6[%swap3A_654, %swap3A_655, %swap3A_656], %swap3A_659 {strides = array<i32>} : memref<6x256x64xf32, #tpu.memory_space<vmem>>, vector<1x1x16xf32>,
    }
    %scan3A_310 = arith.constant 128 : i32
    %mul3A_311 = arith.constant 256 : i32
    %mul3A_312 = arith.muli %scan3A_259, %mul3A_311 : i32
    %add3A_313 = arith.addi %mul3A_2, %mul3A_312 : i32
    %dma_start3A_314 = arith.constant 0 : i32
    %dma_start3A_315 = arith.constant 0 : i32
    %dma_start3A_316 = tpu.memref_slice %arg6[%rem3A_261, %dma_start3A_314, %dma_start3A_315] : memref<6x256x64xf32, #tpu.memory_space<vmem>> -> memref<1x256x64xf32, #tpu.memory_space<vmem>>
    %dma_start3A_317 = tpu.memref_squeeze %dma_start3A_316 : memref<1x256x64xf32, #tpu.memory_space<vmem>> -> memref<256x64xf32, #tpu.memory_space<vmem>>
    %dma_start3A_318 = arith.constant 0 : i32
    %dma_start3A_319 = tpu.memref_slice %arg4[%add3A_313, %dma_start3A_318] : memref<819200x128xf32, #tpu.memory_space<hbm>> -> memref<256x64xf32, #tpu.memory_space<hbm>>
    %dma_start3A_320 = arith.constant 0 : i32
    %dma_start3A_321 = tpu.memref_slice %arg4[%add3A_313, %dma_start3A_320] : memref<819200x128xf32, #tpu.memory_space<hbm>> -> memref<256x64xf32, #tpu.memory_space<hbm>>
    %dma_start3A_322 = arith.constant 0 : i32
    %dma_start3A_323 = arith.constant 0 : i32
    %dma_start3A_324 = tpu.memref_slice %arg6[%rem3A_261, %dma_start3A_322, %dma_start3A_323] : memref<6x256x64xf32, #tpu.memory_space<vmem>> -> memref<1x256x64xf32, #tpu.memory_space<vmem>>
    %dma_start3A_325 = tpu.memref_squeeze %dma_start3A_324 : memref<1x256x64xf32, #tpu.memory_space<vmem>> -> memref<256x64xf32, #tpu.memory_space<vmem>>
    tpu.enqueue_dma source(%dma_start3A_325 : memref<256x64xf32, #tpu.memory_space<vmem>>) target(%dma_start3A_321 : memref<256x64xf32, #tpu.memory_space<hbm>>) target_semaphore(%arg8 : memref<!tpu.dma_semaphore, #tpu.memory_space<semaphore_mem>>)
    %scan3A_326 = arith.constant 99 : i32
    %scan3A_327 = arith.addi %scan3A_124, %scan3A_326 : i32
    %rem3A_328 = arith.constant 6 : i32
    %rem3A_329 = arith.remsi %scan3A_327, %rem3A_328 : i32
    %add3A_330 = arith.constant 6 : i32
    %add3A_331 = arith.addi %scan3A_327, %add3A_330 : i32
    %sub3A_332 = arith.constant 1 : i32
    %sub3A_333 = arith.subi %add3A_331, %sub3A_332 : i32
    %rem3A_334 = arith.constant 6 : i32
    %rem3A_335 = arith.remsi %sub3A_333, %rem3A_334 : i32
    %add3A_336 = arith.constant 6 : i32
    %add3A_337 = arith.addi %scan3A_327, %add3A_336 : i32
    %sub3A_338 = arith.constant 1 : i32
    %sub3A_339 = arith.subi %add3A_337, %sub3A_338 : i32
    %lt3A_340 = arith.constant 100 : i32
    %lt3A_341 = arith.cmpi slt, %sub3A_339, %lt3A_340 : i32
    %convert_element_type3A_342 = arith.extui %lt3A_341 : i1 to i32
    %cond3A_343 = arith.constant 0 : i32
    %cond3A_344 = arith.cmpi ne, %convert_element_type3A_342, %cond3A_343 : i32
    scf.if %cond3A_344 {
      %ge3A = arith.constant 1 : i32
      %ge3A_485 = arith.cmpi sge, %scan3A_327, %ge3A : i32
      %convert_element_type3A_486 = arith.extui %ge3A_485 : i1 to i32
      %cond3A_487 = arith.constant 0 : i32
      %cond3A_488 = arith.cmpi ne, %convert_element_type3A_486, %cond3A_487 : i32
      scf.if %cond3A_488 {
        %sub3A_521 = arith.constant 1 : i32
        %sub3A_522 = arith.subi %scan3A_327, %sub3A_521 : i32
        %mul3A_523 = arith.constant 256 : i32
        %mul3A_524 = arith.muli %sub3A_522, %mul3A_523 : i32
        %add3A_525 = arith.addi %mul3A_2, %mul3A_524 : i32
        %dma_wait3A_526 = arith.constant 0 : i32
        %dma_wait3A_527 = arith.constant 0 : i32
        %dma_wait3A_528 = tpu.memref_slice %arg6[%rem3A_335, %dma_wait3A_526, %dma_wait3A_527] : memref<6x256x64xf32, #tpu.memory_space<vmem>> -> memref<1x256x64xf32, #tpu.memory_space<vmem>>
        %dma_wait3A_529 = tpu.memref_squeeze %dma_wait3A_528 : memref<1x256x64xf32, #tpu.memory_space<vmem>> -> memref<256x64xf32, #tpu.memory_space<vmem>>
        %dma_wait3A_530 = arith.constant 0 : i32
        %dma_wait3A_531 = tpu.memref_slice %arg4[%add3A_525, %dma_wait3A_530] : memref<819200x128xf32, #tpu.memory_space<hbm>> -> memref<256x64xf32, #tpu.memory_space<hbm>>
        %dma_wait3A_532 = arith.constant 0 : i32
        %dma_wait3A_533 = tpu.memref_slice %arg4[%add3A_525, %dma_wait3A_532] : memref<819200x128xf32, #tpu.memory_space<hbm>> -> memref<256x64xf32, #tpu.memory_space<hbm>>
        %dma_wait3A_534 = arith.constant 0 : i32
        %dma_wait3A_535 = arith.constant 0 : i32
        %dma_wait3A_536 = tpu.memref_slice %arg6[%rem3A_335, %dma_wait3A_534, %dma_wait3A_535] : memref<6x256x64xf32, #tpu.memory_space<vmem>> -> memref<1x256x64xf32, #tpu.memory_space<vmem>>
        %dma_wait3A_537 = tpu.memref_squeeze %dma_wait3A_536 : memref<1x256x64xf32, #tpu.memory_space<vmem>> -> memref<256x64xf32, #tpu.memory_space<vmem>>
        tpu.wait_dma2 semaphore(%arg8 : memref<!tpu.dma_semaphore, #tpu.memory_space<semaphore_mem>>) src(%dma_wait3A_537 : memref<256x64xf32, #tpu.memory_space<vmem>>) dst(%dma_wait3A_533 : memref<256x64xf32, #tpu.memory_space<hbm>>)
      } else {
      }
      %add3A_489 = arith.constant 6 : i32
      %add3A_490 = arith.addi %scan3A_327, %add3A_489 : i32
      %sub3A_491 = arith.constant 1 : i32
      %sub3A_492 = arith.subi %add3A_490, %sub3A_491 : i32
      %mul3A_493 = arith.constant 2 : i32
      %mul3A_494 = arith.muli %sub3A_492, %mul3A_493 : i32
      %add3A_495 = arith.constant 0 : i32
      %add3A_496 = arith.addi %mul3A_494, %add3A_495 : i32
      %dma_start3A_497 = arith.constant 0 : i32
      %dma_start3A_498 = arith.constant 0 : i32
      %dma_start3A_499 = tpu.memref_slice %arg6[%rem3A_335, %dma_start3A_497, %dma_start3A_498] : memref<6x256x64xf32, #tpu.memory_space<vmem>> -> memref<1x128x64xf32, #tpu.memory_space<vmem>>
      %dma_start3A_500 = tpu.memref_squeeze %dma_start3A_499 : memref<1x128x64xf32, #tpu.memory_space<vmem>> -> memref<128x64xf32, #tpu.memory_space<vmem>>
      %dma_start3A_501 = arith.constant 0 : i32
      %dma_start3A_502 = tpu.memref_slice %arg5[%add3A_496, %dma_start3A_501] : memref<200x128xi32, #tpu.memory_space<vmem>> -> memref<1x128xi32, #tpu.memory_space<vmem>>
      %dma_start3A_503 = tpu.memref_squeeze %dma_start3A_502 : memref<1x128xi32, #tpu.memory_space<vmem>> -> memref<128xi32, #tpu.memory_space<vmem>>
      %dma_start3A_504 = arith.constant 0 : i32
      %dma_start3A_505 = arith.constant 0 : i32
      %dma_start3A_506 = tpu.memref_slice %arg3[%dma_start3A_504, %dma_start3A_505] : memref<1000000x64xf32, #tpu.memory_space<hbm>> -> memref<1000000x64xf32, #tpu.memory_space<hbm>>
      tpu.enqueue_indirect_dma source(%dma_start3A_506 : memref<1000000x64xf32, #tpu.memory_space<hbm>>) target(%dma_start3A_500 : memref<128x64xf32, #tpu.memory_space<vmem>>) offsets(%dma_start3A_503 : memref<128xi32, #tpu.memory_space<vmem>>) semaphore(%arg7 : memref<!tpu.dma_semaphore, #tpu.memory_space<semaphore_mem>>)
      %mul3A_507 = arith.constant 2 : i32
      %mul3A_508 = arith.muli %sub3A_492, %mul3A_507 : i32
      %add3A_509 = arith.constant 1 : i32
      %add3A_510 = arith.addi %mul3A_508, %add3A_509 : i32
      %dma_start3A_511 = arith.constant 128 : i32
      %dma_start3A_512 = arith.constant 0 : i32
      %dma_start3A_513 = tpu.memref_slice %arg6[%rem3A_335, %dma_start3A_511, %dma_start3A_512] : memref<6x256x64xf32, #tpu.memory_space<vmem>> -> memref<1x128x64xf32, #tpu.memory_space<vmem>>
      %dma_start3A_514 = tpu.memref_squeeze %dma_start3A_513 : memref<1x128x64xf32, #tpu.memory_space<vmem>> -> memref<128x64xf32, #tpu.memory_space<vmem>>
      %dma_start3A_515 = arith.constant 0 : i32
      %dma_start3A_516 = tpu.memref_slice %arg5[%add3A_510, %dma_start3A_515] : memref<200x128xi32, #tpu.memory_space<vmem>> -> memref<1x128xi32, #tpu.memory_space<vmem>>
      %dma_start3A_517 = tpu.memref_squeeze %dma_start3A_516 : memref<1x128xi32, #tpu.memory_space<vmem>> -> memref<128xi32, #tpu.memory_space<vmem>>
      %dma_start3A_518 = arith.constant 0 : i32
      %dma_start3A_519 = arith.constant 0 : i32
      %dma_start3A_520 = tpu.memref_slice %arg3[%dma_start3A_518, %dma_start3A_519] : memref<1000000x64xf32, #tpu.memory_space<hbm>> -> memref<1000000x64xf32, #tpu.memory_space<hbm>>
      tpu.enqueue_indirect_dma source(%dma_start3A_520 : memref<1000000x64xf32, #tpu.memory_space<hbm>>) target(%dma_start3A_514 : memref<128x64xf32, #tpu.memory_space<vmem>>) offsets(%dma_start3A_517 : memref<128xi32, #tpu.memory_space<vmem>>) semaphore(%arg7 : memref<!tpu.dma_semaphore, #tpu.memory_space<semaphore_mem>>)
    } else {
    }
    %mul3A_345 = arith.constant 2 : i32
    %mul3A_346 = arith.muli %scan3A_327, %mul3A_345 : i32
    %add3A_347 = arith.constant 0 : i32
    %add3A_348 = arith.addi %mul3A_346, %add3A_347 : i32
    %dma_wait3A_349 = arith.constant 0 : i32
    %dma_wait3A_350 = arith.constant 0 : i32
    %dma_wait3A_351 = tpu.memref_slice %arg6[%rem3A_329, %dma_wait3A_349, %dma_wait3A_350] : memref<6x256x64xf32, #tpu.memory_space<vmem>> -> memref<1x128x64xf32, #tpu.memory_space<vmem>>
    %dma_wait3A_352 = tpu.memref_squeeze %dma_wait3A_351 : memref<1x128x64xf32, #tpu.memory_space<vmem>> -> memref<128x64xf32, #tpu.memory_space<vmem>>
    %dma_wait3A_353 = arith.constant 0 : i32
    %dma_wait3A_354 = tpu.memref_slice %arg5[%add3A_348, %dma_wait3A_353] : memref<200x128xi32, #tpu.memory_space<vmem>> -> memref<1x128xi32, #tpu.memory_space<vmem>>
    %dma_wait3A_355 = tpu.memref_squeeze %dma_wait3A_354 : memref<1x128xi32, #tpu.memory_space<vmem>> -> memref<128xi32, #tpu.memory_space<vmem>>
    %dma_wait3A_356 = arith.constant 0 : i32
    %dma_wait3A_357 = arith.constant 0 : i32
    %dma_wait3A_358 = tpu.memref_slice %arg3[%dma_wait3A_356, %dma_wait3A_357] : memref<1000000x64xf32, #tpu.memory_space<hbm>> -> memref<1000000x64xf32, #tpu.memory_space<hbm>>
    tpu.wait_indirect_dma semaphore(%arg7 : memref<!tpu.dma_semaphore, #tpu.memory_space<semaphore_mem>>) src(%dma_wait3A_358 : memref<1000000x64xf32, #tpu.memory_space<hbm>>) dst(%dma_wait3A_352 : memref<128x64xf32, #tpu.memory_space<vmem>>)
    %mul3A_359 = arith.constant 2 : i32
    %mul3A_360 = arith.muli %scan3A_327, %mul3A_359 : i32
    %add3A_361 = arith.constant 1 : i32
    %add3A_362 = arith.addi %mul3A_360, %add3A_361 : i32
    %dma_wait3A_363 = arith.constant 128 : i32
    %dma_wait3A_364 = arith.constant 0 : i32
    %dma_wait3A_365 = tpu.memref_slice %arg6[%rem3A_329, %dma_wait3A_363, %dma_wait3A_364] : memref<6x256x64xf32, #tpu.memory_space<vmem>> -> memref<1x128x64xf32, #tpu.memory_space<vmem>>
    %dma_wait3A_366 = tpu.memref_squeeze %dma_wait3A_365 : memref<1x128x64xf32, #tpu.memory_space<vmem>> -> memref<128x64xf32, #tpu.memory_space<vmem>>
    %dma_wait3A_367 = arith.constant 0 : i32
    %dma_wait3A_368 = tpu.memref_slice %arg5[%add3A_362, %dma_wait3A_367] : memref<200x128xi32, #tpu.memory_space<vmem>> -> memref<1x128xi32, #tpu.memory_space<vmem>>
    %dma_wait3A_369 = tpu.memref_squeeze %dma_wait3A_368 : memref<1x128xi32, #tpu.memory_space<vmem>> -> memref<128xi32, #tpu.memory_space<vmem>>
    %dma_wait3A_370 = arith.constant 0 : i32
    %dma_wait3A_371 = arith.constant 0 : i32
    %dma_wait3A_372 = tpu.memref_slice %arg3[%dma_wait3A_370, %dma_wait3A_371] : memref<1000000x64xf32, #tpu.memory_space<hbm>> -> memref<1000000x64xf32, #tpu.memory_space<hbm>>
    tpu.wait_indirect_dma semaphore(%arg7 : memref<!tpu.dma_semaphore, #tpu.memory_space<semaphore_mem>>) src(%dma_wait3A_372 : memref<1000000x64xf32, #tpu.memory_space<hbm>>) dst(%dma_wait3A_366 : memref<128x64xf32, #tpu.memory_space<vmem>>)
    %scan3A_373 = arith.constant 0 : i32
    %scan3A_374 = arith.constant 0 : i32
    %scan3A_375 = arith.constant 128 : i32
    %scan3A_376 = arith.addi %scan3A_374, %scan3A_375 : i32
    %scan3A_377 = arith.constant 1 : i32
    scf.for %scan3A_485 = %scan3A_374 to %scan3A_376 step %scan3A_377  : i32 {
      %mul3A_486 = arith.constant 2 : i32
      %mul3A_487 = arith.muli %mul3A_486, %scan3A_485 : i32
      %add3A_488 = arith.constant 0 : i32
      %add3A_489 = arith.addi %mul3A_487, %add3A_488 : i32
      %get3A = arith.index_cast %rem3A_329 : i32 to index
      %get3A_490 = arith.index_cast %add3A_489 : i32 to index
      %get3A_491 = arith.constant 0 : index
      %get3A_492 = tpu.vector_load %arg6[%get3A, %get3A_490, %get3A_491] {strides = array<i32>} : memref<6x256x64xf32, #tpu.memory_space<vmem>>, vector<1x1x16xf32>,
      %get3A_493 = vector.shape_cast %get3A_492 : vector<1x1x16xf32> to vector<16xf32>
      %mul3A_494 = arith.constant 1.000000e+00 : f32
      %mul3A_495 = vector.broadcast %mul3A_494 : f32 to vector<16xf32>
      %mul3A_496 = arith.mulf %get3A_493, %mul3A_495 : vector<16xf32>
      %mul3A_497 = arith.constant 2 : i32
      %mul3A_498 = arith.muli %mul3A_497, %scan3A_485 : i32
      %add3A_499 = arith.constant 0 : i32
      %add3A_500 = arith.addi %mul3A_498, %add3A_499 : i32
      %swap3A = arith.index_cast %rem3A_329 : i32 to index
      %swap3A_501 = arith.index_cast %add3A_500 : i32 to index
      %swap3A_502 = arith.constant 0 : index
      %swap3A_503 = tpu.vector_load %arg6[%swap3A, %swap3A_501, %swap3A_502] {strides = array<i32>} : memref<6x256x64xf32, #tpu.memory_space<vmem>>, vector<1x1x16xf32>,
      %swap3A_504 = vector.shape_cast %swap3A_503 : vector<1x1x16xf32> to vector<16xf32>
      %swap3A_505 = vector.shape_cast %mul3A_496 : vector<16xf32> to vector<1x1x16xf32>
      tpu.vector_store %arg6[%swap3A, %swap3A_501, %swap3A_502], %swap3A_505 {strides = array<i32>} : memref<6x256x64xf32, #tpu.memory_space<vmem>>, vector<1x1x16xf32>,
      %mul3A_506 = arith.constant 2 : i32
      %mul3A_507 = arith.muli %mul3A_506, %scan3A_485 : i32
      %add3A_508 = arith.constant 0 : i32
      %add3A_509 = arith.addi %mul3A_507, %add3A_508 : i32
      %get3A_510 = arith.index_cast %rem3A_329 : i32 to index
      %get3A_511 = arith.index_cast %add3A_509 : i32 to index
      %get3A_512 = arith.constant 16 : index
      %get3A_513 = tpu.vector_load %arg6[%get3A_510, %get3A_511, %get3A_512] {strides = array<i32>} : memref<6x256x64xf32, #tpu.memory_space<vmem>>, vector<1x1x16xf32>,
      %get3A_514 = vector.shape_cast %get3A_513 : vector<1x1x16xf32> to vector<16xf32>
      %mul3A_515 = arith.constant 1.000000e+00 : f32
      %mul3A_516 = vector.broadcast %mul3A_515 : f32 to vector<16xf32>
      %mul3A_517 = arith.mulf %get3A_514, %mul3A_516 : vector<16xf32>
      %mul3A_518 = arith.constant 2 : i32
      %mul3A_519 = arith.muli %mul3A_518, %scan3A_485 : i32
      %add3A_520 = arith.constant 0 : i32
      %add3A_521 = arith.addi %mul3A_519, %add3A_520 : i32
      %swap3A_522 = arith.index_cast %rem3A_329 : i32 to index
      %swap3A_523 = arith.index_cast %add3A_521 : i32 to index
      %swap3A_524 = arith.constant 16 : index
      %swap3A_525 = tpu.vector_load %arg6[%swap3A_522, %swap3A_523, %swap3A_524] {strides = array<i32>} : memref<6x256x64xf32, #tpu.memory_space<vmem>>, vector<1x1x16xf32>,
      %swap3A_526 = vector.shape_cast %swap3A_525 : vector<1x1x16xf32> to vector<16xf32>
      %swap3A_527 = vector.shape_cast %mul3A_517 : vector<16xf32> to vector<1x1x16xf32>
      tpu.vector_store %arg6[%swap3A_522, %swap3A_523, %swap3A_524], %swap3A_527 {strides = array<i32>} : memref<6x256x64xf32, #tpu.memory_space<vmem>>, vector<1x1x16xf32>,
      %mul3A_528 = arith.constant 2 : i32
      %mul3A_529 = arith.muli %mul3A_528, %scan3A_485 : i32
      %add3A_530 = arith.constant 0 : i32
      %add3A_531 = arith.addi %mul3A_529, %add3A_530 : i32
      %get3A_532 = arith.index_cast %rem3A_329 : i32 to index
      %get3A_533 = arith.index_cast %add3A_531 : i32 to index
      %get3A_534 = arith.constant 32 : index
      %get3A_535 = tpu.vector_load %arg6[%get3A_532, %get3A_533, %get3A_534] {strides = array<i32>} : memref<6x256x64xf32, #tpu.memory_space<vmem>>, vector<1x1x16xf32>,
      %get3A_536 = vector.shape_cast %get3A_535 : vector<1x1x16xf32> to vector<16xf32>
      %mul3A_537 = arith.constant 1.000000e+00 : f32
      %mul3A_538 = vector.broadcast %mul3A_537 : f32 to vector<16xf32>
      %mul3A_539 = arith.mulf %get3A_536, %mul3A_538 : vector<16xf32>
      %mul3A_540 = arith.constant 2 : i32
      %mul3A_541 = arith.muli %mul3A_540, %scan3A_485 : i32
      %add3A_542 = arith.constant 0 : i32
      %add3A_543 = arith.addi %mul3A_541, %add3A_542 : i32
      %swap3A_544 = arith.index_cast %rem3A_329 : i32 to index
      %swap3A_545 = arith.index_cast %add3A_543 : i32 to index
      %swap3A_546 = arith.constant 32 : index
      %swap3A_547 = tpu.vector_load %arg6[%swap3A_544, %swap3A_545, %swap3A_546] {strides = array<i32>} : memref<6x256x64xf32, #tpu.memory_space<vmem>>, vector<1x1x16xf32>,
      %swap3A_548 = vector.shape_cast %swap3A_547 : vector<1x1x16xf32> to vector<16xf32>
      %swap3A_549 = vector.shape_cast %mul3A_539 : vector<16xf32> to vector<1x1x16xf32>
      tpu.vector_store %arg6[%swap3A_544, %swap3A_545, %swap3A_546], %swap3A_549 {strides = array<i32>} : memref<6x256x64xf32, #tpu.memory_space<vmem>>, vector<1x1x16xf32>,
      %mul3A_550 = arith.constant 2 : i32
      %mul3A_551 = arith.muli %mul3A_550, %scan3A_485 : i32
      %add3A_552 = arith.constant 0 : i32
      %add3A_553 = arith.addi %mul3A_551, %add3A_552 : i32
      %get3A_554 = arith.index_cast %rem3A_329 : i32 to index
      %get3A_555 = arith.index_cast %add3A_553 : i32 to index
      %get3A_556 = arith.constant 48 : index
      %get3A_557 = tpu.vector_load %arg6[%get3A_554, %get3A_555, %get3A_556] {strides = array<i32>} : memref<6x256x64xf32, #tpu.memory_space<vmem>>, vector<1x1x16xf32>,
      %get3A_558 = vector.shape_cast %get3A_557 : vector<1x1x16xf32> to vector<16xf32>
      %mul3A_559 = arith.constant 1.000000e+00 : f32
      %mul3A_560 = vector.broadcast %mul3A_559 : f32 to vector<16xf32>
      %mul3A_561 = arith.mulf %get3A_558, %mul3A_560 : vector<16xf32>
      %mul3A_562 = arith.constant 2 : i32
      %mul3A_563 = arith.muli %mul3A_562, %scan3A_485 : i32
      %add3A_564 = arith.constant 0 : i32
      %add3A_565 = arith.addi %mul3A_563, %add3A_564 : i32
      %swap3A_566 = arith.index_cast %rem3A_329 : i32 to index
      %swap3A_567 = arith.index_cast %add3A_565 : i32 to index
      %swap3A_568 = arith.constant 48 : index
      %swap3A_569 = tpu.vector_load %arg6[%swap3A_566, %swap3A_567, %swap3A_568] {strides = array<i32>} : memref<6x256x64xf32, #tpu.memory_space<vmem>>, vector<1x1x16xf32>,
      %swap3A_570 = vector.shape_cast %swap3A_569 : vector<1x1x16xf32> to vector<16xf32>
      %swap3A_571 = vector.shape_cast %mul3A_561 : vector<16xf32> to vector<1x1x16xf32>
      tpu.vector_store %arg6[%swap3A_566, %swap3A_567, %swap3A_568], %swap3A_571 {strides = array<i32>} : memref<6x256x64xf32, #tpu.memory_space<vmem>>, vector<1x1x16xf32>,
      %mul3A_572 = arith.constant 2 : i32
      %mul3A_573 = arith.muli %mul3A_572, %scan3A_485 : i32
      %add3A_574 = arith.constant 1 : i32
      %add3A_575 = arith.addi %mul3A_573, %add3A_574 : i32
      %get3A_576 = arith.index_cast %rem3A_329 : i32 to index
      %get3A_577 = arith.index_cast %add3A_575 : i32 to index
      %get3A_578 = arith.constant 0 : index
      %get3A_579 = tpu.vector_load %arg6[%get3A_576, %get3A_577, %get3A_578] {strides = array<i32>} : memref<6x256x64xf32, #tpu.memory_space<vmem>>, vector<1x1x16xf32>,
      %get3A_580 = vector.shape_cast %get3A_579 : vector<1x1x16xf32> to vector<16xf32>
      %mul3A_581 = arith.constant 1.000000e+00 : f32
      %mul3A_582 = vector.broadcast %mul3A_581 : f32 to vector<16xf32>
      %mul3A_583 = arith.mulf %get3A_580, %mul3A_582 : vector<16xf32>
      %mul3A_584 = arith.constant 2 : i32
      %mul3A_585 = arith.muli %mul3A_584, %scan3A_485 : i32
      %add3A_586 = arith.constant 1 : i32
      %add3A_587 = arith.addi %mul3A_585, %add3A_586 : i32
      %swap3A_588 = arith.index_cast %rem3A_329 : i32 to index
      %swap3A_589 = arith.index_cast %add3A_587 : i32 to index
      %swap3A_590 = arith.constant 0 : index
      %swap3A_591 = tpu.vector_load %arg6[%swap3A_588, %swap3A_589, %swap3A_590] {strides = array<i32>} : memref<6x256x64xf32, #tpu.memory_space<vmem>>, vector<1x1x16xf32>,
      %swap3A_592 = vector.shape_cast %swap3A_591 : vector<1x1x16xf32> to vector<16xf32>
      %swap3A_593 = vector.shape_cast %mul3A_583 : vector<16xf32> to vector<1x1x16xf32>
      tpu.vector_store %arg6[%swap3A_588, %swap3A_589, %swap3A_590], %swap3A_593 {strides = array<i32>} : memref<6x256x64xf32, #tpu.memory_space<vmem>>, vector<1x1x16xf32>,
      %mul3A_594 = arith.constant 2 : i32
      %mul3A_595 = arith.muli %mul3A_594, %scan3A_485 : i32
      %add3A_596 = arith.constant 1 : i32
      %add3A_597 = arith.addi %mul3A_595, %add3A_596 : i32
      %get3A_598 = arith.index_cast %rem3A_329 : i32 to index
      %get3A_599 = arith.index_cast %add3A_597 : i32 to index
      %get3A_600 = arith.constant 16 : index
      %get3A_601 = tpu.vector_load %arg6[%get3A_598, %get3A_599, %get3A_600] {strides = array<i32>} : memref<6x256x64xf32, #tpu.memory_space<vmem>>, vector<1x1x16xf32>,
      %get3A_602 = vector.shape_cast %get3A_601 : vector<1x1x16xf32> to vector<16xf32>
      %mul3A_603 = arith.constant 1.000000e+00 : f32
      %mul3A_604 = vector.broadcast %mul3A_603 : f32 to vector<16xf32>
      %mul3A_605 = arith.mulf %get3A_602, %mul3A_604 : vector<16xf32>
      %mul3A_606 = arith.constant 2 : i32
      %mul3A_607 = arith.muli %mul3A_606, %scan3A_485 : i32
      %add3A_608 = arith.constant 1 : i32
      %add3A_609 = arith.addi %mul3A_607, %add3A_608 : i32
      %swap3A_610 = arith.index_cast %rem3A_329 : i32 to index
      %swap3A_611 = arith.index_cast %add3A_609 : i32 to index
      %swap3A_612 = arith.constant 16 : index
      %swap3A_613 = tpu.vector_load %arg6[%swap3A_610, %swap3A_611, %swap3A_612] {strides = array<i32>} : memref<6x256x64xf32, #tpu.memory_space<vmem>>, vector<1x1x16xf32>,
      %swap3A_614 = vector.shape_cast %swap3A_613 : vector<1x1x16xf32> to vector<16xf32>
      %swap3A_615 = vector.shape_cast %mul3A_605 : vector<16xf32> to vector<1x1x16xf32>
      tpu.vector_store %arg6[%swap3A_610, %swap3A_611, %swap3A_612], %swap3A_615 {strides = array<i32>} : memref<6x256x64xf32, #tpu.memory_space<vmem>>, vector<1x1x16xf32>,
      %mul3A_616 = arith.constant 2 : i32
      %mul3A_617 = arith.muli %mul3A_616, %scan3A_485 : i32
      %add3A_618 = arith.constant 1 : i32
      %add3A_619 = arith.addi %mul3A_617, %add3A_618 : i32
      %get3A_620 = arith.index_cast %rem3A_329 : i32 to index
      %get3A_621 = arith.index_cast %add3A_619 : i32 to index
      %get3A_622 = arith.constant 32 : index
      %get3A_623 = tpu.vector_load %arg6[%get3A_620, %get3A_621, %get3A_622] {strides = array<i32>} : memref<6x256x64xf32, #tpu.memory_space<vmem>>, vector<1x1x16xf32>,
      %get3A_624 = vector.shape_cast %get3A_623 : vector<1x1x16xf32> to vector<16xf32>
      %mul3A_625 = arith.constant 1.000000e+00 : f32
      %mul3A_626 = vector.broadcast %mul3A_625 : f32 to vector<16xf32>
      %mul3A_627 = arith.mulf %get3A_624, %mul3A_626 : vector<16xf32>
      %mul3A_628 = arith.constant 2 : i32
      %mul3A_629 = arith.muli %mul3A_628, %scan3A_485 : i32
      %add3A_630 = arith.constant 1 : i32
      %add3A_631 = arith.addi %mul3A_629, %add3A_630 : i32
      %swap3A_632 = arith.index_cast %rem3A_329 : i32 to index
      %swap3A_633 = arith.index_cast %add3A_631 : i32 to index
      %swap3A_634 = arith.constant 32 : index
      %swap3A_635 = tpu.vector_load %arg6[%swap3A_632, %swap3A_633, %swap3A_634] {strides = array<i32>} : memref<6x256x64xf32, #tpu.memory_space<vmem>>, vector<1x1x16xf32>,
      %swap3A_636 = vector.shape_cast %swap3A_635 : vector<1x1x16xf32> to vector<16xf32>
      %swap3A_637 = vector.shape_cast %mul3A_627 : vector<16xf32> to vector<1x1x16xf32>
      tpu.vector_store %arg6[%swap3A_632, %swap3A_633, %swap3A_634], %swap3A_637 {strides = array<i32>} : memref<6x256x64xf32, #tpu.memory_space<vmem>>, vector<1x1x16xf32>,
      %mul3A_638 = arith.constant 2 : i32
      %mul3A_639 = arith.muli %mul3A_638, %scan3A_485 : i32
      %add3A_640 = arith.constant 1 : i32
      %add3A_641 = arith.addi %mul3A_639, %add3A_640 : i32
      %get3A_642 = arith.index_cast %rem3A_329 : i32 to index
      %get3A_643 = arith.index_cast %add3A_641 : i32 to index
      %get3A_644 = arith.constant 48 : index
      %get3A_645 = tpu.vector_load %arg6[%get3A_642, %get3A_643, %get3A_644] {strides = array<i32>} : memref<6x256x64xf32, #tpu.memory_space<vmem>>, vector<1x1x16xf32>,
      %get3A_646 = vector.shape_cast %get3A_645 : vector<1x1x16xf32> to vector<16xf32>
      %mul3A_647 = arith.constant 1.000000e+00 : f32
      %mul3A_648 = vector.broadcast %mul3A_647 : f32 to vector<16xf32>
      %mul3A_649 = arith.mulf %get3A_646, %mul3A_648 : vector<16xf32>
      %mul3A_650 = arith.constant 2 : i32
      %mul3A_651 = arith.muli %mul3A_650, %scan3A_485 : i32
      %add3A_652 = arith.constant 1 : i32
      %add3A_653 = arith.addi %mul3A_651, %add3A_652 : i32
      %swap3A_654 = arith.index_cast %rem3A_329 : i32 to index
      %swap3A_655 = arith.index_cast %add3A_653 : i32 to index
      %swap3A_656 = arith.constant 48 : index
      %swap3A_657 = tpu.vector_load %arg6[%swap3A_654, %swap3A_655, %swap3A_656] {strides = array<i32>} : memref<6x256x64xf32, #tpu.memory_space<vmem>>, vector<1x1x16xf32>,
      %swap3A_658 = vector.shape_cast %swap3A_657 : vector<1x1x16xf32> to vector<16xf32>
      %swap3A_659 = vector.shape_cast %mul3A_649 : vector<16xf32> to vector<1x1x16xf32>
      tpu.vector_store %arg6[%swap3A_654, %swap3A_655, %swap3A_656], %swap3A_659 {strides = array<i32>} : memref<6x256x64xf32, #tpu.memory_space<vmem>>, vector<1x1x16xf32>,
    }
    %scan3A_378 = arith.constant 128 : i32
    %mul3A_379 = arith.constant 256 : i32
    %mul3A_380 = arith.muli %scan3A_327, %mul3A_379 : i32
    %add3A_381 = arith.addi %mul3A_2, %mul3A_380 : i32
    %dma_start3A_382 = arith.constant 0 : i32
    %dma_start3A_383 = arith.constant 0 : i32
    %dma_start3A_384 = tpu.memref_slice %arg6[%rem3A_329, %dma_start3A_382, %dma_start3A_383] : memref<6x256x64xf32, #tpu.memory_space<vmem>> -> memref<1x256x64xf32, #tpu.memory_space<vmem>>
    %dma_start3A_385 = tpu.memref_squeeze %dma_start3A_384 : memref<1x256x64xf32, #tpu.memory_space<vmem>> -> memref<256x64xf32, #tpu.memory_space<vmem>>
    %dma_start3A_386 = arith.constant 0 : i32
    %dma_start3A_387 = tpu.memref_slice %arg4[%add3A_381, %dma_start3A_386] : memref<819200x128xf32, #tpu.memory_space<hbm>> -> memref<256x64xf32, #tpu.memory_space<hbm>>
    %dma_start3A_388 = arith.constant 0 : i32
    %dma_start3A_389 = tpu.memref_slice %arg4[%add3A_381, %dma_start3A_388] : memref<819200x128xf32, #tpu.memory_space<hbm>> -> memref<256x64xf32, #tpu.memory_space<hbm>>
    %dma_start3A_390 = arith.constant 0 : i32
    %dma_start3A_391 = arith.constant 0 : i32
    %dma_start3A_392 = tpu.memref_slice %arg6[%rem3A_329, %dma_start3A_390, %dma_start3A_391] : memref<6x256x64xf32, #tpu.memory_space<vmem>> -> memref<1x256x64xf32, #tpu.memory_space<vmem>>
    %dma_start3A_393 = tpu.memref_squeeze %dma_start3A_392 : memref<1x256x64xf32, #tpu.memory_space<vmem>> -> memref<256x64xf32, #tpu.memory_space<vmem>>
    tpu.enqueue_dma source(%dma_start3A_393 : memref<256x64xf32, #tpu.memory_space<vmem>>) target(%dma_start3A_389 : memref<256x64xf32, #tpu.memory_space<hbm>>) target_semaphore(%arg8 : memref<!tpu.dma_semaphore, #tpu.memory_space<semaphore_mem>>)
    %scan3A_394 = arith.constant 100 : i32
    %add3A_395 = arith.constant 24064 : i32
    %add3A_396 = arith.addi %mul3A_2, %add3A_395 : i32
    %dma_wait3A_397 = arith.constant 4 : i32
    %dma_wait3A_398 = arith.constant 0 : i32
    %dma_wait3A_399 = arith.constant 0 : i32
    %dma_wait3A_400 = tpu.memref_slice %arg6[%dma_wait3A_397, %dma_wait3A_398, %dma_wait3A_399] : memref<6x256x64xf32, #tpu.memory_space<vmem>> -> memref<1x256x64xf32, #tpu.memory_space<vmem>>
    %dma_wait3A_401 = tpu.memref_squeeze %dma_wait3A_400 : memref<1x256x64xf32, #tpu.memory_space<vmem>> -> memref<256x64xf32, #tpu.memory_space<vmem>>
    %dma_wait3A_402 = arith.constant 0 : i32
    %dma_wait3A_403 = tpu.memref_slice %arg4[%add3A_396, %dma_wait3A_402] : memref<819200x128xf32, #tpu.memory_space<hbm>> -> memref<256x64xf32, #tpu.memory_space<hbm>>
    %dma_wait3A_404 = arith.constant 0 : i32
    %dma_wait3A_405 = tpu.memref_slice %arg4[%add3A_396, %dma_wait3A_404] : memref<819200x128xf32, #tpu.memory_space<hbm>> -> memref<256x64xf32, #tpu.memory_space<hbm>>
    %dma_wait3A_406 = arith.constant 0 : i32
    %dma_wait3A_407 = arith.constant 0 : i32
    %dma_wait3A_408 = tpu.memref_slice %arg6[%dma_wait3A_397, %dma_wait3A_406, %dma_wait3A_407] : memref<6x256x64xf32, #tpu.memory_space<vmem>> -> memref<1x256x64xf32, #tpu.memory_space<vmem>>
    %dma_wait3A_409 = tpu.memref_squeeze %dma_wait3A_408 : memref<1x256x64xf32, #tpu.memory_space<vmem>> -> memref<256x64xf32, #tpu.memory_space<vmem>>
    tpu.wait_dma2 semaphore(%arg8 : memref<!tpu.dma_semaphore, #tpu.memory_space<semaphore_mem>>) src(%dma_wait3A_409 : memref<256x64xf32, #tpu.memory_space<vmem>>) dst(%dma_wait3A_405 : memref<256x64xf32, #tpu.memory_space<hbm>>)
    %add3A_410 = arith.constant 24320 : i32
    %add3A_411 = arith.addi %mul3A_2, %add3A_410 : i32
    %dma_wait3A_412 = arith.constant 5 : i32
    %dma_wait3A_413 = arith.constant 0 : i32
    %dma_wait3A_414 = arith.constant 0 : i32
    %dma_wait3A_415 = tpu.memref_slice %arg6[%dma_wait3A_412, %dma_wait3A_413, %dma_wait3A_414] : memref<6x256x64xf32, #tpu.memory_space<vmem>> -> memref<1x256x64xf32, #tpu.memory_space<vmem>>
    %dma_wait3A_416 = tpu.memref_squeeze %dma_wait3A_415 : memref<1x256x64xf32, #tpu.memory_space<vmem>> -> memref<256x64xf32, #tpu.memory_space<vmem>>
    %dma_wait3A_417 = arith.constant 0 : i32
    %dma_wait3A_418 = tpu.memref_slice %arg4[%add3A_411, %dma_wait3A_417] : memref<819200x128xf32, #tpu.memory_space<hbm>> -> memref<256x64xf32, #tpu.memory_space<hbm>>
    %dma_wait3A_419 = arith.constant 0 : i32
    %dma_wait3A_420 = tpu.memref_slice %arg4[%add3A_411, %dma_wait3A_419] : memref<819200x128xf32, #tpu.memory_space<hbm>> -> memref<256x64xf32, #tpu.memory_space<hbm>>
    %dma_wait3A_421 = arith.constant 0 : i32
    %dma_wait3A_422 = arith.constant 0 : i32
    %dma_wait3A_423 = tpu.memref_slice %arg6[%dma_wait3A_412, %dma_wait3A_421, %dma_wait3A_422] : memref<6x256x64xf32, #tpu.memory_space<vmem>> -> memref<1x256x64xf32, #tpu.memory_space<vmem>>
    %dma_wait3A_424 = tpu.memref_squeeze %dma_wait3A_423 : memref<1x256x64xf32, #tpu.memory_space<vmem>> -> memref<256x64xf32, #tpu.memory_space<vmem>>
    tpu.wait_dma2 semaphore(%arg8 : memref<!tpu.dma_semaphore, #tpu.memory_space<semaphore_mem>>) src(%dma_wait3A_424 : memref<256x64xf32, #tpu.memory_space<vmem>>) dst(%dma_wait3A_420 : memref<256x64xf32, #tpu.memory_space<hbm>>)
    %add3A_425 = arith.constant 24576 : i32
    %add3A_426 = arith.addi %mul3A_2, %add3A_425 : i32
    %dma_wait3A_427 = arith.constant 0 : i32
    %dma_wait3A_428 = arith.constant 0 : i32
    %dma_wait3A_429 = arith.constant 0 : i32
    %dma_wait3A_430 = tpu.memref_slice %arg6[%dma_wait3A_427, %dma_wait3A_428, %dma_wait3A_429] : memref<6x256x64xf32, #tpu.memory_space<vmem>> -> memref<1x256x64xf32, #tpu.memory_space<vmem>>
    %dma_wait3A_431 = tpu.memref_squeeze %dma_wait3A_430 : memref<1x256x64xf32, #tpu.memory_space<vmem>> -> memref<256x64xf32, #tpu.memory_space<vmem>>
    %dma_wait3A_432 = arith.constant 0 : i32
    %dma_wait3A_433 = tpu.memref_slice %arg4[%add3A_426, %dma_wait3A_432] : memref<819200x128xf32, #tpu.memory_space<hbm>> -> memref<256x64xf32, #tpu.memory_space<hbm>>
    %dma_wait3A_434 = arith.constant 0 : i32
    %dma_wait3A_435 = tpu.memref_slice %arg4[%add3A_426, %dma_wait3A_434] : memref<819200x128xf32, #tpu.memory_space<hbm>> -> memref<256x64xf32, #tpu.memory_space<hbm>>
    %dma_wait3A_436 = arith.constant 0 : i32
    %dma_wait3A_437 = arith.constant 0 : i32
    %dma_wait3A_438 = tpu.memref_slice %arg6[%dma_wait3A_427, %dma_wait3A_436, %dma_wait3A_437] : memref<6x256x64xf32, #tpu.memory_space<vmem>> -> memref<1x256x64xf32, #tpu.memory_space<vmem>>
    %dma_wait3A_439 = tpu.memref_squeeze %dma_wait3A_438 : memref<1x256x64xf32, #tpu.memory_space<vmem>> -> memref<256x64xf32, #tpu.memory_space<vmem>>
    tpu.wait_dma2 semaphore(%arg8 : memref<!tpu.dma_semaphore, #tpu.memory_space<semaphore_mem>>) src(%dma_wait3A_439 : memref<256x64xf32, #tpu.memory_space<vmem>>) dst(%dma_wait3A_435 : memref<256x64xf32, #tpu.memory_space<hbm>>)
    %add3A_440 = arith.constant 24832 : i32
    %add3A_441 = arith.addi %mul3A_2, %add3A_440 : i32
    %dma_wait3A_442 = arith.constant 1 : i32
    %dma_wait3A_443 = arith.constant 0 : i32
    %dma_wait3A_444 = arith.constant 0 : i32
    %dma_wait3A_445 = tpu.memref_slice %arg6[%dma_wait3A_442, %dma_wait3A_443, %dma_wait3A_444] : memref<6x256x64xf32, #tpu.memory_space<vmem>> -> memref<1x256x64xf32, #tpu.memory_space<vmem>>
    %dma_wait3A_446 = tpu.memref_squeeze %dma_wait3A_445 : memref<1x256x64xf32, #tpu.memory_space<vmem>> -> memref<256x64xf32, #tpu.memory_space<vmem>>
    %dma_wait3A_447 = arith.constant 0 : i32
    %dma_wait3A_448 = tpu.memref_slice %arg4[%add3A_441, %dma_wait3A_447] : memref<819200x128xf32, #tpu.memory_space<hbm>> -> memref<256x64xf32, #tpu.memory_space<hbm>>
    %dma_wait3A_449 = arith.constant 0 : i32
    %dma_wait3A_450 = tpu.memref_slice %arg4[%add3A_441, %dma_wait3A_449] : memref<819200x128xf32, #tpu.memory_space<hbm>> -> memref<256x64xf32, #tpu.memory_space<hbm>>
    %dma_wait3A_451 = arith.constant 0 : i32
    %dma_wait3A_452 = arith.constant 0 : i32
    %dma_wait3A_453 = tpu.memref_slice %arg6[%dma_wait3A_442, %dma_wait3A_451, %dma_wait3A_452] : memref<6x256x64xf32, #tpu.memory_space<vmem>> -> memref<1x256x64xf32, #tpu.memory_space<vmem>>
    %dma_wait3A_454 = tpu.memref_squeeze %dma_wait3A_453 : memref<1x256x64xf32, #tpu.memory_space<vmem>> -> memref<256x64xf32, #tpu.memory_space<vmem>>
    tpu.wait_dma2 semaphore(%arg8 : memref<!tpu.dma_semaphore, #tpu.memory_space<semaphore_mem>>) src(%dma_wait3A_454 : memref<256x64xf32, #tpu.memory_space<vmem>>) dst(%dma_wait3A_450 : memref<256x64xf32, #tpu.memory_space<hbm>>)
    %add3A_455 = arith.constant 25088 : i32
    %add3A_456 = arith.addi %mul3A_2, %add3A_455 : i32
    %dma_wait3A_457 = arith.constant 2 : i32
    %dma_wait3A_458 = arith.constant 0 : i32
    %dma_wait3A_459 = arith.constant 0 : i32
    %dma_wait3A_460 = tpu.memref_slice %arg6[%dma_wait3A_457, %dma_wait3A_458, %dma_wait3A_459] : memref<6x256x64xf32, #tpu.memory_space<vmem>> -> memref<1x256x64xf32, #tpu.memory_space<vmem>>
    %dma_wait3A_461 = tpu.memref_squeeze %dma_wait3A_460 : memref<1x256x64xf32, #tpu.memory_space<vmem>> -> memref<256x64xf32, #tpu.memory_space<vmem>>
    %dma_wait3A_462 = arith.constant 0 : i32
    %dma_wait3A_463 = tpu.memref_slice %arg4[%add3A_456, %dma_wait3A_462] : memref<819200x128xf32, #tpu.memory_space<hbm>> -> memref<256x64xf32, #tpu.memory_space<hbm>>
    %dma_wait3A_464 = arith.constant 0 : i32
    %dma_wait3A_465 = tpu.memref_slice %arg4[%add3A_456, %dma_wait3A_464] : memref<819200x128xf32, #tpu.memory_space<hbm>> -> memref<256x64xf32, #tpu.memory_space<hbm>>
    %dma_wait3A_466 = arith.constant 0 : i32
    %dma_wait3A_467 = arith.constant 0 : i32
    %dma_wait3A_468 = tpu.memref_slice %arg6[%dma_wait3A_457, %dma_wait3A_466, %dma_wait3A_467] : memref<6x256x64xf32, #tpu.memory_space<vmem>> -> memref<1x256x64xf32, #tpu.memory_space<vmem>>
    %dma_wait3A_469 = tpu.memref_squeeze %dma_wait3A_468 : memref<1x256x64xf32, #tpu.memory_space<vmem>> -> memref<256x64xf32, #tpu.memory_space<vmem>>
    tpu.wait_dma2 semaphore(%arg8 : memref<!tpu.dma_semaphore, #tpu.memory_space<semaphore_mem>>) src(%dma_wait3A_469 : memref<256x64xf32, #tpu.memory_space<vmem>>) dst(%dma_wait3A_465 : memref<256x64xf32, #tpu.memory_space<hbm>>)
    %add3A_470 = arith.constant 25344 : i32
    %add3A_471 = arith.addi %mul3A_2, %add3A_470 : i32
    %dma_wait3A_472 = arith.constant 3 : i32
    %dma_wait3A_473 = arith.constant 0 : i32
    %dma_wait3A_474 = arith.constant 0 : i32
    %dma_wait3A_475 = tpu.memref_slice %arg6[%dma_wait3A_472, %dma_wait3A_473, %dma_wait3A_474] : memref<6x256x64xf32, #tpu.memory_space<vmem>> -> memref<1x256x64xf32, #tpu.memory_space<vmem>>
    %dma_wait3A_476 = tpu.memref_squeeze %dma_wait3A_475 : memref<1x256x64xf32, #tpu.memory_space<vmem>> -> memref<256x64xf32, #tpu.memory_space<vmem>>
    %dma_wait3A_477 = arith.constant 0 : i32
    %dma_wait3A_478 = tpu.memref_slice %arg4[%add3A_471, %dma_wait3A_477] : memref<819200x128xf32, #tpu.memory_space<hbm>> -> memref<256x64xf32, #tpu.memory_space<hbm>>
    %dma_wait3A_479 = arith.constant 0 : i32
    %dma_wait3A_480 = tpu.memref_slice %arg4[%add3A_471, %dma_wait3A_479] : memref<819200x128xf32, #tpu.memory_space<hbm>> -> memref<256x64xf32, #tpu.memory_space<hbm>>
    %dma_wait3A_481 = arith.constant 0 : i32
    %dma_wait3A_482 = arith.constant 0 : i32
    %dma_wait3A_483 = tpu.memref_slice %arg6[%dma_wait3A_472, %dma_wait3A_481, %dma_wait3A_482] : memref<6x256x64xf32, #tpu.memory_space<vmem>> -> memref<1x256x64xf32, #tpu.memory_space<vmem>>
    %dma_wait3A_484 = tpu.memref_squeeze %dma_wait3A_483 : memref<1x256x64xf32, #tpu.memory_space<vmem>> -> memref<256x64xf32, #tpu.memory_space<vmem>>
    tpu.wait_dma2 semaphore(%arg8 : memref<!tpu.dma_semaphore, #tpu.memory_space<semaphore_mem>>) src(%dma_wait3A_484 : memref<256x64xf32, #tpu.memory_space<vmem>>) dst(%dma_wait3A_480 : memref<256x64xf32, #tpu.memory_space<hbm>>)
    return
  }
}

</mosaic_0001>

<sc_bundles>
// kernel: kernel.3.cloned.1.call-start
scs
__scs_entry_jumppad:
0x0: {  	(pc) =	sbr.rel $0x88, $3  }
0x1: {  	(tag) =	ssettag $0x0;
	lr =	simm.s32 $0x1  }
0x2: {  	[smem:$0x3F9F] =	sst lr;
	_ =	strace $0xD0000000  }
0x3: {  	_ = 	snop  }
0x4: {  	_ = 	snop  }
0x5: {  	_ = 	snop  }
0x6: {  	_ = 	snop  }
0x7: {  	_ = 	snop  }
__scs_overlays_trampoline_lowered:
0x8: {  	[smem:$0x3FAE] =	sst s0  }
0x9: {  	[smem:$0x3FAF] =	sst s1  }
0xa: {  	[smem:$0x3FB0] =	sst s2  }
0xb: {  	[smem:$0x3FB1] =	sst s3  }
0xc: {  	[smem:$0x3FB2] =	sst s4  }
0xd: {  	[smem:$0x3FB3] =	sst s5  }
0xe: {  	[smem:$0x3FB4] =	sst s6  }
0xf: {  	[smem:$0x3FB5] =	sst s7  }
0x10: {  	[smem:$0x3FB6] =	sst s8  }
0x11: {  	[smem:$0x3FB7] =	sst s9;
	s0 =	simm.s32 @!p0 $0x0  }
0x12: {  	s1 =	sld [smem:$0x3F9D];
	s0 =	simm.s32 @p0 $0x1  }
0x13: {  	[smem:$0x3FB8] =	sst s0;
	s0 =	simm.s32 @!p1 $0x0  }
0x14: {  	s2 =	sld [smem:$0x3F9C];
	s0 =	simm.s32 @p1 $0x1  }
0x15: {  	[smem:$0x3FB9] =	sst s0;
	s0 =	simm.s32 @!p2 $0x0  }
0x16: {  	s3 =	sld [smem:$0x3FDB];
	s0 =	simm.s32 @p2 $0x1  }
0x17: {  	s4 =	simm.s32 $0x1BF5;
	[smem:$0x3FBB] =	sst s0  }
0x18: {  	s0 =	sld [smem:$0x3F9E];
	_ =	swait.ge [sflag:s4], $0x0  }
0x19: {  	s7 =	sld [smem:$0x3F9F]  }
0x1a: {  	s8 =	sadd.s32 $0xFFFFE003, lr  }
0x1b: {  	s9 =	sadd.s32 $0xFFFFFEF7, lr;
	s5 =	simm.s32 $0xFFFFFFFF;
	p2 =	slt.u32 s8, $0xFFFFF086  }
0x1c: {  	p1 =	slt.u32 s9, $0xF7A;
	s5 =	simm.s32 @!p2 $0x0  }
0x1d: {  	s5 =	simm.s32 @p1 $0x1;
	p0 =	seq.s32 s7, s2  }
0x1e: {  	s7 =	smul.u32 @!p0 $0xF7A, s2;
	p2 =	seq.s32 @!p0 s5, $0x0  }
0x1f: {  	s9 =	smul.u32 $0xF7A, s1;
	s8 =	simm.s32 @!p0 $0x1BF5;
	p2 =	por !p2, p0  }
0x20: {  	[sflag:s8] =	ssyncset.s32 @!p0 $0xFFFFF086;
	s6 =	sadd.s32 @!p0 s3, s7;
	s7 =	simm.s32 @!p0 $0x108  }
0x21: {  	s3 =	sadd.s32 s3, s9;
	s6 =	sadd.s32 @!p0 $0x88, s6;
	s7 =	simm.s32 @p2 $0x1082  }
0x22: {  	[simem:s7], [sflag:s8] =	dma.local @!p0 [hbm:s6], $0xF7A  }
0x23: {  	s9 =	sor.u32 $0xD0000000, s2;
	s6 =	simm.s32 $0x108;
	_ =	swait.ge @!p0 [sflag:s8], $0x0  }
0x24: {  	s3 =	sadd.s32 $0x88, s3;
	s6 =	simm.s32 @!p1 $0x1082;
	[sflag:s4] =	ssyncset.s32 $0xFFFFF086  }
0x25: {  	[simem:s6], [sflag:s4] =	dma.local [hbm:s3], $0xF7A  }
0x26: {  	[smem:$0x3F9F] =	sst s1;
	(tag) =	ssettag s2;
	_ =	strace s9  }
0x27: {  	s1 =	sld [smem:$0x3FAF]  }
0x28: {  	s2 =	sld [smem:$0x3FB0]  }
0x29: {  	s4 =	sld [smem:$0x3FB2]  }
0x2a: {  	p0 =	seq.s32 s5, $0x0;
	s5 =	sld [smem:$0x3FB3]  }
0x2b: {  	s6 =	sld [smem:$0x3FB4]  }
0x2c: {  	s7 =	sld [smem:$0x3FB5]  }
0x2d: {  	s3 =	simm.s32 $0x108;
	s8 =	sld [smem:$0x3FB6]  }
0x2e: {  	s3 =	simm.s32 @!p0 $0x1082;
	s9 =	sld [smem:$0x3FB7]  }
0x2f: {  	lr =	sadd.s32 s0, s3;
	s0 =	sld [smem:$0x3FAE]  }
0x30: {  	s3 =	sld [smem:$0x3FB1]  }
0x31: {  	[smem:$0x3FBA] =	sst s10  }
0x32: {  	s10 =	sld [smem:$0x3FB8];
	_ =	sdelay $0x3  }
0x33: {  	p0 =	seq.s32 s10, $0x1;
	s10 =	sld [smem:$0x3FBA];
	_ =	sdelay $0x3  }
0x34: {  	[smem:$0x3FBA] =	sst s10  }
0x35: {  	s10 =	sld [smem:$0x3FB9];
	_ =	sdelay $0x3  }
0x36: {  	p1 =	seq.s32 s10, $0x1;
	s10 =	sld [smem:$0x3FBA];
	_ =	sdelay $0x3  }
0x37: {  	[smem:$0x3FBA] =	sst s10  }
0x38: {  	s10 =	sld [smem:$0x3FBB]  }
0x39: {  	_ = 	snop;
	(pc) =	sbr.ind lr, $3  }
0x3a: {  	_ = 	snop  }
0x3b: {  	_ = 	snop  }
0x3c: {  	p2 =	seq.s32 s10, $0x1;
	s10 =	sld [smem:$0x3FBA]  }
0x3d: {  	_ =	shalt  }
0x3e: {  	_ =	shalt  }
0x3f: {  	_ =	shalt  }
0x40: {  	_ =	shalt  }
0x41: {  	_ =	shalt  }
0x42: {  	_ =	shalt  }
0x43: {  	_ =	shalt  }
0x44: {  	_ =	shalt  }
0x45: {  	_ =	shalt  }
0x46: {  	_ =	shalt  }
0x47: {  	_ =	shalt  }
0x48: {  	_ =	shalt  }
0x49: {  	_ =	shalt  }
0x4a: {  	_ =	shalt  }
0x4b: {  	_ =	shalt  }
0x4c: {  	_ =	shalt  }
0x4d: {  	_ =	shalt  }
0x4e: {  	_ =	shalt  }
0x4f: {  	_ =	shalt  }
0x50: {  	_ =	shalt  }
0x51: {  	_ =	shalt  }
0x52: {  	_ =	shalt  }
0x53: {  	_ =	shalt  }
0x54: {  	_ =	shalt  }
0x55: {  	_ =	shalt  }
0x56: {  	_ =	shalt  }
0x57: {  	_ =	shalt  }
0x58: {  	_ =	shalt  }
0x59: {  	_ =	shalt  }
0x5a: {  	_ =	shalt  }
0x5b: {  	_ =	shalt  }
0x5c: {  	_ =	shalt  }
0x5d: {  	_ =	shalt  }
0x5e: {  	_ =	shalt  }
0x5f: {  	_ =	shalt  }
0x60: {  	_ =	shalt  }
0x61: {  	_ =	shalt  }
0x62: {  	_ =	shalt  }
0x63: {  	_ =	shalt  }
0x64: {  	_ =	shalt  }
0x65: {  	_ =	shalt  }
0x66: {  	_ =	shalt  }
0x67: {  	_ =	shalt  }
0x68: {  	_ =	shalt  }
0x69: {  	_ =	shalt  }
0x6a: {  	_ =	shalt  }
0x6b: {  	_ =	shalt  }
0x6c: {  	_ =	shalt  }
0x6d: {  	_ =	shalt  }
0x6e: {  	_ =	shalt  }
0x6f: {  	_ =	shalt  }
0x70: {  	_ =	shalt  }
0x71: {  	_ =	shalt  }
0x72: {  	_ =	shalt  }
0x73: {  	_ =	shalt  }
0x74: {  	_ =	shalt  }
0x75: {  	_ =	shalt  }
0x76: {  	_ =	shalt  }
0x77: {  	_ =	shalt  }
0x78: {  	_ =	shalt  }
0x79: {  	_ =	shalt  }
0x7a: {  	_ =	shalt  }
0x7b: {  	_ =	shalt  }
0x7c: {  	_ =	shalt  }
0x7d: {  	_ =	shalt  }
0x7e: {  	_ =	shalt  }
0x7f: {  	_ =	shalt  }
0x80: {  	_ =	shalt  }
0x81: {  	_ =	shalt  }
0x82: {  	_ =	shalt  }
0x83: {  	_ =	shalt  }
0x84: {  	_ =	shalt  }
0x85: {  	_ =	shalt  }
0x86: {  	_ =	shalt  }
0x87: {  	_ =	shalt  }
.Lfunc_end0:
.L_simem_size_0:
called_computation.1_lowered:
.L_overlay_start_0:
0x88: {  	s2 =	sld [smem:$0x3FD9]  }
0x89: {  	s3 =	sld [smem:$0x3FFE];
	_ =	sdelay $0x1  }
0x8a: {  	s1 =	srdreg.scid  }
0x8b: {  	s0 =	sand.u32 $0x1, s1  }
0x8c: {  	s17 =	sshll.u32 s0, $0xA;
	s2 =	sadd.s32 s3, s2  }
0x8d: {  	s2 =	sadd.s32 s2, s17  }
0x8e: {  	[smem:$0x3FC6] =	sst s2  }
0x8f: {  	_ = 	snop  }
0x90: {  	s2 =	sld [smem:$0x3FD0];
	(tm) =	ssettm $0x1  }
0x91: {  	s18 =	sld [smem:$0x3FFB];
	_ =	sdelay $0x3  }
0x92: {  	_ =	strace s18  }
0x93: {  	s3 =	sld [smem:$0x3FFC];
	_ =	sdelay $0x3  }
0x94: {  	_ =	strace s3  }
0x95: {  	s3 =	sld [smem:$0x3FFD];
	_ =	sdelay $0x3  }
0x96: {  	_ =	strace s3  }
0x97: {  	_ =	strace $0x8FFFFFFF  }
0x98: {  	s19 =	sld [smem:$0x3FDB];
	_ =	sdelay $0x1  }
0x99: {  	s4 =	simm.s32 $_scs_section_size  }
0x9a: {  	s5 =	simm.s32 $_size__tile_overlayer_lowered;
	s6 =	simm.s32 $_tile_overlayer_lowered  }
0x9b: {  	s22 =	simm.s32 $0x1BFF;
	s21 =	sshll.u32 s6, $0x1;
	s3 =	sadd.s32 s4, s19  }
0x9c: {  	s7 =	simm.s32 $0x0;
	s20 =	sshll.u32 s5, $0x1;
	s5 =	sadd.s32 s21, s3  }
0x9d: {  	[timem:s7], [sflag:s22] =	dma.local [hbm:s5], s20  }
0x9e: {  	_ =	swait.ge [sflag:s22], s20  }
0x9f: {  	s4 =	ssub.s32 $0x0, s20;
	[sflag:s22] =	ssyncset.done $0x0  }
0xa0: {  	[sflag:s22] =	ssyncadd.s32 s4;
	_ =	sdelay $0x1  }
0xa1: {  	s23 =	simm.s32 $0x1B8B  }
0xa2: {  	_ =	swait.ge [sflag:s23], $0x1  }
0xa3: {  	[sflag:s23] =	ssyncset.done $0x0  }
0xa4: {  	s25 =	simm.s32 $0x1B8E;
	s24 =	sld [smem:$0x3FFE];
	[sflag:s23] =	ssyncadd.s32 $0xFFFFFFFF  }
0xa5: {  	s26 =	simm.s32 $execute0_lowered;
	[smem:$0x3FD2] =	sst s25  }
0xa6: {  	s5 =	sshll.u32 s26, $0x1;
	_ =	strace $0x80000046;
	[dreg:$0x1] =	wrdreg $0xFFFFFFFF  }
0xa7: {  	s28 =	simm.s32 $_size_execute0_lowered;
	s3 =	sadd.s32 s3, s5;
	[dreg:$0x0] =	wrdreg $0x0  }
0xa8: {  	s5 =	sshll.u32 s28, $0x1;
	[dreg:$0x2] =	wrdreg s3  }
0xa9: {  	[dreg:$0x3] =	wrdreg s5  }
0xaa: {  	[dreg:$0x4] =	wrdreg $0xC0  }
0xab: {  	_ =	task [dreg:s7], $0x5FFFF  }
0xac: {  	[dreg:$0x1] =	wrdreg $0xFFFFFFFF  }
0xad: {  	[dreg:$0x0] =	wrdreg $0x60  }
0xae: {  	[dreg:$0x2] =	wrdreg s2  }
0xaf: {  	[dreg:$0x3] =	wrdreg s24  }
0xb0: {  	[dreg:$0x4] =	wrdreg $0x9  }
0xb1: {  	_ =	task.clear_ibuf [dreg:s7], $0x5FFFF;
	_ =	strace $0x90000046  }
0xb2: {  	s29 =	simm.s32 $0x9;
	_ =	strace $0x80000048  }
0xb3: {  	_ =	swait.ge [sflag:s29], $0x1  }
0xb4: {  	[sflag:s29] =	ssyncadd.s32 $0xFFFFFFFF  }
0xb5: {  	_ =	strace $0x90000048  }
0xb6: {  	_ =	sfence  }
0xb7: {  	s30 =	sld [smem:$0x0];
	_ =	sdelay $0x2  }
0xb8: {  	s31 =	sshll.u32 s1, $0xD;
	s1 =	sshrl.u32 s1, $0x2  }
0xb9: {  	s3 =	sand.u32 $0x4000, s31;
	s1 =	sadd.s32 s1, s30  }
0xba: {  	s0 =	sor.u32 s3, s0;
	s1 =	sshll.u32 s1, $0x11  }
0xbb: {  	s0 =	sor.u32 s1, s0  }
0xbc: {  	s0 =	sadd.s32 $0x8F2B, s0  }
0xbd: {  	[sflag:s0] =	ssyncadd.remote.s32 $0x1  }
0xbe: {  	_ =	sfence.sel $0xFFFF  }
0xbf: {  	[dreg:$0x0] =	wrdreg $0xFFFFFFFF;
	(pc) =	sbr.abs _section_cstart, $3  }
0xc0: {  	[dreg:$0x1] =	wrdreg $0xFFFFFFFF  }
0xc1: {  	_ =	task.clear_ibuf [dreg:s7], $0x2FFFF;
	_ =	strace $0x9FFFFFFF  }
0xc2: {  	(tm) =	ssettm $0x7FFFFFFF  }
0xc3: {  	_ =	shalt  }
tec
execute0_lowered:
.L_overlay_start_1:
0x0: {  	(tag) =	ssettag $0x1  }
0x1: {  	s0 =	rddreg [dreg:$0x0]  }
0x2: {  	s1 =	rddreg [dreg:$0x1]  }
0x3: {  	s3 =	simm.s32 $0x0;
	s2 =	srdreg.scid;
	s8 =	stileid.u32  }
0x4: {  	s26 =	simm.s32 $0x1C400;
	s28 =	simm.s32 $0x10400;
	s30 =	simm.s32 $0x12400  }
0x5: {  	s29 =	simm.s32 $0x1;
	s31 =	simm.s32 $0x40;
	[smem:$0x7FF] =	sst s3  }
0x6: {  	s2 =	sand.u32 $0x1, s2;
	s11 =	sshll.u32 s8, $0x1;
	s8 =	smul.u32 $0x640000, s8  }
0x7: {  	s4 =	sor.u32 s2, s11;
	s6 =	ssub.s32 $0x2, s2;
	s2 =	smul.u32 $0x320000, s2  }
0x8: {  	s3 =	sadd.s32 $0xF42E00, s1;
	s1 =	sadd.s32 $0xA00, s1;
	s5 =	smul.u32 $0x320000, s4  }
0x9: {  	_ =	strace $0x80000047;
	s4 =	smul.u32 $0xC80, s4;
	s7 =	sshrl.u32 s6, $0x1  }
0xa: {  	[dreg:$0x3] =	wrdreg s26;
	s26 =	simm.s32 $0x1A400;
	s6 =	ssub.s32 s6, s7  }
0xb: {  	s16 =	sadd.s32 s2, s8;
	s5 =	sshrl.u32 s5, $0x3;
	s0 =	sadd.s32 s0, s4  }
0xc: {  	s17 =	smax.u32 s6, $0x1;
	s18 =	sadd.s32 $0x20000, s16;
	s19 =	sor.u32 $0x18000, s16  }
0xd: {  	s20 =	sor.u32 $0x10000, s16;
	s23 =	sor.u32 $0x8000, s16;
	[dreg:$0x4] =	wrdreg s0  }
0xe: {  	s24 =	sadd.s32 $0x28000, s16;
	s5 =	sadd.s32 s1, s5;
	[dreg:$0x9] =	wrdreg s17  }
0xf: {  	s2 =	sshrl.u32 s18, $0x3;
	s4 =	sshrl.u32 s19, $0x3;
	s12 =	sadd.s32 $0x60000, s5  }
0x10: {  	s22 =	sshrl.u32 s20, $0x3;
	s13 =	sadd.s32 $0x61000, s5;
	[dreg:$0x5] =	wrdreg s12  }
0x11: {  	s0 =	sshrl.u32 s16, $0x3;
	s14 =	sadd.s32 $0x62000, s5;
	[dreg:$0x6] =	wrdreg s13  }
0x12: {  	s17 =	simm.s32 $0x80;
	s15 =	sadd.s32 $0x63000, s5;
	[dreg:$0x7] =	wrdreg s14  }
0x13: {  	s18 =	simm.s32 $0x6400;
	s2 =	sadd.s32 s2, s1;
	[dreg:$0x8] =	wrdreg s15  }
0x14: {  	s19 =	simm.s32 $0x8400;
	s21 =	sadd.s32 s4, s1;
	[dreg:$0xa] =	wrdreg s2  }
0x15: {  	s20 =	simm.s32 $0x16400;
	s0 =	sadd.s32 s0, s1;
	[dreg:$0xb] =	wrdreg s21  }
0x16: {  	s4 =	sshrl.u32 s24, $0x3;
	s2 =	sadd.s32 s22, s1;
	[dreg:$0xe] =	wrdreg s0  }
0x17: {  	s25 =	sadd.s32 s4, s1;
	s21 =	simm.s32 $0xA400;
	s0 =	simm.s32 $0x14400  }
0x18: {  	s4 =	simm.s32 $0x0;
	[dreg:$0xc] =	wrdreg s2;
	s2 =	sshrl.u32 s23, $0x3  }
0x19: {  	[dreg:$0xf] =	wrdreg s25;
	s23 =	simm.s32 $0xC400;
	s2 =	sadd.s32 s2, s1  }
0x1a: {  	s25 =	simm.s32 $0xE400;
	s1 =	simm.s32 $0x2;
	[dreg:$0xd] =	wrdreg s2  }
.LBB2_1:
0x1b: {  	[dreg:$0x10] =	wrdreg s4  }
0x1c: {  	s2 =	simm.s32 $0x0;
	s12 =	rddreg [dreg:$0x4];
	s13 =	simm.s32 $0x3  }
0x1d: {  	[tilespmem:s2], [sflag:$0x3] =	stream.linear.gather [hbm4b:s12+s2], $0x6400, $0x38;
	[tilespmem:$0x1E400] =	vst v63  }
0x1e: {  	_ =	swait.ge [sflag:s13], $0x6400  }
0x1f: {  	[sflag:s13] =	ssyncset.done $0x0  }
0x20: {  	[sflag:s13] =	ssyncadd.s32 $0xFFFF9C00  }
0x21: {  	[tilespmem:s18], [sflag:$0x1] =	stream.indirect.gather [hbm4b:s3+s17], $0x40, s2, s17, $0xb8;
	[tilespmem:$0x1E400] =	vst v63  }
0x22: {  	_ = 	snop  }
0x23: {  	[tilespmem:s19], [sflag:$0x1] =	stream.indirect.gather [hbm4b:s3+s17], $0x40, s17, s17, $0xb8;
	[tilespmem:$0x1E400] =	vst v63  }
0x24: {  	s14 =	simm.s32 $0x100  }
0x25: {  	[tilespmem:s21], [sflag:$0x1] =	stream.indirect.gather [hbm4b:s3+s17], $0x40, s14, s17, $0xb8;
	[tilespmem:$0x1E400] =	vst v63  }
0x26: {  	s15 =	simm.s32 $0x180  }
0x27: {  	[tilespmem:s23], [sflag:$0x1] =	stream.indirect.gather [hbm4b:s3+s17], $0x40, s15, s17, $0xb8;
	[tilespmem:$0x1E400] =	vst v63  }
0x28: {  	s16 =	simm.s32 $0x200  }
0x29: {  	[tilespmem:s25], [sflag:$0x1] =	stream.indirect.gather [hbm4b:s3+s17], $0x40, s16, s17, $0xb8;
	[tilespmem:$0x1E400] =	vst v63  }
0x2a: {  	s22 =	simm.s32 $0x280  }
0x2b: {  	[tilespmem:s28], [sflag:$0x1] =	stream.indirect.gather [hbm4b:s3+s17], $0x40, s22, s17, $0xb8;
	[tilespmem:$0x1E400] =	vst v63  }
0x2c: {  	s24 =	simm.s32 $0x300  }
0x2d: {  	[tilespmem:s30], [sflag:$0x1] =	stream.indirect.gather [hbm4b:s3+s17], $0x40, s24, s17, $0xb8;
	[tilespmem:$0x1E400] =	vst v63  }
0x2e: {  	s4 =	simm.s32 $0x380;
	p0 =	por $0x1, $0x1  }
0x2f: {  	[tilespmem:s0], [sflag:$0x1] =	stream.indirect.gather [hbm4b:s3+s17], $0x40, s4, s17, $0xb8;
	[tilespmem:$0x1E400] =	vst v63  }
0x30: {  	s5 =	simm.s32 $0x400;
	p0 =	por p0, p0  }
0x31: {  	[tilespmem:s20], [sflag:$0x1] =	stream.indirect.gather [hbm4b:s3+s17], $0x40, s5, s17, $0xb8;
	[tilespmem:$0x1E400] =	vst v63  }
0x32: {  	s6 =	simm.s32 $0x480;
	s7 =	simm.s32 $0x18400;
	s2 =	simm.s32 @!p0 $0x2  }
0x33: {  	[tilespmem:s7], [sflag:$0x1] =	stream.indirect.gather [hbm4b:s3+s17], $0x40, s6, s17, $0xb8;
	[tilespmem:$0x1E400] =	vst v63  }
0x34: {  	_ =	swait.ge @!p0 [sflag:s2], $0x4000  }
0x35: {  	[sflag:s2] =	ssyncset.done @!p0 $0x0  }
0x36: {  	s8 =	simm.s32 $0x500;
	[sflag:s2] =	ssyncadd.s32 @!p0 $0xFFFFC000  }
0x37: {  	[tilespmem:s26], [sflag:$0x1] =	stream.indirect.gather [hbm4b:s3+s17], $0x40, s8, s17, $0xb8;
	[tilespmem:$0x1E400] =	vst v63  }
0x38: {  	s10 =	simm.s32 $0x580;
	s9 =	rddreg [dreg:$0x3]  }
0x39: {  	[tilespmem:s9], [sflag:$0x1] =	stream.indirect.gather [hbm4b:s3+s17], $0x40, s10, s17, $0xb8;
	[tilespmem:$0x1E400] =	vst v63  }
0x3a: {  	_ =	swait.ge [sflag:s29], $0x2000  }
0x3b: {  	[sflag:s29] =	ssyncset.done $0x0  }
0x3c: {  	[sflag:s29] =	ssyncadd.s32 $0xFFFFE000  }
0x3d: {  	_ =	swait.ge [sflag:s29], $0x2000  }
0x3e: {  	[sflag:s29] =	ssyncset.done $0x0  }
0x3f: {  	s9 =	rddreg [dreg:$0xe];
	[sflag:s29] =	ssyncadd.s32 $0xFFFFE000  }
0x40: {  	[hbm4b:s9+s31] =	stream.strided.scatter [tilespmem:s18], [sflag:$0x2], $0x4000, s17, s31, $0x38;
	[tilespmem:$0x1E400] =	vst v63  }
0x41: {  	_ =	swait.ge [sflag:s1], $0x4000  }
0x42: {  	[sflag:s1] =	ssyncset.done $0x0  }
0x43: {  	s11 =	simm.s32 $0x600;
	[sflag:s1] =	ssyncadd.s32 $0xFFFFC000  }
0x44: {  	[tilespmem:s18], [sflag:$0x1] =	stream.indirect.gather [hbm4b:s3+s17], $0x40, s11, s17, $0xb8;
	[tilespmem:$0x1E400] =	vst v63  }
0x45: {  	s12 =	simm.s32 $0x680  }
0x46: {  	[tilespmem:s19], [sflag:$0x1] =	stream.indirect.gather [hbm4b:s3+s17], $0x40, s12, s17, $0xb8;
	[tilespmem:$0x1E400] =	vst v63  }
0x47: {  	_ =	swait.ge [sflag:s29], $0x2000  }
0x48: {  	[sflag:s29] =	ssyncset.done $0x0  }
0x49: {  	[sflag:s29] =	ssyncadd.s32 $0xFFFFE000  }
0x4a: {  	_ =	swait.ge [sflag:s29], $0x2000  }
0x4b: {  	[sflag:s29] =	ssyncset.done $0x0  }
0x4c: {  	s8 =	rddreg [dreg:$0xd];
	[sflag:s29] =	ssyncadd.s32 $0xFFFFE000  }
0x4d: {  	[hbm4b:s8+s31] =	stream.strided.scatter [tilespmem:s21], [sflag:$0x2], $0x4000, s17, s31, $0x38;
	[tilespmem:$0x1E400] =	vst v63  }
0x4e: {  	_ =	swait.ge [sflag:s1], $0x4000  }
0x4f: {  	[sflag:s1] =	ssyncset.done $0x0  }
0x50: {  	s13 =	simm.s32 $0x700;
	[sflag:s1] =	ssyncadd.s32 $0xFFFFC000  }
0x51: {  	[tilespmem:s21], [sflag:$0x1] =	stream.indirect.gather [hbm4b:s3+s17], $0x40, s13, s17, $0xb8;
	[tilespmem:$0x1E400] =	vst v63  }
0x52: {  	s14 =	simm.s32 $0x780  }
0x53: {  	[tilespmem:s23], [sflag:$0x1] =	stream.indirect.gather [hbm4b:s3+s17], $0x40, s14, s17, $0xb8;
	[tilespmem:$0x1E400] =	vst v63  }
0x54: {  	_ =	swait.ge [sflag:s29], $0x2000  }
0x55: {  	[sflag:s29] =	ssyncset.done $0x0  }
0x56: {  	[sflag:s29] =	ssyncadd.s32 $0xFFFFE000  }
0x57: {  	_ =	swait.ge [sflag:s29], $0x2000  }
0x58: {  	[sflag:s29] =	ssyncset.done $0x0  }
0x59: {  	s12 =	rddreg [dreg:$0xc];
	[sflag:s29] =	ssyncadd.s32 $0xFFFFE000  }
0x5a: {  	[hbm4b:s12+s31] =	stream.strided.scatter [tilespmem:s25], [sflag:$0x2], $0x4000, s17, s31, $0x38;
	[tilespmem:$0x1E400] =	vst v63  }
0x5b: {  	_ =	swait.ge [sflag:s1], $0x4000  }
0x5c: {  	[sflag:s1] =	ssyncset.done $0x0  }
0x5d: {  	s15 =	simm.s32 $0x800;
	[sflag:s1] =	ssyncadd.s32 $0xFFFFC000  }
0x5e: {  	[tilespmem:s25], [sflag:$0x1] =	stream.indirect.gather [hbm4b:s3+s17], $0x40, s15, s17, $0xb8;
	[tilespmem:$0x1E400] =	vst v63  }
0x5f: {  	s16 =	simm.s32 $0x880  }
0x60: {  	[tilespmem:s28], [sflag:$0x1] =	stream.indirect.gather [hbm4b:s3+s17], $0x40, s16, s17, $0xb8;
	[tilespmem:$0x1E400] =	vst v63  }
0x61: {  	_ =	swait.ge [sflag:s29], $0x2000  }
0x62: {  	[sflag:s29] =	ssyncset.done $0x0  }
0x63: {  	[sflag:s29] =	ssyncadd.s32 $0xFFFFE000  }
0x64: {  	_ =	swait.ge [sflag:s29], $0x2000  }
0x65: {  	[sflag:s29] =	ssyncset.done $0x0  }
0x66: {  	s10 =	rddreg [dreg:$0xb];
	[sflag:s29] =	ssyncadd.s32 $0xFFFFE000  }
0x67: {  	[hbm4b:s10+s31] =	stream.strided.scatter [tilespmem:s30], [sflag:$0x2], $0x4000, s17, s31, $0x38;
	[tilespmem:$0x1E400] =	vst v63  }
0x68: {  	_ =	swait.ge [sflag:s1], $0x4000  }
0x69: {  	[sflag:s1] =	ssyncset.done $0x0  }
0x6a: {  	s22 =	simm.s32 $0x900;
	[sflag:s1] =	ssyncadd.s32 $0xFFFFC000  }
0x6b: {  	[tilespmem:s30], [sflag:$0x1] =	stream.indirect.gather [hbm4b:s3+s17], $0x40, s22, s17, $0xb8;
	[tilespmem:$0x1E400] =	vst v63  }
0x6c: {  	s24 =	simm.s32 $0x980  }
0x6d: {  	[tilespmem:s0], [sflag:$0x1] =	stream.indirect.gather [hbm4b:s3+s17], $0x40, s24, s17, $0xb8;
	[tilespmem:$0x1E400] =	vst v63  }
0x6e: {  	_ =	swait.ge [sflag:s29], $0x2000  }
0x6f: {  	[sflag:s29] =	ssyncset.done $0x0  }
0x70: {  	[sflag:s29] =	ssyncadd.s32 $0xFFFFE000  }
0x71: {  	_ =	swait.ge [sflag:s29], $0x2000  }
0x72: {  	p0 =	por $0x0, $0x0;
	[sflag:s29] =	ssyncset.done $0x0  }
0x73: {  	s4 =	simm.s32 @!p0 $0x2;
	s11 =	rddreg [dreg:$0xa];
	[sflag:s29] =	ssyncadd.s32 $0xFFFFE000  }
0x74: {  	[hbm4b:s11+s31] =	stream.strided.scatter [tilespmem:s20], [sflag:$0x2], $0x4000, s17, s31, $0x38;
	[tilespmem:$0x1E400] =	vst v63  }
0x75: {  	p6 =	por $0x0, $0x0;
	_ =	swait.ge @!p0 [sflag:s4], $0x4000  }
0x76: {  	s2 =	simm.s32 $0x6;
	s5 =	simm.s32 @!p0 $0xA00;
	[sflag:s4] =	ssyncset.done @!p0 $0x0  }
0x77: {  	s6 =	simm.s32 @!p0 $0x80;
	s7 =	simm.s32 @!p0 $0x16400;
	[sflag:s4] =	ssyncadd.s32 @!p0 $0xFFFFC000  }
0x78: {  	[tilespmem:s7], [sflag:$0x1] =	stream.indirect.gather @!p0 [hbm4b:s3+s6], $0x40, s5, s6, $0xb8;
	[tilespmem:$0x1E400] =	vst v63  }
0x79: {  	s9 =	sadd.s32 $0x6000, s9;
	s5 =	simm.s32 @!p0 $0xA80;
	s7 =	simm.s32 @!p0 $0x18400  }
0x7a: {  	[tilespmem:s7], [sflag:$0x1] =	stream.indirect.gather @!p0 [hbm4b:s3+s6], $0x40, s5, s6, $0xb8;
	[tilespmem:$0x1E400] =	vst v63  }
0x7b: {  	s8 =	sadd.s32 $0x6000, s8;
	s16 =	simm.s32 $0xC;
	_ =	swait.ge [sflag:s29], $0x2000  }
0x7c: {  	s4 =	simm.s32 $0x1800;
	p0 =	por p6, p6;
	[sflag:s29] =	ssyncset.done $0x0  }
0x7d: {  	s6 =	sadd.s32 $0x6000, s10;
	s7 =	sadd.s32 $0x6000, s12;
	[sflag:s29] =	ssyncadd.s32 $0xFFFFE000  }
0x7e: {  	s10 =	simm.s32 $0x3000;
	s15 =	rddreg [dreg:$0xf];
	_ =	swait.ge [sflag:s29], $0x2000  }
0x7f: {  	s5 =	sadd.s32 $0x6000, s11;
	s24 =	sadd.s32 $0x6000, s15;
	[sflag:s29] =	ssyncset.done $0x0  }
.LBB2_2:
0x80: {  	s14 =	simm.s32 @!p0 $0x2;
	[sflag:s29] =	ssyncadd.s32 $0xFFFFE000  }
0x81: {  	[hbm4b:s15+s31] =	stream.strided.scatter [tilespmem:s26], [sflag:$0x2], $0x4000, s17, s31, $0x38;
	[tilespmem:$0x1E400] =	vst v63  }
0x82: {  	_ =	swait.ge @!p0 [sflag:s14], $0x4000  }
0x83: {  	s13 =	sshra.s32 s4, $0x2;
	[sflag:s14] =	ssyncset.done @!p0 $0x0  }
0x84: {  	s22 =	sadd.s32 $0x500, s13;
	[sflag:s14] =	ssyncadd.s32 @!p0 $0xFFFFC000  }
0x85: {  	[tilespmem:s26], [sflag:$0x1] =	stream.indirect.gather [hbm4b:s3+s17], $0x40, s22, s17, $0xb8;
	[tilespmem:$0x1E400] =	vst v63  }
0x86: {  	s11 =	rddreg [dreg:$0x3];
	s22 =	sadd.s32 $0x580, s13  }
0x87: {  	[tilespmem:s11], [sflag:$0x1] =	stream.indirect.gather [hbm4b:s3+s17], $0x40, s22, s17, $0xb8;
	[tilespmem:$0x1E400] =	vst v63  }
0x88: {  	_ =	swait.ge [sflag:s29], $0x2000  }
0x89: {  	[sflag:s29] =	ssyncset.done $0x0  }
0x8a: {  	[sflag:s29] =	ssyncadd.s32 $0xFFFFE000  }
0x8b: {  	_ =	swait.ge [sflag:s29], $0x2000  }
0x8c: {  	[sflag:s29] =	ssyncset.done $0x0  }
0x8d: {  	[sflag:s29] =	ssyncadd.s32 $0xFFFFE000  }
0x8e: {  	[hbm4b:s9+s31] =	stream.strided.scatter [tilespmem:s18], [sflag:$0x2], $0x4000, s17, s31, $0x38;
	[tilespmem:$0x1E400] =	vst v63  }
0x8f: {  	_ =	swait.ge [sflag:s1], $0x4000  }
0x90: {  	[sflag:s1] =	ssyncset.done $0x0  }
0x91: {  	s14 =	sadd.s32 $0x600, s13;
	[sflag:s1] =	ssyncadd.s32 $0xFFFFC000  }
0x92: {  	[tilespmem:s18], [sflag:$0x1] =	stream.indirect.gather [hbm4b:s3+s17], $0x40, s14, s17, $0xb8;
	[tilespmem:$0x1E400] =	vst v63  }
0x93: {  	s22 =	sadd.s32 $0x680, s13  }
0x94: {  	[tilespmem:s19], [sflag:$0x1] =	stream.indirect.gather [hbm4b:s3+s17], $0x40, s22, s17, $0xb8;
	[tilespmem:$0x1E400] =	vst v63  }
0x95: {  	_ =	swait.ge [sflag:s29], $0x2000  }
0x96: {  	[sflag:s29] =	ssyncset.done $0x0  }
0x97: {  	[sflag:s29] =	ssyncadd.s32 $0xFFFFE000  }
0x98: {  	_ =	swait.ge [sflag:s29], $0x2000  }
0x99: {  	[sflag:s29] =	ssyncset.done $0x0  }
0x9a: {  	[sflag:s29] =	ssyncadd.s32 $0xFFFFE000  }
0x9b: {  	[hbm4b:s8+s31] =	stream.strided.scatter [tilespmem:s21], [sflag:$0x2], $0x4000, s17, s31, $0x38;
	[tilespmem:$0x1E400] =	vst v63  }
0x9c: {  	_ =	swait.ge [sflag:s1], $0x4000  }
0x9d: {  	[sflag:s1] =	ssyncset.done $0x0  }
0x9e: {  	s14 =	sadd.s32 $0x700, s13;
	[sflag:s1] =	ssyncadd.s32 $0xFFFFC000  }
0x9f: {  	[tilespmem:s21], [sflag:$0x1] =	stream.indirect.gather [hbm4b:s3+s17], $0x40, s14, s17, $0xb8;
	[tilespmem:$0x1E400] =	vst v63  }
0xa0: {  	s22 =	sadd.s32 $0x780, s13  }
0xa1: {  	[tilespmem:s23], [sflag:$0x1] =	stream.indirect.gather [hbm4b:s3+s17], $0x40, s22, s17, $0xb8;
	[tilespmem:$0x1E400] =	vst v63  }
0xa2: {  	_ =	swait.ge [sflag:s29], $0x2000  }
0xa3: {  	[sflag:s29] =	ssyncset.done $0x0  }
0xa4: {  	[sflag:s29] =	ssyncadd.s32 $0xFFFFE000  }
0xa5: {  	_ =	swait.ge [sflag:s29], $0x2000  }
0xa6: {  	[sflag:s29] =	ssyncset.done $0x0  }
0xa7: {  	[sflag:s29] =	ssyncadd.s32 $0xFFFFE000  }
0xa8: {  	[hbm4b:s7+s31] =	stream.strided.scatter [tilespmem:s25], [sflag:$0x2], $0x4000, s17, s31, $0x38;
	[tilespmem:$0x1E400] =	vst v63  }
0xa9: {  	_ =	swait.ge [sflag:s1], $0x4000  }
0xaa: {  	[sflag:s1] =	ssyncset.done $0x0  }
0xab: {  	s14 =	sadd.s32 $0x800, s13;
	[sflag:s1] =	ssyncadd.s32 $0xFFFFC000  }
0xac: {  	[tilespmem:s25], [sflag:$0x1] =	stream.indirect.gather [hbm4b:s3+s17], $0x40, s14, s17, $0xb8;
	[tilespmem:$0x1E400] =	vst v63  }
0xad: {  	s22 =	sadd.s32 $0x880, s13  }
0xae: {  	[tilespmem:s28], [sflag:$0x1] =	stream.indirect.gather [hbm4b:s3+s17], $0x40, s22, s17, $0xb8;
	[tilespmem:$0x1E400] =	vst v63  }
0xaf: {  	_ =	swait.ge [sflag:s29], $0x2000  }
0xb0: {  	[sflag:s29] =	ssyncset.done $0x0  }
0xb1: {  	[sflag:s29] =	ssyncadd.s32 $0xFFFFE000  }
0xb2: {  	_ =	swait.ge [sflag:s29], $0x2000  }
0xb3: {  	[sflag:s29] =	ssyncset.done $0x0  }
0xb4: {  	[sflag:s29] =	ssyncadd.s32 $0xFFFFE000  }
0xb5: {  	[hbm4b:s6+s31] =	stream.strided.scatter [tilespmem:s30], [sflag:$0x2], $0x4000, s17, s31, $0x38;
	[tilespmem:$0x1E400] =	vst v63  }
0xb6: {  	_ =	swait.ge [sflag:s1], $0x4000  }
0xb7: {  	[sflag:s1] =	ssyncset.done $0x0  }
0xb8: {  	s14 =	sadd.s32 $0x900, s13;
	[sflag:s1] =	ssyncadd.s32 $0xFFFFC000  }
0xb9: {  	[tilespmem:s30], [sflag:$0x1] =	stream.indirect.gather [hbm4b:s3+s17], $0x40, s14, s17, $0xb8;
	[tilespmem:$0x1E400] =	vst v63  }
0xba: {  	s22 =	sadd.s32 $0x980, s13  }
0xbb: {  	[tilespmem:s0], [sflag:$0x1] =	stream.indirect.gather [hbm4b:s3+s17], $0x40, s22, s17, $0xb8;
	[tilespmem:$0x1E400] =	vst v63  }
0xbc: {  	_ =	swait.ge [sflag:s29], $0x2000  }
0xbd: {  	[sflag:s29] =	ssyncset.done $0x0  }
0xbe: {  	[sflag:s29] =	ssyncadd.s32 $0xFFFFE000  }
0xbf: {  	p2 =	seq.s32 s10, $0x0;
	_ =	swait.ge [sflag:s29], $0x2000  }
0xc0: {  	p0 =	por p2, p2;
	p2 =	sgt.u32 s2, $0x59;
	[sflag:s29] =	ssyncset.done $0x0  }
0xc1: {  	s12 =	smov.u32 s16;
	s11 =	simm.s32 @!p2 $0x2;
	[sflag:s29] =	ssyncadd.s32 $0xFFFFE000  }
0xc2: {  	[hbm4b:s5+s31] =	stream.strided.scatter [tilespmem:s20], [sflag:$0x2], $0x4000, s17, s31, $0x38;
	[tilespmem:$0x1E400] =	vst v63  }
0xc3: {  	s2 =	smov.u32 s12;
	s12 =	sshra.s32 @!p2 s4, $0x2;
	_ =	swait.ge @!p2 [sflag:s11], $0x4000  }
0xc4: {  	p1 =	slt.u32 s16, $0x5A;
	s13 =	sadd.s32 @!p2 $0xA00, s12;
	[sflag:s11] =	ssyncset.done @!p2 $0x0  }
0xc5: {  	s14 =	simm.s32 @!p2 $0x80;
	s22 =	simm.s32 @!p2 $0x16400;
	[sflag:s11] =	ssyncadd.s32 @!p2 $0xFFFFC000  }
0xc6: {  	[tilespmem:s22], [sflag:$0x1] =	stream.indirect.gather @!p2 [hbm4b:s3+s14], $0x40, s13, s14, $0xb8;
	[tilespmem:$0x1E400] =	vst v63  }
0xc7: {  	s16 =	sadd.s32 $0x6, s16;
	s12 =	sadd.s32 @!p2 $0xA80, s12;
	s11 =	simm.s32 @!p2 $0x18400  }
0xc8: {  	[tilespmem:s11], [sflag:$0x1] =	stream.indirect.gather @!p2 [hbm4b:s3+s14], $0x40, s12, s14, $0xb8;
	[tilespmem:$0x1E400] =	vst v63  }
.Ltmp0:
0xc9: {  	s15 =	smov.u32 s24;
	_ =	swait.ge [sflag:s29], $0x2000;
	(pc) =	sbr.rel @p1 .LBB2_2-.Ltmp0, $4  }
0xca: {  	s24 =	sadd.s32 $0x6000, s24;
	s4 =	smov.u32 s10;
	[sflag:s29] =	ssyncset.done $0x0  }
0xcb: {  	s10 =	sadd.s32 $0x1800, s10;
	s9 =	sadd.s32 $0x6000, s9;
	[sflag:s29] =	ssyncadd.s32 $0xFFFFE000  }
0xcc: {  	s8 =	sadd.s32 $0x6000, s8;
	s7 =	sadd.s32 $0x6000, s7;
	_ =	swait.ge [sflag:s29], $0x2000  }
0xcd: {  	s6 =	sadd.s32 $0x6000, s6;
	s5 =	sadd.s32 $0x6000, s5;
	[sflag:s29] =	ssyncset.done $0x0  }
0xce: {  	s10 =	simm.s32 @!p0 $0x2;
	[sflag:s29] =	ssyncadd.s32 $0xFFFFE000  }
0xcf: {  	[hbm4b:s15+s31] =	stream.strided.scatter [tilespmem:s26], [sflag:$0x2], $0x4000, s17, s31, $0x38;
	[tilespmem:$0x1E400] =	vst v63  }
0xd0: {  	_ =	swait.ge @!p0 [sflag:s10], $0x4000  }
0xd1: {  	s11 =	sshra.s32 s4, $0x2;
	[sflag:s10] =	ssyncset.done @!p0 $0x0  }
0xd2: {  	s22 =	sadd.s32 $0x500, s11;
	[sflag:s10] =	ssyncadd.s32 @!p0 $0xFFFFC000  }
0xd3: {  	[tilespmem:s26], [sflag:$0x1] =	stream.indirect.gather [hbm4b:s3+s17], $0x40, s22, s17, $0xb8;
	[tilespmem:$0x1E400] =	vst v63  }
0xd4: {  	s13 =	sadd.s32 $0x580, s11;
	s12 =	rddreg [dreg:$0x3]  }
0xd5: {  	[tilespmem:s12], [sflag:$0x1] =	stream.indirect.gather [hbm4b:s3+s17], $0x40, s13, s17, $0xb8;
	[tilespmem:$0x1E400] =	vst v63  }
0xd6: {  	_ =	swait.ge [sflag:s29], $0x2000  }
0xd7: {  	[sflag:s29] =	ssyncset.done $0x0  }
0xd8: {  	[sflag:s29] =	ssyncadd.s32 $0xFFFFE000  }
0xd9: {  	_ =	swait.ge [sflag:s29], $0x2000  }
0xda: {  	[sflag:s29] =	ssyncset.done $0x0  }
0xdb: {  	[sflag:s29] =	ssyncadd.s32 $0xFFFFE000  }
0xdc: {  	[hbm4b:s9+s31] =	stream.strided.scatter [tilespmem:s18], [sflag:$0x2], $0x4000, s17, s31, $0x38;
	[tilespmem:$0x1E400] =	vst v63  }
0xdd: {  	_ =	swait.ge [sflag:s1], $0x4000  }
0xde: {  	[sflag:s1] =	ssyncset.done $0x0  }
0xdf: {  	s14 =	sadd.s32 $0x600, s11;
	[sflag:s1] =	ssyncadd.s32 $0xFFFFC000  }
0xe0: {  	[tilespmem:s18], [sflag:$0x1] =	stream.indirect.gather [hbm4b:s3+s17], $0x40, s14, s17, $0xb8;
	[tilespmem:$0x1E400] =	vst v63  }
0xe1: {  	s15 =	sadd.s32 $0x680, s11  }
0xe2: {  	[tilespmem:s19], [sflag:$0x1] =	stream.indirect.gather [hbm4b:s3+s17], $0x40, s15, s17, $0xb8;
	[tilespmem:$0x1E400] =	vst v63  }
0xe3: {  	_ =	swait.ge [sflag:s29], $0x2000  }
0xe4: {  	[sflag:s29] =	ssyncset.done $0x0  }
0xe5: {  	[sflag:s29] =	ssyncadd.s32 $0xFFFFE000  }
0xe6: {  	_ =	swait.ge [sflag:s29], $0x2000  }
0xe7: {  	[sflag:s29] =	ssyncset.done $0x0  }
0xe8: {  	[sflag:s29] =	ssyncadd.s32 $0xFFFFE000  }
0xe9: {  	[hbm4b:s8+s31] =	stream.strided.scatter [tilespmem:s21], [sflag:$0x2], $0x4000, s17, s31, $0x38;
	[tilespmem:$0x1E400] =	vst v63  }
0xea: {  	_ =	swait.ge [sflag:s1], $0x4000  }
0xeb: {  	[sflag:s1] =	ssyncset.done $0x0  }
0xec: {  	s16 =	sadd.s32 $0x700, s11;
	[sflag:s1] =	ssyncadd.s32 $0xFFFFC000  }
0xed: {  	[tilespmem:s21], [sflag:$0x1] =	stream.indirect.gather [hbm4b:s3+s17], $0x40, s16, s17, $0xb8;
	[tilespmem:$0x1E400] =	vst v63  }
0xee: {  	s22 =	sadd.s32 $0x780, s11  }
0xef: {  	[tilespmem:s23], [sflag:$0x1] =	stream.indirect.gather [hbm4b:s3+s17], $0x40, s22, s17, $0xb8;
	[tilespmem:$0x1E400] =	vst v63  }
0xf0: {  	_ =	swait.ge [sflag:s29], $0x2000  }
0xf1: {  	[sflag:s29] =	ssyncset.done $0x0  }
0xf2: {  	[sflag:s29] =	ssyncadd.s32 $0xFFFFE000  }
0xf3: {  	_ =	swait.ge [sflag:s29], $0x2000  }
0xf4: {  	[sflag:s29] =	ssyncset.done $0x0  }
0xf5: {  	[sflag:s29] =	ssyncadd.s32 $0xFFFFE000  }
0xf6: {  	[hbm4b:s7+s31] =	stream.strided.scatter [tilespmem:s25], [sflag:$0x2], $0x4000, s17, s31, $0x38;
	[tilespmem:$0x1E400] =	vst v63  }
0xf7: {  	_ =	swait.ge [sflag:s1], $0x4000  }
0xf8: {  	[sflag:s1] =	ssyncset.done $0x0  }
0xf9: {  	s8 =	sadd.s32 $0x800, s11;
	[sflag:s1] =	ssyncadd.s32 $0xFFFFC000  }
0xfa: {  	[tilespmem:s25], [sflag:$0x1] =	stream.indirect.gather [hbm4b:s3+s17], $0x40, s8, s17, $0xb8;
	[tilespmem:$0x1E400] =	vst v63  }
0xfb: {  	s9 =	sadd.s32 $0x880, s11  }
0xfc: {  	[tilespmem:s28], [sflag:$0x1] =	stream.indirect.gather [hbm4b:s3+s17], $0x40, s9, s17, $0xb8;
	[tilespmem:$0x1E400] =	vst v63  }
0xfd: {  	_ =	swait.ge [sflag:s29], $0x2000  }
0xfe: {  	[sflag:s29] =	ssyncset.done $0x0  }
0xff: {  	[sflag:s29] =	ssyncadd.s32 $0xFFFFE000  }
0x100: {  	_ =	swait.ge [sflag:s29], $0x2000  }
0x101: {  	[sflag:s29] =	ssyncset.done $0x0  }
0x102: {  	[sflag:s29] =	ssyncadd.s32 $0xFFFFE000  }
0x103: {  	[hbm4b:s6+s31] =	stream.strided.scatter [tilespmem:s30], [sflag:$0x2], $0x4000, s17, s31, $0x38;
	[tilespmem:$0x1E400] =	vst v63  }
0x104: {  	_ =	swait.ge [sflag:s1], $0x4000  }
0x105: {  	[sflag:s1] =	ssyncset.done $0x0  }
0x106: {  	s10 =	sadd.s32 $0x900, s11;
	[sflag:s1] =	ssyncadd.s32 $0xFFFFC000  }
0x107: {  	[tilespmem:s30], [sflag:$0x1] =	stream.indirect.gather [hbm4b:s3+s17], $0x40, s10, s17, $0xb8;
	[tilespmem:$0x1E400] =	vst v63  }
0x108: {  	s12 =	sadd.s32 $0x980, s11  }
0x109: {  	[tilespmem:s0], [sflag:$0x1] =	stream.indirect.gather [hbm4b:s3+s17], $0x40, s12, s17, $0xb8;
	[tilespmem:$0x1E400] =	vst v63  }
0x10a: {  	_ =	swait.ge [sflag:s29], $0x2000  }
0x10b: {  	[sflag:s29] =	ssyncset.done $0x0  }
0x10c: {  	[sflag:s29] =	ssyncadd.s32 $0xFFFFE000  }
0x10d: {  	_ =	swait.ge [sflag:s29], $0x2000  }
0x10e: {  	p0 =	sgt.u32 s2, $0x59;
	[sflag:s29] =	ssyncset.done $0x0  }
0x10f: {  	s2 =	simm.s32 @!p0 $0x2;
	[sflag:s29] =	ssyncadd.s32 $0xFFFFE000  }
0x110: {  	[hbm4b:s5+s31] =	stream.strided.scatter [tilespmem:s20], [sflag:$0x2], $0x4000, s17, s31, $0x38;
	[tilespmem:$0x1E400] =	vst v63  }
0x111: {  	_ =	swait.ge @!p0 [sflag:s2], $0x4000  }
0x112: {  	s4 =	sshra.s32 @!p0 s4, $0x2;
	s6 =	simm.s32 @!p0 $0x80;
	[sflag:s2] =	ssyncset.done @!p0 $0x0  }
0x113: {  	s5 =	sadd.s32 @!p0 $0xA00, s4;
	[sflag:s2] =	ssyncadd.s32 @!p0 $0xFFFFC000;
	s2 =	simm.s32 @!p0 $0x16400  }
0x114: {  	[tilespmem:s2], [sflag:$0x1] =	stream.indirect.gather @!p0 [hbm4b:s3+s6], $0x40, s5, s6, $0xb8;
	[tilespmem:$0x1E400] =	vst v63  }
0x115: {  	s2 =	sadd.s32 @!p0 $0xA80, s4;
	s4 =	simm.s32 @!p0 $0x18400  }
0x116: {  	[tilespmem:s4], [sflag:$0x1] =	stream.indirect.gather @!p0 [hbm4b:s3+s6], $0x40, s2, s6, $0xb8;
	[tilespmem:$0x1E400] =	vst v63  }
0x117: {  	_ =	swait.ge [sflag:s29], $0x2000  }
0x118: {  	[sflag:s29] =	ssyncset.done $0x0  }
0x119: {  	[sflag:s29] =	ssyncadd.s32 $0xFFFFE000  }
0x11a: {  	_ =	swait.ge [sflag:s29], $0x2000  }
0x11b: {  	[sflag:s29] =	ssyncset.done $0x0  }
0x11c: {  	[sflag:s29] =	ssyncadd.s32 $0xFFFFE000  }
0x11d: {  	[hbm4b:s24+s31] =	stream.strided.scatter [tilespmem:s26], [sflag:$0x2], $0x4000, s17, s31, $0x38;
	[tilespmem:$0x1E400] =	vst v63  }
0x11e: {  	_ =	swait.ge [sflag:s29], $0x2000  }
0x11f: {  	[sflag:s29] =	ssyncset.done $0x0  }
0x120: {  	[sflag:s29] =	ssyncadd.s32 $0xFFFFE000  }
0x121: {  	_ =	swait.ge [sflag:s29], $0x2000  }
0x122: {  	[sflag:s29] =	ssyncset.done $0x0  }
0x123: {  	s13 =	rddreg [dreg:$0x5];
	[sflag:s29] =	ssyncadd.s32 $0xFFFFE000  }
0x124: {  	[hbm4b:s13+s31] =	stream.strided.scatter [tilespmem:s18], [sflag:$0x2], $0x4000, s17, s31, $0x38;
	[tilespmem:$0x1E400] =	vst v63  }
0x125: {  	_ =	swait.ge [sflag:s29], $0x2000  }
0x126: {  	[sflag:s29] =	ssyncset.done $0x0  }
0x127: {  	[sflag:s29] =	ssyncadd.s32 $0xFFFFE000  }
0x128: {  	_ =	swait.ge [sflag:s29], $0x2000  }
0x129: {  	[sflag:s29] =	ssyncset.done $0x0  }
0x12a: {  	s14 =	rddreg [dreg:$0x6];
	[sflag:s29] =	ssyncadd.s32 $0xFFFFE000  }
0x12b: {  	[hbm4b:s14+s31] =	stream.strided.scatter [tilespmem:s21], [sflag:$0x2], $0x4000, s17, s31, $0x38;
	[tilespmem:$0x1E400] =	vst v63  }
0x12c: {  	_ =	swait.ge [sflag:s29], $0x2000  }
0x12d: {  	[sflag:s29] =	ssyncset.done $0x0  }
0x12e: {  	[sflag:s29] =	ssyncadd.s32 $0xFFFFE000  }
0x12f: {  	_ =	swait.ge [sflag:s29], $0x2000  }
0x130: {  	[sflag:s29] =	ssyncset.done $0x0  }
0x131: {  	s15 =	rddreg [dreg:$0x7];
	[sflag:s29] =	ssyncadd.s32 $0xFFFFE000  }
0x132: {  	[hbm4b:s15+s31] =	stream.strided.scatter [tilespmem:s25], [sflag:$0x2], $0x4000, s17, s31, $0x38;
	[tilespmem:$0x1E400] =	vst v63  }
0x133: {  	_ =	swait.ge [sflag:s29], $0x2000  }
0x134: {  	[sflag:s29] =	ssyncset.done $0x0  }
0x135: {  	[sflag:s29] =	ssyncadd.s32 $0xFFFFE000  }
0x136: {  	_ =	swait.ge [sflag:s29], $0x2000  }
0x137: {  	[sflag:s29] =	ssyncset.done $0x0  }
0x138: {  	s16 =	rddreg [dreg:$0x8];
	[sflag:s29] =	ssyncadd.s32 $0xFFFFE000  }
0x139: {  	[hbm4b:s16+s31] =	stream.strided.scatter [tilespmem:s30], [sflag:$0x2], $0x4000, s17, s31, $0x38;
	[tilespmem:$0x1E400] =	vst v63  }
0x13a: {  	_ =	swait.ge [sflag:s1], $0x4000  }
0x13b: {  	[sflag:s1] =	ssyncset.done $0x0  }
0x13c: {  	[sflag:s1] =	ssyncadd.s32 $0xFFFFC000  }
0x13d: {  	_ =	swait.ge [sflag:s1], $0x4000  }
0x13e: {  	[sflag:s1] =	ssyncset.done $0x0  }
0x13f: {  	[sflag:s1] =	ssyncadd.s32 $0xFFFFC000  }
0x140: {  	_ =	swait.ge [sflag:s1], $0x4000  }
0x141: {  	[sflag:s1] =	ssyncset.done $0x0  }
0x142: {  	[sflag:s1] =	ssyncadd.s32 $0xFFFFC000  }
0x143: {  	_ =	swait.ge [sflag:s1], $0x4000  }
0x144: {  	[sflag:s1] =	ssyncset.done $0x0  }
0x145: {  	[sflag:s1] =	ssyncadd.s32 $0xFFFFC000  }
0x146: {  	_ =	swait.ge [sflag:s1], $0x4000  }
0x147: {  	[sflag:s1] =	ssyncset.done $0x0  }
0x148: {  	[sflag:s1] =	ssyncadd.s32 $0xFFFFC000  }
0x149: {  	_ =	swait.ge [sflag:s1], $0x4000  }
0x14a: {  	s22 =	rddreg [dreg:$0x10]  }
0x14b: {  	s24 =	rddreg [dreg:$0x9];
	s4 =	sadd.s32 $0x1, s22  }
0x14c: {  	p0 =	sne.s32 s4, s24  }
.Ltmp1:
0x14d: {  	_ = 	snop;
	(pc) =	sbr.rel @p0 .LBB2_1-.Ltmp1, $3  }
0x14e: {  	_ =	sdelay $0x1  }
0x14f: {  	[sflag:s1] =	ssyncset.done $0x0  }
0x150: {  	[sflag:s1] =	ssyncadd.s32 $0xFFFFC000  }
0x151: {  	_ =	sfence.sel $0x180000  }
0x152: {  	[bflag:$0x0] =	sbarrier.arrive $0xFFFF  }
0x153: {  	_ =	strace $0x90000047  }
0x154: {  	s0 =	stileid.u32;
	[bflag:$0x2] =	sbarrier.arrive $0xFFFF  }
0x155: {  	p0 =	sne.s32 s0, $0x0;
	s0 =	rddreg [dreg:$0x2]  }
0x156: {  	s0 =	sadd.s32 @!p0 $0x100000, s0  }
0x157: {  	[sflag:s0] =	ssyncadd.tile.s32 @!p0 $0x1;
	_ =	shalt  }
.Lfunc_end2:
_tile_overlayer_lowered:
.L_overlay_start_2:
0x158: {  	(tag) =	ssettag $0x2  }
0x159: {  	s0 =	rddreg [dreg:$0x0];
	s2 =	stileid.u32  }
0x15a: {  	s1 =	rddreg [dreg:$0x1];
	p0 =	sne.s32 s2, $0x0  }
0x15b: {  	s3 =	rddreg [dreg:$0x2];
	[bflag:$0x3] =	sbarrier.arrive $0xFFFF;
	s2 =	simm.s32 @!p0 $0x1C03  }
0x15c: {  	[timem:s3], [sflag:s2] =	dma.local @!p0 [hbm:s0], s1  }
0x15d: {  	s0 =	simm.s32 @!p0 $0x3  }
0x15e: {  	_ =	swait.ge @!p0 [sflag:s0], s1  }
0x15f: {  	s1 =	ssub.s32 @!p0 $0x0, s1;
	[sflag:s0] =	ssyncset.done @!p0 $0x0  }
0x160: {  	[sflag:s0] =	ssyncadd.s32 @!p0 s1  }
0x161: {  	[bflag:$0x3] =	sbarrier.arrive $0xFFFF  }
0x162: {  	_ =	shalt  }

// kernel: sparse-core-data-format-call.cloned.1.call-start
scs
called_computation_lowered:
.L_overlay_start_0:
0x0: {  	s2 =	sld [smem:$0x3FD9]  }
0x1: {  	s3 =	sld [smem:$0x3FFE];
	_ =	sdelay $0x1  }
0x2: {  	s1 =	srdreg.scid  }
0x3: {  	s0 =	sand.u32 $0x1, s1  }
0x4: {  	s18 =	sshll.u32 s0, $0xA;
	s2 =	sadd.s32 s3, s2  }
0x5: {  	s2 =	sadd.s32 s2, s18  }
0x6: {  	[smem:$0x3FC6] =	sst s2  }
0x7: {  	_ = 	snop  }
0x8: {  	s2 =	sld [smem:$0x3FD0];
	(tm) =	ssettm $0x1  }
0x9: {  	s19 =	sld [smem:$0x3FFB];
	_ =	sdelay $0x3  }
0xa: {  	_ =	strace s19  }
0xb: {  	s3 =	sld [smem:$0x3FFC];
	_ =	sdelay $0x3  }
0xc: {  	_ =	strace s3  }
0xd: {  	s3 =	sld [smem:$0x3FFD];
	_ =	sdelay $0x3  }
0xe: {  	_ =	strace s3  }
0xf: {  	_ =	strace $0x8FFFFFFF  }
0x10: {  	s20 =	sld [smem:$0x3FDB];
	_ =	sdelay $0x1  }
0x11: {  	s4 =	simm.s32 $_scs_section_size  }
0x12: {  	s5 =	simm.s32 $_size__tile_overlayer_lowered;
	s6 =	simm.s32 $_tile_overlayer_lowered  }
0x13: {  	s23 =	simm.s32 $0x1BFF;
	s22 =	sshll.u32 s6, $0x1;
	s3 =	sadd.s32 s4, s20  }
0x14: {  	s7 =	simm.s32 $0x0;
	s21 =	sshll.u32 s5, $0x1;
	s5 =	sadd.s32 s22, s3  }
0x15: {  	[timem:s7], [sflag:s23] =	dma.local [hbm:s5], s21  }
0x16: {  	_ =	swait.ge [sflag:s23], s21  }
0x17: {  	s4 =	ssub.s32 $0x0, s21;
	[sflag:s23] =	ssyncset.done $0x0  }
0x18: {  	[sflag:s23] =	ssyncadd.s32 s4;
	_ =	sdelay $0x1  }
0x19: {  	s24 =	simm.s32 $0x1B8B  }
0x1a: {  	_ =	swait.ge [sflag:s24], $0x1  }
0x1b: {  	[sflag:s24] =	ssyncset.done $0x0  }
0x1c: {  	s26 =	simm.s32 $0x1B8E;
	s25 =	sld [smem:$0x3FFE];
	[sflag:s24] =	ssyncadd.s32 $0xFFFFFFFF  }
0x1d: {  	s27 =	simm.s32 $execute0_lowered;
	[smem:$0x3FD2] =	sst s26  }
0x1e: {  	s5 =	sshll.u32 s27, $0x1;
	_ =	strace $0x80000049;
	[dreg:$0x1] =	wrdreg $0xFFFFFFFF  }
0x1f: {  	s28 =	simm.s32 $_size_execute0_lowered;
	s3 =	sadd.s32 s3, s5;
	[dreg:$0x0] =	wrdreg $0x0  }
0x20: {  	s5 =	sshll.u32 s28, $0x1;
	[dreg:$0x2] =	wrdreg s3  }
0x21: {  	[dreg:$0x3] =	wrdreg s5  }
0x22: {  	[dreg:$0x4] =	wrdreg $0xC0  }
0x23: {  	_ =	task [dreg:s7], $0x5FFFF  }
0x24: {  	[dreg:$0x1] =	wrdreg $0xFFFFFFFF  }
0x25: {  	[dreg:$0x0] =	wrdreg $0x60  }
0x26: {  	[dreg:$0x2] =	wrdreg s25  }
0x27: {  	[dreg:$0x3] =	wrdreg s2  }
0x28: {  	[dreg:$0x4] =	wrdreg $0x9  }
0x29: {  	_ =	task.clear_ibuf [dreg:s7], $0x5FFFF;
	_ =	strace $0x90000049  }
0x2a: {  	s29 =	simm.s32 $0x9;
	_ =	strace $0x8000004B  }
0x2b: {  	_ =	swait.ge [sflag:s29], $0x1  }
0x2c: {  	[sflag:s29] =	ssyncadd.s32 $0xFFFFFFFF  }
0x2d: {  	_ =	strace $0x9000004B  }
0x2e: {  	_ =	sfence  }
0x2f: {  	s30 =	sld [smem:$0x0];
	_ =	sdelay $0x2  }
0x30: {  	s31 =	sshll.u32 s1, $0xD;
	s1 =	sshrl.u32 s1, $0x2  }
0x31: {  	s3 =	sand.u32 $0x4000, s31;
	s1 =	sadd.s32 s1, s30  }
0x32: {  	s0 =	sor.u32 s3, s0;
	s1 =	sshll.u32 s1, $0x11  }
0x33: {  	s0 =	sor.u32 s1, s0  }
0x34: {  	s0 =	sadd.s32 $0x8F2B, s0  }
0x35: {  	[sflag:s0] =	ssyncadd.remote.s32 $0x1  }
0x36: {  	_ =	sfence.sel $0xFFFF  }
0x37: {  	[dreg:$0x0] =	wrdreg $0xFFFFFFFF;
	(pc) =	sbr.abs _section_cstart, $3  }
0x38: {  	[dreg:$0x1] =	wrdreg $0xFFFFFFFF  }
0x39: {  	_ =	task.clear_ibuf [dreg:s7], $0x2FFFF;
	_ =	strace $0x9FFFFFFF  }
0x3a: {  	(tm) =	ssettm $0x7FFFFFFF  }
0x3b: {  	_ =	shalt  }
tec
execute0_lowered:
.L_overlay_start_1:
0x0: {  	(tag) =	ssettag $0x1  }
0x1: {  	s0 =	srdreg.scid  }
0x2: {  	s1 =	sshll.u32 s0, $0x4  }
0x3: {  	s0 =	stileid.u32;
	s1 =	sand.u32 $0x10, s1  }
0x4: {  	s1 =	sor.u32 s0, s1  }
0x5: {  	s6 =	rddreg [dreg:$0x0];
	s4 =	simm.s32 $0x1;
	s2 =	sshll.u32 s1, $0x7  }
0x6: {  	s7 =	simm.s32 $0x2;
	s12 =	simm.s32 $0x0;
	s1 =	ssub.s32 $0x1000, s2  }
0x7: {  	s8 =	simm.s32 $0x8000;
	s13 =	simm.s32 $0x0;
	s3 =	sand.u32 $0xF80, s1  }
0x8: {  	s9 =	simm.s32 $0x0;
	s5 =	sshrl.u32 s1, $0xC;
	p0 =	sne.s32 s3, $0x0  }
.Ltmp0:
0x9: {  	s1 =	rddreg [dreg:$0x2];
	s4 =	simm.s32 @!p0 $0x0;
	(pc) =	sbr.rel .LBB1_1-.Ltmp0, $4  }
0xa: {  	s11 =	simm.s32 $0x0;
	s3 =	rddreg [dreg:$0x1];
	s5 =	sadd.s32 s4, s5  }
0xb: {  	_ =	strace $0x8000004A;
	s4 =	simm.s32 $0x1;
	s5 =	smul.u32 $0xC8, s5  }
0xc: {  	s6 =	sadd.s32 $0xA00, s6;
	s10 =	smov.u32 s2;
	[sflag:s4] =	ssyncpa.u1 $0x0  }
0xd: {  	p0 =	por $0x0, $0x0;
	[sflag:s7] =	ssyncpa.u1 $0x0;
	s7 =	sor.u32 $0x1, s5  }
.LBB1_4:
0xe: {  	s16 =	sshll.u32 s13, $0x3;
	s17 =	sand.u32 $0x78, s13  }
0xf: {  	s30 =	sand.u32 $0x7E00, s13;
	s12 =	sshll.u32 s12, $0xF;
	s16 =	sand.u32 $0xC00, s16  }
0x10: {  	[tilespmem:s15+$0x810 ss:$0x81] =	vst.msk $0xffff, v2;
	s31 =	sand.u32 $0x7, s13;
	s16 =	sor.u32 s17, s16;
	s17 =	sadd.s32 s3, s30  }
0x11: {  	[tilespmem:s15+$0x1020 ss:$0x81] =	vst.msk $0xffff, v0;
	s13 =	sshll.u32 s31, $0x12;
	s12 =	sadd.s32 s12, s17;
	s16 =	sshrl.u32 s16, $0x3  }
0x12: {  	[tilespmem:s15+$0x0 ss:$0x81] =	vst.msk $0xffff, v1;
	s13 =	sor.u32 $0x400, s13;
	s12 =	sadd.s32 s16, s12  }
0x13: {  	[hbm4b:s12+s13] =	stream.strided.scatter [tilespmem:s14], [sflag:$0x2], $0x2000, s8, s13, $0x20;
	[tilespmem:$0x8080] =	vst v63  }
.LBB1_5:
0x14: {  	s14 =	sadd.s32 $0x1, s9  }
0x15: {  	s12 =	sadd.s32 $0x1000, s10;
	s16 =	smov.u32 s10;
	p2 =	sgt.s32 s14, $0xC7  }
0x16: {  	s16 =	smov.u32 @p2 s12  }
0x17: {  	s14 =	simm.s32 @p2 $0x0;
	p2 =	sgt.s32 s16, $0xFFF  }
0x18: {  	s16 =	smov.u32 @p2 s2;
	p2 =	sne.s32 s11, s7  }
.Ltmp1:
0x19: {  	p1 =	slt.u32 s11, $0x2;
	(pc) =	sbr.rel @!p2 .LBB1_6-.Ltmp1, $4  }
0x1a: {  	s15 =	simm.s32 @!p1 $0x2  }
0x1b: {  	s13 =	smov.u32 s10;
	p0 =	por !p0, !p0;
	_ =	swait.ge @!p1 [sflag:s15], $0x2000  }
0x1c: {  	s12 =	smov.u32 s9;
	[sflag:s15] =	ssyncset.done @!p1 $0x0;
	s9 =	smov.u32 s14  }
0x1d: {  	s11 =	sadd.s32 $0x1, s11;
	[sflag:s15] =	ssyncadd.s32 @!p1 $0xFFFFE000;
	s10 =	smov.u32 s16  }
.LBB1_1:
0x1e: {  	p1 =	sge.u32 s11, s5  }
0x1f: {  	s14 =	sand.u32 @!p1 $0x1FFFFFF, s9  }
0x20: {  	s15 =	smulhi.u32 @!p1 $0x147AE15, s14;
	_ =	sdelay $0x1  }
0x21: {  	s15 =	smul.u32 @!p1 $0xC8, s15  }
0x22: {  	s16 =	sxor.u32 @!p1 $0xFFFFFFFF, s11;
	s17 =	smul.u32 @!p1 $0xC80, s10  }
0x23: {  	s31 =	sadd.s32 $0xFFFFFFFF, s11;
	s16 =	sshll.u32 @!p1 s16, $0xD;
	s14 =	ssub.s32 @!p1 s14, s15  }
0x24: {  	s15 =	sand.u32 @!p1 $0x2000, s16;
	s16 =	sadd.s32 @!p1 s6, s17;
	s14 =	sshll.u32 @!p1 s14, $0x4  }
0x25: {  	s17 =	simm.s32 @!p1 $0x6400;
	s14 =	sadd.s32 @!p1 s14, s16;
	s16 =	simm.s32 @!p1 $0x40  }
0x26: {  	[tilespmem:s15], [sflag:$0x1] =	stream.strided.gather @!p1 [hbm4b:s14+s16], $0x2000, s17, s16, $0x38;
	[tilespmem:$0x8080] =	vst v63  }
0x27: {  	p1 =	sge.u32 s31, s5  }
.Ltmp2:
0x28: {  	_ = 	snop;
	(pc) =	sbr.rel @p1 .LBB1_5-.Ltmp2, $1  }
0x29: {  	_ =	sdelay $0x3  }
0x2a: {  	s14 =	simm.s32 $0x1  }
0x2b: {  	_ =	swait.ge [sflag:s4], $0x2000;
	s14 =	simm.s32 @!p0 $0x0  }
0x2c: {  	[sflag:s4] =	ssyncset.done $0x0;
	s15 =	sshll.u32 s14, $0xD  }
0x2d: {  	[sflag:s4] =	ssyncadd.s32 $0xFFFFE000;
	s18 =	sor.u32 $0x20, s15  }
0x2e: {  	s14 =	smul.u32 $0x8100, s14;
	v3 =	vld [tilespmem:s18+$0x10]  }
0x2f: {  	s30 =	sand.u32 $0x1, s11;
	v2 =	vld [tilespmem:s18+$0xFFFFFFF0]  }
0x30: {  	s15 =	smul.u32 $0x8100, s30;
	s14 =	sshrl.u32 s14, $0x2;
	v0 =	vld [tilespmem:s18+$0x0]  }
0x31: {  	v1 =	vld [tilespmem:s18+$0xFFFFFFE0];
	s16 =	sor.u32 $0x4000, s14  }
0x32: {  	s31 =	sshrl.u32 s15, $0x2;
	s15 =	sadd.s32 $0x0, s16  }
0x33: {  	s17 =	simm.s32 $0x4;
	s18 =	sadd.s32 $0x40, s18;
	s14 =	sor.u32 $0x4000, s31;
	[tilespmem:s15+$0x1830 ss:$0x81] =	vst.msk $0xffff, v3  }
.LBB1_3:
0x34: {  	v3 =	vld [tilespmem:s18+$0x10];
	p1 =	sne.s32 s17, $0x1FC;
	[tilespmem:s15+$0x810 ss:$0x81] =	vst.msk $0xffff, v2;
	s19 =	smov.u32 s17;
	s17 =	sadd.s32 $0x4, s17  }
.Ltmp3:
0x35: {  	v2 =	vld [tilespmem:s18+$0xFFFFFFF0];
	[tilespmem:s15+$0x1020 ss:$0x81] =	vst.msk $0xffff, v0;
	(pc) =	sbr.rel @p1 .LBB1_3-.Ltmp3, $4  }
0x36: {  	v0 =	vld [tilespmem:s18+$0x0];
	[tilespmem:s15+$0x0 ss:$0x81] =	vst.msk $0xffff, v1  }
0x37: {  	s15 =	sshra.s32 s19, $0x2;
	v1 =	vld [tilespmem:s18+$0xFFFFFFE0]  }
0x38: {  	s15 =	sadd.s32 s15, s16  }
0x39: {  	s18 =	sadd.s32 $0x40, s18;
	[tilespmem:s15+$0x1830 ss:$0x81] =	vst.msk $0xffff, v3  }
.Ltmp4:
0x3a: {  	_ = 	snop;
	(pc) =	sbr.rel .LBB1_4-.Ltmp4, $1  }
0x3b: {  	_ =	sdelay $0x3  }
.LBB1_6:
0x3c: {  	_ =	sfence.sel $0x180000  }
0x3d: {  	s2 =	simm.s32 $0x1;
	[bflag:$0x0] =	sbarrier.arrive $0xFFFF  }
0x3e: {  	s31 =	simm.s32 $0x2;
	[sflag:s2] =	ssyncpa.u1 $0x1  }
0x3f: {  	[sflag:s31] =	ssyncpa.u1 $0x1  }
0x40: {  	p0 =	sne.s32 s0, $0x0;
	_ =	strace $0x9000004A  }
0x41: {  	s0 =	sadd.s32 @!p0 $0x100000, s1;
	[bflag:$0x2] =	sbarrier.arrive $0xFFFF  }
0x42: {  	[sflag:s0] =	ssyncadd.tile.s32 @!p0 $0x1;
	_ =	shalt  }
.Lfunc_end1:
_tile_overlayer_lowered:
.L_overlay_start_2:
0x43: {  	(tag) =	ssettag $0x2  }
0x44: {  	s0 =	rddreg [dreg:$0x0];
	s2 =	stileid.u32  }
0x45: {  	s1 =	rddreg [dreg:$0x1];
	p0 =	sne.s32 s2, $0x0  }
0x46: {  	s3 =	rddreg [dreg:$0x2];
	[bflag:$0x3] =	sbarrier.arrive $0xFFFF;
	s2 =	simm.s32 @!p0 $0x1C01  }
0x47: {  	[timem:s3], [sflag:s2] =	dma.local @!p0 [hbm:s0], s1  }
0x48: {  	s0 =	simm.s32 @!p0 $0x1  }
0x49: {  	_ =	swait.ge @!p0 [sflag:s0], s1  }
0x4a: {  	s1 =	ssub.s32 @!p0 $0x0, s1;
	[sflag:s0] =	ssyncset.done @!p0 $0x0  }
0x4b: {  	[sflag:s0] =	ssyncadd.s32 @!p0 s1  }
0x4c: {  	[bflag:$0x3] =	sbarrier.arrive $0xFFFF  }
0x4d: {  	_ =	shalt  }

</sc_bundles>
